<compile_context>
chip_gen: v7x
topology: tpu7x:2x2x1
jax: 0.10.2.dev20260603
libtpu: 0.0.44.dev20260713+nightly
codegen_flags: <defaults>
</compile_context>

<pallas_src>
import functools

import jax
import jax.numpy as jnp
from jax import lax
from jax.experimental import pallas as pl
from jax.experimental.pallas import tpu as pltpu
from jax.experimental.pallas import tpu_sc as plsc

_N = 10000
_E = 320000
_D = 128
_H = 32
_C = 40

_NC = 2
_NS = 16
_NW = _NC * _NS
_B = 125
_G = 80
_NP = 10240
_RPT = _NP // _NS
_ZR = 128
_NB = 8
_DW = 16
_W1 = 2 * _H + 2 * _DW
_W2 = 2 * _H


def _agg_body(with_deg, y_hbm, ei_hbm, *refs):
    if with_deg:
        (out, src_v, dst_v, rows_v, zb_v, acc_sp, gsems, ssems,
         ones_v, zd_v, deg_sp, dsems) = refs
    else:
        (out, src_v, dst_v, rows_v, zb_v, acc_sp, gsems, ssems) = refs
    c = lax.axis_index("c")
    s = lax.axis_index("s")
    wid = c * _NS + s

    pltpu.sync_copy(ei_hbm.at[0, wid], src_v)
    pltpu.sync_copy(ei_hbm.at[1, wid], dst_v)

    def zf(i, _):
        zb_v[i, pl.ds(0, 16)] = jnp.zeros((16,), jnp.float32)
        zb_v[i, pl.ds(16, 16)] = jnp.zeros((16,), jnp.float32)
        return 0

    lax.fori_loop(0, _ZR, zf, 0)
    row0 = s * _RPT
    for k in range(_RPT // _ZR):
        pltpu.sync_copy(zb_v, acc_sp.at[pl.ds(row0 + k * _ZR, _ZR)])
    if with_deg:
        def zf2(i, _):
            zd_v[i, :] = jnp.zeros((_DW,), jnp.float32)
            return 0

        lax.fori_loop(0, _ZR, zf2, 0)

        def of(i, _):
            ones_v[i, :] = jnp.ones((_DW,), jnp.float32)
            return 0

        lax.fori_loop(0, _B, of, 0)
        for k in range(_RPT // _ZR):
            pltpu.sync_copy(zd_v, deg_sp.at[pl.ds(row0 + k * _ZR, _ZR)])

    plsc.subcore_barrier()

    for b in range(_NB):
        pltpu.async_copy(y_hbm.at[src_v.at[b]], rows_v.at[b], gsems.at[b])

    def step(p, _):
        for b in range(_NB):
            j = _NB * p + b
            pltpu.make_async_copy(
                y_hbm.at[src_v.at[0]], rows_v.at[b], gsems.at[b]).wait()
            pltpu.async_copy(
                rows_v.at[b], acc_sp.at[dst_v.at[j]], ssems.at[b], add=True)
            if with_deg:
                pltpu.async_copy(
                    ones_v, deg_sp.at[dst_v.at[j]], dsems.at[b], add=True)
        for b in range(_NB):
            j = _NB * p + b
            pltpu.make_async_copy(
                rows_v.at[b], acc_sp.at[pl.ds(0, _B)], ssems.at[b]).wait()
            if with_deg:
                pltpu.make_async_copy(
                    ones_v, deg_sp.at[pl.ds(0, _B)], dsems.at[b]).wait()
            nxt = jnp.minimum(j + _NB, _G - 1)
            pltpu.async_copy(y_hbm.at[src_v.at[nxt]], rows_v.at[b], gsems.at[b])
        return 0

    lax.fori_loop(0, _G // _NB, step, 0)
    for b in range(_NB):
        pltpu.make_async_copy(
            y_hbm.at[src_v.at[0]], rows_v.at[b], gsems.at[b]).wait()
    plsc.subcore_barrier()

    pltpu.sync_copy(acc_sp.at[pl.ds(row0, _RPT)],
                    out.at[s, :, pl.ds(c * _H, _H)])
    if with_deg:
        pltpu.sync_copy(deg_sp.at[pl.ds(row0, _RPT)],
                        out.at[s, :, pl.ds(2 * _H + c * _DW, _DW)])


def _make_agg(with_deg):
    mesh = plsc.VectorSubcoreMesh(core_axis_name="c", subcore_axis_name="s")
    width = _W1 if with_deg else _W2
    out_type = jax.ShapeDtypeStruct((_NS, _RPT, width), jnp.float32)
    scratch = [
        pltpu.VMEM((_G, _B), jnp.int32),
        pltpu.VMEM((_G, _B), jnp.int32),
        pltpu.VMEM((_NB, _B, _H), jnp.float32),
        pltpu.VMEM((_ZR, _H), jnp.float32),
        pltpu.VMEM_SHARED((_NP, _H), jnp.float32),
        pltpu.SemaphoreType.DMA((_NB,)),
        pltpu.SemaphoreType.DMA((_NB,)),
    ]
    if with_deg:
        scratch += [
            pltpu.VMEM((_B, _DW), jnp.float32),
            pltpu.VMEM((_ZR, _DW), jnp.float32),
            pltpu.VMEM_SHARED((_NP, _DW), jnp.float32),
            pltpu.SemaphoreType.DMA((_NB,)),
        ]
    return pl.kernel(
        functools.partial(_agg_body, with_deg),
        out_type=out_type,
        mesh=mesh,
        scratch_types=scratch,
        compiler_params=pltpu.CompilerParams(use_tc_tiling_on_sc=False),
    )


_agg_deg = _make_agg(True)
_agg = _make_agg(False)


def _proj1_body(x_ref, wl_ref, wr_ref, bl_ref, y_ref, z_ref):
    xb = x_ref[...]
    dn = (((1,), (1,)), ((), ()))
    y_ref[...] = lax.dot_general(xb, wl_ref[...], dn,
                                 preferred_element_type=jnp.float32)
    z_ref[...] = lax.dot_general(xb, wr_ref[...], dn,
                                 preferred_element_type=jnp.float32) + bl_ref[...]


def _proj1(x, wl1, wr1, bl1):
    bn = 2000
    return pl.pallas_call(
        _proj1_body,
        grid=(_N // bn,),
        in_specs=[
            pl.BlockSpec((bn, _D), lambda i: (i, 0)),
            pl.BlockSpec((_H, _D), lambda i: (0, 0)),
            pl.BlockSpec((_H, _D), lambda i: (0, 0)),
            pl.BlockSpec((1, _H), lambda i: (0, 0)),
        ],
        out_specs=[
            pl.BlockSpec((bn, _H), lambda i: (i, 0)),
            pl.BlockSpec((bn, _H), lambda i: (i, 0)),
        ],
        out_shape=[
            jax.ShapeDtypeStruct((_NP, _H), jnp.float32),
            jax.ShapeDtypeStruct((_NP, _H), jnp.float32),
        ],
    )(x, wl1, wr1, bl1)


def _mid_body(f_ref, z_ref, h_ref):
    f = f_ref[...]
    ssum = f[:, 0:_H] + f[:, _H:2 * _H]
    deg = f[:, 2 * _H:2 * _H + 1] + f[:, 2 * _H + _DW:2 * _H + _DW + 1]
    dinv = 1.0 / jnp.maximum(deg, 1.0)
    h_ref[...] = jnp.maximum(ssum * dinv + z_ref[...], 0.0)


def _mid(f1, z1):
    bn = 2048
    return pl.pallas_call(
        _mid_body,
        grid=(_NP // bn,),
        in_specs=[
            pl.BlockSpec((bn, _W1), lambda i: (i, 0)),
            pl.BlockSpec((bn, _H), lambda i: (i, 0)),
        ],
        out_specs=pl.BlockSpec((bn, _H), lambda i: (i, 0)),
        out_shape=jax.ShapeDtypeStruct((_NP, _H), jnp.float32),
    )(f1, z1)


def _final_body(f_ref, f1_ref, h_ref, wl2_ref, bl2_ref, wr2_ref, o_ref):
    f = f_ref[...]
    f1 = f1_ref[...]
    deg = f1[:, 2 * _H:2 * _H + 1] + f1[:, 2 * _H + _DW:2 * _H + _DW + 1]
    dinv = 1.0 / jnp.maximum(deg, 1.0)
    mean2 = (f[:, 0:_H] + f[:, _H:2 * _H]) * dinv
    dn = (((1,), (1,)), ((), ()))
    t = (lax.dot_general(mean2, wl2_ref[...], dn,
                         preferred_element_type=jnp.float32)
         + bl2_ref[...]
         + lax.dot_general(h_ref[...], wr2_ref[...], dn,
                           preferred_element_type=jnp.float32))
    m = jnp.max(t, axis=1, keepdims=True)
    lse = jnp.log(jnp.sum(jnp.exp(t - m), axis=1, keepdims=True))
    o_ref[...] = t - m - lse


def _final(f2, f1, h, wl2, bl2, wr2):
    bn = 2000
    return pl.pallas_call(
        _final_body,
        grid=(_N // bn,),
        in_specs=[
            pl.BlockSpec((bn, _W2), lambda i: (i, 0)),
            pl.BlockSpec((bn, _W1), lambda i: (i, 0)),
            pl.BlockSpec((bn, _H), lambda i: (i, 0)),
            pl.BlockSpec((_C, _H), lambda i: (0, 0)),
            pl.BlockSpec((1, _C), lambda i: (0, 0)),
            pl.BlockSpec((_C, _H), lambda i: (0, 0)),
        ],
        out_specs=pl.BlockSpec((bn, _C), lambda i: (i, 0)),
        out_shape=jax.ShapeDtypeStruct((_N, _C), jnp.float32),
    )(f2, f1, h, wl2, bl2, wr2)


def kernel(x, edge_index, Wl1, bl1, Wr1, Wl2, bl2, Wr2):
    ei = edge_index.reshape(2, _NW, _G, _B)
    y1, z1 = _proj1(x, Wl1, Wr1, bl1.reshape(1, _H))
    f1 = _agg_deg(y1, ei).reshape(_NP, _W1)
    h = _mid(f1, z1)
    f2 = _agg(h, ei).reshape(_NP, _W2)
    out = _final(f2, f1, h, Wl2, bl2.reshape(1, _C), Wr2)
    return out

# --- scband reference (transcript-rebuilt; emitter-appended) ---
"""Pipeline reference for scband-sagenet-35038343201309 (READ-ONLY COPY).

The authoritative reference and input builder live on the scoring server;
editing this copy changes nothing except your own understanding.
"""

import jax, jax.numpy as jnp
import numpy as np

N = 10000
E = 320000
D = 128
H = 32
C = 40


def setup_inputs(seed: int = 0) -> dict:
    key = jax.random.key(seed)
    ks = jax.random.split(key, 8)
    x = jax.random.normal(ks[0], (N, D), dtype=jnp.float32)
    edge_index = jax.random.randint(ks[1], (2, E), 0, N, dtype=jnp.int32)
    Wl1 = jax.random.normal(ks[2], (H, D), dtype=jnp.float32) * (1.0 / np.sqrt(D))
    bl1 = jnp.zeros((H,), dtype=jnp.float32)
    Wr1 = jax.random.normal(ks[3], (H, D), dtype=jnp.float32) * (1.0 / np.sqrt(D))
    Wl2 = jax.random.normal(ks[4], (C, H), dtype=jnp.float32) * (1.0 / np.sqrt(H))
    bl2 = jnp.zeros((C,), dtype=jnp.float32)
    Wr2 = jax.random.normal(ks[5], (C, H), dtype=jnp.float32) * (1.0 / np.sqrt(H))
    return {"x": x, "edge_index": edge_index, "Wl1": Wl1, "bl1": bl1, "Wr1": Wr1, "Wl2": Wl2, "bl2": bl2, "Wr2": Wr2}


def sage_conv(x, edge_index, Wl, bl, Wr):
    # PyG SAGEConv (normalize=False): lin_l(mean_aggr(x_src -> dst)) + lin_r(x)
    src = edge_index[0]
    dst = edge_index[1]
    msg = jnp.take(x, src, axis=0)
    agg_sum = jax.ops.segment_sum(msg, dst, num_segments=N)
    deg = jax.ops.segment_sum(jnp.ones((msg.shape[0], 1), dtype=x.dtype), dst, num_segments=N)
    mean = agg_sum / jnp.clip(deg, 1.0)
    return mean @ Wl.T + bl + x @ Wr.T


def reference(x, edge_index, Wl1, bl1, Wr1, Wl2, bl2, Wr2):
    h = jax.nn.relu(sage_conv(x, edge_index, Wl1, bl1, Wr1))
    # dropout p=0.5 is a no-op in eval mode
    out = sage_conv(h, edge_index, Wl2, bl2, Wr2)
    return jax.nn.log_softmax(out, axis=1)

if __name__ == "__main__":
    import jax
    _d = setup_inputs()
    print(jax.jit(kernel)(*tuple(_d.values())))

</pallas_src>

<mosaic_0001>
#map = affine_map<(d0, d1) -> (0, 0)>
#map1 = affine_map<(d0, d1) -> (0, 0, 0, 0)>
#map2 = affine_map<(d0, d1) -> (0, 0, 0)>
module attributes {stable_mosaic.version = 14 : i64} {
  func.func @_agg_body(%arg0: i32, %arg1: i32, %arg2: memref<10240x32xf32, #tpu.memory_space<hbm>>, %arg3: memref<2x32x80x125xi32, #tpu.memory_space<hbm>>, %arg4: memref<16x640x64xf32, #tpu.memory_space<hbm>>, %arg5: memref<80x125xi32, #tpu.memory_space<vmem>>, %arg6: memref<80x125xi32, #tpu.memory_space<vmem>>, %arg7: memref<8x125x32xf32, #tpu.memory_space<vmem>>, %arg8: memref<128x32xf32, #tpu.memory_space<vmem>>, %arg9: memref<10240x32xf32, #tpu.memory_space<vmem_shared>>, %arg10: memref<8x!tpu.dma_semaphore, #tpu.memory_space<semaphore_mem>>, %arg11: memref<8x!tpu.dma_semaphore, #tpu.memory_space<semaphore_mem>>) attributes {dimension_semantics = [#tpu.dimension_semantics<core_parallel>, #tpu.dimension_semantics<subcore_parallel>], iteration_bounds = array<i64: 2, 16>, scalar_prefetch = 0 : i64, scratch_operands = 7 : i64, tpu.core_type = #tpu.core_type<sc_vector_subcore>, window_params = [{transform_indices = #map}, {transform_indices = #map1}, {transform_indices = #map2}]} {
    %mul3A = arith.constant 16 : i32
    %mul3A_0 = arith.muli %arg0, %mul3A : i32
    %add3A = arith.addi %mul3A_0, %arg1 : i32
    %run_scoped3A = arith.constant 0 : i32
    "tpu.region"() ({
      %run_scoped3A_268 = tpu.sem_alloc : memref<!tpu.dma_semaphore, #tpu.memory_space<semaphore_mem>>
      %dma_start3A_269 = arith.constant 0 : i32
      %dma_start3A_270 = arith.constant 0 : i32
      %dma_start3A_271 = tpu.memref_slice %arg3[%run_scoped3A, %add3A, %dma_start3A_269, %dma_start3A_270] : memref<2x32x80x125xi32, #tpu.memory_space<hbm>> -> memref<1x1x80x125xi32, #tpu.memory_space<hbm>>
      %dma_start3A_272 = tpu.memref_squeeze %dma_start3A_271 : memref<1x1x80x125xi32, #tpu.memory_space<hbm>> -> memref<80x125xi32, #tpu.memory_space<hbm>>
      %dma_start3A_273 = arith.constant 0 : i32
      %dma_start3A_274 = arith.constant 0 : i32
      %dma_start3A_275 = tpu.memref_slice %arg3[%run_scoped3A, %add3A, %dma_start3A_273, %dma_start3A_274] : memref<2x32x80x125xi32, #tpu.memory_space<hbm>> -> memref<1x1x80x125xi32, #tpu.memory_space<hbm>>
      %dma_start3A_276 = tpu.memref_squeeze %dma_start3A_275 : memref<1x1x80x125xi32, #tpu.memory_space<hbm>> -> memref<80x125xi32, #tpu.memory_space<hbm>>
      tpu.enqueue_dma source(%dma_start3A_276 : memref<80x125xi32, #tpu.memory_space<hbm>>) target(%arg5 : memref<80x125xi32, #tpu.memory_space<vmem>>) target_semaphore(%run_scoped3A_268 : memref<!tpu.dma_semaphore, #tpu.memory_space<semaphore_mem>>)
      %dma_wait3A_277 = arith.constant 0 : i32
      %dma_wait3A_278 = arith.constant 0 : i32
      %dma_wait3A_279 = tpu.memref_slice %arg3[%run_scoped3A, %add3A, %dma_wait3A_277, %dma_wait3A_278] : memref<2x32x80x125xi32, #tpu.memory_space<hbm>> -> memref<1x1x80x125xi32, #tpu.memory_space<hbm>>
      %dma_wait3A_280 = tpu.memref_squeeze %dma_wait3A_279 : memref<1x1x80x125xi32, #tpu.memory_space<hbm>> -> memref<80x125xi32, #tpu.memory_space<hbm>>
      %dma_wait3A_281 = arith.constant 0 : i32
      %dma_wait3A_282 = arith.constant 0 : i32
      %dma_wait3A_283 = tpu.memref_slice %arg3[%run_scoped3A, %add3A, %dma_wait3A_281, %dma_wait3A_282] : memref<2x32x80x125xi32, #tpu.memory_space<hbm>> -> memref<1x1x80x125xi32, #tpu.memory_space<hbm>>
      %dma_wait3A_284 = tpu.memref_squeeze %dma_wait3A_283 : memref<1x1x80x125xi32, #tpu.memory_space<hbm>> -> memref<80x125xi32, #tpu.memory_space<hbm>>
      tpu.wait_dma2 semaphore(%run_scoped3A_268 : memref<!tpu.dma_semaphore, #tpu.memory_space<semaphore_mem>>) src(%dma_wait3A_284 : memref<80x125xi32, #tpu.memory_space<hbm>>) dst(%arg5 : memref<80x125xi32, #tpu.memory_space<vmem>>)
      tpu.yield
    }) : () -> ()
    %run_scoped3A_1 = arith.constant 1 : i32
    "tpu.region"() ({
      %run_scoped3A_268 = tpu.sem_alloc : memref<!tpu.dma_semaphore, #tpu.memory_space<semaphore_mem>>
      %dma_start3A_269 = arith.constant 0 : i32
      %dma_start3A_270 = arith.constant 0 : i32
      %dma_start3A_271 = tpu.memref_slice %arg3[%run_scoped3A_1, %add3A, %dma_start3A_269, %dma_start3A_270] : memref<2x32x80x125xi32, #tpu.memory_space<hbm>> -> memref<1x1x80x125xi32, #tpu.memory_space<hbm>>
      %dma_start3A_272 = tpu.memref_squeeze %dma_start3A_271 : memref<1x1x80x125xi32, #tpu.memory_space<hbm>> -> memref<80x125xi32, #tpu.memory_space<hbm>>
      %dma_start3A_273 = arith.constant 0 : i32
      %dma_start3A_274 = arith.constant 0 : i32
      %dma_start3A_275 = tpu.memref_slice %arg3[%run_scoped3A_1, %add3A, %dma_start3A_273, %dma_start3A_274] : memref<2x32x80x125xi32, #tpu.memory_space<hbm>> -> memref<1x1x80x125xi32, #tpu.memory_space<hbm>>
      %dma_start3A_276 = tpu.memref_squeeze %dma_start3A_275 : memref<1x1x80x125xi32, #tpu.memory_space<hbm>> -> memref<80x125xi32, #tpu.memory_space<hbm>>
      tpu.enqueue_dma source(%dma_start3A_276 : memref<80x125xi32, #tpu.memory_space<hbm>>) target(%arg6 : memref<80x125xi32, #tpu.memory_space<vmem>>) target_semaphore(%run_scoped3A_268 : memref<!tpu.dma_semaphore, #tpu.memory_space<semaphore_mem>>)
      %dma_wait3A_277 = arith.constant 0 : i32
      %dma_wait3A_278 = arith.constant 0 : i32
      %dma_wait3A_279 = tpu.memref_slice %arg3[%run_scoped3A_1, %add3A, %dma_wait3A_277, %dma_wait3A_278] : memref<2x32x80x125xi32, #tpu.memory_space<hbm>> -> memref<1x1x80x125xi32, #tpu.memory_space<hbm>>
      %dma_wait3A_280 = tpu.memref_squeeze %dma_wait3A_279 : memref<1x1x80x125xi32, #tpu.memory_space<hbm>> -> memref<80x125xi32, #tpu.memory_space<hbm>>
      %dma_wait3A_281 = arith.constant 0 : i32
      %dma_wait3A_282 = arith.constant 0 : i32
      %dma_wait3A_283 = tpu.memref_slice %arg3[%run_scoped3A_1, %add3A, %dma_wait3A_281, %dma_wait3A_282] : memref<2x32x80x125xi32, #tpu.memory_space<hbm>> -> memref<1x1x80x125xi32, #tpu.memory_space<hbm>>
      %dma_wait3A_284 = tpu.memref_squeeze %dma_wait3A_283 : memref<1x1x80x125xi32, #tpu.memory_space<hbm>> -> memref<80x125xi32, #tpu.memory_space<hbm>>
      tpu.wait_dma2 semaphore(%run_scoped3A_268 : memref<!tpu.dma_semaphore, #tpu.memory_space<semaphore_mem>>) src(%dma_wait3A_284 : memref<80x125xi32, #tpu.memory_space<hbm>>) dst(%arg6 : memref<80x125xi32, #tpu.memory_space<vmem>>)
      tpu.yield
    }) : () -> ()
    %scan3A = arith.constant 0 : i32
    %scan3A_2 = arith.constant 0 : i32
    %scan3A_3 = arith.constant 128 : i32
    %scan3A_4 = arith.addi %scan3A_2, %scan3A_3 : i32
    %scan3A_5 = arith.constant 1 : i32
    %scan3A_6 = scf.for %scan3A_268 = %scan3A_2 to %scan3A_4 step %scan3A_5 iter_args(%scan3A_269 = %scan3A) -> (i32)  : i32 {
      %broadcast_in_dim3A = arith.constant 0.000000e+00 : f32
      %broadcast_in_dim3A_270 = vector.broadcast %broadcast_in_dim3A : f32 to vector<16xf32>
      %swap3A = arith.index_cast %scan3A_268 : i32 to index
      %swap3A_271 = arith.constant 0 : index
      %swap3A_272 = tpu.vector_load %arg8[%swap3A, %swap3A_271] {strides = array<i32>} : memref<128x32xf32, #tpu.memory_space<vmem>>, vector<1x16xf32>,
      %swap3A_273 = vector.shape_cast %swap3A_272 : vector<1x16xf32> to vector<16xf32>
      %swap3A_274 = vector.shape_cast %broadcast_in_dim3A_270 : vector<16xf32> to vector<1x16xf32>
      tpu.vector_store %arg8[%swap3A, %swap3A_271], %swap3A_274 {strides = array<i32>} : memref<128x32xf32, #tpu.memory_space<vmem>>, vector<1x16xf32>,
      %broadcast_in_dim3A_275 = arith.constant 0.000000e+00 : f32
      %broadcast_in_dim3A_276 = vector.broadcast %broadcast_in_dim3A_275 : f32 to vector<16xf32>
      %swap3A_277 = arith.index_cast %scan3A_268 : i32 to index
      %swap3A_278 = arith.constant 16 : index
      %swap3A_279 = tpu.vector_load %arg8[%swap3A_277, %swap3A_278] {strides = array<i32>} : memref<128x32xf32, #tpu.memory_space<vmem>>, vector<1x16xf32>,
      %swap3A_280 = vector.shape_cast %swap3A_279 : vector<1x16xf32> to vector<16xf32>
      %swap3A_281 = vector.shape_cast %broadcast_in_dim3A_276 : vector<16xf32> to vector<1x16xf32>
      tpu.vector_store %arg8[%swap3A_277, %swap3A_278], %swap3A_281 {strides = array<i32>} : memref<128x32xf32, #tpu.memory_space<vmem>>, vector<1x16xf32>,
      %scan3A_282 = arith.constant 0 : i32
      scf.yield %scan3A_282 : i32
    }
    %scan3A_7 = arith.constant 128 : i32
    %mul3A_8 = arith.constant 640 : i32
    %mul3A_9 = arith.muli %arg1, %mul3A_8 : i32
    %add3A_10 = arith.constant 0 : i32
    %add3A_11 = arith.addi %mul3A_9, %add3A_10 : i32
    "tpu.region"() ({
      %run_scoped3A_268 = tpu.sem_alloc : memref<!tpu.dma_semaphore, #tpu.memory_space<semaphore_mem>>
      %dma_start3A_269 = arith.constant 0 : i32
      %dma_start3A_270 = tpu.memref_slice %arg9[%add3A_11, %dma_start3A_269] : memref<10240x32xf32, #tpu.memory_space<vmem_shared>> -> memref<128x32xf32, #tpu.memory_space<vmem_shared>>
      %dma_start3A_271 = arith.constant 0 : i32
      %dma_start3A_272 = tpu.memref_slice %arg9[%add3A_11, %dma_start3A_271] : memref<10240x32xf32, #tpu.memory_space<vmem_shared>> -> memref<128x32xf32, #tpu.memory_space<vmem_shared>>
      tpu.enqueue_dma source(%arg8 : memref<128x32xf32, #tpu.memory_space<vmem>>) target(%dma_start3A_272 : memref<128x32xf32, #tpu.memory_space<vmem_shared>>) target_semaphore(%run_scoped3A_268 : memref<!tpu.dma_semaphore, #tpu.memory_space<semaphore_mem>>)
      %dma_wait3A_273 = arith.constant 0 : i32
      %dma_wait3A_274 = tpu.memref_slice %arg9[%add3A_11, %dma_wait3A_273] : memref<10240x32xf32, #tpu.memory_space<vmem_shared>> -> memref<128x32xf32, #tpu.memory_space<vmem_shared>>
      %dma_wait3A_275 = arith.constant 0 : i32
      %dma_wait3A_276 = tpu.memref_slice %arg9[%add3A_11, %dma_wait3A_275] : memref<10240x32xf32, #tpu.memory_space<vmem_shared>> -> memref<128x32xf32, #tpu.memory_space<vmem_shared>>
      tpu.wait_dma2 semaphore(%run_scoped3A_268 : memref<!tpu.dma_semaphore, #tpu.memory_space<semaphore_mem>>) src(%arg8 : memref<128x32xf32, #tpu.memory_space<vmem>>) dst(%dma_wait3A_276 : memref<128x32xf32, #tpu.memory_space<vmem_shared>>)
      tpu.yield
    }) : () -> ()
    %add3A_12 = arith.constant 128 : i32
    %add3A_13 = arith.addi %mul3A_9, %add3A_12 : i32
    "tpu.region"() ({
      %run_scoped3A_268 = tpu.sem_alloc : memref<!tpu.dma_semaphore, #tpu.memory_space<semaphore_mem>>
      %dma_start3A_269 = arith.constant 0 : i32
      %dma_start3A_270 = tpu.memref_slice %arg9[%add3A_13, %dma_start3A_269] : memref<10240x32xf32, #tpu.memory_space<vmem_shared>> -> memref<128x32xf32, #tpu.memory_space<vmem_shared>>
      %dma_start3A_271 = arith.constant 0 : i32
      %dma_start3A_272 = tpu.memref_slice %arg9[%add3A_13, %dma_start3A_271] : memref<10240x32xf32, #tpu.memory_space<vmem_shared>> -> memref<128x32xf32, #tpu.memory_space<vmem_shared>>
      tpu.enqueue_dma source(%arg8 : memref<128x32xf32, #tpu.memory_space<vmem>>) target(%dma_start3A_272 : memref<128x32xf32, #tpu.memory_space<vmem_shared>>) target_semaphore(%run_scoped3A_268 : memref<!tpu.dma_semaphore, #tpu.memory_space<semaphore_mem>>)
      %dma_wait3A_273 = arith.constant 0 : i32
      %dma_wait3A_274 = tpu.memref_slice %arg9[%add3A_13, %dma_wait3A_273] : memref<10240x32xf32, #tpu.memory_space<vmem_shared>> -> memref<128x32xf32, #tpu.memory_space<vmem_shared>>
      %dma_wait3A_275 = arith.constant 0 : i32
      %dma_wait3A_276 = tpu.memref_slice %arg9[%add3A_13, %dma_wait3A_275] : memref<10240x32xf32, #tpu.memory_space<vmem_shared>> -> memref<128x32xf32, #tpu.memory_space<vmem_shared>>
      tpu.wait_dma2 semaphore(%run_scoped3A_268 : memref<!tpu.dma_semaphore, #tpu.memory_space<semaphore_mem>>) src(%arg8 : memref<128x32xf32, #tpu.memory_space<vmem>>) dst(%dma_wait3A_276 : memref<128x32xf32, #tpu.memory_space<vmem_shared>>)
      tpu.yield
    }) : () -> ()
    %add3A_14 = arith.constant 256 : i32
    %add3A_15 = arith.addi %mul3A_9, %add3A_14 : i32
    "tpu.region"() ({
      %run_scoped3A_268 = tpu.sem_alloc : memref<!tpu.dma_semaphore, #tpu.memory_space<semaphore_mem>>
      %dma_start3A_269 = arith.constant 0 : i32
      %dma_start3A_270 = tpu.memref_slice %arg9[%add3A_15, %dma_start3A_269] : memref<10240x32xf32, #tpu.memory_space<vmem_shared>> -> memref<128x32xf32, #tpu.memory_space<vmem_shared>>
      %dma_start3A_271 = arith.constant 0 : i32
      %dma_start3A_272 = tpu.memref_slice %arg9[%add3A_15, %dma_start3A_271] : memref<10240x32xf32, #tpu.memory_space<vmem_shared>> -> memref<128x32xf32, #tpu.memory_space<vmem_shared>>
      tpu.enqueue_dma source(%arg8 : memref<128x32xf32, #tpu.memory_space<vmem>>) target(%dma_start3A_272 : memref<128x32xf32, #tpu.memory_space<vmem_shared>>) target_semaphore(%run_scoped3A_268 : memref<!tpu.dma_semaphore, #tpu.memory_space<semaphore_mem>>)
      %dma_wait3A_273 = arith.constant 0 : i32
      %dma_wait3A_274 = tpu.memref_slice %arg9[%add3A_15, %dma_wait3A_273] : memref<10240x32xf32, #tpu.memory_space<vmem_shared>> -> memref<128x32xf32, #tpu.memory_space<vmem_shared>>
      %dma_wait3A_275 = arith.constant 0 : i32
      %dma_wait3A_276 = tpu.memref_slice %arg9[%add3A_15, %dma_wait3A_275] : memref<10240x32xf32, #tpu.memory_space<vmem_shared>> -> memref<128x32xf32, #tpu.memory_space<vmem_shared>>
      tpu.wait_dma2 semaphore(%run_scoped3A_268 : memref<!tpu.dma_semaphore, #tpu.memory_space<semaphore_mem>>) src(%arg8 : memref<128x32xf32, #tpu.memory_space<vmem>>) dst(%dma_wait3A_276 : memref<128x32xf32, #tpu.memory_space<vmem_shared>>)
      tpu.yield
    }) : () -> ()
    %add3A_16 = arith.constant 384 : i32
    %add3A_17 = arith.addi %mul3A_9, %add3A_16 : i32
    "tpu.region"() ({
      %run_scoped3A_268 = tpu.sem_alloc : memref<!tpu.dma_semaphore, #tpu.memory_space<semaphore_mem>>
      %dma_start3A_269 = arith.constant 0 : i32
      %dma_start3A_270 = tpu.memref_slice %arg9[%add3A_17, %dma_start3A_269] : memref<10240x32xf32, #tpu.memory_space<vmem_shared>> -> memref<128x32xf32, #tpu.memory_space<vmem_shared>>
      %dma_start3A_271 = arith.constant 0 : i32
      %dma_start3A_272 = tpu.memref_slice %arg9[%add3A_17, %dma_start3A_271] : memref<10240x32xf32, #tpu.memory_space<vmem_shared>> -> memref<128x32xf32, #tpu.memory_space<vmem_shared>>
      tpu.enqueue_dma source(%arg8 : memref<128x32xf32, #tpu.memory_space<vmem>>) target(%dma_start3A_272 : memref<128x32xf32, #tpu.memory_space<vmem_shared>>) target_semaphore(%run_scoped3A_268 : memref<!tpu.dma_semaphore, #tpu.memory_space<semaphore_mem>>)
      %dma_wait3A_273 = arith.constant 0 : i32
      %dma_wait3A_274 = tpu.memref_slice %arg9[%add3A_17, %dma_wait3A_273] : memref<10240x32xf32, #tpu.memory_space<vmem_shared>> -> memref<128x32xf32, #tpu.memory_space<vmem_shared>>
      %dma_wait3A_275 = arith.constant 0 : i32
      %dma_wait3A_276 = tpu.memref_slice %arg9[%add3A_17, %dma_wait3A_275] : memref<10240x32xf32, #tpu.memory_space<vmem_shared>> -> memref<128x32xf32, #tpu.memory_space<vmem_shared>>
      tpu.wait_dma2 semaphore(%run_scoped3A_268 : memref<!tpu.dma_semaphore, #tpu.memory_space<semaphore_mem>>) src(%arg8 : memref<128x32xf32, #tpu.memory_space<vmem>>) dst(%dma_wait3A_276 : memref<128x32xf32, #tpu.memory_space<vmem_shared>>)
      tpu.yield
    }) : () -> ()
    %add3A_18 = arith.constant 512 : i32
    %add3A_19 = arith.addi %mul3A_9, %add3A_18 : i32
    "tpu.region"() ({
      %run_scoped3A_268 = tpu.sem_alloc : memref<!tpu.dma_semaphore, #tpu.memory_space<semaphore_mem>>
      %dma_start3A_269 = arith.constant 0 : i32
      %dma_start3A_270 = tpu.memref_slice %arg9[%add3A_19, %dma_start3A_269] : memref<10240x32xf32, #tpu.memory_space<vmem_shared>> -> memref<128x32xf32, #tpu.memory_space<vmem_shared>>
      %dma_start3A_271 = arith.constant 0 : i32
      %dma_start3A_272 = tpu.memref_slice %arg9[%add3A_19, %dma_start3A_271] : memref<10240x32xf32, #tpu.memory_space<vmem_shared>> -> memref<128x32xf32, #tpu.memory_space<vmem_shared>>
      tpu.enqueue_dma source(%arg8 : memref<128x32xf32, #tpu.memory_space<vmem>>) target(%dma_start3A_272 : memref<128x32xf32, #tpu.memory_space<vmem_shared>>) target_semaphore(%run_scoped3A_268 : memref<!tpu.dma_semaphore, #tpu.memory_space<semaphore_mem>>)
      %dma_wait3A_273 = arith.constant 0 : i32
      %dma_wait3A_274 = tpu.memref_slice %arg9[%add3A_19, %dma_wait3A_273] : memref<10240x32xf32, #tpu.memory_space<vmem_shared>> -> memref<128x32xf32, #tpu.memory_space<vmem_shared>>
      %dma_wait3A_275 = arith.constant 0 : i32
      %dma_wait3A_276 = tpu.memref_slice %arg9[%add3A_19, %dma_wait3A_275] : memref<10240x32xf32, #tpu.memory_space<vmem_shared>> -> memref<128x32xf32, #tpu.memory_space<vmem_shared>>
      tpu.wait_dma2 semaphore(%run_scoped3A_268 : memref<!tpu.dma_semaphore, #tpu.memory_space<semaphore_mem>>) src(%arg8 : memref<128x32xf32, #tpu.memory_space<vmem>>) dst(%dma_wait3A_276 : memref<128x32xf32, #tpu.memory_space<vmem_shared>>)
      tpu.yield
    }) : () -> ()
    %barrier3A = arith.constant 0 : index
    tpu.barrier barrier_id(%barrier3A)
    %dma_start3A = arith.constant 0 : i32
    %dma_start3A_20 = arith.constant 0 : i32
    %dma_start3A_21 = arith.constant 0 : i32
    %dma_start3A_22 = arith.constant 0 : i32
    %dma_start3A_23 = arith.constant 0 : i32
    %dma_start3A_24 = tpu.memref_slice %arg7[%dma_start3A_20, %dma_start3A_22, %dma_start3A_23] : memref<8x125x32xf32, #tpu.memory_space<vmem>> -> memref<1x125x32xf32, #tpu.memory_space<vmem>>
    %dma_start3A_25 = tpu.memref_squeeze %dma_start3A_24 : memref<1x125x32xf32, #tpu.memory_space<vmem>> -> memref<125x32xf32, #tpu.memory_space<vmem>>
    %dma_start3A_26 = arith.constant 0 : i32
    %dma_start3A_27 = tpu.memref_slice %arg5[%dma_start3A, %dma_start3A_26] : memref<80x125xi32, #tpu.memory_space<vmem>> -> memref<1x125xi32, #tpu.memory_space<vmem>>
    %dma_start3A_28 = tpu.memref_squeeze %dma_start3A_27 : memref<1x125xi32, #tpu.memory_space<vmem>> -> memref<125xi32, #tpu.memory_space<vmem>>
    %dma_start3A_29 = arith.constant 0 : i32
    %dma_start3A_30 = arith.constant 0 : i32
    %dma_start3A_31 = tpu.memref_slice %arg2[%dma_start3A_29, %dma_start3A_30] : memref<10240x32xf32, #tpu.memory_space<hbm>> -> memref<10240x32xf32, #tpu.memory_space<hbm>>
    %dma_start3A_32 = tpu.memref_slice %arg10[%dma_start3A_21] : memref<8x!tpu.dma_semaphore, #tpu.memory_space<semaphore_mem>> -> memref<1x!tpu.dma_semaphore, #tpu.memory_space<semaphore_mem>>
    %dma_start3A_33 = tpu.memref_squeeze %dma_start3A_32 : memref<1x!tpu.dma_semaphore, #tpu.memory_space<semaphore_mem>> -> memref<!tpu.dma_semaphore, #tpu.memory_space<semaphore_mem>>
    tpu.enqueue_indirect_dma source(%dma_start3A_31 : memref<10240x32xf32, #tpu.memory_space<hbm>>) target(%dma_start3A_25 : memref<125x32xf32, #tpu.memory_space<vmem>>) offsets(%dma_start3A_28 : memref<125xi32, #tpu.memory_space<vmem>>) semaphore(%dma_start3A_33 : memref<!tpu.dma_semaphore, #tpu.memory_space<semaphore_mem>>)
    %dma_start3A_34 = arith.constant 1 : i32
    %dma_start3A_35 = arith.constant 1 : i32
    %dma_start3A_36 = arith.constant 1 : i32
    %dma_start3A_37 = arith.constant 0 : i32
    %dma_start3A_38 = arith.constant 0 : i32
    %dma_start3A_39 = tpu.memref_slice %arg7[%dma_start3A_35, %dma_start3A_37, %dma_start3A_38] : memref<8x125x32xf32, #tpu.memory_space<vmem>> -> memref<1x125x32xf32, #tpu.memory_space<vmem>>
    %dma_start3A_40 = tpu.memref_squeeze %dma_start3A_39 : memref<1x125x32xf32, #tpu.memory_space<vmem>> -> memref<125x32xf32, #tpu.memory_space<vmem>>
    %dma_start3A_41 = arith.constant 0 : i32
    %dma_start3A_42 = tpu.memref_slice %arg5[%dma_start3A_34, %dma_start3A_41] : memref<80x125xi32, #tpu.memory_space<vmem>> -> memref<1x125xi32, #tpu.memory_space<vmem>>
    %dma_start3A_43 = tpu.memref_squeeze %dma_start3A_42 : memref<1x125xi32, #tpu.memory_space<vmem>> -> memref<125xi32, #tpu.memory_space<vmem>>
    %dma_start3A_44 = arith.constant 0 : i32
    %dma_start3A_45 = arith.constant 0 : i32
    %dma_start3A_46 = tpu.memref_slice %arg2[%dma_start3A_44, %dma_start3A_45] : memref<10240x32xf32, #tpu.memory_space<hbm>> -> memref<10240x32xf32, #tpu.memory_space<hbm>>
    %dma_start3A_47 = tpu.memref_slice %arg10[%dma_start3A_36] : memref<8x!tpu.dma_semaphore, #tpu.memory_space<semaphore_mem>> -> memref<1x!tpu.dma_semaphore, #tpu.memory_space<semaphore_mem>>
    %dma_start3A_48 = tpu.memref_squeeze %dma_start3A_47 : memref<1x!tpu.dma_semaphore, #tpu.memory_space<semaphore_mem>> -> memref<!tpu.dma_semaphore, #tpu.memory_space<semaphore_mem>>
    tpu.enqueue_indirect_dma source(%dma_start3A_46 : memref<10240x32xf32, #tpu.memory_space<hbm>>) target(%dma_start3A_40 : memref<125x32xf32, #tpu.memory_space<vmem>>) offsets(%dma_start3A_43 : memref<125xi32, #tpu.memory_space<vmem>>) semaphore(%dma_start3A_48 : memref<!tpu.dma_semaphore, #tpu.memory_space<semaphore_mem>>)
    %dma_start3A_49 = arith.constant 2 : i32
    %dma_start3A_50 = arith.constant 2 : i32
    %dma_start3A_51 = arith.constant 2 : i32
    %dma_start3A_52 = arith.constant 0 : i32
    %dma_start3A_53 = arith.constant 0 : i32
    %dma_start3A_54 = tpu.memref_slice %arg7[%dma_start3A_50, %dma_start3A_52, %dma_start3A_53] : memref<8x125x32xf32, #tpu.memory_space<vmem>> -> memref<1x125x32xf32, #tpu.memory_space<vmem>>
    %dma_start3A_55 = tpu.memref_squeeze %dma_start3A_54 : memref<1x125x32xf32, #tpu.memory_space<vmem>> -> memref<125x32xf32, #tpu.memory_space<vmem>>
    %dma_start3A_56 = arith.constant 0 : i32
    %dma_start3A_57 = tpu.memref_slice %arg5[%dma_start3A_49, %dma_start3A_56] : memref<80x125xi32, #tpu.memory_space<vmem>> -> memref<1x125xi32, #tpu.memory_space<vmem>>
    %dma_start3A_58 = tpu.memref_squeeze %dma_start3A_57 : memref<1x125xi32, #tpu.memory_space<vmem>> -> memref<125xi32, #tpu.memory_space<vmem>>
    %dma_start3A_59 = arith.constant 0 : i32
    %dma_start3A_60 = arith.constant 0 : i32
    %dma_start3A_61 = tpu.memref_slice %arg2[%dma_start3A_59, %dma_start3A_60] : memref<10240x32xf32, #tpu.memory_space<hbm>> -> memref<10240x32xf32, #tpu.memory_space<hbm>>
    %dma_start3A_62 = tpu.memref_slice %arg10[%dma_start3A_51] : memref<8x!tpu.dma_semaphore, #tpu.memory_space<semaphore_mem>> -> memref<1x!tpu.dma_semaphore, #tpu.memory_space<semaphore_mem>>
    %dma_start3A_63 = tpu.memref_squeeze %dma_start3A_62 : memref<1x!tpu.dma_semaphore, #tpu.memory_space<semaphore_mem>> -> memref<!tpu.dma_semaphore, #tpu.memory_space<semaphore_mem>>
    tpu.enqueue_indirect_dma source(%dma_start3A_61 : memref<10240x32xf32, #tpu.memory_space<hbm>>) target(%dma_start3A_55 : memref<125x32xf32, #tpu.memory_space<vmem>>) offsets(%dma_start3A_58 : memref<125xi32, #tpu.memory_space<vmem>>) semaphore(%dma_start3A_63 : memref<!tpu.dma_semaphore, #tpu.memory_space<semaphore_mem>>)
    %dma_start3A_64 = arith.constant 3 : i32
    %dma_start3A_65 = arith.constant 3 : i32
    %dma_start3A_66 = arith.constant 3 : i32
    %dma_start3A_67 = arith.constant 0 : i32
    %dma_start3A_68 = arith.constant 0 : i32
    %dma_start3A_69 = tpu.memref_slice %arg7[%dma_start3A_65, %dma_start3A_67, %dma_start3A_68] : memref<8x125x32xf32, #tpu.memory_space<vmem>> -> memref<1x125x32xf32, #tpu.memory_space<vmem>>
    %dma_start3A_70 = tpu.memref_squeeze %dma_start3A_69 : memref<1x125x32xf32, #tpu.memory_space<vmem>> -> memref<125x32xf32, #tpu.memory_space<vmem>>
    %dma_start3A_71 = arith.constant 0 : i32
    %dma_start3A_72 = tpu.memref_slice %arg5[%dma_start3A_64, %dma_start3A_71] : memref<80x125xi32, #tpu.memory_space<vmem>> -> memref<1x125xi32, #tpu.memory_space<vmem>>
    %dma_start3A_73 = tpu.memref_squeeze %dma_start3A_72 : memref<1x125xi32, #tpu.memory_space<vmem>> -> memref<125xi32, #tpu.memory_space<vmem>>
    %dma_start3A_74 = arith.constant 0 : i32
    %dma_start3A_75 = arith.constant 0 : i32
    %dma_start3A_76 = tpu.memref_slice %arg2[%dma_start3A_74, %dma_start3A_75] : memref<10240x32xf32, #tpu.memory_space<hbm>> -> memref<10240x32xf32, #tpu.memory_space<hbm>>
    %dma_start3A_77 = tpu.memref_slice %arg10[%dma_start3A_66] : memref<8x!tpu.dma_semaphore, #tpu.memory_space<semaphore_mem>> -> memref<1x!tpu.dma_semaphore, #tpu.memory_space<semaphore_mem>>
    %dma_start3A_78 = tpu.memref_squeeze %dma_start3A_77 : memref<1x!tpu.dma_semaphore, #tpu.memory_space<semaphore_mem>> -> memref<!tpu.dma_semaphore, #tpu.memory_space<semaphore_mem>>
    tpu.enqueue_indirect_dma source(%dma_start3A_76 : memref<10240x32xf32, #tpu.memory_space<hbm>>) target(%dma_start3A_70 : memref<125x32xf32, #tpu.memory_space<vmem>>) offsets(%dma_start3A_73 : memref<125xi32, #tpu.memory_space<vmem>>) semaphore(%dma_start3A_78 : memref<!tpu.dma_semaphore, #tpu.memory_space<semaphore_mem>>)
    %dma_start3A_79 = arith.constant 4 : i32
    %dma_start3A_80 = arith.constant 4 : i32
    %dma_start3A_81 = arith.constant 4 : i32
    %dma_start3A_82 = arith.constant 0 : i32
    %dma_start3A_83 = arith.constant 0 : i32
    %dma_start3A_84 = tpu.memref_slice %arg7[%dma_start3A_80, %dma_start3A_82, %dma_start3A_83] : memref<8x125x32xf32, #tpu.memory_space<vmem>> -> memref<1x125x32xf32, #tpu.memory_space<vmem>>
    %dma_start3A_85 = tpu.memref_squeeze %dma_start3A_84 : memref<1x125x32xf32, #tpu.memory_space<vmem>> -> memref<125x32xf32, #tpu.memory_space<vmem>>
    %dma_start3A_86 = arith.constant 0 : i32
    %dma_start3A_87 = tpu.memref_slice %arg5[%dma_start3A_79, %dma_start3A_86] : memref<80x125xi32, #tpu.memory_space<vmem>> -> memref<1x125xi32, #tpu.memory_space<vmem>>
    %dma_start3A_88 = tpu.memref_squeeze %dma_start3A_87 : memref<1x125xi32, #tpu.memory_space<vmem>> -> memref<125xi32, #tpu.memory_space<vmem>>
    %dma_start3A_89 = arith.constant 0 : i32
    %dma_start3A_90 = arith.constant 0 : i32
    %dma_start3A_91 = tpu.memref_slice %arg2[%dma_start3A_89, %dma_start3A_90] : memref<10240x32xf32, #tpu.memory_space<hbm>> -> memref<10240x32xf32, #tpu.memory_space<hbm>>
    %dma_start3A_92 = tpu.memref_slice %arg10[%dma_start3A_81] : memref<8x!tpu.dma_semaphore, #tpu.memory_space<semaphore_mem>> -> memref<1x!tpu.dma_semaphore, #tpu.memory_space<semaphore_mem>>
    %dma_start3A_93 = tpu.memref_squeeze %dma_start3A_92 : memref<1x!tpu.dma_semaphore, #tpu.memory_space<semaphore_mem>> -> memref<!tpu.dma_semaphore, #tpu.memory_space<semaphore_mem>>
    tpu.enqueue_indirect_dma source(%dma_start3A_91 : memref<10240x32xf32, #tpu.memory_space<hbm>>) target(%dma_start3A_85 : memref<125x32xf32, #tpu.memory_space<vmem>>) offsets(%dma_start3A_88 : memref<125xi32, #tpu.memory_space<vmem>>) semaphore(%dma_start3A_93 : memref<!tpu.dma_semaphore, #tpu.memory_space<semaphore_mem>>)
    %dma_start3A_94 = arith.constant 5 : i32
    %dma_start3A_95 = arith.constant 5 : i32
    %dma_start3A_96 = arith.constant 5 : i32
    %dma_start3A_97 = arith.constant 0 : i32
    %dma_start3A_98 = arith.constant 0 : i32
    %dma_start3A_99 = tpu.memref_slice %arg7[%dma_start3A_95, %dma_start3A_97, %dma_start3A_98] : memref<8x125x32xf32, #tpu.memory_space<vmem>> -> memref<1x125x32xf32, #tpu.memory_space<vmem>>
    %dma_start3A_100 = tpu.memref_squeeze %dma_start3A_99 : memref<1x125x32xf32, #tpu.memory_space<vmem>> -> memref<125x32xf32, #tpu.memory_space<vmem>>
    %dma_start3A_101 = arith.constant 0 : i32
    %dma_start3A_102 = tpu.memref_slice %arg5[%dma_start3A_94, %dma_start3A_101] : memref<80x125xi32, #tpu.memory_space<vmem>> -> memref<1x125xi32, #tpu.memory_space<vmem>>
    %dma_start3A_103 = tpu.memref_squeeze %dma_start3A_102 : memref<1x125xi32, #tpu.memory_space<vmem>> -> memref<125xi32, #tpu.memory_space<vmem>>
    %dma_start3A_104 = arith.constant 0 : i32
    %dma_start3A_105 = arith.constant 0 : i32
    %dma_start3A_106 = tpu.memref_slice %arg2[%dma_start3A_104, %dma_start3A_105] : memref<10240x32xf32, #tpu.memory_space<hbm>> -> memref<10240x32xf32, #tpu.memory_space<hbm>>
    %dma_start3A_107 = tpu.memref_slice %arg10[%dma_start3A_96] : memref<8x!tpu.dma_semaphore, #tpu.memory_space<semaphore_mem>> -> memref<1x!tpu.dma_semaphore, #tpu.memory_space<semaphore_mem>>
    %dma_start3A_108 = tpu.memref_squeeze %dma_start3A_107 : memref<1x!tpu.dma_semaphore, #tpu.memory_space<semaphore_mem>> -> memref<!tpu.dma_semaphore, #tpu.memory_space<semaphore_mem>>
    tpu.enqueue_indirect_dma source(%dma_start3A_106 : memref<10240x32xf32, #tpu.memory_space<hbm>>) target(%dma_start3A_100 : memref<125x32xf32, #tpu.memory_space<vmem>>) offsets(%dma_start3A_103 : memref<125xi32, #tpu.memory_space<vmem>>) semaphore(%dma_start3A_108 : memref<!tpu.dma_semaphore, #tpu.memory_space<semaphore_mem>>)
    %dma_start3A_109 = arith.constant 6 : i32
    %dma_start3A_110 = arith.constant 6 : i32
    %dma_start3A_111 = arith.constant 6 : i32
    %dma_start3A_112 = arith.constant 0 : i32
    %dma_start3A_113 = arith.constant 0 : i32
    %dma_start3A_114 = tpu.memref_slice %arg7[%dma_start3A_110, %dma_start3A_112, %dma_start3A_113] : memref<8x125x32xf32, #tpu.memory_space<vmem>> -> memref<1x125x32xf32, #tpu.memory_space<vmem>>
    %dma_start3A_115 = tpu.memref_squeeze %dma_start3A_114 : memref<1x125x32xf32, #tpu.memory_space<vmem>> -> memref<125x32xf32, #tpu.memory_space<vmem>>
    %dma_start3A_116 = arith.constant 0 : i32
    %dma_start3A_117 = tpu.memref_slice %arg5[%dma_start3A_109, %dma_start3A_116] : memref<80x125xi32, #tpu.memory_space<vmem>> -> memref<1x125xi32, #tpu.memory_space<vmem>>
    %dma_start3A_118 = tpu.memref_squeeze %dma_start3A_117 : memref<1x125xi32, #tpu.memory_space<vmem>> -> memref<125xi32, #tpu.memory_space<vmem>>
    %dma_start3A_119 = arith.constant 0 : i32
    %dma_start3A_120 = arith.constant 0 : i32
    %dma_start3A_121 = tpu.memref_slice %arg2[%dma_start3A_119, %dma_start3A_120] : memref<10240x32xf32, #tpu.memory_space<hbm>> -> memref<10240x32xf32, #tpu.memory_space<hbm>>
    %dma_start3A_122 = tpu.memref_slice %arg10[%dma_start3A_111] : memref<8x!tpu.dma_semaphore, #tpu.memory_space<semaphore_mem>> -> memref<1x!tpu.dma_semaphore, #tpu.memory_space<semaphore_mem>>
    %dma_start3A_123 = tpu.memref_squeeze %dma_start3A_122 : memref<1x!tpu.dma_semaphore, #tpu.memory_space<semaphore_mem>> -> memref<!tpu.dma_semaphore, #tpu.memory_space<semaphore_mem>>
    tpu.enqueue_indirect_dma source(%dma_start3A_121 : memref<10240x32xf32, #tpu.memory_space<hbm>>) target(%dma_start3A_115 : memref<125x32xf32, #tpu.memory_space<vmem>>) offsets(%dma_start3A_118 : memref<125xi32, #tpu.memory_space<vmem>>) semaphore(%dma_start3A_123 : memref<!tpu.dma_semaphore, #tpu.memory_space<semaphore_mem>>)
    %dma_start3A_124 = arith.constant 7 : i32
    %dma_start3A_125 = arith.constant 7 : i32
    %dma_start3A_126 = arith.constant 7 : i32
    %dma_start3A_127 = arith.constant 0 : i32
    %dma_start3A_128 = arith.constant 0 : i32
    %dma_start3A_129 = tpu.memref_slice %arg7[%dma_start3A_125, %dma_start3A_127, %dma_start3A_128] : memref<8x125x32xf32, #tpu.memory_space<vmem>> -> memref<1x125x32xf32, #tpu.memory_space<vmem>>
    %dma_start3A_130 = tpu.memref_squeeze %dma_start3A_129 : memref<1x125x32xf32, #tpu.memory_space<vmem>> -> memref<125x32xf32, #tpu.memory_space<vmem>>
    %dma_start3A_131 = arith.constant 0 : i32
    %dma_start3A_132 = tpu.memref_slice %arg5[%dma_start3A_124, %dma_start3A_131] : memref<80x125xi32, #tpu.memory_space<vmem>> -> memref<1x125xi32, #tpu.memory_space<vmem>>
    %dma_start3A_133 = tpu.memref_squeeze %dma_start3A_132 : memref<1x125xi32, #tpu.memory_space<vmem>> -> memref<125xi32, #tpu.memory_space<vmem>>
    %dma_start3A_134 = arith.constant 0 : i32
    %dma_start3A_135 = arith.constant 0 : i32
    %dma_start3A_136 = tpu.memref_slice %arg2[%dma_start3A_134, %dma_start3A_135] : memref<10240x32xf32, #tpu.memory_space<hbm>> -> memref<10240x32xf32, #tpu.memory_space<hbm>>
    %dma_start3A_137 = tpu.memref_slice %arg10[%dma_start3A_126] : memref<8x!tpu.dma_semaphore, #tpu.memory_space<semaphore_mem>> -> memref<1x!tpu.dma_semaphore, #tpu.memory_space<semaphore_mem>>
    %dma_start3A_138 = tpu.memref_squeeze %dma_start3A_137 : memref<1x!tpu.dma_semaphore, #tpu.memory_space<semaphore_mem>> -> memref<!tpu.dma_semaphore, #tpu.memory_space<semaphore_mem>>
    tpu.enqueue_indirect_dma source(%dma_start3A_136 : memref<10240x32xf32, #tpu.memory_space<hbm>>) target(%dma_start3A_130 : memref<125x32xf32, #tpu.memory_space<vmem>>) offsets(%dma_start3A_133 : memref<125xi32, #tpu.memory_space<vmem>>) semaphore(%dma_start3A_138 : memref<!tpu.dma_semaphore, #tpu.memory_space<semaphore_mem>>)
    %scan3A_139 = arith.constant 0 : i32
    %scan3A_140 = arith.constant 0 : i32
    %scan3A_141 = arith.constant 10 : i32
    %scan3A_142 = arith.addi %scan3A_140, %scan3A_141 : i32
    %scan3A_143 = arith.constant 1 : i32
    %scan3A_144 = scf.for %scan3A_268 = %scan3A_140 to %scan3A_142 step %scan3A_143 iter_args(%scan3A_269 = %scan3A_139) -> (i32)  : i32 {
      %mul3A_270 = arith.constant 8 : i32
      %mul3A_271 = arith.muli %mul3A_270, %scan3A_268 : i32
      %add3A_272 = arith.constant 0 : i32
      %add3A_273 = arith.addi %mul3A_271, %add3A_272 : i32
      %dma_wait3A_274 = arith.constant 0 : i32
      %dma_wait3A_275 = arith.constant 0 : i32
      %dma_wait3A_276 = arith.constant 0 : i32
      %dma_wait3A_277 = arith.constant 0 : i32
      %dma_wait3A_278 = arith.constant 0 : i32
      %dma_wait3A_279 = tpu.memref_slice %arg7[%dma_wait3A_275, %dma_wait3A_277, %dma_wait3A_278] : memref<8x125x32xf32, #tpu.memory_space<vmem>> -> memref<1x125x32xf32, #tpu.memory_space<vmem>>
      %dma_wait3A_280 = tpu.memref_squeeze %dma_wait3A_279 : memref<1x125x32xf32, #tpu.memory_space<vmem>> -> memref<125x32xf32, #tpu.memory_space<vmem>>
      %dma_wait3A_281 = arith.constant 0 : i32
      %dma_wait3A_282 = tpu.memref_slice %arg5[%dma_wait3A_274, %dma_wait3A_281] : memref<80x125xi32, #tpu.memory_space<vmem>> -> memref<1x125xi32, #tpu.memory_space<vmem>>
      %dma_wait3A_283 = tpu.memref_squeeze %dma_wait3A_282 : memref<1x125xi32, #tpu.memory_space<vmem>> -> memref<125xi32, #tpu.memory_space<vmem>>
      %dma_wait3A_284 = arith.constant 0 : i32
      %dma_wait3A_285 = arith.constant 0 : i32
      %dma_wait3A_286 = tpu.memref_slice %arg2[%dma_wait3A_284, %dma_wait3A_285] : memref<10240x32xf32, #tpu.memory_space<hbm>> -> memref<10240x32xf32, #tpu.memory_space<hbm>>
      %dma_wait3A_287 = tpu.memref_slice %arg10[%dma_wait3A_276] : memref<8x!tpu.dma_semaphore, #tpu.memory_space<semaphore_mem>> -> memref<1x!tpu.dma_semaphore, #tpu.memory_space<semaphore_mem>>
      %dma_wait3A_288 = tpu.memref_squeeze %dma_wait3A_287 : memref<1x!tpu.dma_semaphore, #tpu.memory_space<semaphore_mem>> -> memref<!tpu.dma_semaphore, #tpu.memory_space<semaphore_mem>>
      tpu.wait_indirect_dma semaphore(%dma_wait3A_288 : memref<!tpu.dma_semaphore, #tpu.memory_space<semaphore_mem>>) src(%dma_wait3A_286 : memref<10240x32xf32, #tpu.memory_space<hbm>>) dst(%dma_wait3A_280 : memref<125x32xf32, #tpu.memory_space<vmem>>)
      %dma_start3A_289 = arith.constant 0 : i32
      %dma_start3A_290 = arith.constant 0 : i32
      %dma_start3A_291 = arith.constant 0 : i32
      %dma_start3A_292 = arith.constant 0 : i32
      %dma_start3A_293 = tpu.memref_slice %arg7[%dma_start3A_289, %dma_start3A_291, %dma_start3A_292] : memref<8x125x32xf32, #tpu.memory_space<vmem>> -> memref<1x125x32xf32, #tpu.memory_space<vmem>>
      %dma_start3A_294 = tpu.memref_squeeze %dma_start3A_293 : memref<1x125x32xf32, #tpu.memory_space<vmem>> -> memref<125x32xf32, #tpu.memory_space<vmem>>
      %dma_start3A_295 = arith.constant 0 : i32
      %dma_start3A_296 = tpu.memref_slice %arg6[%add3A_273, %dma_start3A_295] : memref<80x125xi32, #tpu.memory_space<vmem>> -> memref<1x125xi32, #tpu.memory_space<vmem>>
      %dma_start3A_297 = tpu.memref_squeeze %dma_start3A_296 : memref<1x125xi32, #tpu.memory_space<vmem>> -> memref<125xi32, #tpu.memory_space<vmem>>
      %dma_start3A_298 = arith.constant 0 : i32
      %dma_start3A_299 = arith.constant 0 : i32
      %dma_start3A_300 = tpu.memref_slice %arg9[%dma_start3A_298, %dma_start3A_299] : memref<10240x32xf32, #tpu.memory_space<vmem_shared>> -> memref<10240x32xf32, #tpu.memory_space<vmem_shared>>
      %dma_start3A_301 = tpu.memref_slice %arg11[%dma_start3A_290] : memref<8x!tpu.dma_semaphore, #tpu.memory_space<semaphore_mem>> -> memref<1x!tpu.dma_semaphore, #tpu.memory_space<semaphore_mem>>
      %dma_start3A_302 = tpu.memref_squeeze %dma_start3A_301 : memref<1x!tpu.dma_semaphore, #tpu.memory_space<semaphore_mem>> -> memref<!tpu.dma_semaphore, #tpu.memory_space<semaphore_mem>>
      tpu.enqueue_indirect_dma source(%dma_start3A_294 : memref<125x32xf32, #tpu.memory_space<vmem>>) target(%dma_start3A_300 : memref<10240x32xf32, #tpu.memory_space<vmem_shared>>) offsets(%dma_start3A_297 : memref<125xi32, #tpu.memory_space<vmem>>) semaphore(%dma_start3A_302 : memref<!tpu.dma_semaphore, #tpu.memory_space<semaphore_mem>>) {add = true}
      %mul3A_303 = arith.constant 8 : i32
      %mul3A_304 = arith.muli %mul3A_303, %scan3A_268 : i32
      %add3A_305 = arith.constant 1 : i32
      %add3A_306 = arith.addi %mul3A_304, %add3A_305 : i32
      %dma_wait3A_307 = arith.constant 0 : i32
      %dma_wait3A_308 = arith.constant 1 : i32
      %dma_wait3A_309 = arith.constant 1 : i32
      %dma_wait3A_310 = arith.constant 0 : i32
      %dma_wait3A_311 = arith.constant 0 : i32
      %dma_wait3A_312 = tpu.memref_slice %arg7[%dma_wait3A_308, %dma_wait3A_310, %dma_wait3A_311] : memref<8x125x32xf32, #tpu.memory_space<vmem>> -> memref<1x125x32xf32, #tpu.memory_space<vmem>>
      %dma_wait3A_313 = tpu.memref_squeeze %dma_wait3A_312 : memref<1x125x32xf32, #tpu.memory_space<vmem>> -> memref<125x32xf32, #tpu.memory_space<vmem>>
      %dma_wait3A_314 = arith.constant 0 : i32
      %dma_wait3A_315 = tpu.memref_slice %arg5[%dma_wait3A_307, %dma_wait3A_314] : memref<80x125xi32, #tpu.memory_space<vmem>> -> memref<1x125xi32, #tpu.memory_space<vmem>>
      %dma_wait3A_316 = tpu.memref_squeeze %dma_wait3A_315 : memref<1x125xi32, #tpu.memory_space<vmem>> -> memref<125xi32, #tpu.memory_space<vmem>>
      %dma_wait3A_317 = arith.constant 0 : i32
      %dma_wait3A_318 = arith.constant 0 : i32
      %dma_wait3A_319 = tpu.memref_slice %arg2[%dma_wait3A_317, %dma_wait3A_318] : memref<10240x32xf32, #tpu.memory_space<hbm>> -> memref<10240x32xf32, #tpu.memory_space<hbm>>
      %dma_wait3A_320 = tpu.memref_slice %arg10[%dma_wait3A_309] : memref<8x!tpu.dma_semaphore, #tpu.memory_space<semaphore_mem>> -> memref<1x!tpu.dma_semaphore, #tpu.memory_space<semaphore_mem>>
      %dma_wait3A_321 = tpu.memref_squeeze %dma_wait3A_320 : memref<1x!tpu.dma_semaphore, #tpu.memory_space<semaphore_mem>> -> memref<!tpu.dma_semaphore, #tpu.memory_space<semaphore_mem>>
      tpu.wait_indirect_dma semaphore(%dma_wait3A_321 : memref<!tpu.dma_semaphore, #tpu.memory_space<semaphore_mem>>) src(%dma_wait3A_319 : memref<10240x32xf32, #tpu.memory_space<hbm>>) dst(%dma_wait3A_313 : memref<125x32xf32, #tpu.memory_space<vmem>>)
      %dma_start3A_322 = arith.constant 1 : i32
      %dma_start3A_323 = arith.constant 1 : i32
      %dma_start3A_324 = arith.constant 0 : i32
      %dma_start3A_325 = arith.constant 0 : i32
      %dma_start3A_326 = tpu.memref_slice %arg7[%dma_start3A_322, %dma_start3A_324, %dma_start3A_325] : memref<8x125x32xf32, #tpu.memory_space<vmem>> -> memref<1x125x32xf32, #tpu.memory_space<vmem>>
      %dma_start3A_327 = tpu.memref_squeeze %dma_start3A_326 : memref<1x125x32xf32, #tpu.memory_space<vmem>> -> memref<125x32xf32, #tpu.memory_space<vmem>>
      %dma_start3A_328 = arith.constant 0 : i32
      %dma_start3A_329 = tpu.memref_slice %arg6[%add3A_306, %dma_start3A_328] : memref<80x125xi32, #tpu.memory_space<vmem>> -> memref<1x125xi32, #tpu.memory_space<vmem>>
      %dma_start3A_330 = tpu.memref_squeeze %dma_start3A_329 : memref<1x125xi32, #tpu.memory_space<vmem>> -> memref<125xi32, #tpu.memory_space<vmem>>
      %dma_start3A_331 = arith.constant 0 : i32
      %dma_start3A_332 = arith.constant 0 : i32
      %dma_start3A_333 = tpu.memref_slice %arg9[%dma_start3A_331, %dma_start3A_332] : memref<10240x32xf32, #tpu.memory_space<vmem_shared>> -> memref<10240x32xf32, #tpu.memory_space<vmem_shared>>
      %dma_start3A_334 = tpu.memref_slice %arg11[%dma_start3A_323] : memref<8x!tpu.dma_semaphore, #tpu.memory_space<semaphore_mem>> -> memref<1x!tpu.dma_semaphore, #tpu.memory_space<semaphore_mem>>
      %dma_start3A_335 = tpu.memref_squeeze %dma_start3A_334 : memref<1x!tpu.dma_semaphore, #tpu.memory_space<semaphore_mem>> -> memref<!tpu.dma_semaphore, #tpu.memory_space<semaphore_mem>>
      tpu.enqueue_indirect_dma source(%dma_start3A_327 : memref<125x32xf32, #tpu.memory_space<vmem>>) target(%dma_start3A_333 : memref<10240x32xf32, #tpu.memory_space<vmem_shared>>) offsets(%dma_start3A_330 : memref<125xi32, #tpu.memory_space<vmem>>) semaphore(%dma_start3A_335 : memref<!tpu.dma_semaphore, #tpu.memory_space<semaphore_mem>>) {add = true}
      %mul3A_336 = arith.constant 8 : i32
      %mul3A_337 = arith.muli %mul3A_336, %scan3A_268 : i32
      %add3A_338 = arith.constant 2 : i32
      %add3A_339 = arith.addi %mul3A_337, %add3A_338 : i32
      %dma_wait3A_340 = arith.constant 0 : i32
      %dma_wait3A_341 = arith.constant 2 : i32
      %dma_wait3A_342 = arith.constant 2 : i32
      %dma_wait3A_343 = arith.constant 0 : i32
      %dma_wait3A_344 = arith.constant 0 : i32
      %dma_wait3A_345 = tpu.memref_slice %arg7[%dma_wait3A_341, %dma_wait3A_343, %dma_wait3A_344] : memref<8x125x32xf32, #tpu.memory_space<vmem>> -> memref<1x125x32xf32, #tpu.memory_space<vmem>>
      %dma_wait3A_346 = tpu.memref_squeeze %dma_wait3A_345 : memref<1x125x32xf32, #tpu.memory_space<vmem>> -> memref<125x32xf32, #tpu.memory_space<vmem>>
      %dma_wait3A_347 = arith.constant 0 : i32
      %dma_wait3A_348 = tpu.memref_slice %arg5[%dma_wait3A_340, %dma_wait3A_347] : memref<80x125xi32, #tpu.memory_space<vmem>> -> memref<1x125xi32, #tpu.memory_space<vmem>>
      %dma_wait3A_349 = tpu.memref_squeeze %dma_wait3A_348 : memref<1x125xi32, #tpu.memory_space<vmem>> -> memref<125xi32, #tpu.memory_space<vmem>>
      %dma_wait3A_350 = arith.constant 0 : i32
      %dma_wait3A_351 = arith.constant 0 : i32
      %dma_wait3A_352 = tpu.memref_slice %arg2[%dma_wait3A_350, %dma_wait3A_351] : memref<10240x32xf32, #tpu.memory_space<hbm>> -> memref<10240x32xf32, #tpu.memory_space<hbm>>
      %dma_wait3A_353 = tpu.memref_slice %arg10[%dma_wait3A_342] : memref<8x!tpu.dma_semaphore, #tpu.memory_space<semaphore_mem>> -> memref<1x!tpu.dma_semaphore, #tpu.memory_space<semaphore_mem>>
      %dma_wait3A_354 = tpu.memref_squeeze %dma_wait3A_353 : memref<1x!tpu.dma_semaphore, #tpu.memory_space<semaphore_mem>> -> memref<!tpu.dma_semaphore, #tpu.memory_space<semaphore_mem>>
      tpu.wait_indirect_dma semaphore(%dma_wait3A_354 : memref<!tpu.dma_semaphore, #tpu.memory_space<semaphore_mem>>) src(%dma_wait3A_352 : memref<10240x32xf32, #tpu.memory_space<hbm>>) dst(%dma_wait3A_346 : memref<125x32xf32, #tpu.memory_space<vmem>>)
      %dma_start3A_355 = arith.constant 2 : i32
      %dma_start3A_356 = arith.constant 2 : i32
      %dma_start3A_357 = arith.constant 0 : i32
      %dma_start3A_358 = arith.constant 0 : i32
      %dma_start3A_359 = tpu.memref_slice %arg7[%dma_start3A_355, %dma_start3A_357, %dma_start3A_358] : memref<8x125x32xf32, #tpu.memory_space<vmem>> -> memref<1x125x32xf32, #tpu.memory_space<vmem>>
      %dma_start3A_360 = tpu.memref_squeeze %dma_start3A_359 : memref<1x125x32xf32, #tpu.memory_space<vmem>> -> memref<125x32xf32, #tpu.memory_space<vmem>>
      %dma_start3A_361 = arith.constant 0 : i32
      %dma_start3A_362 = tpu.memref_slice %arg6[%add3A_339, %dma_start3A_361] : memref<80x125xi32, #tpu.memory_space<vmem>> -> memref<1x125xi32, #tpu.memory_space<vmem>>
      %dma_start3A_363 = tpu.memref_squeeze %dma_start3A_362 : memref<1x125xi32, #tpu.memory_space<vmem>> -> memref<125xi32, #tpu.memory_space<vmem>>
      %dma_start3A_364 = arith.constant 0 : i32
      %dma_start3A_365 = arith.constant 0 : i32
      %dma_start3A_366 = tpu.memref_slice %arg9[%dma_start3A_364, %dma_start3A_365] : memref<10240x32xf32, #tpu.memory_space<vmem_shared>> -> memref<10240x32xf32, #tpu.memory_space<vmem_shared>>
      %dma_start3A_367 = tpu.memref_slice %arg11[%dma_start3A_356] : memref<8x!tpu.dma_semaphore, #tpu.memory_space<semaphore_mem>> -> memref<1x!tpu.dma_semaphore, #tpu.memory_space<semaphore_mem>>
      %dma_start3A_368 = tpu.memref_squeeze %dma_start3A_367 : memref<1x!tpu.dma_semaphore, #tpu.memory_space<semaphore_mem>> -> memref<!tpu.dma_semaphore, #tpu.memory_space<semaphore_mem>>
      tpu.enqueue_indirect_dma source(%dma_start3A_360 : memref<125x32xf32, #tpu.memory_space<vmem>>) target(%dma_start3A_366 : memref<10240x32xf32, #tpu.memory_space<vmem_shared>>) offsets(%dma_start3A_363 : memref<125xi32, #tpu.memory_space<vmem>>) semaphore(%dma_start3A_368 : memref<!tpu.dma_semaphore, #tpu.memory_space<semaphore_mem>>) {add = true}
      %mul3A_369 = arith.constant 8 : i32
      %mul3A_370 = arith.muli %mul3A_369, %scan3A_268 : i32
      %add3A_371 = arith.constant 3 : i32
      %add3A_372 = arith.addi %mul3A_370, %add3A_371 : i32
      %dma_wait3A_373 = arith.constant 0 : i32
      %dma_wait3A_374 = arith.constant 3 : i32
      %dma_wait3A_375 = arith.constant 3 : i32
      %dma_wait3A_376 = arith.constant 0 : i32
      %dma_wait3A_377 = arith.constant 0 : i32
      %dma_wait3A_378 = tpu.memref_slice %arg7[%dma_wait3A_374, %dma_wait3A_376, %dma_wait3A_377] : memref<8x125x32xf32, #tpu.memory_space<vmem>> -> memref<1x125x32xf32, #tpu.memory_space<vmem>>
      %dma_wait3A_379 = tpu.memref_squeeze %dma_wait3A_378 : memref<1x125x32xf32, #tpu.memory_space<vmem>> -> memref<125x32xf32, #tpu.memory_space<vmem>>
      %dma_wait3A_380 = arith.constant 0 : i32
      %dma_wait3A_381 = tpu.memref_slice %arg5[%dma_wait3A_373, %dma_wait3A_380] : memref<80x125xi32, #tpu.memory_space<vmem>> -> memref<1x125xi32, #tpu.memory_space<vmem>>
      %dma_wait3A_382 = tpu.memref_squeeze %dma_wait3A_381 : memref<1x125xi32, #tpu.memory_space<vmem>> -> memref<125xi32, #tpu.memory_space<vmem>>
      %dma_wait3A_383 = arith.constant 0 : i32
      %dma_wait3A_384 = arith.constant 0 : i32
      %dma_wait3A_385 = tpu.memref_slice %arg2[%dma_wait3A_383, %dma_wait3A_384] : memref<10240x32xf32, #tpu.memory_space<hbm>> -> memref<10240x32xf32, #tpu.memory_space<hbm>>
      %dma_wait3A_386 = tpu.memref_slice %arg10[%dma_wait3A_375] : memref<8x!tpu.dma_semaphore, #tpu.memory_space<semaphore_mem>> -> memref<1x!tpu.dma_semaphore, #tpu.memory_space<semaphore_mem>>
      %dma_wait3A_387 = tpu.memref_squeeze %dma_wait3A_386 : memref<1x!tpu.dma_semaphore, #tpu.memory_space<semaphore_mem>> -> memref<!tpu.dma_semaphore, #tpu.memory_space<semaphore_mem>>
      tpu.wait_indirect_dma semaphore(%dma_wait3A_387 : memref<!tpu.dma_semaphore, #tpu.memory_space<semaphore_mem>>) src(%dma_wait3A_385 : memref<10240x32xf32, #tpu.memory_space<hbm>>) dst(%dma_wait3A_379 : memref<125x32xf32, #tpu.memory_space<vmem>>)
      %dma_start3A_388 = arith.constant 3 : i32
      %dma_start3A_389 = arith.constant 3 : i32
      %dma_start3A_390 = arith.constant 0 : i32
      %dma_start3A_391 = arith.constant 0 : i32
      %dma_start3A_392 = tpu.memref_slice %arg7[%dma_start3A_388, %dma_start3A_390, %dma_start3A_391] : memref<8x125x32xf32, #tpu.memory_space<vmem>> -> memref<1x125x32xf32, #tpu.memory_space<vmem>>
      %dma_start3A_393 = tpu.memref_squeeze %dma_start3A_392 : memref<1x125x32xf32, #tpu.memory_space<vmem>> -> memref<125x32xf32, #tpu.memory_space<vmem>>
      %dma_start3A_394 = arith.constant 0 : i32
      %dma_start3A_395 = tpu.memref_slice %arg6[%add3A_372, %dma_start3A_394] : memref<80x125xi32, #tpu.memory_space<vmem>> -> memref<1x125xi32, #tpu.memory_space<vmem>>
      %dma_start3A_396 = tpu.memref_squeeze %dma_start3A_395 : memref<1x125xi32, #tpu.memory_space<vmem>> -> memref<125xi32, #tpu.memory_space<vmem>>
      %dma_start3A_397 = arith.constant 0 : i32
      %dma_start3A_398 = arith.constant 0 : i32
      %dma_start3A_399 = tpu.memref_slice %arg9[%dma_start3A_397, %dma_start3A_398] : memref<10240x32xf32, #tpu.memory_space<vmem_shared>> -> memref<10240x32xf32, #tpu.memory_space<vmem_shared>>
      %dma_start3A_400 = tpu.memref_slice %arg11[%dma_start3A_389] : memref<8x!tpu.dma_semaphore, #tpu.memory_space<semaphore_mem>> -> memref<1x!tpu.dma_semaphore, #tpu.memory_space<semaphore_mem>>
      %dma_start3A_401 = tpu.memref_squeeze %dma_start3A_400 : memref<1x!tpu.dma_semaphore, #tpu.memory_space<semaphore_mem>> -> memref<!tpu.dma_semaphore, #tpu.memory_space<semaphore_mem>>
      tpu.enqueue_indirect_dma source(%dma_start3A_393 : memref<125x32xf32, #tpu.memory_space<vmem>>) target(%dma_start3A_399 : memref<10240x32xf32, #tpu.memory_space<vmem_shared>>) offsets(%dma_start3A_396 : memref<125xi32, #tpu.memory_space<vmem>>) semaphore(%dma_start3A_401 : memref<!tpu.dma_semaphore, #tpu.memory_space<semaphore_mem>>) {add = true}
      %mul3A_402 = arith.constant 8 : i32
      %mul3A_403 = arith.muli %mul3A_402, %scan3A_268 : i32
      %add3A_404 = arith.constant 4 : i32
      %add3A_405 = arith.addi %mul3A_403, %add3A_404 : i32
      %dma_wait3A_406 = arith.constant 0 : i32
      %dma_wait3A_407 = arith.constant 4 : i32
      %dma_wait3A_408 = arith.constant 4 : i32
      %dma_wait3A_409 = arith.constant 0 : i32
      %dma_wait3A_410 = arith.constant 0 : i32
      %dma_wait3A_411 = tpu.memref_slice %arg7[%dma_wait3A_407, %dma_wait3A_409, %dma_wait3A_410] : memref<8x125x32xf32, #tpu.memory_space<vmem>> -> memref<1x125x32xf32, #tpu.memory_space<vmem>>
      %dma_wait3A_412 = tpu.memref_squeeze %dma_wait3A_411 : memref<1x125x32xf32, #tpu.memory_space<vmem>> -> memref<125x32xf32, #tpu.memory_space<vmem>>
      %dma_wait3A_413 = arith.constant 0 : i32
      %dma_wait3A_414 = tpu.memref_slice %arg5[%dma_wait3A_406, %dma_wait3A_413] : memref<80x125xi32, #tpu.memory_space<vmem>> -> memref<1x125xi32, #tpu.memory_space<vmem>>
      %dma_wait3A_415 = tpu.memref_squeeze %dma_wait3A_414 : memref<1x125xi32, #tpu.memory_space<vmem>> -> memref<125xi32, #tpu.memory_space<vmem>>
      %dma_wait3A_416 = arith.constant 0 : i32
      %dma_wait3A_417 = arith.constant 0 : i32
      %dma_wait3A_418 = tpu.memref_slice %arg2[%dma_wait3A_416, %dma_wait3A_417] : memref<10240x32xf32, #tpu.memory_space<hbm>> -> memref<10240x32xf32, #tpu.memory_space<hbm>>
      %dma_wait3A_419 = tpu.memref_slice %arg10[%dma_wait3A_408] : memref<8x!tpu.dma_semaphore, #tpu.memory_space<semaphore_mem>> -> memref<1x!tpu.dma_semaphore, #tpu.memory_space<semaphore_mem>>
      %dma_wait3A_420 = tpu.memref_squeeze %dma_wait3A_419 : memref<1x!tpu.dma_semaphore, #tpu.memory_space<semaphore_mem>> -> memref<!tpu.dma_semaphore, #tpu.memory_space<semaphore_mem>>
      tpu.wait_indirect_dma semaphore(%dma_wait3A_420 : memref<!tpu.dma_semaphore, #tpu.memory_space<semaphore_mem>>) src(%dma_wait3A_418 : memref<10240x32xf32, #tpu.memory_space<hbm>>) dst(%dma_wait3A_412 : memref<125x32xf32, #tpu.memory_space<vmem>>)
      %dma_start3A_421 = arith.constant 4 : i32
      %dma_start3A_422 = arith.constant 4 : i32
      %dma_start3A_423 = arith.constant 0 : i32
      %dma_start3A_424 = arith.constant 0 : i32
      %dma_start3A_425 = tpu.memref_slice %arg7[%dma_start3A_421, %dma_start3A_423, %dma_start3A_424] : memref<8x125x32xf32, #tpu.memory_space<vmem>> -> memref<1x125x32xf32, #tpu.memory_space<vmem>>
      %dma_start3A_426 = tpu.memref_squeeze %dma_start3A_425 : memref<1x125x32xf32, #tpu.memory_space<vmem>> -> memref<125x32xf32, #tpu.memory_space<vmem>>
      %dma_start3A_427 = arith.constant 0 : i32
      %dma_start3A_428 = tpu.memref_slice %arg6[%add3A_405, %dma_start3A_427] : memref<80x125xi32, #tpu.memory_space<vmem>> -> memref<1x125xi32, #tpu.memory_space<vmem>>
      %dma_start3A_429 = tpu.memref_squeeze %dma_start3A_428 : memref<1x125xi32, #tpu.memory_space<vmem>> -> memref<125xi32, #tpu.memory_space<vmem>>
      %dma_start3A_430 = arith.constant 0 : i32
      %dma_start3A_431 = arith.constant 0 : i32
      %dma_start3A_432 = tpu.memref_slice %arg9[%dma_start3A_430, %dma_start3A_431] : memref<10240x32xf32, #tpu.memory_space<vmem_shared>> -> memref<10240x32xf32, #tpu.memory_space<vmem_shared>>
      %dma_start3A_433 = tpu.memref_slice %arg11[%dma_start3A_422] : memref<8x!tpu.dma_semaphore, #tpu.memory_space<semaphore_mem>> -> memref<1x!tpu.dma_semaphore, #tpu.memory_space<semaphore_mem>>
      %dma_start3A_434 = tpu.memref_squeeze %dma_start3A_433 : memref<1x!tpu.dma_semaphore, #tpu.memory_space<semaphore_mem>> -> memref<!tpu.dma_semaphore, #tpu.memory_space<semaphore_mem>>
      tpu.enqueue_indirect_dma source(%dma_start3A_426 : memref<125x32xf32, #tpu.memory_space<vmem>>) target(%dma_start3A_432 : memref<10240x32xf32, #tpu.memory_space<vmem_shared>>) offsets(%dma_start3A_429 : memref<125xi32, #tpu.memory_space<vmem>>) semaphore(%dma_start3A_434 : memref<!tpu.dma_semaphore, #tpu.memory_space<semaphore_mem>>) {add = true}
      %mul3A_435 = arith.constant 8 : i32
      %mul3A_436 = arith.muli %mul3A_435, %scan3A_268 : i32
      %add3A_437 = arith.constant 5 : i32
      %add3A_438 = arith.addi %mul3A_436, %add3A_437 : i32
      %dma_wait3A_439 = arith.constant 0 : i32
      %dma_wait3A_440 = arith.constant 5 : i32
      %dma_wait3A_441 = arith.constant 5 : i32
      %dma_wait3A_442 = arith.constant 0 : i32
      %dma_wait3A_443 = arith.constant 0 : i32
      %dma_wait3A_444 = tpu.memref_slice %arg7[%dma_wait3A_440, %dma_wait3A_442, %dma_wait3A_443] : memref<8x125x32xf32, #tpu.memory_space<vmem>> -> memref<1x125x32xf32, #tpu.memory_space<vmem>>
      %dma_wait3A_445 = tpu.memref_squeeze %dma_wait3A_444 : memref<1x125x32xf32, #tpu.memory_space<vmem>> -> memref<125x32xf32, #tpu.memory_space<vmem>>
      %dma_wait3A_446 = arith.constant 0 : i32
      %dma_wait3A_447 = tpu.memref_slice %arg5[%dma_wait3A_439, %dma_wait3A_446] : memref<80x125xi32, #tpu.memory_space<vmem>> -> memref<1x125xi32, #tpu.memory_space<vmem>>
      %dma_wait3A_448 = tpu.memref_squeeze %dma_wait3A_447 : memref<1x125xi32, #tpu.memory_space<vmem>> -> memref<125xi32, #tpu.memory_space<vmem>>
      %dma_wait3A_449 = arith.constant 0 : i32
      %dma_wait3A_450 = arith.constant 0 : i32
      %dma_wait3A_451 = tpu.memref_slice %arg2[%dma_wait3A_449, %dma_wait3A_450] : memref<10240x32xf32, #tpu.memory_space<hbm>> -> memref<10240x32xf32, #tpu.memory_space<hbm>>
      %dma_wait3A_452 = tpu.memref_slice %arg10[%dma_wait3A_441] : memref<8x!tpu.dma_semaphore, #tpu.memory_space<semaphore_mem>> -> memref<1x!tpu.dma_semaphore, #tpu.memory_space<semaphore_mem>>
      %dma_wait3A_453 = tpu.memref_squeeze %dma_wait3A_452 : memref<1x!tpu.dma_semaphore, #tpu.memory_space<semaphore_mem>> -> memref<!tpu.dma_semaphore, #tpu.memory_space<semaphore_mem>>
      tpu.wait_indirect_dma semaphore(%dma_wait3A_453 : memref<!tpu.dma_semaphore, #tpu.memory_space<semaphore_mem>>) src(%dma_wait3A_451 : memref<10240x32xf32, #tpu.memory_space<hbm>>) dst(%dma_wait3A_445 : memref<125x32xf32, #tpu.memory_space<vmem>>)
      %dma_start3A_454 = arith.constant 5 : i32
      %dma_start3A_455 = arith.constant 5 : i32
      %dma_start3A_456 = arith.constant 0 : i32
      %dma_start3A_457 = arith.constant 0 : i32
      %dma_start3A_458 = tpu.memref_slice %arg7[%dma_start3A_454, %dma_start3A_456, %dma_start3A_457] : memref<8x125x32xf32, #tpu.memory_space<vmem>> -> memref<1x125x32xf32, #tpu.memory_space<vmem>>
      %dma_start3A_459 = tpu.memref_squeeze %dma_start3A_458 : memref<1x125x32xf32, #tpu.memory_space<vmem>> -> memref<125x32xf32, #tpu.memory_space<vmem>>
      %dma_start3A_460 = arith.constant 0 : i32
      %dma_start3A_461 = tpu.memref_slice %arg6[%add3A_438, %dma_start3A_460] : memref<80x125xi32, #tpu.memory_space<vmem>> -> memref<1x125xi32, #tpu.memory_space<vmem>>
      %dma_start3A_462 = tpu.memref_squeeze %dma_start3A_461 : memref<1x125xi32, #tpu.memory_space<vmem>> -> memref<125xi32, #tpu.memory_space<vmem>>
      %dma_start3A_463 = arith.constant 0 : i32
      %dma_start3A_464 = arith.constant 0 : i32
      %dma_start3A_465 = tpu.memref_slice %arg9[%dma_start3A_463, %dma_start3A_464] : memref<10240x32xf32, #tpu.memory_space<vmem_shared>> -> memref<10240x32xf32, #tpu.memory_space<vmem_shared>>
      %dma_start3A_466 = tpu.memref_slice %arg11[%dma_start3A_455] : memref<8x!tpu.dma_semaphore, #tpu.memory_space<semaphore_mem>> -> memref<1x!tpu.dma_semaphore, #tpu.memory_space<semaphore_mem>>
      %dma_start3A_467 = tpu.memref_squeeze %dma_start3A_466 : memref<1x!tpu.dma_semaphore, #tpu.memory_space<semaphore_mem>> -> memref<!tpu.dma_semaphore, #tpu.memory_space<semaphore_mem>>
      tpu.enqueue_indirect_dma source(%dma_start3A_459 : memref<125x32xf32, #tpu.memory_space<vmem>>) target(%dma_start3A_465 : memref<10240x32xf32, #tpu.memory_space<vmem_shared>>) offsets(%dma_start3A_462 : memref<125xi32, #tpu.memory_space<vmem>>) semaphore(%dma_start3A_467 : memref<!tpu.dma_semaphore, #tpu.memory_space<semaphore_mem>>) {add = true}
      %mul3A_468 = arith.constant 8 : i32
      %mul3A_469 = arith.muli %mul3A_468, %scan3A_268 : i32
      %add3A_470 = arith.constant 6 : i32
      %add3A_471 = arith.addi %mul3A_469, %add3A_470 : i32
      %dma_wait3A_472 = arith.constant 0 : i32
      %dma_wait3A_473 = arith.constant 6 : i32
      %dma_wait3A_474 = arith.constant 6 : i32
      %dma_wait3A_475 = arith.constant 0 : i32
      %dma_wait3A_476 = arith.constant 0 : i32
      %dma_wait3A_477 = tpu.memref_slice %arg7[%dma_wait3A_473, %dma_wait3A_475, %dma_wait3A_476] : memref<8x125x32xf32, #tpu.memory_space<vmem>> -> memref<1x125x32xf32, #tpu.memory_space<vmem>>
      %dma_wait3A_478 = tpu.memref_squeeze %dma_wait3A_477 : memref<1x125x32xf32, #tpu.memory_space<vmem>> -> memref<125x32xf32, #tpu.memory_space<vmem>>
      %dma_wait3A_479 = arith.constant 0 : i32
      %dma_wait3A_480 = tpu.memref_slice %arg5[%dma_wait3A_472, %dma_wait3A_479] : memref<80x125xi32, #tpu.memory_space<vmem>> -> memref<1x125xi32, #tpu.memory_space<vmem>>
      %dma_wait3A_481 = tpu.memref_squeeze %dma_wait3A_480 : memref<1x125xi32, #tpu.memory_space<vmem>> -> memref<125xi32, #tpu.memory_space<vmem>>
      %dma_wait3A_482 = arith.constant 0 : i32
      %dma_wait3A_483 = arith.constant 0 : i32
      %dma_wait3A_484 = tpu.memref_slice %arg2[%dma_wait3A_482, %dma_wait3A_483] : memref<10240x32xf32, #tpu.memory_space<hbm>> -> memref<10240x32xf32, #tpu.memory_space<hbm>>
      %dma_wait3A_485 = tpu.memref_slice %arg10[%dma_wait3A_474] : memref<8x!tpu.dma_semaphore, #tpu.memory_space<semaphore_mem>> -> memref<1x!tpu.dma_semaphore, #tpu.memory_space<semaphore_mem>>
      %dma_wait3A_486 = tpu.memref_squeeze %dma_wait3A_485 : memref<1x!tpu.dma_semaphore, #tpu.memory_space<semaphore_mem>> -> memref<!tpu.dma_semaphore, #tpu.memory_space<semaphore_mem>>
      tpu.wait_indirect_dma semaphore(%dma_wait3A_486 : memref<!tpu.dma_semaphore, #tpu.memory_space<semaphore_mem>>) src(%dma_wait3A_484 : memref<10240x32xf32, #tpu.memory_space<hbm>>) dst(%dma_wait3A_478 : memref<125x32xf32, #tpu.memory_space<vmem>>)
      %dma_start3A_487 = arith.constant 6 : i32
      %dma_start3A_488 = arith.constant 6 : i32
      %dma_start3A_489 = arith.constant 0 : i32
      %dma_start3A_490 = arith.constant 0 : i32
      %dma_start3A_491 = tpu.memref_slice %arg7[%dma_start3A_487, %dma_start3A_489, %dma_start3A_490] : memref<8x125x32xf32, #tpu.memory_space<vmem>> -> memref<1x125x32xf32, #tpu.memory_space<vmem>>
      %dma_start3A_492 = tpu.memref_squeeze %dma_start3A_491 : memref<1x125x32xf32, #tpu.memory_space<vmem>> -> memref<125x32xf32, #tpu.memory_space<vmem>>
      %dma_start3A_493 = arith.constant 0 : i32
      %dma_start3A_494 = tpu.memref_slice %arg6[%add3A_471, %dma_start3A_493] : memref<80x125xi32, #tpu.memory_space<vmem>> -> memref<1x125xi32, #tpu.memory_space<vmem>>
      %dma_start3A_495 = tpu.memref_squeeze %dma_start3A_494 : memref<1x125xi32, #tpu.memory_space<vmem>> -> memref<125xi32, #tpu.memory_space<vmem>>
      %dma_start3A_496 = arith.constant 0 : i32
      %dma_start3A_497 = arith.constant 0 : i32
      %dma_start3A_498 = tpu.memref_slice %arg9[%dma_start3A_496, %dma_start3A_497] : memref<10240x32xf32, #tpu.memory_space<vmem_shared>> -> memref<10240x32xf32, #tpu.memory_space<vmem_shared>>
      %dma_start3A_499 = tpu.memref_slice %arg11[%dma_start3A_488] : memref<8x!tpu.dma_semaphore, #tpu.memory_space<semaphore_mem>> -> memref<1x!tpu.dma_semaphore, #tpu.memory_space<semaphore_mem>>
      %dma_start3A_500 = tpu.memref_squeeze %dma_start3A_499 : memref<1x!tpu.dma_semaphore, #tpu.memory_space<semaphore_mem>> -> memref<!tpu.dma_semaphore, #tpu.memory_space<semaphore_mem>>
      tpu.enqueue_indirect_dma source(%dma_start3A_492 : memref<125x32xf32, #tpu.memory_space<vmem>>) target(%dma_start3A_498 : memref<10240x32xf32, #tpu.memory_space<vmem_shared>>) offsets(%dma_start3A_495 : memref<125xi32, #tpu.memory_space<vmem>>) semaphore(%dma_start3A_500 : memref<!tpu.dma_semaphore, #tpu.memory_space<semaphore_mem>>) {add = true}
      %mul3A_501 = arith.constant 8 : i32
      %mul3A_502 = arith.muli %mul3A_501, %scan3A_268 : i32
      %add3A_503 = arith.constant 7 : i32
      %add3A_504 = arith.addi %mul3A_502, %add3A_503 : i32
      %dma_wait3A_505 = arith.constant 0 : i32
      %dma_wait3A_506 = arith.constant 7 : i32
      %dma_wait3A_507 = arith.constant 7 : i32
      %dma_wait3A_508 = arith.constant 0 : i32
      %dma_wait3A_509 = arith.constant 0 : i32
      %dma_wait3A_510 = tpu.memref_slice %arg7[%dma_wait3A_506, %dma_wait3A_508, %dma_wait3A_509] : memref<8x125x32xf32, #tpu.memory_space<vmem>> -> memref<1x125x32xf32, #tpu.memory_space<vmem>>
      %dma_wait3A_511 = tpu.memref_squeeze %dma_wait3A_510 : memref<1x125x32xf32, #tpu.memory_space<vmem>> -> memref<125x32xf32, #tpu.memory_space<vmem>>
      %dma_wait3A_512 = arith.constant 0 : i32
      %dma_wait3A_513 = tpu.memref_slice %arg5[%dma_wait3A_505, %dma_wait3A_512] : memref<80x125xi32, #tpu.memory_space<vmem>> -> memref<1x125xi32, #tpu.memory_space<vmem>>
      %dma_wait3A_514 = tpu.memref_squeeze %dma_wait3A_513 : memref<1x125xi32, #tpu.memory_space<vmem>> -> memref<125xi32, #tpu.memory_space<vmem>>
      %dma_wait3A_515 = arith.constant 0 : i32
      %dma_wait3A_516 = arith.constant 0 : i32
      %dma_wait3A_517 = tpu.memref_slice %arg2[%dma_wait3A_515, %dma_wait3A_516] : memref<10240x32xf32, #tpu.memory_space<hbm>> -> memref<10240x32xf32, #tpu.memory_space<hbm>>
      %dma_wait3A_518 = tpu.memref_slice %arg10[%dma_wait3A_507] : memref<8x!tpu.dma_semaphore, #tpu.memory_space<semaphore_mem>> -> memref<1x!tpu.dma_semaphore, #tpu.memory_space<semaphore_mem>>
      %dma_wait3A_519 = tpu.memref_squeeze %dma_wait3A_518 : memref<1x!tpu.dma_semaphore, #tpu.memory_space<semaphore_mem>> -> memref<!tpu.dma_semaphore, #tpu.memory_space<semaphore_mem>>
      tpu.wait_indirect_dma semaphore(%dma_wait3A_519 : memref<!tpu.dma_semaphore, #tpu.memory_space<semaphore_mem>>) src(%dma_wait3A_517 : memref<10240x32xf32, #tpu.memory_space<hbm>>) dst(%dma_wait3A_511 : memref<125x32xf32, #tpu.memory_space<vmem>>)
      %dma_start3A_520 = arith.constant 7 : i32
      %dma_start3A_521 = arith.constant 7 : i32
      %dma_start3A_522 = arith.constant 0 : i32
      %dma_start3A_523 = arith.constant 0 : i32
      %dma_start3A_524 = tpu.memref_slice %arg7[%dma_start3A_520, %dma_start3A_522, %dma_start3A_523] : memref<8x125x32xf32, #tpu.memory_space<vmem>> -> memref<1x125x32xf32, #tpu.memory_space<vmem>>
      %dma_start3A_525 = tpu.memref_squeeze %dma_start3A_524 : memref<1x125x32xf32, #tpu.memory_space<vmem>> -> memref<125x32xf32, #tpu.memory_space<vmem>>
      %dma_start3A_526 = arith.constant 0 : i32
      %dma_start3A_527 = tpu.memref_slice %arg6[%add3A_504, %dma_start3A_526] : memref<80x125xi32, #tpu.memory_space<vmem>> -> memref<1x125xi32, #tpu.memory_space<vmem>>
      %dma_start3A_528 = tpu.memref_squeeze %dma_start3A_527 : memref<1x125xi32, #tpu.memory_space<vmem>> -> memref<125xi32, #tpu.memory_space<vmem>>
      %dma_start3A_529 = arith.constant 0 : i32
      %dma_start3A_530 = arith.constant 0 : i32
      %dma_start3A_531 = tpu.memref_slice %arg9[%dma_start3A_529, %dma_start3A_530] : memref<10240x32xf32, #tpu.memory_space<vmem_shared>> -> memref<10240x32xf32, #tpu.memory_space<vmem_shared>>
      %dma_start3A_532 = tpu.memref_slice %arg11[%dma_start3A_521] : memref<8x!tpu.dma_semaphore, #tpu.memory_space<semaphore_mem>> -> memref<1x!tpu.dma_semaphore, #tpu.memory_space<semaphore_mem>>
      %dma_start3A_533 = tpu.memref_squeeze %dma_start3A_532 : memref<1x!tpu.dma_semaphore, #tpu.memory_space<semaphore_mem>> -> memref<!tpu.dma_semaphore, #tpu.memory_space<semaphore_mem>>
      tpu.enqueue_indirect_dma source(%dma_start3A_525 : memref<125x32xf32, #tpu.memory_space<vmem>>) target(%dma_start3A_531 : memref<10240x32xf32, #tpu.memory_space<vmem_shared>>) offsets(%dma_start3A_528 : memref<125xi32, #tpu.memory_space<vmem>>) semaphore(%dma_start3A_533 : memref<!tpu.dma_semaphore, #tpu.memory_space<semaphore_mem>>) {add = true}
      %mul3A_534 = arith.constant 8 : i32
      %mul3A_535 = arith.muli %mul3A_534, %scan3A_268 : i32
      %add3A_536 = arith.constant 0 : i32
      %add3A_537 = arith.addi %mul3A_535, %add3A_536 : i32
      %dma_wait3A_538 = arith.constant 0 : i32
      %dma_wait3A_539 = arith.constant 0 : i32
      %dma_wait3A_540 = arith.constant 0 : i32
      %dma_wait3A_541 = arith.constant 0 : i32
      %dma_wait3A_542 = tpu.memref_slice %arg7[%dma_wait3A_538, %dma_wait3A_540, %dma_wait3A_541] : memref<8x125x32xf32, #tpu.memory_space<vmem>> -> memref<1x125x32xf32, #tpu.memory_space<vmem>>
      %dma_wait3A_543 = tpu.memref_squeeze %dma_wait3A_542 : memref<1x125x32xf32, #tpu.memory_space<vmem>> -> memref<125x32xf32, #tpu.memory_space<vmem>>
      %dma_wait3A_544 = arith.constant 0 : i32
      %dma_wait3A_545 = arith.constant 0 : i32
      %dma_wait3A_546 = tpu.memref_slice %arg9[%dma_wait3A_544, %dma_wait3A_545] : memref<10240x32xf32, #tpu.memory_space<vmem_shared>> -> memref<125x32xf32, #tpu.memory_space<vmem_shared>>
      %dma_wait3A_547 = tpu.memref_slice %arg11[%dma_wait3A_539] : memref<8x!tpu.dma_semaphore, #tpu.memory_space<semaphore_mem>> -> memref<1x!tpu.dma_semaphore, #tpu.memory_space<semaphore_mem>>
      %dma_wait3A_548 = tpu.memref_squeeze %dma_wait3A_547 : memref<1x!tpu.dma_semaphore, #tpu.memory_space<semaphore_mem>> -> memref<!tpu.dma_semaphore, #tpu.memory_space<semaphore_mem>>
      %dma_wait3A_549 = arith.constant 0 : i32
      %dma_wait3A_550 = arith.constant 0 : i32
      %dma_wait3A_551 = tpu.memref_slice %arg9[%dma_wait3A_549, %dma_wait3A_550] : memref<10240x32xf32, #tpu.memory_space<vmem_shared>> -> memref<125x32xf32, #tpu.memory_space<vmem_shared>>
      %dma_wait3A_552 = arith.constant 0 : i32
      %dma_wait3A_553 = arith.constant 0 : i32
      %dma_wait3A_554 = tpu.memref_slice %arg7[%dma_wait3A_538, %dma_wait3A_552, %dma_wait3A_553] : memref<8x125x32xf32, #tpu.memory_space<vmem>> -> memref<1x125x32xf32, #tpu.memory_space<vmem>>
      %dma_wait3A_555 = tpu.memref_squeeze %dma_wait3A_554 : memref<1x125x32xf32, #tpu.memory_space<vmem>> -> memref<125x32xf32, #tpu.memory_space<vmem>>
      tpu.wait_dma2 semaphore(%dma_wait3A_548 : memref<!tpu.dma_semaphore, #tpu.memory_space<semaphore_mem>>) src(%dma_wait3A_555 : memref<125x32xf32, #tpu.memory_space<vmem>>) dst(%dma_wait3A_551 : memref<125x32xf32, #tpu.memory_space<vmem_shared>>)
      %add3A_556 = arith.constant 8 : i32
      %add3A_557 = arith.addi %add3A_537, %add3A_556 : i32
      %min3A = arith.constant 79 : i32
      %min3A_558 = arith.minsi %add3A_557, %min3A : i32
      %dma_start3A_559 = arith.constant 0 : i32
      %dma_start3A_560 = arith.constant 0 : i32
      %dma_start3A_561 = arith.constant 0 : i32
      %dma_start3A_562 = arith.constant 0 : i32
      %dma_start3A_563 = tpu.memref_slice %arg7[%dma_start3A_559, %dma_start3A_561, %dma_start3A_562] : memref<8x125x32xf32, #tpu.memory_space<vmem>> -> memref<1x125x32xf32, #tpu.memory_space<vmem>>
      %dma_start3A_564 = tpu.memref_squeeze %dma_start3A_563 : memref<1x125x32xf32, #tpu.memory_space<vmem>> -> memref<125x32xf32, #tpu.memory_space<vmem>>
      %dma_start3A_565 = arith.constant 0 : i32
      %dma_start3A_566 = tpu.memref_slice %arg5[%min3A_558, %dma_start3A_565] : memref<80x125xi32, #tpu.memory_space<vmem>> -> memref<1x125xi32, #tpu.memory_space<vmem>>
      %dma_start3A_567 = tpu.memref_squeeze %dma_start3A_566 : memref<1x125xi32, #tpu.memory_space<vmem>> -> memref<125xi32, #tpu.memory_space<vmem>>
      %dma_start3A_568 = arith.constant 0 : i32
      %dma_start3A_569 = arith.constant 0 : i32
      %dma_start3A_570 = tpu.memref_slice %arg2[%dma_start3A_568, %dma_start3A_569] : memref<10240x32xf32, #tpu.memory_space<hbm>> -> memref<10240x32xf32, #tpu.memory_space<hbm>>
      %dma_start3A_571 = tpu.memref_slice %arg10[%dma_start3A_560] : memref<8x!tpu.dma_semaphore, #tpu.memory_space<semaphore_mem>> -> memref<1x!tpu.dma_semaphore, #tpu.memory_space<semaphore_mem>>
      %dma_start3A_572 = tpu.memref_squeeze %dma_start3A_571 : memref<1x!tpu.dma_semaphore, #tpu.memory_space<semaphore_mem>> -> memref<!tpu.dma_semaphore, #tpu.memory_space<semaphore_mem>>
      tpu.enqueue_indirect_dma source(%dma_start3A_570 : memref<10240x32xf32, #tpu.memory_space<hbm>>) target(%dma_start3A_564 : memref<125x32xf32, #tpu.memory_space<vmem>>) offsets(%dma_start3A_567 : memref<125xi32, #tpu.memory_space<vmem>>) semaphore(%dma_start3A_572 : memref<!tpu.dma_semaphore, #tpu.memory_space<semaphore_mem>>)
      %mul3A_573 = arith.constant 8 : i32
      %mul3A_574 = arith.muli %mul3A_573, %scan3A_268 : i32
      %add3A_575 = arith.constant 1 : i32
      %add3A_576 = arith.addi %mul3A_574, %add3A_575 : i32
      %dma_wait3A_577 = arith.constant 1 : i32
      %dma_wait3A_578 = arith.constant 1 : i32
      %dma_wait3A_579 = arith.constant 0 : i32
      %dma_wait3A_580 = arith.constant 0 : i32
      %dma_wait3A_581 = tpu.memref_slice %arg7[%dma_wait3A_577, %dma_wait3A_579, %dma_wait3A_580] : memref<8x125x32xf32, #tpu.memory_space<vmem>> -> memref<1x125x32xf32, #tpu.memory_space<vmem>>
      %dma_wait3A_582 = tpu.memref_squeeze %dma_wait3A_581 : memref<1x125x32xf32, #tpu.memory_space<vmem>> -> memref<125x32xf32, #tpu.memory_space<vmem>>
      %dma_wait3A_583 = arith.constant 0 : i32
      %dma_wait3A_584 = arith.constant 0 : i32
      %dma_wait3A_585 = tpu.memref_slice %arg9[%dma_wait3A_583, %dma_wait3A_584] : memref<10240x32xf32, #tpu.memory_space<vmem_shared>> -> memref<125x32xf32, #tpu.memory_space<vmem_shared>>
      %dma_wait3A_586 = tpu.memref_slice %arg11[%dma_wait3A_578] : memref<8x!tpu.dma_semaphore, #tpu.memory_space<semaphore_mem>> -> memref<1x!tpu.dma_semaphore, #tpu.memory_space<semaphore_mem>>
      %dma_wait3A_587 = tpu.memref_squeeze %dma_wait3A_586 : memref<1x!tpu.dma_semaphore, #tpu.memory_space<semaphore_mem>> -> memref<!tpu.dma_semaphore, #tpu.memory_space<semaphore_mem>>
      %dma_wait3A_588 = arith.constant 0 : i32
      %dma_wait3A_589 = arith.constant 0 : i32
      %dma_wait3A_590 = tpu.memref_slice %arg9[%dma_wait3A_588, %dma_wait3A_589] : memref<10240x32xf32, #tpu.memory_space<vmem_shared>> -> memref<125x32xf32, #tpu.memory_space<vmem_shared>>
      %dma_wait3A_591 = arith.constant 0 : i32
      %dma_wait3A_592 = arith.constant 0 : i32
      %dma_wait3A_593 = tpu.memref_slice %arg7[%dma_wait3A_577, %dma_wait3A_591, %dma_wait3A_592] : memref<8x125x32xf32, #tpu.memory_space<vmem>> -> memref<1x125x32xf32, #tpu.memory_space<vmem>>
      %dma_wait3A_594 = tpu.memref_squeeze %dma_wait3A_593 : memref<1x125x32xf32, #tpu.memory_space<vmem>> -> memref<125x32xf32, #tpu.memory_space<vmem>>
      tpu.wait_dma2 semaphore(%dma_wait3A_587 : memref<!tpu.dma_semaphore, #tpu.memory_space<semaphore_mem>>) src(%dma_wait3A_594 : memref<125x32xf32, #tpu.memory_space<vmem>>) dst(%dma_wait3A_590 : memref<125x32xf32, #tpu.memory_space<vmem_shared>>)
      %add3A_595 = arith.constant 8 : i32
      %add3A_596 = arith.addi %add3A_576, %add3A_595 : i32
      %min3A_597 = arith.constant 79 : i32
      %min3A_598 = arith.minsi %add3A_596, %min3A_597 : i32
      %dma_start3A_599 = arith.constant 1 : i32
      %dma_start3A_600 = arith.constant 1 : i32
      %dma_start3A_601 = arith.constant 0 : i32
      %dma_start3A_602 = arith.constant 0 : i32
      %dma_start3A_603 = tpu.memref_slice %arg7[%dma_start3A_599, %dma_start3A_601, %dma_start3A_602] : memref<8x125x32xf32, #tpu.memory_space<vmem>> -> memref<1x125x32xf32, #tpu.memory_space<vmem>>
      %dma_start3A_604 = tpu.memref_squeeze %dma_start3A_603 : memref<1x125x32xf32, #tpu.memory_space<vmem>> -> memref<125x32xf32, #tpu.memory_space<vmem>>
      %dma_start3A_605 = arith.constant 0 : i32
      %dma_start3A_606 = tpu.memref_slice %arg5[%min3A_598, %dma_start3A_605] : memref<80x125xi32, #tpu.memory_space<vmem>> -> memref<1x125xi32, #tpu.memory_space<vmem>>
      %dma_start3A_607 = tpu.memref_squeeze %dma_start3A_606 : memref<1x125xi32, #tpu.memory_space<vmem>> -> memref<125xi32, #tpu.memory_space<vmem>>
      %dma_start3A_608 = arith.constant 0 : i32
      %dma_start3A_609 = arith.constant 0 : i32
      %dma_start3A_610 = tpu.memref_slice %arg2[%dma_start3A_608, %dma_start3A_609] : memref<10240x32xf32, #tpu.memory_space<hbm>> -> memref<10240x32xf32, #tpu.memory_space<hbm>>
      %dma_start3A_611 = tpu.memref_slice %arg10[%dma_start3A_600] : memref<8x!tpu.dma_semaphore, #tpu.memory_space<semaphore_mem>> -> memref<1x!tpu.dma_semaphore, #tpu.memory_space<semaphore_mem>>
      %dma_start3A_612 = tpu.memref_squeeze %dma_start3A_611 : memref<1x!tpu.dma_semaphore, #tpu.memory_space<semaphore_mem>> -> memref<!tpu.dma_semaphore, #tpu.memory_space<semaphore_mem>>
      tpu.enqueue_indirect_dma source(%dma_start3A_610 : memref<10240x32xf32, #tpu.memory_space<hbm>>) target(%dma_start3A_604 : memref<125x32xf32, #tpu.memory_space<vmem>>) offsets(%dma_start3A_607 : memref<125xi32, #tpu.memory_space<vmem>>) semaphore(%dma_start3A_612 : memref<!tpu.dma_semaphore, #tpu.memory_space<semaphore_mem>>)
      %mul3A_613 = arith.constant 8 : i32
      %mul3A_614 = arith.muli %mul3A_613, %scan3A_268 : i32
      %add3A_615 = arith.constant 2 : i32
      %add3A_616 = arith.addi %mul3A_614, %add3A_615 : i32
      %dma_wait3A_617 = arith.constant 2 : i32
      %dma_wait3A_618 = arith.constant 2 : i32
      %dma_wait3A_619 = arith.constant 0 : i32
      %dma_wait3A_620 = arith.constant 0 : i32
      %dma_wait3A_621 = tpu.memref_slice %arg7[%dma_wait3A_617, %dma_wait3A_619, %dma_wait3A_620] : memref<8x125x32xf32, #tpu.memory_space<vmem>> -> memref<1x125x32xf32, #tpu.memory_space<vmem>>
      %dma_wait3A_622 = tpu.memref_squeeze %dma_wait3A_621 : memref<1x125x32xf32, #tpu.memory_space<vmem>> -> memref<125x32xf32, #tpu.memory_space<vmem>>
      %dma_wait3A_623 = arith.constant 0 : i32
      %dma_wait3A_624 = arith.constant 0 : i32
      %dma_wait3A_625 = tpu.memref_slice %arg9[%dma_wait3A_623, %dma_wait3A_624] : memref<10240x32xf32, #tpu.memory_space<vmem_shared>> -> memref<125x32xf32, #tpu.memory_space<vmem_shared>>
      %dma_wait3A_626 = tpu.memref_slice %arg11[%dma_wait3A_618] : memref<8x!tpu.dma_semaphore, #tpu.memory_space<semaphore_mem>> -> memref<1x!tpu.dma_semaphore, #tpu.memory_space<semaphore_mem>>
      %dma_wait3A_627 = tpu.memref_squeeze %dma_wait3A_626 : memref<1x!tpu.dma_semaphore, #tpu.memory_space<semaphore_mem>> -> memref<!tpu.dma_semaphore, #tpu.memory_space<semaphore_mem>>
      %dma_wait3A_628 = arith.constant 0 : i32
      %dma_wait3A_629 = arith.constant 0 : i32
      %dma_wait3A_630 = tpu.memref_slice %arg9[%dma_wait3A_628, %dma_wait3A_629] : memref<10240x32xf32, #tpu.memory_space<vmem_shared>> -> memref<125x32xf32, #tpu.memory_space<vmem_shared>>
      %dma_wait3A_631 = arith.constant 0 : i32
      %dma_wait3A_632 = arith.constant 0 : i32
      %dma_wait3A_633 = tpu.memref_slice %arg7[%dma_wait3A_617, %dma_wait3A_631, %dma_wait3A_632] : memref<8x125x32xf32, #tpu.memory_space<vmem>> -> memref<1x125x32xf32, #tpu.memory_space<vmem>>
      %dma_wait3A_634 = tpu.memref_squeeze %dma_wait3A_633 : memref<1x125x32xf32, #tpu.memory_space<vmem>> -> memref<125x32xf32, #tpu.memory_space<vmem>>
      tpu.wait_dma2 semaphore(%dma_wait3A_627 : memref<!tpu.dma_semaphore, #tpu.memory_space<semaphore_mem>>) src(%dma_wait3A_634 : memref<125x32xf32, #tpu.memory_space<vmem>>) dst(%dma_wait3A_630 : memref<125x32xf32, #tpu.memory_space<vmem_shared>>)
      %add3A_635 = arith.constant 8 : i32
      %add3A_636 = arith.addi %add3A_616, %add3A_635 : i32
      %min3A_637 = arith.constant 79 : i32
      %min3A_638 = arith.minsi %add3A_636, %min3A_637 : i32
      %dma_start3A_639 = arith.constant 2 : i32
      %dma_start3A_640 = arith.constant 2 : i32
      %dma_start3A_641 = arith.constant 0 : i32
      %dma_start3A_642 = arith.constant 0 : i32
      %dma_start3A_643 = tpu.memref_slice %arg7[%dma_start3A_639, %dma_start3A_641, %dma_start3A_642] : memref<8x125x32xf32, #tpu.memory_space<vmem>> -> memref<1x125x32xf32, #tpu.memory_space<vmem>>
      %dma_start3A_644 = tpu.memref_squeeze %dma_start3A_643 : memref<1x125x32xf32, #tpu.memory_space<vmem>> -> memref<125x32xf32, #tpu.memory_space<vmem>>
      %dma_start3A_645 = arith.constant 0 : i32
      %dma_start3A_646 = tpu.memref_slice %arg5[%min3A_638, %dma_start3A_645] : memref<80x125xi32, #tpu.memory_space<vmem>> -> memref<1x125xi32, #tpu.memory_space<vmem>>
      %dma_start3A_647 = tpu.memref_squeeze %dma_start3A_646 : memref<1x125xi32, #tpu.memory_space<vmem>> -> memref<125xi32, #tpu.memory_space<vmem>>
      %dma_start3A_648 = arith.constant 0 : i32
      %dma_start3A_649 = arith.constant 0 : i32
      %dma_start3A_650 = tpu.memref_slice %arg2[%dma_start3A_648, %dma_start3A_649] : memref<10240x32xf32, #tpu.memory_space<hbm>> -> memref<10240x32xf32, #tpu.memory_space<hbm>>
      %dma_start3A_651 = tpu.memref_slice %arg10[%dma_start3A_640] : memref<8x!tpu.dma_semaphore, #tpu.memory_space<semaphore_mem>> -> memref<1x!tpu.dma_semaphore, #tpu.memory_space<semaphore_mem>>
      %dma_start3A_652 = tpu.memref_squeeze %dma_start3A_651 : memref<1x!tpu.dma_semaphore, #tpu.memory_space<semaphore_mem>> -> memref<!tpu.dma_semaphore, #tpu.memory_space<semaphore_mem>>
      tpu.enqueue_indirect_dma source(%dma_start3A_650 : memref<10240x32xf32, #tpu.memory_space<hbm>>) target(%dma_start3A_644 : memref<125x32xf32, #tpu.memory_space<vmem>>) offsets(%dma_start3A_647 : memref<125xi32, #tpu.memory_space<vmem>>) semaphore(%dma_start3A_652 : memref<!tpu.dma_semaphore, #tpu.memory_space<semaphore_mem>>)
      %mul3A_653 = arith.constant 8 : i32
      %mul3A_654 = arith.muli %mul3A_653, %scan3A_268 : i32
      %add3A_655 = arith.constant 3 : i32
      %add3A_656 = arith.addi %mul3A_654, %add3A_655 : i32
      %dma_wait3A_657 = arith.constant 3 : i32
      %dma_wait3A_658 = arith.constant 3 : i32
      %dma_wait3A_659 = arith.constant 0 : i32
      %dma_wait3A_660 = arith.constant 0 : i32
      %dma_wait3A_661 = tpu.memref_slice %arg7[%dma_wait3A_657, %dma_wait3A_659, %dma_wait3A_660] : memref<8x125x32xf32, #tpu.memory_space<vmem>> -> memref<1x125x32xf32, #tpu.memory_space<vmem>>
      %dma_wait3A_662 = tpu.memref_squeeze %dma_wait3A_661 : memref<1x125x32xf32, #tpu.memory_space<vmem>> -> memref<125x32xf32, #tpu.memory_space<vmem>>
      %dma_wait3A_663 = arith.constant 0 : i32
      %dma_wait3A_664 = arith.constant 0 : i32
      %dma_wait3A_665 = tpu.memref_slice %arg9[%dma_wait3A_663, %dma_wait3A_664] : memref<10240x32xf32, #tpu.memory_space<vmem_shared>> -> memref<125x32xf32, #tpu.memory_space<vmem_shared>>
      %dma_wait3A_666 = tpu.memref_slice %arg11[%dma_wait3A_658] : memref<8x!tpu.dma_semaphore, #tpu.memory_space<semaphore_mem>> -> memref<1x!tpu.dma_semaphore, #tpu.memory_space<semaphore_mem>>
      %dma_wait3A_667 = tpu.memref_squeeze %dma_wait3A_666 : memref<1x!tpu.dma_semaphore, #tpu.memory_space<semaphore_mem>> -> memref<!tpu.dma_semaphore, #tpu.memory_space<semaphore_mem>>
      %dma_wait3A_668 = arith.constant 0 : i32
      %dma_wait3A_669 = arith.constant 0 : i32
      %dma_wait3A_670 = tpu.memref_slice %arg9[%dma_wait3A_668, %dma_wait3A_669] : memref<10240x32xf32, #tpu.memory_space<vmem_shared>> -> memref<125x32xf32, #tpu.memory_space<vmem_shared>>
      %dma_wait3A_671 = arith.constant 0 : i32
      %dma_wait3A_672 = arith.constant 0 : i32
      %dma_wait3A_673 = tpu.memref_slice %arg7[%dma_wait3A_657, %dma_wait3A_671, %dma_wait3A_672] : memref<8x125x32xf32, #tpu.memory_space<vmem>> -> memref<1x125x32xf32, #tpu.memory_space<vmem>>
      %dma_wait3A_674 = tpu.memref_squeeze %dma_wait3A_673 : memref<1x125x32xf32, #tpu.memory_space<vmem>> -> memref<125x32xf32, #tpu.memory_space<vmem>>
      tpu.wait_dma2 semaphore(%dma_wait3A_667 : memref<!tpu.dma_semaphore, #tpu.memory_space<semaphore_mem>>) src(%dma_wait3A_674 : memref<125x32xf32, #tpu.memory_space<vmem>>) dst(%dma_wait3A_670 : memref<125x32xf32, #tpu.memory_space<vmem_shared>>)
      %add3A_675 = arith.constant 8 : i32
      %add3A_676 = arith.addi %add3A_656, %add3A_675 : i32
      %min3A_677 = arith.constant 79 : i32
      %min3A_678 = arith.minsi %add3A_676, %min3A_677 : i32
      %dma_start3A_679 = arith.constant 3 : i32
      %dma_start3A_680 = arith.constant 3 : i32
      %dma_start3A_681 = arith.constant 0 : i32
      %dma_start3A_682 = arith.constant 0 : i32
      %dma_start3A_683 = tpu.memref_slice %arg7[%dma_start3A_679, %dma_start3A_681, %dma_start3A_682] : memref<8x125x32xf32, #tpu.memory_space<vmem>> -> memref<1x125x32xf32, #tpu.memory_space<vmem>>
      %dma_start3A_684 = tpu.memref_squeeze %dma_start3A_683 : memref<1x125x32xf32, #tpu.memory_space<vmem>> -> memref<125x32xf32, #tpu.memory_space<vmem>>
      %dma_start3A_685 = arith.constant 0 : i32
      %dma_start3A_686 = tpu.memref_slice %arg5[%min3A_678, %dma_start3A_685] : memref<80x125xi32, #tpu.memory_space<vmem>> -> memref<1x125xi32, #tpu.memory_space<vmem>>
      %dma_start3A_687 = tpu.memref_squeeze %dma_start3A_686 : memref<1x125xi32, #tpu.memory_space<vmem>> -> memref<125xi32, #tpu.memory_space<vmem>>
      %dma_start3A_688 = arith.constant 0 : i32
      %dma_start3A_689 = arith.constant 0 : i32
      %dma_start3A_690 = tpu.memref_slice %arg2[%dma_start3A_688, %dma_start3A_689] : memref<10240x32xf32, #tpu.memory_space<hbm>> -> memref<10240x32xf32, #tpu.memory_space<hbm>>
      %dma_start3A_691 = tpu.memref_slice %arg10[%dma_start3A_680] : memref<8x!tpu.dma_semaphore, #tpu.memory_space<semaphore_mem>> -> memref<1x!tpu.dma_semaphore, #tpu.memory_space<semaphore_mem>>
      %dma_start3A_692 = tpu.memref_squeeze %dma_start3A_691 : memref<1x!tpu.dma_semaphore, #tpu.memory_space<semaphore_mem>> -> memref<!tpu.dma_semaphore, #tpu.memory_space<semaphore_mem>>
      tpu.enqueue_indirect_dma source(%dma_start3A_690 : memref<10240x32xf32, #tpu.memory_space<hbm>>) target(%dma_start3A_684 : memref<125x32xf32, #tpu.memory_space<vmem>>) offsets(%dma_start3A_687 : memref<125xi32, #tpu.memory_space<vmem>>) semaphore(%dma_start3A_692 : memref<!tpu.dma_semaphore, #tpu.memory_space<semaphore_mem>>)
      %mul3A_693 = arith.constant 8 : i32
      %mul3A_694 = arith.muli %mul3A_693, %scan3A_268 : i32
      %add3A_695 = arith.constant 4 : i32
      %add3A_696 = arith.addi %mul3A_694, %add3A_695 : i32
      %dma_wait3A_697 = arith.constant 4 : i32
      %dma_wait3A_698 = arith.constant 4 : i32
      %dma_wait3A_699 = arith.constant 0 : i32
      %dma_wait3A_700 = arith.constant 0 : i32
      %dma_wait3A_701 = tpu.memref_slice %arg7[%dma_wait3A_697, %dma_wait3A_699, %dma_wait3A_700] : memref<8x125x32xf32, #tpu.memory_space<vmem>> -> memref<1x125x32xf32, #tpu.memory_space<vmem>>
      %dma_wait3A_702 = tpu.memref_squeeze %dma_wait3A_701 : memref<1x125x32xf32, #tpu.memory_space<vmem>> -> memref<125x32xf32, #tpu.memory_space<vmem>>
      %dma_wait3A_703 = arith.constant 0 : i32
      %dma_wait3A_704 = arith.constant 0 : i32
      %dma_wait3A_705 = tpu.memref_slice %arg9[%dma_wait3A_703, %dma_wait3A_704] : memref<10240x32xf32, #tpu.memory_space<vmem_shared>> -> memref<125x32xf32, #tpu.memory_space<vmem_shared>>
      %dma_wait3A_706 = tpu.memref_slice %arg11[%dma_wait3A_698] : memref<8x!tpu.dma_semaphore, #tpu.memory_space<semaphore_mem>> -> memref<1x!tpu.dma_semaphore, #tpu.memory_space<semaphore_mem>>
      %dma_wait3A_707 = tpu.memref_squeeze %dma_wait3A_706 : memref<1x!tpu.dma_semaphore, #tpu.memory_space<semaphore_mem>> -> memref<!tpu.dma_semaphore, #tpu.memory_space<semaphore_mem>>
      %dma_wait3A_708 = arith.constant 0 : i32
      %dma_wait3A_709 = arith.constant 0 : i32
      %dma_wait3A_710 = tpu.memref_slice %arg9[%dma_wait3A_708, %dma_wait3A_709] : memref<10240x32xf32, #tpu.memory_space<vmem_shared>> -> memref<125x32xf32, #tpu.memory_space<vmem_shared>>
      %dma_wait3A_711 = arith.constant 0 : i32
      %dma_wait3A_712 = arith.constant 0 : i32
      %dma_wait3A_713 = tpu.memref_slice %arg7[%dma_wait3A_697, %dma_wait3A_711, %dma_wait3A_712] : memref<8x125x32xf32, #tpu.memory_space<vmem>> -> memref<1x125x32xf32, #tpu.memory_space<vmem>>
      %dma_wait3A_714 = tpu.memref_squeeze %dma_wait3A_713 : memref<1x125x32xf32, #tpu.memory_space<vmem>> -> memref<125x32xf32, #tpu.memory_space<vmem>>
      tpu.wait_dma2 semaphore(%dma_wait3A_707 : memref<!tpu.dma_semaphore, #tpu.memory_space<semaphore_mem>>) src(%dma_wait3A_714 : memref<125x32xf32, #tpu.memory_space<vmem>>) dst(%dma_wait3A_710 : memref<125x32xf32, #tpu.memory_space<vmem_shared>>)
      %add3A_715 = arith.constant 8 : i32
      %add3A_716 = arith.addi %add3A_696, %add3A_715 : i32
      %min3A_717 = arith.constant 79 : i32
      %min3A_718 = arith.minsi %add3A_716, %min3A_717 : i32
      %dma_start3A_719 = arith.constant 4 : i32
      %dma_start3A_720 = arith.constant 4 : i32
      %dma_start3A_721 = arith.constant 0 : i32
      %dma_start3A_722 = arith.constant 0 : i32
      %dma_start3A_723 = tpu.memref_slice %arg7[%dma_start3A_719, %dma_start3A_721, %dma_start3A_722] : memref<8x125x32xf32, #tpu.memory_space<vmem>> -> memref<1x125x32xf32, #tpu.memory_space<vmem>>
      %dma_start3A_724 = tpu.memref_squeeze %dma_start3A_723 : memref<1x125x32xf32, #tpu.memory_space<vmem>> -> memref<125x32xf32, #tpu.memory_space<vmem>>
      %dma_start3A_725 = arith.constant 0 : i32
      %dma_start3A_726 = tpu.memref_slice %arg5[%min3A_718, %dma_start3A_725] : memref<80x125xi32, #tpu.memory_space<vmem>> -> memref<1x125xi32, #tpu.memory_space<vmem>>
      %dma_start3A_727 = tpu.memref_squeeze %dma_start3A_726 : memref<1x125xi32, #tpu.memory_space<vmem>> -> memref<125xi32, #tpu.memory_space<vmem>>
      %dma_start3A_728 = arith.constant 0 : i32
      %dma_start3A_729 = arith.constant 0 : i32
      %dma_start3A_730 = tpu.memref_slice %arg2[%dma_start3A_728, %dma_start3A_729] : memref<10240x32xf32, #tpu.memory_space<hbm>> -> memref<10240x32xf32, #tpu.memory_space<hbm>>
      %dma_start3A_731 = tpu.memref_slice %arg10[%dma_start3A_720] : memref<8x!tpu.dma_semaphore, #tpu.memory_space<semaphore_mem>> -> memref<1x!tpu.dma_semaphore, #tpu.memory_space<semaphore_mem>>
      %dma_start3A_732 = tpu.memref_squeeze %dma_start3A_731 : memref<1x!tpu.dma_semaphore, #tpu.memory_space<semaphore_mem>> -> memref<!tpu.dma_semaphore, #tpu.memory_space<semaphore_mem>>
      tpu.enqueue_indirect_dma source(%dma_start3A_730 : memref<10240x32xf32, #tpu.memory_space<hbm>>) target(%dma_start3A_724 : memref<125x32xf32, #tpu.memory_space<vmem>>) offsets(%dma_start3A_727 : memref<125xi32, #tpu.memory_space<vmem>>) semaphore(%dma_start3A_732 : memref<!tpu.dma_semaphore, #tpu.memory_space<semaphore_mem>>)
      %mul3A_733 = arith.constant 8 : i32
      %mul3A_734 = arith.muli %mul3A_733, %scan3A_268 : i32
      %add3A_735 = arith.constant 5 : i32
      %add3A_736 = arith.addi %mul3A_734, %add3A_735 : i32
      %dma_wait3A_737 = arith.constant 5 : i32
      %dma_wait3A_738 = arith.constant 5 : i32
      %dma_wait3A_739 = arith.constant 0 : i32
      %dma_wait3A_740 = arith.constant 0 : i32
      %dma_wait3A_741 = tpu.memref_slice %arg7[%dma_wait3A_737, %dma_wait3A_739, %dma_wait3A_740] : memref<8x125x32xf32, #tpu.memory_space<vmem>> -> memref<1x125x32xf32, #tpu.memory_space<vmem>>
      %dma_wait3A_742 = tpu.memref_squeeze %dma_wait3A_741 : memref<1x125x32xf32, #tpu.memory_space<vmem>> -> memref<125x32xf32, #tpu.memory_space<vmem>>
      %dma_wait3A_743 = arith.constant 0 : i32
      %dma_wait3A_744 = arith.constant 0 : i32
      %dma_wait3A_745 = tpu.memref_slice %arg9[%dma_wait3A_743, %dma_wait3A_744] : memref<10240x32xf32, #tpu.memory_space<vmem_shared>> -> memref<125x32xf32, #tpu.memory_space<vmem_shared>>
      %dma_wait3A_746 = tpu.memref_slice %arg11[%dma_wait3A_738] : memref<8x!tpu.dma_semaphore, #tpu.memory_space<semaphore_mem>> -> memref<1x!tpu.dma_semaphore, #tpu.memory_space<semaphore_mem>>
      %dma_wait3A_747 = tpu.memref_squeeze %dma_wait3A_746 : memref<1x!tpu.dma_semaphore, #tpu.memory_space<semaphore_mem>> -> memref<!tpu.dma_semaphore, #tpu.memory_space<semaphore_mem>>
      %dma_wait3A_748 = arith.constant 0 : i32
      %dma_wait3A_749 = arith.constant 0 : i32
      %dma_wait3A_750 = tpu.memref_slice %arg9[%dma_wait3A_748, %dma_wait3A_749] : memref<10240x32xf32, #tpu.memory_space<vmem_shared>> -> memref<125x32xf32, #tpu.memory_space<vmem_shared>>
      %dma_wait3A_751 = arith.constant 0 : i32
      %dma_wait3A_752 = arith.constant 0 : i32
      %dma_wait3A_753 = tpu.memref_slice %arg7[%dma_wait3A_737, %dma_wait3A_751, %dma_wait3A_752] : memref<8x125x32xf32, #tpu.memory_space<vmem>> -> memref<1x125x32xf32, #tpu.memory_space<vmem>>
      %dma_wait3A_754 = tpu.memref_squeeze %dma_wait3A_753 : memref<1x125x32xf32, #tpu.memory_space<vmem>> -> memref<125x32xf32, #tpu.memory_space<vmem>>
      tpu.wait_dma2 semaphore(%dma_wait3A_747 : memref<!tpu.dma_semaphore, #tpu.memory_space<semaphore_mem>>) src(%dma_wait3A_754 : memref<125x32xf32, #tpu.memory_space<vmem>>) dst(%dma_wait3A_750 : memref<125x32xf32, #tpu.memory_space<vmem_shared>>)
      %add3A_755 = arith.constant 8 : i32
      %add3A_756 = arith.addi %add3A_736, %add3A_755 : i32
      %min3A_757 = arith.constant 79 : i32
      %min3A_758 = arith.minsi %add3A_756, %min3A_757 : i32
      %dma_start3A_759 = arith.constant 5 : i32
      %dma_start3A_760 = arith.constant 5 : i32
      %dma_start3A_761 = arith.constant 0 : i32
      %dma_start3A_762 = arith.constant 0 : i32
      %dma_start3A_763 = tpu.memref_slice %arg7[%dma_start3A_759, %dma_start3A_761, %dma_start3A_762] : memref<8x125x32xf32, #tpu.memory_space<vmem>> -> memref<1x125x32xf32, #tpu.memory_space<vmem>>
      %dma_start3A_764 = tpu.memref_squeeze %dma_start3A_763 : memref<1x125x32xf32, #tpu.memory_space<vmem>> -> memref<125x32xf32, #tpu.memory_space<vmem>>
      %dma_start3A_765 = arith.constant 0 : i32
      %dma_start3A_766 = tpu.memref_slice %arg5[%min3A_758, %dma_start3A_765] : memref<80x125xi32, #tpu.memory_space<vmem>> -> memref<1x125xi32, #tpu.memory_space<vmem>>
      %dma_start3A_767 = tpu.memref_squeeze %dma_start3A_766 : memref<1x125xi32, #tpu.memory_space<vmem>> -> memref<125xi32, #tpu.memory_space<vmem>>
      %dma_start3A_768 = arith.constant 0 : i32
      %dma_start3A_769 = arith.constant 0 : i32
      %dma_start3A_770 = tpu.memref_slice %arg2[%dma_start3A_768, %dma_start3A_769] : memref<10240x32xf32, #tpu.memory_space<hbm>> -> memref<10240x32xf32, #tpu.memory_space<hbm>>
      %dma_start3A_771 = tpu.memref_slice %arg10[%dma_start3A_760] : memref<8x!tpu.dma_semaphore, #tpu.memory_space<semaphore_mem>> -> memref<1x!tpu.dma_semaphore, #tpu.memory_space<semaphore_mem>>
      %dma_start3A_772 = tpu.memref_squeeze %dma_start3A_771 : memref<1x!tpu.dma_semaphore, #tpu.memory_space<semaphore_mem>> -> memref<!tpu.dma_semaphore, #tpu.memory_space<semaphore_mem>>
      tpu.enqueue_indirect_dma source(%dma_start3A_770 : memref<10240x32xf32, #tpu.memory_space<hbm>>) target(%dma_start3A_764 : memref<125x32xf32, #tpu.memory_space<vmem>>) offsets(%dma_start3A_767 : memref<125xi32, #tpu.memory_space<vmem>>) semaphore(%dma_start3A_772 : memref<!tpu.dma_semaphore, #tpu.memory_space<semaphore_mem>>)
      %mul3A_773 = arith.constant 8 : i32
      %mul3A_774 = arith.muli %mul3A_773, %scan3A_268 : i32
      %add3A_775 = arith.constant 6 : i32
      %add3A_776 = arith.addi %mul3A_774, %add3A_775 : i32
      %dma_wait3A_777 = arith.constant 6 : i32
      %dma_wait3A_778 = arith.constant 6 : i32
      %dma_wait3A_779 = arith.constant 0 : i32
      %dma_wait3A_780 = arith.constant 0 : i32
      %dma_wait3A_781 = tpu.memref_slice %arg7[%dma_wait3A_777, %dma_wait3A_779, %dma_wait3A_780] : memref<8x125x32xf32, #tpu.memory_space<vmem>> -> memref<1x125x32xf32, #tpu.memory_space<vmem>>
      %dma_wait3A_782 = tpu.memref_squeeze %dma_wait3A_781 : memref<1x125x32xf32, #tpu.memory_space<vmem>> -> memref<125x32xf32, #tpu.memory_space<vmem>>
      %dma_wait3A_783 = arith.constant 0 : i32
      %dma_wait3A_784 = arith.constant 0 : i32
      %dma_wait3A_785 = tpu.memref_slice %arg9[%dma_wait3A_783, %dma_wait3A_784] : memref<10240x32xf32, #tpu.memory_space<vmem_shared>> -> memref<125x32xf32, #tpu.memory_space<vmem_shared>>
      %dma_wait3A_786 = tpu.memref_slice %arg11[%dma_wait3A_778] : memref<8x!tpu.dma_semaphore, #tpu.memory_space<semaphore_mem>> -> memref<1x!tpu.dma_semaphore, #tpu.memory_space<semaphore_mem>>
      %dma_wait3A_787 = tpu.memref_squeeze %dma_wait3A_786 : memref<1x!tpu.dma_semaphore, #tpu.memory_space<semaphore_mem>> -> memref<!tpu.dma_semaphore, #tpu.memory_space<semaphore_mem>>
      %dma_wait3A_788 = arith.constant 0 : i32
      %dma_wait3A_789 = arith.constant 0 : i32
      %dma_wait3A_790 = tpu.memref_slice %arg9[%dma_wait3A_788, %dma_wait3A_789] : memref<10240x32xf32, #tpu.memory_space<vmem_shared>> -> memref<125x32xf32, #tpu.memory_space<vmem_shared>>
      %dma_wait3A_791 = arith.constant 0 : i32
      %dma_wait3A_792 = arith.constant 0 : i32
      %dma_wait3A_793 = tpu.memref_slice %arg7[%dma_wait3A_777, %dma_wait3A_791, %dma_wait3A_792] : memref<8x125x32xf32, #tpu.memory_space<vmem>> -> memref<1x125x32xf32, #tpu.memory_space<vmem>>
      %dma_wait3A_794 = tpu.memref_squeeze %dma_wait3A_793 : memref<1x125x32xf32, #tpu.memory_space<vmem>> -> memref<125x32xf32, #tpu.memory_space<vmem>>
      tpu.wait_dma2 semaphore(%dma_wait3A_787 : memref<!tpu.dma_semaphore, #tpu.memory_space<semaphore_mem>>) src(%dma_wait3A_794 : memref<125x32xf32, #tpu.memory_space<vmem>>) dst(%dma_wait3A_790 : memref<125x32xf32, #tpu.memory_space<vmem_shared>>)
      %add3A_795 = arith.constant 8 : i32
      %add3A_796 = arith.addi %add3A_776, %add3A_795 : i32
      %min3A_797 = arith.constant 79 : i32
      %min3A_798 = arith.minsi %add3A_796, %min3A_797 : i32
      %dma_start3A_799 = arith.constant 6 : i32
      %dma_start3A_800 = arith.constant 6 : i32
      %dma_start3A_801 = arith.constant 0 : i32
      %dma_start3A_802 = arith.constant 0 : i32
      %dma_start3A_803 = tpu.memref_slice %arg7[%dma_start3A_799, %dma_start3A_801, %dma_start3A_802] : memref<8x125x32xf32, #tpu.memory_space<vmem>> -> memref<1x125x32xf32, #tpu.memory_space<vmem>>
      %dma_start3A_804 = tpu.memref_squeeze %dma_start3A_803 : memref<1x125x32xf32, #tpu.memory_space<vmem>> -> memref<125x32xf32, #tpu.memory_space<vmem>>
      %dma_start3A_805 = arith.constant 0 : i32
      %dma_start3A_806 = tpu.memref_slice %arg5[%min3A_798, %dma_start3A_805] : memref<80x125xi32, #tpu.memory_space<vmem>> -> memref<1x125xi32, #tpu.memory_space<vmem>>
      %dma_start3A_807 = tpu.memref_squeeze %dma_start3A_806 : memref<1x125xi32, #tpu.memory_space<vmem>> -> memref<125xi32, #tpu.memory_space<vmem>>
      %dma_start3A_808 = arith.constant 0 : i32
      %dma_start3A_809 = arith.constant 0 : i32
      %dma_start3A_810 = tpu.memref_slice %arg2[%dma_start3A_808, %dma_start3A_809] : memref<10240x32xf32, #tpu.memory_space<hbm>> -> memref<10240x32xf32, #tpu.memory_space<hbm>>
      %dma_start3A_811 = tpu.memref_slice %arg10[%dma_start3A_800] : memref<8x!tpu.dma_semaphore, #tpu.memory_space<semaphore_mem>> -> memref<1x!tpu.dma_semaphore, #tpu.memory_space<semaphore_mem>>
      %dma_start3A_812 = tpu.memref_squeeze %dma_start3A_811 : memref<1x!tpu.dma_semaphore, #tpu.memory_space<semaphore_mem>> -> memref<!tpu.dma_semaphore, #tpu.memory_space<semaphore_mem>>
      tpu.enqueue_indirect_dma source(%dma_start3A_810 : memref<10240x32xf32, #tpu.memory_space<hbm>>) target(%dma_start3A_804 : memref<125x32xf32, #tpu.memory_space<vmem>>) offsets(%dma_start3A_807 : memref<125xi32, #tpu.memory_space<vmem>>) semaphore(%dma_start3A_812 : memref<!tpu.dma_semaphore, #tpu.memory_space<semaphore_mem>>)
      %mul3A_813 = arith.constant 8 : i32
      %mul3A_814 = arith.muli %mul3A_813, %scan3A_268 : i32
      %add3A_815 = arith.constant 7 : i32
      %add3A_816 = arith.addi %mul3A_814, %add3A_815 : i32
      %dma_wait3A_817 = arith.constant 7 : i32
      %dma_wait3A_818 = arith.constant 7 : i32
      %dma_wait3A_819 = arith.constant 0 : i32
      %dma_wait3A_820 = arith.constant 0 : i32
      %dma_wait3A_821 = tpu.memref_slice %arg7[%dma_wait3A_817, %dma_wait3A_819, %dma_wait3A_820] : memref<8x125x32xf32, #tpu.memory_space<vmem>> -> memref<1x125x32xf32, #tpu.memory_space<vmem>>
      %dma_wait3A_822 = tpu.memref_squeeze %dma_wait3A_821 : memref<1x125x32xf32, #tpu.memory_space<vmem>> -> memref<125x32xf32, #tpu.memory_space<vmem>>
      %dma_wait3A_823 = arith.constant 0 : i32
      %dma_wait3A_824 = arith.constant 0 : i32
      %dma_wait3A_825 = tpu.memref_slice %arg9[%dma_wait3A_823, %dma_wait3A_824] : memref<10240x32xf32, #tpu.memory_space<vmem_shared>> -> memref<125x32xf32, #tpu.memory_space<vmem_shared>>
      %dma_wait3A_826 = tpu.memref_slice %arg11[%dma_wait3A_818] : memref<8x!tpu.dma_semaphore, #tpu.memory_space<semaphore_mem>> -> memref<1x!tpu.dma_semaphore, #tpu.memory_space<semaphore_mem>>
      %dma_wait3A_827 = tpu.memref_squeeze %dma_wait3A_826 : memref<1x!tpu.dma_semaphore, #tpu.memory_space<semaphore_mem>> -> memref<!tpu.dma_semaphore, #tpu.memory_space<semaphore_mem>>
      %dma_wait3A_828 = arith.constant 0 : i32
      %dma_wait3A_829 = arith.constant 0 : i32
      %dma_wait3A_830 = tpu.memref_slice %arg9[%dma_wait3A_828, %dma_wait3A_829] : memref<10240x32xf32, #tpu.memory_space<vmem_shared>> -> memref<125x32xf32, #tpu.memory_space<vmem_shared>>
      %dma_wait3A_831 = arith.constant 0 : i32
      %dma_wait3A_832 = arith.constant 0 : i32
      %dma_wait3A_833 = tpu.memref_slice %arg7[%dma_wait3A_817, %dma_wait3A_831, %dma_wait3A_832] : memref<8x125x32xf32, #tpu.memory_space<vmem>> -> memref<1x125x32xf32, #tpu.memory_space<vmem>>
      %dma_wait3A_834 = tpu.memref_squeeze %dma_wait3A_833 : memref<1x125x32xf32, #tpu.memory_space<vmem>> -> memref<125x32xf32, #tpu.memory_space<vmem>>
      tpu.wait_dma2 semaphore(%dma_wait3A_827 : memref<!tpu.dma_semaphore, #tpu.memory_space<semaphore_mem>>) src(%dma_wait3A_834 : memref<125x32xf32, #tpu.memory_space<vmem>>) dst(%dma_wait3A_830 : memref<125x32xf32, #tpu.memory_space<vmem_shared>>)
      %add3A_835 = arith.constant 8 : i32
      %add3A_836 = arith.addi %add3A_816, %add3A_835 : i32
      %min3A_837 = arith.constant 79 : i32
      %min3A_838 = arith.minsi %add3A_836, %min3A_837 : i32
      %dma_start3A_839 = arith.constant 7 : i32
      %dma_start3A_840 = arith.constant 7 : i32
      %dma_start3A_841 = arith.constant 0 : i32
      %dma_start3A_842 = arith.constant 0 : i32
      %dma_start3A_843 = tpu.memref_slice %arg7[%dma_start3A_839, %dma_start3A_841, %dma_start3A_842] : memref<8x125x32xf32, #tpu.memory_space<vmem>> -> memref<1x125x32xf32, #tpu.memory_space<vmem>>
      %dma_start3A_844 = tpu.memref_squeeze %dma_start3A_843 : memref<1x125x32xf32, #tpu.memory_space<vmem>> -> memref<125x32xf32, #tpu.memory_space<vmem>>
      %dma_start3A_845 = arith.constant 0 : i32
      %dma_start3A_846 = tpu.memref_slice %arg5[%min3A_838, %dma_start3A_845] : memref<80x125xi32, #tpu.memory_space<vmem>> -> memref<1x125xi32, #tpu.memory_space<vmem>>
      %dma_start3A_847 = tpu.memref_squeeze %dma_start3A_846 : memref<1x125xi32, #tpu.memory_space<vmem>> -> memref<125xi32, #tpu.memory_space<vmem>>
      %dma_start3A_848 = arith.constant 0 : i32
      %dma_start3A_849 = arith.constant 0 : i32
      %dma_start3A_850 = tpu.memref_slice %arg2[%dma_start3A_848, %dma_start3A_849] : memref<10240x32xf32, #tpu.memory_space<hbm>> -> memref<10240x32xf32, #tpu.memory_space<hbm>>
      %dma_start3A_851 = tpu.memref_slice %arg10[%dma_start3A_840] : memref<8x!tpu.dma_semaphore, #tpu.memory_space<semaphore_mem>> -> memref<1x!tpu.dma_semaphore, #tpu.memory_space<semaphore_mem>>
      %dma_start3A_852 = tpu.memref_squeeze %dma_start3A_851 : memref<1x!tpu.dma_semaphore, #tpu.memory_space<semaphore_mem>> -> memref<!tpu.dma_semaphore, #tpu.memory_space<semaphore_mem>>
      tpu.enqueue_indirect_dma source(%dma_start3A_850 : memref<10240x32xf32, #tpu.memory_space<hbm>>) target(%dma_start3A_844 : memref<125x32xf32, #tpu.memory_space<vmem>>) offsets(%dma_start3A_847 : memref<125xi32, #tpu.memory_space<vmem>>) semaphore(%dma_start3A_852 : memref<!tpu.dma_semaphore, #tpu.memory_space<semaphore_mem>>)
      %scan3A_853 = arith.constant 0 : i32
      scf.yield %scan3A_853 : i32
    }
    %scan3A_145 = arith.constant 10 : i32
    %dma_wait3A = arith.constant 0 : i32
    %dma_wait3A_146 = arith.constant 0 : i32
    %dma_wait3A_147 = arith.constant 0 : i32
    %dma_wait3A_148 = arith.constant 0 : i32
    %dma_wait3A_149 = arith.constant 0 : i32
    %dma_wait3A_150 = tpu.memref_slice %arg7[%dma_wait3A_146, %dma_wait3A_148, %dma_wait3A_149] : memref<8x125x32xf32, #tpu.memory_space<vmem>> -> memref<1x125x32xf32, #tpu.memory_space<vmem>>
    %dma_wait3A_151 = tpu.memref_squeeze %dma_wait3A_150 : memref<1x125x32xf32, #tpu.memory_space<vmem>> -> memref<125x32xf32, #tpu.memory_space<vmem>>
    %dma_wait3A_152 = arith.constant 0 : i32
    %dma_wait3A_153 = tpu.memref_slice %arg5[%dma_wait3A, %dma_wait3A_152] : memref<80x125xi32, #tpu.memory_space<vmem>> -> memref<1x125xi32, #tpu.memory_space<vmem>>
    %dma_wait3A_154 = tpu.memref_squeeze %dma_wait3A_153 : memref<1x125xi32, #tpu.memory_space<vmem>> -> memref<125xi32, #tpu.memory_space<vmem>>
    %dma_wait3A_155 = arith.constant 0 : i32
    %dma_wait3A_156 = arith.constant 0 : i32
    %dma_wait3A_157 = tpu.memref_slice %arg2[%dma_wait3A_155, %dma_wait3A_156] : memref<10240x32xf32, #tpu.memory_space<hbm>> -> memref<10240x32xf32, #tpu.memory_space<hbm>>
    %dma_wait3A_158 = tpu.memref_slice %arg10[%dma_wait3A_147] : memref<8x!tpu.dma_semaphore, #tpu.memory_space<semaphore_mem>> -> memref<1x!tpu.dma_semaphore, #tpu.memory_space<semaphore_mem>>
    %dma_wait3A_159 = tpu.memref_squeeze %dma_wait3A_158 : memref<1x!tpu.dma_semaphore, #tpu.memory_space<semaphore_mem>> -> memref<!tpu.dma_semaphore, #tpu.memory_space<semaphore_mem>>
    tpu.wait_indirect_dma semaphore(%dma_wait3A_159 : memref<!tpu.dma_semaphore, #tpu.memory_space<semaphore_mem>>) src(%dma_wait3A_157 : memref<10240x32xf32, #tpu.memory_space<hbm>>) dst(%dma_wait3A_151 : memref<125x32xf32, #tpu.memory_space<vmem>>)
    %dma_wait3A_160 = arith.constant 0 : i32
    %dma_wait3A_161 = arith.constant 1 : i32
    %dma_wait3A_162 = arith.constant 1 : i32
    %dma_wait3A_163 = arith.constant 0 : i32
    %dma_wait3A_164 = arith.constant 0 : i32
    %dma_wait3A_165 = tpu.memref_slice %arg7[%dma_wait3A_161, %dma_wait3A_163, %dma_wait3A_164] : memref<8x125x32xf32, #tpu.memory_space<vmem>> -> memref<1x125x32xf32, #tpu.memory_space<vmem>>
    %dma_wait3A_166 = tpu.memref_squeeze %dma_wait3A_165 : memref<1x125x32xf32, #tpu.memory_space<vmem>> -> memref<125x32xf32, #tpu.memory_space<vmem>>
    %dma_wait3A_167 = arith.constant 0 : i32
    %dma_wait3A_168 = tpu.memref_slice %arg5[%dma_wait3A_160, %dma_wait3A_167] : memref<80x125xi32, #tpu.memory_space<vmem>> -> memref<1x125xi32, #tpu.memory_space<vmem>>
    %dma_wait3A_169 = tpu.memref_squeeze %dma_wait3A_168 : memref<1x125xi32, #tpu.memory_space<vmem>> -> memref<125xi32, #tpu.memory_space<vmem>>
    %dma_wait3A_170 = arith.constant 0 : i32
    %dma_wait3A_171 = arith.constant 0 : i32
    %dma_wait3A_172 = tpu.memref_slice %arg2[%dma_wait3A_170, %dma_wait3A_171] : memref<10240x32xf32, #tpu.memory_space<hbm>> -> memref<10240x32xf32, #tpu.memory_space<hbm>>
    %dma_wait3A_173 = tpu.memref_slice %arg10[%dma_wait3A_162] : memref<8x!tpu.dma_semaphore, #tpu.memory_space<semaphore_mem>> -> memref<1x!tpu.dma_semaphore, #tpu.memory_space<semaphore_mem>>
    %dma_wait3A_174 = tpu.memref_squeeze %dma_wait3A_173 : memref<1x!tpu.dma_semaphore, #tpu.memory_space<semaphore_mem>> -> memref<!tpu.dma_semaphore, #tpu.memory_space<semaphore_mem>>
    tpu.wait_indirect_dma semaphore(%dma_wait3A_174 : memref<!tpu.dma_semaphore, #tpu.memory_space<semaphore_mem>>) src(%dma_wait3A_172 : memref<10240x32xf32, #tpu.memory_space<hbm>>) dst(%dma_wait3A_166 : memref<125x32xf32, #tpu.memory_space<vmem>>)
    %dma_wait3A_175 = arith.constant 0 : i32
    %dma_wait3A_176 = arith.constant 2 : i32
    %dma_wait3A_177 = arith.constant 2 : i32
    %dma_wait3A_178 = arith.constant 0 : i32
    %dma_wait3A_179 = arith.constant 0 : i32
    %dma_wait3A_180 = tpu.memref_slice %arg7[%dma_wait3A_176, %dma_wait3A_178, %dma_wait3A_179] : memref<8x125x32xf32, #tpu.memory_space<vmem>> -> memref<1x125x32xf32, #tpu.memory_space<vmem>>
    %dma_wait3A_181 = tpu.memref_squeeze %dma_wait3A_180 : memref<1x125x32xf32, #tpu.memory_space<vmem>> -> memref<125x32xf32, #tpu.memory_space<vmem>>
    %dma_wait3A_182 = arith.constant 0 : i32
    %dma_wait3A_183 = tpu.memref_slice %arg5[%dma_wait3A_175, %dma_wait3A_182] : memref<80x125xi32, #tpu.memory_space<vmem>> -> memref<1x125xi32, #tpu.memory_space<vmem>>
    %dma_wait3A_184 = tpu.memref_squeeze %dma_wait3A_183 : memref<1x125xi32, #tpu.memory_space<vmem>> -> memref<125xi32, #tpu.memory_space<vmem>>
    %dma_wait3A_185 = arith.constant 0 : i32
    %dma_wait3A_186 = arith.constant 0 : i32
    %dma_wait3A_187 = tpu.memref_slice %arg2[%dma_wait3A_185, %dma_wait3A_186] : memref<10240x32xf32, #tpu.memory_space<hbm>> -> memref<10240x32xf32, #tpu.memory_space<hbm>>
    %dma_wait3A_188 = tpu.memref_slice %arg10[%dma_wait3A_177] : memref<8x!tpu.dma_semaphore, #tpu.memory_space<semaphore_mem>> -> memref<1x!tpu.dma_semaphore, #tpu.memory_space<semaphore_mem>>
    %dma_wait3A_189 = tpu.memref_squeeze %dma_wait3A_188 : memref<1x!tpu.dma_semaphore, #tpu.memory_space<semaphore_mem>> -> memref<!tpu.dma_semaphore, #tpu.memory_space<semaphore_mem>>
    tpu.wait_indirect_dma semaphore(%dma_wait3A_189 : memref<!tpu.dma_semaphore, #tpu.memory_space<semaphore_mem>>) src(%dma_wait3A_187 : memref<10240x32xf32, #tpu.memory_space<hbm>>) dst(%dma_wait3A_181 : memref<125x32xf32, #tpu.memory_space<vmem>>)
    %dma_wait3A_190 = arith.constant 0 : i32
    %dma_wait3A_191 = arith.constant 3 : i32
    %dma_wait3A_192 = arith.constant 3 : i32
    %dma_wait3A_193 = arith.constant 0 : i32
    %dma_wait3A_194 = arith.constant 0 : i32
    %dma_wait3A_195 = tpu.memref_slice %arg7[%dma_wait3A_191, %dma_wait3A_193, %dma_wait3A_194] : memref<8x125x32xf32, #tpu.memory_space<vmem>> -> memref<1x125x32xf32, #tpu.memory_space<vmem>>
    %dma_wait3A_196 = tpu.memref_squeeze %dma_wait3A_195 : memref<1x125x32xf32, #tpu.memory_space<vmem>> -> memref<125x32xf32, #tpu.memory_space<vmem>>
    %dma_wait3A_197 = arith.constant 0 : i32
    %dma_wait3A_198 = tpu.memref_slice %arg5[%dma_wait3A_190, %dma_wait3A_197] : memref<80x125xi32, #tpu.memory_space<vmem>> -> memref<1x125xi32, #tpu.memory_space<vmem>>
    %dma_wait3A_199 = tpu.memref_squeeze %dma_wait3A_198 : memref<1x125xi32, #tpu.memory_space<vmem>> -> memref<125xi32, #tpu.memory_space<vmem>>
    %dma_wait3A_200 = arith.constant 0 : i32
    %dma_wait3A_201 = arith.constant 0 : i32
    %dma_wait3A_202 = tpu.memref_slice %arg2[%dma_wait3A_200, %dma_wait3A_201] : memref<10240x32xf32, #tpu.memory_space<hbm>> -> memref<10240x32xf32, #tpu.memory_space<hbm>>
    %dma_wait3A_203 = tpu.memref_slice %arg10[%dma_wait3A_192] : memref<8x!tpu.dma_semaphore, #tpu.memory_space<semaphore_mem>> -> memref<1x!tpu.dma_semaphore, #tpu.memory_space<semaphore_mem>>
    %dma_wait3A_204 = tpu.memref_squeeze %dma_wait3A_203 : memref<1x!tpu.dma_semaphore, #tpu.memory_space<semaphore_mem>> -> memref<!tpu.dma_semaphore, #tpu.memory_space<semaphore_mem>>
    tpu.wait_indirect_dma semaphore(%dma_wait3A_204 : memref<!tpu.dma_semaphore, #tpu.memory_space<semaphore_mem>>) src(%dma_wait3A_202 : memref<10240x32xf32, #tpu.memory_space<hbm>>) dst(%dma_wait3A_196 : memref<125x32xf32, #tpu.memory_space<vmem>>)
    %dma_wait3A_205 = arith.constant 0 : i32
    %dma_wait3A_206 = arith.constant 4 : i32
    %dma_wait3A_207 = arith.constant 4 : i32
    %dma_wait3A_208 = arith.constant 0 : i32
    %dma_wait3A_209 = arith.constant 0 : i32
    %dma_wait3A_210 = tpu.memref_slice %arg7[%dma_wait3A_206, %dma_wait3A_208, %dma_wait3A_209] : memref<8x125x32xf32, #tpu.memory_space<vmem>> -> memref<1x125x32xf32, #tpu.memory_space<vmem>>
    %dma_wait3A_211 = tpu.memref_squeeze %dma_wait3A_210 : memref<1x125x32xf32, #tpu.memory_space<vmem>> -> memref<125x32xf32, #tpu.memory_space<vmem>>
    %dma_wait3A_212 = arith.constant 0 : i32
    %dma_wait3A_213 = tpu.memref_slice %arg5[%dma_wait3A_205, %dma_wait3A_212] : memref<80x125xi32, #tpu.memory_space<vmem>> -> memref<1x125xi32, #tpu.memory_space<vmem>>
    %dma_wait3A_214 = tpu.memref_squeeze %dma_wait3A_213 : memref<1x125xi32, #tpu.memory_space<vmem>> -> memref<125xi32, #tpu.memory_space<vmem>>
    %dma_wait3A_215 = arith.constant 0 : i32
    %dma_wait3A_216 = arith.constant 0 : i32
    %dma_wait3A_217 = tpu.memref_slice %arg2[%dma_wait3A_215, %dma_wait3A_216] : memref<10240x32xf32, #tpu.memory_space<hbm>> -> memref<10240x32xf32, #tpu.memory_space<hbm>>
    %dma_wait3A_218 = tpu.memref_slice %arg10[%dma_wait3A_207] : memref<8x!tpu.dma_semaphore, #tpu.memory_space<semaphore_mem>> -> memref<1x!tpu.dma_semaphore, #tpu.memory_space<semaphore_mem>>
    %dma_wait3A_219 = tpu.memref_squeeze %dma_wait3A_218 : memref<1x!tpu.dma_semaphore, #tpu.memory_space<semaphore_mem>> -> memref<!tpu.dma_semaphore, #tpu.memory_space<semaphore_mem>>
    tpu.wait_indirect_dma semaphore(%dma_wait3A_219 : memref<!tpu.dma_semaphore, #tpu.memory_space<semaphore_mem>>) src(%dma_wait3A_217 : memref<10240x32xf32, #tpu.memory_space<hbm>>) dst(%dma_wait3A_211 : memref<125x32xf32, #tpu.memory_space<vmem>>)
    %dma_wait3A_220 = arith.constant 0 : i32
    %dma_wait3A_221 = arith.constant 5 : i32
    %dma_wait3A_222 = arith.constant 5 : i32
    %dma_wait3A_223 = arith.constant 0 : i32
    %dma_wait3A_224 = arith.constant 0 : i32
    %dma_wait3A_225 = tpu.memref_slice %arg7[%dma_wait3A_221, %dma_wait3A_223, %dma_wait3A_224] : memref<8x125x32xf32, #tpu.memory_space<vmem>> -> memref<1x125x32xf32, #tpu.memory_space<vmem>>
    %dma_wait3A_226 = tpu.memref_squeeze %dma_wait3A_225 : memref<1x125x32xf32, #tpu.memory_space<vmem>> -> memref<125x32xf32, #tpu.memory_space<vmem>>
    %dma_wait3A_227 = arith.constant 0 : i32
    %dma_wait3A_228 = tpu.memref_slice %arg5[%dma_wait3A_220, %dma_wait3A_227] : memref<80x125xi32, #tpu.memory_space<vmem>> -> memref<1x125xi32, #tpu.memory_space<vmem>>
    %dma_wait3A_229 = tpu.memref_squeeze %dma_wait3A_228 : memref<1x125xi32, #tpu.memory_space<vmem>> -> memref<125xi32, #tpu.memory_space<vmem>>
    %dma_wait3A_230 = arith.constant 0 : i32
    %dma_wait3A_231 = arith.constant 0 : i32
    %dma_wait3A_232 = tpu.memref_slice %arg2[%dma_wait3A_230, %dma_wait3A_231] : memref<10240x32xf32, #tpu.memory_space<hbm>> -> memref<10240x32xf32, #tpu.memory_space<hbm>>
    %dma_wait3A_233 = tpu.memref_slice %arg10[%dma_wait3A_222] : memref<8x!tpu.dma_semaphore, #tpu.memory_space<semaphore_mem>> -> memref<1x!tpu.dma_semaphore, #tpu.memory_space<semaphore_mem>>
    %dma_wait3A_234 = tpu.memref_squeeze %dma_wait3A_233 : memref<1x!tpu.dma_semaphore, #tpu.memory_space<semaphore_mem>> -> memref<!tpu.dma_semaphore, #tpu.memory_space<semaphore_mem>>
    tpu.wait_indirect_dma semaphore(%dma_wait3A_234 : memref<!tpu.dma_semaphore, #tpu.memory_space<semaphore_mem>>) src(%dma_wait3A_232 : memref<10240x32xf32, #tpu.memory_space<hbm>>) dst(%dma_wait3A_226 : memref<125x32xf32, #tpu.memory_space<vmem>>)
    %dma_wait3A_235 = arith.constant 0 : i32
    %dma_wait3A_236 = arith.constant 6 : i32
    %dma_wait3A_237 = arith.constant 6 : i32
    %dma_wait3A_238 = arith.constant 0 : i32
    %dma_wait3A_239 = arith.constant 0 : i32
    %dma_wait3A_240 = tpu.memref_slice %arg7[%dma_wait3A_236, %dma_wait3A_238, %dma_wait3A_239] : memref<8x125x32xf32, #tpu.memory_space<vmem>> -> memref<1x125x32xf32, #tpu.memory_space<vmem>>
    %dma_wait3A_241 = tpu.memref_squeeze %dma_wait3A_240 : memref<1x125x32xf32, #tpu.memory_space<vmem>> -> memref<125x32xf32, #tpu.memory_space<vmem>>
    %dma_wait3A_242 = arith.constant 0 : i32
    %dma_wait3A_243 = tpu.memref_slice %arg5[%dma_wait3A_235, %dma_wait3A_242] : memref<80x125xi32, #tpu.memory_space<vmem>> -> memref<1x125xi32, #tpu.memory_space<vmem>>
    %dma_wait3A_244 = tpu.memref_squeeze %dma_wait3A_243 : memref<1x125xi32, #tpu.memory_space<vmem>> -> memref<125xi32, #tpu.memory_space<vmem>>
    %dma_wait3A_245 = arith.constant 0 : i32
    %dma_wait3A_246 = arith.constant 0 : i32
    %dma_wait3A_247 = tpu.memref_slice %arg2[%dma_wait3A_245, %dma_wait3A_246] : memref<10240x32xf32, #tpu.memory_space<hbm>> -> memref<10240x32xf32, #tpu.memory_space<hbm>>
    %dma_wait3A_248 = tpu.memref_slice %arg10[%dma_wait3A_237] : memref<8x!tpu.dma_semaphore, #tpu.memory_space<semaphore_mem>> -> memref<1x!tpu.dma_semaphore, #tpu.memory_space<semaphore_mem>>
    %dma_wait3A_249 = tpu.memref_squeeze %dma_wait3A_248 : memref<1x!tpu.dma_semaphore, #tpu.memory_space<semaphore_mem>> -> memref<!tpu.dma_semaphore, #tpu.memory_space<semaphore_mem>>
    tpu.wait_indirect_dma semaphore(%dma_wait3A_249 : memref<!tpu.dma_semaphore, #tpu.memory_space<semaphore_mem>>) src(%dma_wait3A_247 : memref<10240x32xf32, #tpu.memory_space<hbm>>) dst(%dma_wait3A_241 : memref<125x32xf32, #tpu.memory_space<vmem>>)
    %dma_wait3A_250 = arith.constant 0 : i32
    %dma_wait3A_251 = arith.constant 7 : i32
    %dma_wait3A_252 = arith.constant 7 : i32
    %dma_wait3A_253 = arith.constant 0 : i32
    %dma_wait3A_254 = arith.constant 0 : i32
    %dma_wait3A_255 = tpu.memref_slice %arg7[%dma_wait3A_251, %dma_wait3A_253, %dma_wait3A_254] : memref<8x125x32xf32, #tpu.memory_space<vmem>> -> memref<1x125x32xf32, #tpu.memory_space<vmem>>
    %dma_wait3A_256 = tpu.memref_squeeze %dma_wait3A_255 : memref<1x125x32xf32, #tpu.memory_space<vmem>> -> memref<125x32xf32, #tpu.memory_space<vmem>>
    %dma_wait3A_257 = arith.constant 0 : i32
    %dma_wait3A_258 = tpu.memref_slice %arg5[%dma_wait3A_250, %dma_wait3A_257] : memref<80x125xi32, #tpu.memory_space<vmem>> -> memref<1x125xi32, #tpu.memory_space<vmem>>
    %dma_wait3A_259 = tpu.memref_squeeze %dma_wait3A_258 : memref<1x125xi32, #tpu.memory_space<vmem>> -> memref<125xi32, #tpu.memory_space<vmem>>
    %dma_wait3A_260 = arith.constant 0 : i32
    %dma_wait3A_261 = arith.constant 0 : i32
    %dma_wait3A_262 = tpu.memref_slice %arg2[%dma_wait3A_260, %dma_wait3A_261] : memref<10240x32xf32, #tpu.memory_space<hbm>> -> memref<10240x32xf32, #tpu.memory_space<hbm>>
    %dma_wait3A_263 = tpu.memref_slice %arg10[%dma_wait3A_252] : memref<8x!tpu.dma_semaphore, #tpu.memory_space<semaphore_mem>> -> memref<1x!tpu.dma_semaphore, #tpu.memory_space<semaphore_mem>>
    %dma_wait3A_264 = tpu.memref_squeeze %dma_wait3A_263 : memref<1x!tpu.dma_semaphore, #tpu.memory_space<semaphore_mem>> -> memref<!tpu.dma_semaphore, #tpu.memory_space<semaphore_mem>>
    tpu.wait_indirect_dma semaphore(%dma_wait3A_264 : memref<!tpu.dma_semaphore, #tpu.memory_space<semaphore_mem>>) src(%dma_wait3A_262 : memref<10240x32xf32, #tpu.memory_space<hbm>>) dst(%dma_wait3A_256 : memref<125x32xf32, #tpu.memory_space<vmem>>)
    %barrier3A_265 = arith.constant 0 : index
    tpu.barrier barrier_id(%barrier3A_265)
    %mul3A_266 = arith.constant 32 : i32
    %mul3A_267 = arith.muli %arg0, %mul3A_266 : i32
    "tpu.region"() ({
      %run_scoped3A_268 = tpu.sem_alloc : memref<!tpu.dma_semaphore, #tpu.memory_space<semaphore_mem>>
      %dma_start3A_269 = arith.constant 0 : i32
      %dma_start3A_270 = tpu.memref_slice %arg4[%arg1, %dma_start3A_269, %mul3A_267] : memref<16x640x64xf32, #tpu.memory_space<hbm>> -> memref<1x640x32xf32, #tpu.memory_space<hbm>>
      %dma_start3A_271 = tpu.memref_squeeze %dma_start3A_270 : memref<1x640x32xf32, #tpu.memory_space<hbm>> -> memref<640x32xf32, #tpu.memory_space<hbm>>
      %dma_start3A_272 = arith.constant 0 : i32
      %dma_start3A_273 = tpu.memref_slice %arg9[%mul3A_9, %dma_start3A_272] : memref<10240x32xf32, #tpu.memory_space<vmem_shared>> -> memref<640x32xf32, #tpu.memory_space<vmem_shared>>
      tpu.enqueue_dma source(%dma_start3A_273 : memref<640x32xf32, #tpu.memory_space<vmem_shared>>) target(%dma_start3A_271 : memref<640x32xf32, #tpu.memory_space<hbm>>) target_semaphore(%run_scoped3A_268 : memref<!tpu.dma_semaphore, #tpu.memory_space<semaphore_mem>>)
      %dma_wait3A_274 = arith.constant 0 : i32
      %dma_wait3A_275 = tpu.memref_slice %arg4[%arg1, %dma_wait3A_274, %mul3A_267] : memref<16x640x64xf32, #tpu.memory_space<hbm>> -> memref<1x640x32xf32, #tpu.memory_space<hbm>>
      %dma_wait3A_276 = tpu.memref_squeeze %dma_wait3A_275 : memref<1x640x32xf32, #tpu.memory_space<hbm>> -> memref<640x32xf32, #tpu.memory_space<hbm>>
      %dma_wait3A_277 = arith.constant 0 : i32
      %dma_wait3A_278 = tpu.memref_slice %arg9[%mul3A_9, %dma_wait3A_277] : memref<10240x32xf32, #tpu.memory_space<vmem_shared>> -> memref<640x32xf32, #tpu.memory_space<vmem_shared>>
      tpu.wait_dma2 semaphore(%run_scoped3A_268 : memref<!tpu.dma_semaphore, #tpu.memory_space<semaphore_mem>>) src(%dma_wait3A_278 : memref<640x32xf32, #tpu.memory_space<vmem_shared>>) dst(%dma_wait3A_276 : memref<640x32xf32, #tpu.memory_space<hbm>>)
      tpu.yield
    }) : () -> ()
    return
  }
}

#map = affine_map<(d0, d1) -> (0, 0)>
#map1 = affine_map<(d0, d1) -> (0, 0, 0, 0)>
#map2 = affine_map<(d0, d1) -> (0, 0, 0)>
module attributes {stable_mosaic.version = 14 : i64} {
  func.func @_agg_body(%arg0: i32, %arg1: i32, %arg2: memref<10240x32xf32, #tpu.memory_space<hbm>>, %arg3: memref<2x32x80x125xi32, #tpu.memory_space<hbm>>, %arg4: memref<16x640x96xf32, #tpu.memory_space<hbm>>, %arg5: memref<80x125xi32, #tpu.memory_space<vmem>>, %arg6: memref<80x125xi32, #tpu.memory_space<vmem>>, %arg7: memref<8x125x32xf32, #tpu.memory_space<vmem>>, %arg8: memref<128x32xf32, #tpu.memory_space<vmem>>, %arg9: memref<10240x32xf32, #tpu.memory_space<vmem_shared>>, %arg10: memref<8x!tpu.dma_semaphore, #tpu.memory_space<semaphore_mem>>, %arg11: memref<8x!tpu.dma_semaphore, #tpu.memory_space<semaphore_mem>>, %arg12: memref<125x16xf32, #tpu.memory_space<vmem>>, %arg13: memref<128x16xf32, #tpu.memory_space<vmem>>, %arg14: memref<10240x16xf32, #tpu.memory_space<vmem_shared>>, %arg15: memref<8x!tpu.dma_semaphore, #tpu.memory_space<semaphore_mem>>) attributes {dimension_semantics = [#tpu.dimension_semantics<core_parallel>, #tpu.dimension_semantics<subcore_parallel>], iteration_bounds = array<i64: 2, 16>, scalar_prefetch = 0 : i64, scratch_operands = 11 : i64, tpu.core_type = #tpu.core_type<sc_vector_subcore>, window_params = [{transform_indices = #map}, {transform_indices = #map1}, {transform_indices = #map2}]} {
    %mul3A = arith.constant 16 : i32
    %mul3A_0 = arith.muli %arg0, %mul3A : i32
    %add3A = arith.addi %mul3A_0, %arg1 : i32
    %run_scoped3A = arith.constant 0 : i32
    "tpu.region"() ({
      %run_scoped3A_296 = tpu.sem_alloc : memref<!tpu.dma_semaphore, #tpu.memory_space<semaphore_mem>>
      %dma_start3A_297 = arith.constant 0 : i32
      %dma_start3A_298 = arith.constant 0 : i32
      %dma_start3A_299 = tpu.memref_slice %arg3[%run_scoped3A, %add3A, %dma_start3A_297, %dma_start3A_298] : memref<2x32x80x125xi32, #tpu.memory_space<hbm>> -> memref<1x1x80x125xi32, #tpu.memory_space<hbm>>
      %dma_start3A_300 = tpu.memref_squeeze %dma_start3A_299 : memref<1x1x80x125xi32, #tpu.memory_space<hbm>> -> memref<80x125xi32, #tpu.memory_space<hbm>>
      %dma_start3A_301 = arith.constant 0 : i32
      %dma_start3A_302 = arith.constant 0 : i32
      %dma_start3A_303 = tpu.memref_slice %arg3[%run_scoped3A, %add3A, %dma_start3A_301, %dma_start3A_302] : memref<2x32x80x125xi32, #tpu.memory_space<hbm>> -> memref<1x1x80x125xi32, #tpu.memory_space<hbm>>
      %dma_start3A_304 = tpu.memref_squeeze %dma_start3A_303 : memref<1x1x80x125xi32, #tpu.memory_space<hbm>> -> memref<80x125xi32, #tpu.memory_space<hbm>>
      tpu.enqueue_dma source(%dma_start3A_304 : memref<80x125xi32, #tpu.memory_space<hbm>>) target(%arg5 : memref<80x125xi32, #tpu.memory_space<vmem>>) target_semaphore(%run_scoped3A_296 : memref<!tpu.dma_semaphore, #tpu.memory_space<semaphore_mem>>)
      %dma_wait3A_305 = arith.constant 0 : i32
      %dma_wait3A_306 = arith.constant 0 : i32
      %dma_wait3A_307 = tpu.memref_slice %arg3[%run_scoped3A, %add3A, %dma_wait3A_305, %dma_wait3A_306] : memref<2x32x80x125xi32, #tpu.memory_space<hbm>> -> memref<1x1x80x125xi32, #tpu.memory_space<hbm>>
      %dma_wait3A_308 = tpu.memref_squeeze %dma_wait3A_307 : memref<1x1x80x125xi32, #tpu.memory_space<hbm>> -> memref<80x125xi32, #tpu.memory_space<hbm>>
      %dma_wait3A_309 = arith.constant 0 : i32
      %dma_wait3A_310 = arith.constant 0 : i32
      %dma_wait3A_311 = tpu.memref_slice %arg3[%run_scoped3A, %add3A, %dma_wait3A_309, %dma_wait3A_310] : memref<2x32x80x125xi32, #tpu.memory_space<hbm>> -> memref<1x1x80x125xi32, #tpu.memory_space<hbm>>
      %dma_wait3A_312 = tpu.memref_squeeze %dma_wait3A_311 : memref<1x1x80x125xi32, #tpu.memory_space<hbm>> -> memref<80x125xi32, #tpu.memory_space<hbm>>
      tpu.wait_dma2 semaphore(%run_scoped3A_296 : memref<!tpu.dma_semaphore, #tpu.memory_space<semaphore_mem>>) src(%dma_wait3A_312 : memref<80x125xi32, #tpu.memory_space<hbm>>) dst(%arg5 : memref<80x125xi32, #tpu.memory_space<vmem>>)
      tpu.yield
    }) : () -> ()
    %run_scoped3A_1 = arith.constant 1 : i32
    "tpu.region"() ({
      %run_scoped3A_296 = tpu.sem_alloc : memref<!tpu.dma_semaphore, #tpu.memory_space<semaphore_mem>>
      %dma_start3A_297 = arith.constant 0 : i32
      %dma_start3A_298 = arith.constant 0 : i32
      %dma_start3A_299 = tpu.memref_slice %arg3[%run_scoped3A_1, %add3A, %dma_start3A_297, %dma_start3A_298] : memref<2x32x80x125xi32, #tpu.memory_space<hbm>> -> memref<1x1x80x125xi32, #tpu.memory_space<hbm>>
      %dma_start3A_300 = tpu.memref_squeeze %dma_start3A_299 : memref<1x1x80x125xi32, #tpu.memory_space<hbm>> -> memref<80x125xi32, #tpu.memory_space<hbm>>
      %dma_start3A_301 = arith.constant 0 : i32
      %dma_start3A_302 = arith.constant 0 : i32
      %dma_start3A_303 = tpu.memref_slice %arg3[%run_scoped3A_1, %add3A, %dma_start3A_301, %dma_start3A_302] : memref<2x32x80x125xi32, #tpu.memory_space<hbm>> -> memref<1x1x80x125xi32, #tpu.memory_space<hbm>>
      %dma_start3A_304 = tpu.memref_squeeze %dma_start3A_303 : memref<1x1x80x125xi32, #tpu.memory_space<hbm>> -> memref<80x125xi32, #tpu.memory_space<hbm>>
      tpu.enqueue_dma source(%dma_start3A_304 : memref<80x125xi32, #tpu.memory_space<hbm>>) target(%arg6 : memref<80x125xi32, #tpu.memory_space<vmem>>) target_semaphore(%run_scoped3A_296 : memref<!tpu.dma_semaphore, #tpu.memory_space<semaphore_mem>>)
      %dma_wait3A_305 = arith.constant 0 : i32
      %dma_wait3A_306 = arith.constant 0 : i32
      %dma_wait3A_307 = tpu.memref_slice %arg3[%run_scoped3A_1, %add3A, %dma_wait3A_305, %dma_wait3A_306] : memref<2x32x80x125xi32, #tpu.memory_space<hbm>> -> memref<1x1x80x125xi32, #tpu.memory_space<hbm>>
      %dma_wait3A_308 = tpu.memref_squeeze %dma_wait3A_307 : memref<1x1x80x125xi32, #tpu.memory_space<hbm>> -> memref<80x125xi32, #tpu.memory_space<hbm>>
      %dma_wait3A_309 = arith.constant 0 : i32
      %dma_wait3A_310 = arith.constant 0 : i32
      %dma_wait3A_311 = tpu.memref_slice %arg3[%run_scoped3A_1, %add3A, %dma_wait3A_309, %dma_wait3A_310] : memref<2x32x80x125xi32, #tpu.memory_space<hbm>> -> memref<1x1x80x125xi32, #tpu.memory_space<hbm>>
      %dma_wait3A_312 = tpu.memref_squeeze %dma_wait3A_311 : memref<1x1x80x125xi32, #tpu.memory_space<hbm>> -> memref<80x125xi32, #tpu.memory_space<hbm>>
      tpu.wait_dma2 semaphore(%run_scoped3A_296 : memref<!tpu.dma_semaphore, #tpu.memory_space<semaphore_mem>>) src(%dma_wait3A_312 : memref<80x125xi32, #tpu.memory_space<hbm>>) dst(%arg6 : memref<80x125xi32, #tpu.memory_space<vmem>>)
      tpu.yield
    }) : () -> ()
    %scan3A = arith.constant 0 : i32
    %scan3A_2 = arith.constant 0 : i32
    %scan3A_3 = arith.constant 128 : i32
    %scan3A_4 = arith.addi %scan3A_2, %scan3A_3 : i32
    %scan3A_5 = arith.constant 1 : i32
    %scan3A_6 = scf.for %scan3A_296 = %scan3A_2 to %scan3A_4 step %scan3A_5 iter_args(%scan3A_297 = %scan3A) -> (i32)  : i32 {
      %broadcast_in_dim3A = arith.constant 0.000000e+00 : f32
      %broadcast_in_dim3A_298 = vector.broadcast %broadcast_in_dim3A : f32 to vector<16xf32>
      %swap3A = arith.index_cast %scan3A_296 : i32 to index
      %swap3A_299 = arith.constant 0 : index
      %swap3A_300 = tpu.vector_load %arg8[%swap3A, %swap3A_299] {strides = array<i32>} : memref<128x32xf32, #tpu.memory_space<vmem>>, vector<1x16xf32>,
      %swap3A_301 = vector.shape_cast %swap3A_300 : vector<1x16xf32> to vector<16xf32>
      %swap3A_302 = vector.shape_cast %broadcast_in_dim3A_298 : vector<16xf32> to vector<1x16xf32>
      tpu.vector_store %arg8[%swap3A, %swap3A_299], %swap3A_302 {strides = array<i32>} : memref<128x32xf32, #tpu.memory_space<vmem>>, vector<1x16xf32>,
      %broadcast_in_dim3A_303 = arith.constant 0.000000e+00 : f32
      %broadcast_in_dim3A_304 = vector.broadcast %broadcast_in_dim3A_303 : f32 to vector<16xf32>
      %swap3A_305 = arith.index_cast %scan3A_296 : i32 to index
      %swap3A_306 = arith.constant 16 : index
      %swap3A_307 = tpu.vector_load %arg8[%swap3A_305, %swap3A_306] {strides = array<i32>} : memref<128x32xf32, #tpu.memory_space<vmem>>, vector<1x16xf32>,
      %swap3A_308 = vector.shape_cast %swap3A_307 : vector<1x16xf32> to vector<16xf32>
      %swap3A_309 = vector.shape_cast %broadcast_in_dim3A_304 : vector<16xf32> to vector<1x16xf32>
      tpu.vector_store %arg8[%swap3A_305, %swap3A_306], %swap3A_309 {strides = array<i32>} : memref<128x32xf32, #tpu.memory_space<vmem>>, vector<1x16xf32>,
      %scan3A_310 = arith.constant 0 : i32
      scf.yield %scan3A_310 : i32
    }
    %scan3A_7 = arith.constant 128 : i32
    %mul3A_8 = arith.constant 640 : i32
    %mul3A_9 = arith.muli %arg1, %mul3A_8 : i32
    %add3A_10 = arith.constant 0 : i32
    %add3A_11 = arith.addi %mul3A_9, %add3A_10 : i32
    "tpu.region"() ({
      %run_scoped3A_296 = tpu.sem_alloc : memref<!tpu.dma_semaphore, #tpu.memory_space<semaphore_mem>>
      %dma_start3A_297 = arith.constant 0 : i32
      %dma_start3A_298 = tpu.memref_slice %arg9[%add3A_11, %dma_start3A_297] : memref<10240x32xf32, #tpu.memory_space<vmem_shared>> -> memref<128x32xf32, #tpu.memory_space<vmem_shared>>
      %dma_start3A_299 = arith.constant 0 : i32
      %dma_start3A_300 = tpu.memref_slice %arg9[%add3A_11, %dma_start3A_299] : memref<10240x32xf32, #tpu.memory_space<vmem_shared>> -> memref<128x32xf32, #tpu.memory_space<vmem_shared>>
      tpu.enqueue_dma source(%arg8 : memref<128x32xf32, #tpu.memory_space<vmem>>) target(%dma_start3A_300 : memref<128x32xf32, #tpu.memory_space<vmem_shared>>) target_semaphore(%run_scoped3A_296 : memref<!tpu.dma_semaphore, #tpu.memory_space<semaphore_mem>>)
      %dma_wait3A_301 = arith.constant 0 : i32
      %dma_wait3A_302 = tpu.memref_slice %arg9[%add3A_11, %dma_wait3A_301] : memref<10240x32xf32, #tpu.memory_space<vmem_shared>> -> memref<128x32xf32, #tpu.memory_space<vmem_shared>>
      %dma_wait3A_303 = arith.constant 0 : i32
      %dma_wait3A_304 = tpu.memref_slice %arg9[%add3A_11, %dma_wait3A_303] : memref<10240x32xf32, #tpu.memory_space<vmem_shared>> -> memref<128x32xf32, #tpu.memory_space<vmem_shared>>
      tpu.wait_dma2 semaphore(%run_scoped3A_296 : memref<!tpu.dma_semaphore, #tpu.memory_space<semaphore_mem>>) src(%arg8 : memref<128x32xf32, #tpu.memory_space<vmem>>) dst(%dma_wait3A_304 : memref<128x32xf32, #tpu.memory_space<vmem_shared>>)
      tpu.yield
    }) : () -> ()
    %add3A_12 = arith.constant 128 : i32
    %add3A_13 = arith.addi %mul3A_9, %add3A_12 : i32
    "tpu.region"() ({
      %run_scoped3A_296 = tpu.sem_alloc : memref<!tpu.dma_semaphore, #tpu.memory_space<semaphore_mem>>
      %dma_start3A_297 = arith.constant 0 : i32
      %dma_start3A_298 = tpu.memref_slice %arg9[%add3A_13, %dma_start3A_297] : memref<10240x32xf32, #tpu.memory_space<vmem_shared>> -> memref<128x32xf32, #tpu.memory_space<vmem_shared>>
      %dma_start3A_299 = arith.constant 0 : i32
      %dma_start3A_300 = tpu.memref_slice %arg9[%add3A_13, %dma_start3A_299] : memref<10240x32xf32, #tpu.memory_space<vmem_shared>> -> memref<128x32xf32, #tpu.memory_space<vmem_shared>>
      tpu.enqueue_dma source(%arg8 : memref<128x32xf32, #tpu.memory_space<vmem>>) target(%dma_start3A_300 : memref<128x32xf32, #tpu.memory_space<vmem_shared>>) target_semaphore(%run_scoped3A_296 : memref<!tpu.dma_semaphore, #tpu.memory_space<semaphore_mem>>)
      %dma_wait3A_301 = arith.constant 0 : i32
      %dma_wait3A_302 = tpu.memref_slice %arg9[%add3A_13, %dma_wait3A_301] : memref<10240x32xf32, #tpu.memory_space<vmem_shared>> -> memref<128x32xf32, #tpu.memory_space<vmem_shared>>
      %dma_wait3A_303 = arith.constant 0 : i32
      %dma_wait3A_304 = tpu.memref_slice %arg9[%add3A_13, %dma_wait3A_303] : memref<10240x32xf32, #tpu.memory_space<vmem_shared>> -> memref<128x32xf32, #tpu.memory_space<vmem_shared>>
      tpu.wait_dma2 semaphore(%run_scoped3A_296 : memref<!tpu.dma_semaphore, #tpu.memory_space<semaphore_mem>>) src(%arg8 : memref<128x32xf32, #tpu.memory_space<vmem>>) dst(%dma_wait3A_304 : memref<128x32xf32, #tpu.memory_space<vmem_shared>>)
      tpu.yield
    }) : () -> ()
    %add3A_14 = arith.constant 256 : i32
    %add3A_15 = arith.addi %mul3A_9, %add3A_14 : i32
    "tpu.region"() ({
      %run_scoped3A_296 = tpu.sem_alloc : memref<!tpu.dma_semaphore, #tpu.memory_space<semaphore_mem>>
      %dma_start3A_297 = arith.constant 0 : i32
      %dma_start3A_298 = tpu.memref_slice %arg9[%add3A_15, %dma_start3A_297] : memref<10240x32xf32, #tpu.memory_space<vmem_shared>> -> memref<128x32xf32, #tpu.memory_space<vmem_shared>>
      %dma_start3A_299 = arith.constant 0 : i32
      %dma_start3A_300 = tpu.memref_slice %arg9[%add3A_15, %dma_start3A_299] : memref<10240x32xf32, #tpu.memory_space<vmem_shared>> -> memref<128x32xf32, #tpu.memory_space<vmem_shared>>
      tpu.enqueue_dma source(%arg8 : memref<128x32xf32, #tpu.memory_space<vmem>>) target(%dma_start3A_300 : memref<128x32xf32, #tpu.memory_space<vmem_shared>>) target_semaphore(%run_scoped3A_296 : memref<!tpu.dma_semaphore, #tpu.memory_space<semaphore_mem>>)
      %dma_wait3A_301 = arith.constant 0 : i32
      %dma_wait3A_302 = tpu.memref_slice %arg9[%add3A_15, %dma_wait3A_301] : memref<10240x32xf32, #tpu.memory_space<vmem_shared>> -> memref<128x32xf32, #tpu.memory_space<vmem_shared>>
      %dma_wait3A_303 = arith.constant 0 : i32
      %dma_wait3A_304 = tpu.memref_slice %arg9[%add3A_15, %dma_wait3A_303] : memref<10240x32xf32, #tpu.memory_space<vmem_shared>> -> memref<128x32xf32, #tpu.memory_space<vmem_shared>>
      tpu.wait_dma2 semaphore(%run_scoped3A_296 : memref<!tpu.dma_semaphore, #tpu.memory_space<semaphore_mem>>) src(%arg8 : memref<128x32xf32, #tpu.memory_space<vmem>>) dst(%dma_wait3A_304 : memref<128x32xf32, #tpu.memory_space<vmem_shared>>)
      tpu.yield
    }) : () -> ()
    %add3A_16 = arith.constant 384 : i32
    %add3A_17 = arith.addi %mul3A_9, %add3A_16 : i32
    "tpu.region"() ({
      %run_scoped3A_296 = tpu.sem_alloc : memref<!tpu.dma_semaphore, #tpu.memory_space<semaphore_mem>>
      %dma_start3A_297 = arith.constant 0 : i32
      %dma_start3A_298 = tpu.memref_slice %arg9[%add3A_17, %dma_start3A_297] : memref<10240x32xf32, #tpu.memory_space<vmem_shared>> -> memref<128x32xf32, #tpu.memory_space<vmem_shared>>
      %dma_start3A_299 = arith.constant 0 : i32
      %dma_start3A_300 = tpu.memref_slice %arg9[%add3A_17, %dma_start3A_299] : memref<10240x32xf32, #tpu.memory_space<vmem_shared>> -> memref<128x32xf32, #tpu.memory_space<vmem_shared>>
      tpu.enqueue_dma source(%arg8 : memref<128x32xf32, #tpu.memory_space<vmem>>) target(%dma_start3A_300 : memref<128x32xf32, #tpu.memory_space<vmem_shared>>) target_semaphore(%run_scoped3A_296 : memref<!tpu.dma_semaphore, #tpu.memory_space<semaphore_mem>>)
      %dma_wait3A_301 = arith.constant 0 : i32
      %dma_wait3A_302 = tpu.memref_slice %arg9[%add3A_17, %dma_wait3A_301] : memref<10240x32xf32, #tpu.memory_space<vmem_shared>> -> memref<128x32xf32, #tpu.memory_space<vmem_shared>>
      %dma_wait3A_303 = arith.constant 0 : i32
      %dma_wait3A_304 = tpu.memref_slice %arg9[%add3A_17, %dma_wait3A_303] : memref<10240x32xf32, #tpu.memory_space<vmem_shared>> -> memref<128x32xf32, #tpu.memory_space<vmem_shared>>
      tpu.wait_dma2 semaphore(%run_scoped3A_296 : memref<!tpu.dma_semaphore, #tpu.memory_space<semaphore_mem>>) src(%arg8 : memref<128x32xf32, #tpu.memory_space<vmem>>) dst(%dma_wait3A_304 : memref<128x32xf32, #tpu.memory_space<vmem_shared>>)
      tpu.yield
    }) : () -> ()
    %add3A_18 = arith.constant 512 : i32
    %add3A_19 = arith.addi %mul3A_9, %add3A_18 : i32
    "tpu.region"() ({
      %run_scoped3A_296 = tpu.sem_alloc : memref<!tpu.dma_semaphore, #tpu.memory_space<semaphore_mem>>
      %dma_start3A_297 = arith.constant 0 : i32
      %dma_start3A_298 = tpu.memref_slice %arg9[%add3A_19, %dma_start3A_297] : memref<10240x32xf32, #tpu.memory_space<vmem_shared>> -> memref<128x32xf32, #tpu.memory_space<vmem_shared>>
      %dma_start3A_299 = arith.constant 0 : i32
      %dma_start3A_300 = tpu.memref_slice %arg9[%add3A_19, %dma_start3A_299] : memref<10240x32xf32, #tpu.memory_space<vmem_shared>> -> memref<128x32xf32, #tpu.memory_space<vmem_shared>>
      tpu.enqueue_dma source(%arg8 : memref<128x32xf32, #tpu.memory_space<vmem>>) target(%dma_start3A_300 : memref<128x32xf32, #tpu.memory_space<vmem_shared>>) target_semaphore(%run_scoped3A_296 : memref<!tpu.dma_semaphore, #tpu.memory_space<semaphore_mem>>)
      %dma_wait3A_301 = arith.constant 0 : i32
      %dma_wait3A_302 = tpu.memref_slice %arg9[%add3A_19, %dma_wait3A_301] : memref<10240x32xf32, #tpu.memory_space<vmem_shared>> -> memref<128x32xf32, #tpu.memory_space<vmem_shared>>
      %dma_wait3A_303 = arith.constant 0 : i32
      %dma_wait3A_304 = tpu.memref_slice %arg9[%add3A_19, %dma_wait3A_303] : memref<10240x32xf32, #tpu.memory_space<vmem_shared>> -> memref<128x32xf32, #tpu.memory_space<vmem_shared>>
      tpu.wait_dma2 semaphore(%run_scoped3A_296 : memref<!tpu.dma_semaphore, #tpu.memory_space<semaphore_mem>>) src(%arg8 : memref<128x32xf32, #tpu.memory_space<vmem>>) dst(%dma_wait3A_304 : memref<128x32xf32, #tpu.memory_space<vmem_shared>>)
      tpu.yield
    }) : () -> ()
    %scan3A_20 = arith.constant 0 : i32
    %scan3A_21 = arith.constant 0 : i32
    %scan3A_22 = arith.constant 128 : i32
    %scan3A_23 = arith.addi %scan3A_21, %scan3A_22 : i32
    %scan3A_24 = arith.constant 1 : i32
    %scan3A_25 = scf.for %scan3A_296 = %scan3A_21 to %scan3A_23 step %scan3A_24 iter_args(%scan3A_297 = %scan3A_20) -> (i32)  : i32 {
      %broadcast_in_dim3A = arith.constant 0.000000e+00 : f32
      %broadcast_in_dim3A_298 = vector.broadcast %broadcast_in_dim3A : f32 to vector<16xf32>
      %swap3A = arith.index_cast %scan3A_296 : i32 to index
      %swap3A_299 = arith.constant 0 : index
      %swap3A_300 = tpu.vector_load %arg13[%swap3A, %swap3A_299] {strides = array<i32>} : memref<128x16xf32, #tpu.memory_space<vmem>>, vector<1x16xf32>,
      %swap3A_301 = vector.shape_cast %swap3A_300 : vector<1x16xf32> to vector<16xf32>
      %swap3A_302 = vector.shape_cast %broadcast_in_dim3A_298 : vector<16xf32> to vector<1x16xf32>
      tpu.vector_store %arg13[%swap3A, %swap3A_299], %swap3A_302 {strides = array<i32>} : memref<128x16xf32, #tpu.memory_space<vmem>>, vector<1x16xf32>,
      %scan3A_303 = arith.constant 0 : i32
      scf.yield %scan3A_303 : i32
    }
    %scan3A_26 = arith.constant 128 : i32
    %scan3A_27 = arith.constant 0 : i32
    %scan3A_28 = arith.constant 0 : i32
    %scan3A_29 = arith.constant 125 : i32
    %scan3A_30 = arith.addi %scan3A_28, %scan3A_29 : i32
    %scan3A_31 = arith.constant 1 : i32
    %scan3A_32 = scf.for %scan3A_296 = %scan3A_28 to %scan3A_30 step %scan3A_31 iter_args(%scan3A_297 = %scan3A_27) -> (i32)  : i32 {
      %broadcast_in_dim3A = arith.constant 1.000000e+00 : f32
      %broadcast_in_dim3A_298 = vector.broadcast %broadcast_in_dim3A : f32 to vector<16xf32>
      %swap3A = arith.index_cast %scan3A_296 : i32 to index
      %swap3A_299 = arith.constant 0 : index
      %swap3A_300 = tpu.vector_load %arg12[%swap3A, %swap3A_299] {strides = array<i32>} : memref<125x16xf32, #tpu.memory_space<vmem>>, vector<1x16xf32>,
      %swap3A_301 = vector.shape_cast %swap3A_300 : vector<1x16xf32> to vector<16xf32>
      %swap3A_302 = vector.shape_cast %broadcast_in_dim3A_298 : vector<16xf32> to vector<1x16xf32>
      tpu.vector_store %arg12[%swap3A, %swap3A_299], %swap3A_302 {strides = array<i32>} : memref<125x16xf32, #tpu.memory_space<vmem>>, vector<1x16xf32>,
      %scan3A_303 = arith.constant 0 : i32
      scf.yield %scan3A_303 : i32
    }
    %scan3A_33 = arith.constant 125 : i32
    %add3A_34 = arith.constant 0 : i32
    %add3A_35 = arith.addi %mul3A_9, %add3A_34 : i32
    "tpu.region"() ({
      %run_scoped3A_296 = tpu.sem_alloc : memref<!tpu.dma_semaphore, #tpu.memory_space<semaphore_mem>>
      %dma_start3A_297 = arith.constant 0 : i32
      %dma_start3A_298 = tpu.memref_slice %arg14[%add3A_35, %dma_start3A_297] : memref<10240x16xf32, #tpu.memory_space<vmem_shared>> -> memref<128x16xf32, #tpu.memory_space<vmem_shared>>
      %dma_start3A_299 = arith.constant 0 : i32
      %dma_start3A_300 = tpu.memref_slice %arg14[%add3A_35, %dma_start3A_299] : memref<10240x16xf32, #tpu.memory_space<vmem_shared>> -> memref<128x16xf32, #tpu.memory_space<vmem_shared>>
      tpu.enqueue_dma source(%arg13 : memref<128x16xf32, #tpu.memory_space<vmem>>) target(%dma_start3A_300 : memref<128x16xf32, #tpu.memory_space<vmem_shared>>) target_semaphore(%run_scoped3A_296 : memref<!tpu.dma_semaphore, #tpu.memory_space<semaphore_mem>>)
      %dma_wait3A_301 = arith.constant 0 : i32
      %dma_wait3A_302 = tpu.memref_slice %arg14[%add3A_35, %dma_wait3A_301] : memref<10240x16xf32, #tpu.memory_space<vmem_shared>> -> memref<128x16xf32, #tpu.memory_space<vmem_shared>>
      %dma_wait3A_303 = arith.constant 0 : i32
      %dma_wait3A_304 = tpu.memref_slice %arg14[%add3A_35, %dma_wait3A_303] : memref<10240x16xf32, #tpu.memory_space<vmem_shared>> -> memref<128x16xf32, #tpu.memory_space<vmem_shared>>
      tpu.wait_dma2 semaphore(%run_scoped3A_296 : memref<!tpu.dma_semaphore, #tpu.memory_space<semaphore_mem>>) src(%arg13 : memref<128x16xf32, #tpu.memory_space<vmem>>) dst(%dma_wait3A_304 : memref<128x16xf32, #tpu.memory_space<vmem_shared>>)
      tpu.yield
    }) : () -> ()
    %add3A_36 = arith.constant 128 : i32
    %add3A_37 = arith.addi %mul3A_9, %add3A_36 : i32
    "tpu.region"() ({
      %run_scoped3A_296 = tpu.sem_alloc : memref<!tpu.dma_semaphore, #tpu.memory_space<semaphore_mem>>
      %dma_start3A_297 = arith.constant 0 : i32
      %dma_start3A_298 = tpu.memref_slice %arg14[%add3A_37, %dma_start3A_297] : memref<10240x16xf32, #tpu.memory_space<vmem_shared>> -> memref<128x16xf32, #tpu.memory_space<vmem_shared>>
      %dma_start3A_299 = arith.constant 0 : i32
      %dma_start3A_300 = tpu.memref_slice %arg14[%add3A_37, %dma_start3A_299] : memref<10240x16xf32, #tpu.memory_space<vmem_shared>> -> memref<128x16xf32, #tpu.memory_space<vmem_shared>>
      tpu.enqueue_dma source(%arg13 : memref<128x16xf32, #tpu.memory_space<vmem>>) target(%dma_start3A_300 : memref<128x16xf32, #tpu.memory_space<vmem_shared>>) target_semaphore(%run_scoped3A_296 : memref<!tpu.dma_semaphore, #tpu.memory_space<semaphore_mem>>)
      %dma_wait3A_301 = arith.constant 0 : i32
      %dma_wait3A_302 = tpu.memref_slice %arg14[%add3A_37, %dma_wait3A_301] : memref<10240x16xf32, #tpu.memory_space<vmem_shared>> -> memref<128x16xf32, #tpu.memory_space<vmem_shared>>
      %dma_wait3A_303 = arith.constant 0 : i32
      %dma_wait3A_304 = tpu.memref_slice %arg14[%add3A_37, %dma_wait3A_303] : memref<10240x16xf32, #tpu.memory_space<vmem_shared>> -> memref<128x16xf32, #tpu.memory_space<vmem_shared>>
      tpu.wait_dma2 semaphore(%run_scoped3A_296 : memref<!tpu.dma_semaphore, #tpu.memory_space<semaphore_mem>>) src(%arg13 : memref<128x16xf32, #tpu.memory_space<vmem>>) dst(%dma_wait3A_304 : memref<128x16xf32, #tpu.memory_space<vmem_shared>>)
      tpu.yield
    }) : () -> ()
    %add3A_38 = arith.constant 256 : i32
    %add3A_39 = arith.addi %mul3A_9, %add3A_38 : i32
    "tpu.region"() ({
      %run_scoped3A_296 = tpu.sem_alloc : memref<!tpu.dma_semaphore, #tpu.memory_space<semaphore_mem>>
      %dma_start3A_297 = arith.constant 0 : i32
      %dma_start3A_298 = tpu.memref_slice %arg14[%add3A_39, %dma_start3A_297] : memref<10240x16xf32, #tpu.memory_space<vmem_shared>> -> memref<128x16xf32, #tpu.memory_space<vmem_shared>>
      %dma_start3A_299 = arith.constant 0 : i32
      %dma_start3A_300 = tpu.memref_slice %arg14[%add3A_39, %dma_start3A_299] : memref<10240x16xf32, #tpu.memory_space<vmem_shared>> -> memref<128x16xf32, #tpu.memory_space<vmem_shared>>
      tpu.enqueue_dma source(%arg13 : memref<128x16xf32, #tpu.memory_space<vmem>>) target(%dma_start3A_300 : memref<128x16xf32, #tpu.memory_space<vmem_shared>>) target_semaphore(%run_scoped3A_296 : memref<!tpu.dma_semaphore, #tpu.memory_space<semaphore_mem>>)
      %dma_wait3A_301 = arith.constant 0 : i32
      %dma_wait3A_302 = tpu.memref_slice %arg14[%add3A_39, %dma_wait3A_301] : memref<10240x16xf32, #tpu.memory_space<vmem_shared>> -> memref<128x16xf32, #tpu.memory_space<vmem_shared>>
      %dma_wait3A_303 = arith.constant 0 : i32
      %dma_wait3A_304 = tpu.memref_slice %arg14[%add3A_39, %dma_wait3A_303] : memref<10240x16xf32, #tpu.memory_space<vmem_shared>> -> memref<128x16xf32, #tpu.memory_space<vmem_shared>>
      tpu.wait_dma2 semaphore(%run_scoped3A_296 : memref<!tpu.dma_semaphore, #tpu.memory_space<semaphore_mem>>) src(%arg13 : memref<128x16xf32, #tpu.memory_space<vmem>>) dst(%dma_wait3A_304 : memref<128x16xf32, #tpu.memory_space<vmem_shared>>)
      tpu.yield
    }) : () -> ()
    %add3A_40 = arith.constant 384 : i32
    %add3A_41 = arith.addi %mul3A_9, %add3A_40 : i32
    "tpu.region"() ({
      %run_scoped3A_296 = tpu.sem_alloc : memref<!tpu.dma_semaphore, #tpu.memory_space<semaphore_mem>>
      %dma_start3A_297 = arith.constant 0 : i32
      %dma_start3A_298 = tpu.memref_slice %arg14[%add3A_41, %dma_start3A_297] : memref<10240x16xf32, #tpu.memory_space<vmem_shared>> -> memref<128x16xf32, #tpu.memory_space<vmem_shared>>
      %dma_start3A_299 = arith.constant 0 : i32
      %dma_start3A_300 = tpu.memref_slice %arg14[%add3A_41, %dma_start3A_299] : memref<10240x16xf32, #tpu.memory_space<vmem_shared>> -> memref<128x16xf32, #tpu.memory_space<vmem_shared>>
      tpu.enqueue_dma source(%arg13 : memref<128x16xf32, #tpu.memory_space<vmem>>) target(%dma_start3A_300 : memref<128x16xf32, #tpu.memory_space<vmem_shared>>) target_semaphore(%run_scoped3A_296 : memref<!tpu.dma_semaphore, #tpu.memory_space<semaphore_mem>>)
      %dma_wait3A_301 = arith.constant 0 : i32
      %dma_wait3A_302 = tpu.memref_slice %arg14[%add3A_41, %dma_wait3A_301] : memref<10240x16xf32, #tpu.memory_space<vmem_shared>> -> memref<128x16xf32, #tpu.memory_space<vmem_shared>>
      %dma_wait3A_303 = arith.constant 0 : i32
      %dma_wait3A_304 = tpu.memref_slice %arg14[%add3A_41, %dma_wait3A_303] : memref<10240x16xf32, #tpu.memory_space<vmem_shared>> -> memref<128x16xf32, #tpu.memory_space<vmem_shared>>
      tpu.wait_dma2 semaphore(%run_scoped3A_296 : memref<!tpu.dma_semaphore, #tpu.memory_space<semaphore_mem>>) src(%arg13 : memref<128x16xf32, #tpu.memory_space<vmem>>) dst(%dma_wait3A_304 : memref<128x16xf32, #tpu.memory_space<vmem_shared>>)
      tpu.yield
    }) : () -> ()
    %add3A_42 = arith.constant 512 : i32
    %add3A_43 = arith.addi %mul3A_9, %add3A_42 : i32
    "tpu.region"() ({
      %run_scoped3A_296 = tpu.sem_alloc : memref<!tpu.dma_semaphore, #tpu.memory_space<semaphore_mem>>
      %dma_start3A_297 = arith.constant 0 : i32
      %dma_start3A_298 = tpu.memref_slice %arg14[%add3A_43, %dma_start3A_297] : memref<10240x16xf32, #tpu.memory_space<vmem_shared>> -> memref<128x16xf32, #tpu.memory_space<vmem_shared>>
      %dma_start3A_299 = arith.constant 0 : i32
      %dma_start3A_300 = tpu.memref_slice %arg14[%add3A_43, %dma_start3A_299] : memref<10240x16xf32, #tpu.memory_space<vmem_shared>> -> memref<128x16xf32, #tpu.memory_space<vmem_shared>>
      tpu.enqueue_dma source(%arg13 : memref<128x16xf32, #tpu.memory_space<vmem>>) target(%dma_start3A_300 : memref<128x16xf32, #tpu.memory_space<vmem_shared>>) target_semaphore(%run_scoped3A_296 : memref<!tpu.dma_semaphore, #tpu.memory_space<semaphore_mem>>)
      %dma_wait3A_301 = arith.constant 0 : i32
      %dma_wait3A_302 = tpu.memref_slice %arg14[%add3A_43, %dma_wait3A_301] : memref<10240x16xf32, #tpu.memory_space<vmem_shared>> -> memref<128x16xf32, #tpu.memory_space<vmem_shared>>
      %dma_wait3A_303 = arith.constant 0 : i32
      %dma_wait3A_304 = tpu.memref_slice %arg14[%add3A_43, %dma_wait3A_303] : memref<10240x16xf32, #tpu.memory_space<vmem_shared>> -> memref<128x16xf32, #tpu.memory_space<vmem_shared>>
      tpu.wait_dma2 semaphore(%run_scoped3A_296 : memref<!tpu.dma_semaphore, #tpu.memory_space<semaphore_mem>>) src(%arg13 : memref<128x16xf32, #tpu.memory_space<vmem>>) dst(%dma_wait3A_304 : memref<128x16xf32, #tpu.memory_space<vmem_shared>>)
      tpu.yield
    }) : () -> ()
    %barrier3A = arith.constant 0 : index
    tpu.barrier barrier_id(%barrier3A)
    %dma_start3A = arith.constant 0 : i32
    %dma_start3A_44 = arith.constant 0 : i32
    %dma_start3A_45 = arith.constant 0 : i32
    %dma_start3A_46 = arith.constant 0 : i32
    %dma_start3A_47 = arith.constant 0 : i32
    %dma_start3A_48 = tpu.memref_slice %arg7[%dma_start3A_44, %dma_start3A_46, %dma_start3A_47] : memref<8x125x32xf32, #tpu.memory_space<vmem>> -> memref<1x125x32xf32, #tpu.memory_space<vmem>>
    %dma_start3A_49 = tpu.memref_squeeze %dma_start3A_48 : memref<1x125x32xf32, #tpu.memory_space<vmem>> -> memref<125x32xf32, #tpu.memory_space<vmem>>
    %dma_start3A_50 = arith.constant 0 : i32
    %dma_start3A_51 = tpu.memref_slice %arg5[%dma_start3A, %dma_start3A_50] : memref<80x125xi32, #tpu.memory_space<vmem>> -> memref<1x125xi32, #tpu.memory_space<vmem>>
    %dma_start3A_52 = tpu.memref_squeeze %dma_start3A_51 : memref<1x125xi32, #tpu.memory_space<vmem>> -> memref<125xi32, #tpu.memory_space<vmem>>
    %dma_start3A_53 = arith.constant 0 : i32
    %dma_start3A_54 = arith.constant 0 : i32
    %dma_start3A_55 = tpu.memref_slice %arg2[%dma_start3A_53, %dma_start3A_54] : memref<10240x32xf32, #tpu.memory_space<hbm>> -> memref<10240x32xf32, #tpu.memory_space<hbm>>
    %dma_start3A_56 = tpu.memref_slice %arg10[%dma_start3A_45] : memref<8x!tpu.dma_semaphore, #tpu.memory_space<semaphore_mem>> -> memref<1x!tpu.dma_semaphore, #tpu.memory_space<semaphore_mem>>
    %dma_start3A_57 = tpu.memref_squeeze %dma_start3A_56 : memref<1x!tpu.dma_semaphore, #tpu.memory_space<semaphore_mem>> -> memref<!tpu.dma_semaphore, #tpu.memory_space<semaphore_mem>>
    tpu.enqueue_indirect_dma source(%dma_start3A_55 : memref<10240x32xf32, #tpu.memory_space<hbm>>) target(%dma_start3A_49 : memref<125x32xf32, #tpu.memory_space<vmem>>) offsets(%dma_start3A_52 : memref<125xi32, #tpu.memory_space<vmem>>) semaphore(%dma_start3A_57 : memref<!tpu.dma_semaphore, #tpu.memory_space<semaphore_mem>>)
    %dma_start3A_58 = arith.constant 1 : i32
    %dma_start3A_59 = arith.constant 1 : i32
    %dma_start3A_60 = arith.constant 1 : i32
    %dma_start3A_61 = arith.constant 0 : i32
    %dma_start3A_62 = arith.constant 0 : i32
    %dma_start3A_63 = tpu.memref_slice %arg7[%dma_start3A_59, %dma_start3A_61, %dma_start3A_62] : memref<8x125x32xf32, #tpu.memory_space<vmem>> -> memref<1x125x32xf32, #tpu.memory_space<vmem>>
    %dma_start3A_64 = tpu.memref_squeeze %dma_start3A_63 : memref<1x125x32xf32, #tpu.memory_space<vmem>> -> memref<125x32xf32, #tpu.memory_space<vmem>>
    %dma_start3A_65 = arith.constant 0 : i32
    %dma_start3A_66 = tpu.memref_slice %arg5[%dma_start3A_58, %dma_start3A_65] : memref<80x125xi32, #tpu.memory_space<vmem>> -> memref<1x125xi32, #tpu.memory_space<vmem>>
    %dma_start3A_67 = tpu.memref_squeeze %dma_start3A_66 : memref<1x125xi32, #tpu.memory_space<vmem>> -> memref<125xi32, #tpu.memory_space<vmem>>
    %dma_start3A_68 = arith.constant 0 : i32
    %dma_start3A_69 = arith.constant 0 : i32
    %dma_start3A_70 = tpu.memref_slice %arg2[%dma_start3A_68, %dma_start3A_69] : memref<10240x32xf32, #tpu.memory_space<hbm>> -> memref<10240x32xf32, #tpu.memory_space<hbm>>
    %dma_start3A_71 = tpu.memref_slice %arg10[%dma_start3A_60] : memref<8x!tpu.dma_semaphore, #tpu.memory_space<semaphore_mem>> -> memref<1x!tpu.dma_semaphore, #tpu.memory_space<semaphore_mem>>
    %dma_start3A_72 = tpu.memref_squeeze %dma_start3A_71 : memref<1x!tpu.dma_semaphore, #tpu.memory_space<semaphore_mem>> -> memref<!tpu.dma_semaphore, #tpu.memory_space<semaphore_mem>>
    tpu.enqueue_indirect_dma source(%dma_start3A_70 : memref<10240x32xf32, #tpu.memory_space<hbm>>) target(%dma_start3A_64 : memref<125x32xf32, #tpu.memory_space<vmem>>) offsets(%dma_start3A_67 : memref<125xi32, #tpu.memory_space<vmem>>) semaphore(%dma_start3A_72 : memref<!tpu.dma_semaphore, #tpu.memory_space<semaphore_mem>>)
    %dma_start3A_73 = arith.constant 2 : i32
    %dma_start3A_74 = arith.constant 2 : i32
    %dma_start3A_75 = arith.constant 2 : i32
    %dma_start3A_76 = arith.constant 0 : i32
    %dma_start3A_77 = arith.constant 0 : i32
    %dma_start3A_78 = tpu.memref_slice %arg7[%dma_start3A_74, %dma_start3A_76, %dma_start3A_77] : memref<8x125x32xf32, #tpu.memory_space<vmem>> -> memref<1x125x32xf32, #tpu.memory_space<vmem>>
    %dma_start3A_79 = tpu.memref_squeeze %dma_start3A_78 : memref<1x125x32xf32, #tpu.memory_space<vmem>> -> memref<125x32xf32, #tpu.memory_space<vmem>>
    %dma_start3A_80 = arith.constant 0 : i32
    %dma_start3A_81 = tpu.memref_slice %arg5[%dma_start3A_73, %dma_start3A_80] : memref<80x125xi32, #tpu.memory_space<vmem>> -> memref<1x125xi32, #tpu.memory_space<vmem>>
    %dma_start3A_82 = tpu.memref_squeeze %dma_start3A_81 : memref<1x125xi32, #tpu.memory_space<vmem>> -> memref<125xi32, #tpu.memory_space<vmem>>
    %dma_start3A_83 = arith.constant 0 : i32
    %dma_start3A_84 = arith.constant 0 : i32
    %dma_start3A_85 = tpu.memref_slice %arg2[%dma_start3A_83, %dma_start3A_84] : memref<10240x32xf32, #tpu.memory_space<hbm>> -> memref<10240x32xf32, #tpu.memory_space<hbm>>
    %dma_start3A_86 = tpu.memref_slice %arg10[%dma_start3A_75] : memref<8x!tpu.dma_semaphore, #tpu.memory_space<semaphore_mem>> -> memref<1x!tpu.dma_semaphore, #tpu.memory_space<semaphore_mem>>
    %dma_start3A_87 = tpu.memref_squeeze %dma_start3A_86 : memref<1x!tpu.dma_semaphore, #tpu.memory_space<semaphore_mem>> -> memref<!tpu.dma_semaphore, #tpu.memory_space<semaphore_mem>>
    tpu.enqueue_indirect_dma source(%dma_start3A_85 : memref<10240x32xf32, #tpu.memory_space<hbm>>) target(%dma_start3A_79 : memref<125x32xf32, #tpu.memory_space<vmem>>) offsets(%dma_start3A_82 : memref<125xi32, #tpu.memory_space<vmem>>) semaphore(%dma_start3A_87 : memref<!tpu.dma_semaphore, #tpu.memory_space<semaphore_mem>>)
    %dma_start3A_88 = arith.constant 3 : i32
    %dma_start3A_89 = arith.constant 3 : i32
    %dma_start3A_90 = arith.constant 3 : i32
    %dma_start3A_91 = arith.constant 0 : i32
    %dma_start3A_92 = arith.constant 0 : i32
    %dma_start3A_93 = tpu.memref_slice %arg7[%dma_start3A_89, %dma_start3A_91, %dma_start3A_92] : memref<8x125x32xf32, #tpu.memory_space<vmem>> -> memref<1x125x32xf32, #tpu.memory_space<vmem>>
    %dma_start3A_94 = tpu.memref_squeeze %dma_start3A_93 : memref<1x125x32xf32, #tpu.memory_space<vmem>> -> memref<125x32xf32, #tpu.memory_space<vmem>>
    %dma_start3A_95 = arith.constant 0 : i32
    %dma_start3A_96 = tpu.memref_slice %arg5[%dma_start3A_88, %dma_start3A_95] : memref<80x125xi32, #tpu.memory_space<vmem>> -> memref<1x125xi32, #tpu.memory_space<vmem>>
    %dma_start3A_97 = tpu.memref_squeeze %dma_start3A_96 : memref<1x125xi32, #tpu.memory_space<vmem>> -> memref<125xi32, #tpu.memory_space<vmem>>
    %dma_start3A_98 = arith.constant 0 : i32
    %dma_start3A_99 = arith.constant 0 : i32
    %dma_start3A_100 = tpu.memref_slice %arg2[%dma_start3A_98, %dma_start3A_99] : memref<10240x32xf32, #tpu.memory_space<hbm>> -> memref<10240x32xf32, #tpu.memory_space<hbm>>
    %dma_start3A_101 = tpu.memref_slice %arg10[%dma_start3A_90] : memref<8x!tpu.dma_semaphore, #tpu.memory_space<semaphore_mem>> -> memref<1x!tpu.dma_semaphore, #tpu.memory_space<semaphore_mem>>
    %dma_start3A_102 = tpu.memref_squeeze %dma_start3A_101 : memref<1x!tpu.dma_semaphore, #tpu.memory_space<semaphore_mem>> -> memref<!tpu.dma_semaphore, #tpu.memory_space<semaphore_mem>>
    tpu.enqueue_indirect_dma source(%dma_start3A_100 : memref<10240x32xf32, #tpu.memory_space<hbm>>) target(%dma_start3A_94 : memref<125x32xf32, #tpu.memory_space<vmem>>) offsets(%dma_start3A_97 : memref<125xi32, #tpu.memory_space<vmem>>) semaphore(%dma_start3A_102 : memref<!tpu.dma_semaphore, #tpu.memory_space<semaphore_mem>>)
    %dma_start3A_103 = arith.constant 4 : i32
    %dma_start3A_104 = arith.constant 4 : i32
    %dma_start3A_105 = arith.constant 4 : i32
    %dma_start3A_106 = arith.constant 0 : i32
    %dma_start3A_107 = arith.constant 0 : i32
    %dma_start3A_108 = tpu.memref_slice %arg7[%dma_start3A_104, %dma_start3A_106, %dma_start3A_107] : memref<8x125x32xf32, #tpu.memory_space<vmem>> -> memref<1x125x32xf32, #tpu.memory_space<vmem>>
    %dma_start3A_109 = tpu.memref_squeeze %dma_start3A_108 : memref<1x125x32xf32, #tpu.memory_space<vmem>> -> memref<125x32xf32, #tpu.memory_space<vmem>>
    %dma_start3A_110 = arith.constant 0 : i32
    %dma_start3A_111 = tpu.memref_slice %arg5[%dma_start3A_103, %dma_start3A_110] : memref<80x125xi32, #tpu.memory_space<vmem>> -> memref<1x125xi32, #tpu.memory_space<vmem>>
    %dma_start3A_112 = tpu.memref_squeeze %dma_start3A_111 : memref<1x125xi32, #tpu.memory_space<vmem>> -> memref<125xi32, #tpu.memory_space<vmem>>
    %dma_start3A_113 = arith.constant 0 : i32
    %dma_start3A_114 = arith.constant 0 : i32
    %dma_start3A_115 = tpu.memref_slice %arg2[%dma_start3A_113, %dma_start3A_114] : memref<10240x32xf32, #tpu.memory_space<hbm>> -> memref<10240x32xf32, #tpu.memory_space<hbm>>
    %dma_start3A_116 = tpu.memref_slice %arg10[%dma_start3A_105] : memref<8x!tpu.dma_semaphore, #tpu.memory_space<semaphore_mem>> -> memref<1x!tpu.dma_semaphore, #tpu.memory_space<semaphore_mem>>
    %dma_start3A_117 = tpu.memref_squeeze %dma_start3A_116 : memref<1x!tpu.dma_semaphore, #tpu.memory_space<semaphore_mem>> -> memref<!tpu.dma_semaphore, #tpu.memory_space<semaphore_mem>>
    tpu.enqueue_indirect_dma source(%dma_start3A_115 : memref<10240x32xf32, #tpu.memory_space<hbm>>) target(%dma_start3A_109 : memref<125x32xf32, #tpu.memory_space<vmem>>) offsets(%dma_start3A_112 : memref<125xi32, #tpu.memory_space<vmem>>) semaphore(%dma_start3A_117 : memref<!tpu.dma_semaphore, #tpu.memory_space<semaphore_mem>>)
    %dma_start3A_118 = arith.constant 5 : i32
    %dma_start3A_119 = arith.constant 5 : i32
    %dma_start3A_120 = arith.constant 5 : i32
    %dma_start3A_121 = arith.constant 0 : i32
    %dma_start3A_122 = arith.constant 0 : i32
    %dma_start3A_123 = tpu.memref_slice %arg7[%dma_start3A_119, %dma_start3A_121, %dma_start3A_122] : memref<8x125x32xf32, #tpu.memory_space<vmem>> -> memref<1x125x32xf32, #tpu.memory_space<vmem>>
    %dma_start3A_124 = tpu.memref_squeeze %dma_start3A_123 : memref<1x125x32xf32, #tpu.memory_space<vmem>> -> memref<125x32xf32, #tpu.memory_space<vmem>>
    %dma_start3A_125 = arith.constant 0 : i32
    %dma_start3A_126 = tpu.memref_slice %arg5[%dma_start3A_118, %dma_start3A_125] : memref<80x125xi32, #tpu.memory_space<vmem>> -> memref<1x125xi32, #tpu.memory_space<vmem>>
    %dma_start3A_127 = tpu.memref_squeeze %dma_start3A_126 : memref<1x125xi32, #tpu.memory_space<vmem>> -> memref<125xi32, #tpu.memory_space<vmem>>
    %dma_start3A_128 = arith.constant 0 : i32
    %dma_start3A_129 = arith.constant 0 : i32
    %dma_start3A_130 = tpu.memref_slice %arg2[%dma_start3A_128, %dma_start3A_129] : memref<10240x32xf32, #tpu.memory_space<hbm>> -> memref<10240x32xf32, #tpu.memory_space<hbm>>
    %dma_start3A_131 = tpu.memref_slice %arg10[%dma_start3A_120] : memref<8x!tpu.dma_semaphore, #tpu.memory_space<semaphore_mem>> -> memref<1x!tpu.dma_semaphore, #tpu.memory_space<semaphore_mem>>
    %dma_start3A_132 = tpu.memref_squeeze %dma_start3A_131 : memref<1x!tpu.dma_semaphore, #tpu.memory_space<semaphore_mem>> -> memref<!tpu.dma_semaphore, #tpu.memory_space<semaphore_mem>>
    tpu.enqueue_indirect_dma source(%dma_start3A_130 : memref<10240x32xf32, #tpu.memory_space<hbm>>) target(%dma_start3A_124 : memref<125x32xf32, #tpu.memory_space<vmem>>) offsets(%dma_start3A_127 : memref<125xi32, #tpu.memory_space<vmem>>) semaphore(%dma_start3A_132 : memref<!tpu.dma_semaphore, #tpu.memory_space<semaphore_mem>>)
    %dma_start3A_133 = arith.constant 6 : i32
    %dma_start3A_134 = arith.constant 6 : i32
    %dma_start3A_135 = arith.constant 6 : i32
    %dma_start3A_136 = arith.constant 0 : i32
    %dma_start3A_137 = arith.constant 0 : i32
    %dma_start3A_138 = tpu.memref_slice %arg7[%dma_start3A_134, %dma_start3A_136, %dma_start3A_137] : memref<8x125x32xf32, #tpu.memory_space<vmem>> -> memref<1x125x32xf32, #tpu.memory_space<vmem>>
    %dma_start3A_139 = tpu.memref_squeeze %dma_start3A_138 : memref<1x125x32xf32, #tpu.memory_space<vmem>> -> memref<125x32xf32, #tpu.memory_space<vmem>>
    %dma_start3A_140 = arith.constant 0 : i32
    %dma_start3A_141 = tpu.memref_slice %arg5[%dma_start3A_133, %dma_start3A_140] : memref<80x125xi32, #tpu.memory_space<vmem>> -> memref<1x125xi32, #tpu.memory_space<vmem>>
    %dma_start3A_142 = tpu.memref_squeeze %dma_start3A_141 : memref<1x125xi32, #tpu.memory_space<vmem>> -> memref<125xi32, #tpu.memory_space<vmem>>
    %dma_start3A_143 = arith.constant 0 : i32
    %dma_start3A_144 = arith.constant 0 : i32
    %dma_start3A_145 = tpu.memref_slice %arg2[%dma_start3A_143, %dma_start3A_144] : memref<10240x32xf32, #tpu.memory_space<hbm>> -> memref<10240x32xf32, #tpu.memory_space<hbm>>
    %dma_start3A_146 = tpu.memref_slice %arg10[%dma_start3A_135] : memref<8x!tpu.dma_semaphore, #tpu.memory_space<semaphore_mem>> -> memref<1x!tpu.dma_semaphore, #tpu.memory_space<semaphore_mem>>
    %dma_start3A_147 = tpu.memref_squeeze %dma_start3A_146 : memref<1x!tpu.dma_semaphore, #tpu.memory_space<semaphore_mem>> -> memref<!tpu.dma_semaphore, #tpu.memory_space<semaphore_mem>>
    tpu.enqueue_indirect_dma source(%dma_start3A_145 : memref<10240x32xf32, #tpu.memory_space<hbm>>) target(%dma_start3A_139 : memref<125x32xf32, #tpu.memory_space<vmem>>) offsets(%dma_start3A_142 : memref<125xi32, #tpu.memory_space<vmem>>) semaphore(%dma_start3A_147 : memref<!tpu.dma_semaphore, #tpu.memory_space<semaphore_mem>>)
    %dma_start3A_148 = arith.constant 7 : i32
    %dma_start3A_149 = arith.constant 7 : i32
    %dma_start3A_150 = arith.constant 7 : i32
    %dma_start3A_151 = arith.constant 0 : i32
    %dma_start3A_152 = arith.constant 0 : i32
    %dma_start3A_153 = tpu.memref_slice %arg7[%dma_start3A_149, %dma_start3A_151, %dma_start3A_152] : memref<8x125x32xf32, #tpu.memory_space<vmem>> -> memref<1x125x32xf32, #tpu.memory_space<vmem>>
    %dma_start3A_154 = tpu.memref_squeeze %dma_start3A_153 : memref<1x125x32xf32, #tpu.memory_space<vmem>> -> memref<125x32xf32, #tpu.memory_space<vmem>>
    %dma_start3A_155 = arith.constant 0 : i32
    %dma_start3A_156 = tpu.memref_slice %arg5[%dma_start3A_148, %dma_start3A_155] : memref<80x125xi32, #tpu.memory_space<vmem>> -> memref<1x125xi32, #tpu.memory_space<vmem>>
    %dma_start3A_157 = tpu.memref_squeeze %dma_start3A_156 : memref<1x125xi32, #tpu.memory_space<vmem>> -> memref<125xi32, #tpu.memory_space<vmem>>
    %dma_start3A_158 = arith.constant 0 : i32
    %dma_start3A_159 = arith.constant 0 : i32
    %dma_start3A_160 = tpu.memref_slice %arg2[%dma_start3A_158, %dma_start3A_159] : memref<10240x32xf32, #tpu.memory_space<hbm>> -> memref<10240x32xf32, #tpu.memory_space<hbm>>
    %dma_start3A_161 = tpu.memref_slice %arg10[%dma_start3A_150] : memref<8x!tpu.dma_semaphore, #tpu.memory_space<semaphore_mem>> -> memref<1x!tpu.dma_semaphore, #tpu.memory_space<semaphore_mem>>
    %dma_start3A_162 = tpu.memref_squeeze %dma_start3A_161 : memref<1x!tpu.dma_semaphore, #tpu.memory_space<semaphore_mem>> -> memref<!tpu.dma_semaphore, #tpu.memory_space<semaphore_mem>>
    tpu.enqueue_indirect_dma source(%dma_start3A_160 : memref<10240x32xf32, #tpu.memory_space<hbm>>) target(%dma_start3A_154 : memref<125x32xf32, #tpu.memory_space<vmem>>) offsets(%dma_start3A_157 : memref<125xi32, #tpu.memory_space<vmem>>) semaphore(%dma_start3A_162 : memref<!tpu.dma_semaphore, #tpu.memory_space<semaphore_mem>>)
    %scan3A_163 = arith.constant 0 : i32
    %scan3A_164 = arith.constant 0 : i32
    %scan3A_165 = arith.constant 10 : i32
    %scan3A_166 = arith.addi %scan3A_164, %scan3A_165 : i32
    %scan3A_167 = arith.constant 1 : i32
    %scan3A_168 = scf.for %scan3A_296 = %scan3A_164 to %scan3A_166 step %scan3A_167 iter_args(%scan3A_297 = %scan3A_163) -> (i32)  : i32 {
      %mul3A_298 = arith.constant 8 : i32
      %mul3A_299 = arith.muli %mul3A_298, %scan3A_296 : i32
      %add3A_300 = arith.constant 0 : i32
      %add3A_301 = arith.addi %mul3A_299, %add3A_300 : i32
      %dma_wait3A_302 = arith.constant 0 : i32
      %dma_wait3A_303 = arith.constant 0 : i32
      %dma_wait3A_304 = arith.constant 0 : i32
      %dma_wait3A_305 = arith.constant 0 : i32
      %dma_wait3A_306 = arith.constant 0 : i32
      %dma_wait3A_307 = tpu.memref_slice %arg7[%dma_wait3A_303, %dma_wait3A_305, %dma_wait3A_306] : memref<8x125x32xf32, #tpu.memory_space<vmem>> -> memref<1x125x32xf32, #tpu.memory_space<vmem>>
      %dma_wait3A_308 = tpu.memref_squeeze %dma_wait3A_307 : memref<1x125x32xf32, #tpu.memory_space<vmem>> -> memref<125x32xf32, #tpu.memory_space<vmem>>
      %dma_wait3A_309 = arith.constant 0 : i32
      %dma_wait3A_310 = tpu.memref_slice %arg5[%dma_wait3A_302, %dma_wait3A_309] : memref<80x125xi32, #tpu.memory_space<vmem>> -> memref<1x125xi32, #tpu.memory_space<vmem>>
      %dma_wait3A_311 = tpu.memref_squeeze %dma_wait3A_310 : memref<1x125xi32, #tpu.memory_space<vmem>> -> memref<125xi32, #tpu.memory_space<vmem>>
      %dma_wait3A_312 = arith.constant 0 : i32
      %dma_wait3A_313 = arith.constant 0 : i32
      %dma_wait3A_314 = tpu.memref_slice %arg2[%dma_wait3A_312, %dma_wait3A_313] : memref<10240x32xf32, #tpu.memory_space<hbm>> -> memref<10240x32xf32, #tpu.memory_space<hbm>>
      %dma_wait3A_315 = tpu.memref_slice %arg10[%dma_wait3A_304] : memref<8x!tpu.dma_semaphore, #tpu.memory_space<semaphore_mem>> -> memref<1x!tpu.dma_semaphore, #tpu.memory_space<semaphore_mem>>
      %dma_wait3A_316 = tpu.memref_squeeze %dma_wait3A_315 : memref<1x!tpu.dma_semaphore, #tpu.memory_space<semaphore_mem>> -> memref<!tpu.dma_semaphore, #tpu.memory_space<semaphore_mem>>
      tpu.wait_indirect_dma semaphore(%dma_wait3A_316 : memref<!tpu.dma_semaphore, #tpu.memory_space<semaphore_mem>>) src(%dma_wait3A_314 : memref<10240x32xf32, #tpu.memory_space<hbm>>) dst(%dma_wait3A_308 : memref<125x32xf32, #tpu.memory_space<vmem>>)
      %dma_start3A_317 = arith.constant 0 : i32
      %dma_start3A_318 = arith.constant 0 : i32
      %dma_start3A_319 = arith.constant 0 : i32
      %dma_start3A_320 = arith.constant 0 : i32
      %dma_start3A_321 = tpu.memref_slice %arg7[%dma_start3A_317, %dma_start3A_319, %dma_start3A_320] : memref<8x125x32xf32, #tpu.memory_space<vmem>> -> memref<1x125x32xf32, #tpu.memory_space<vmem>>
      %dma_start3A_322 = tpu.memref_squeeze %dma_start3A_321 : memref<1x125x32xf32, #tpu.memory_space<vmem>> -> memref<125x32xf32, #tpu.memory_space<vmem>>
      %dma_start3A_323 = arith.constant 0 : i32
      %dma_start3A_324 = tpu.memref_slice %arg6[%add3A_301, %dma_start3A_323] : memref<80x125xi32, #tpu.memory_space<vmem>> -> memref<1x125xi32, #tpu.memory_space<vmem>>
      %dma_start3A_325 = tpu.memref_squeeze %dma_start3A_324 : memref<1x125xi32, #tpu.memory_space<vmem>> -> memref<125xi32, #tpu.memory_space<vmem>>
      %dma_start3A_326 = arith.constant 0 : i32
      %dma_start3A_327 = arith.constant 0 : i32
      %dma_start3A_328 = tpu.memref_slice %arg9[%dma_start3A_326, %dma_start3A_327] : memref<10240x32xf32, #tpu.memory_space<vmem_shared>> -> memref<10240x32xf32, #tpu.memory_space<vmem_shared>>
      %dma_start3A_329 = tpu.memref_slice %arg11[%dma_start3A_318] : memref<8x!tpu.dma_semaphore, #tpu.memory_space<semaphore_mem>> -> memref<1x!tpu.dma_semaphore, #tpu.memory_space<semaphore_mem>>
      %dma_start3A_330 = tpu.memref_squeeze %dma_start3A_329 : memref<1x!tpu.dma_semaphore, #tpu.memory_space<semaphore_mem>> -> memref<!tpu.dma_semaphore, #tpu.memory_space<semaphore_mem>>
      tpu.enqueue_indirect_dma source(%dma_start3A_322 : memref<125x32xf32, #tpu.memory_space<vmem>>) target(%dma_start3A_328 : memref<10240x32xf32, #tpu.memory_space<vmem_shared>>) offsets(%dma_start3A_325 : memref<125xi32, #tpu.memory_space<vmem>>) semaphore(%dma_start3A_330 : memref<!tpu.dma_semaphore, #tpu.memory_space<semaphore_mem>>) {add = true}
      %dma_start3A_331 = arith.constant 0 : i32
      %dma_start3A_332 = arith.constant 0 : i32
      %dma_start3A_333 = tpu.memref_slice %arg6[%add3A_301, %dma_start3A_332] : memref<80x125xi32, #tpu.memory_space<vmem>> -> memref<1x125xi32, #tpu.memory_space<vmem>>
      %dma_start3A_334 = tpu.memref_squeeze %dma_start3A_333 : memref<1x125xi32, #tpu.memory_space<vmem>> -> memref<125xi32, #tpu.memory_space<vmem>>
      %dma_start3A_335 = arith.constant 0 : i32
      %dma_start3A_336 = arith.constant 0 : i32
      %dma_start3A_337 = tpu.memref_slice %arg14[%dma_start3A_335, %dma_start3A_336] : memref<10240x16xf32, #tpu.memory_space<vmem_shared>> -> memref<10240x16xf32, #tpu.memory_space<vmem_shared>>
      %dma_start3A_338 = tpu.memref_slice %arg15[%dma_start3A_331] : memref<8x!tpu.dma_semaphore, #tpu.memory_space<semaphore_mem>> -> memref<1x!tpu.dma_semaphore, #tpu.memory_space<semaphore_mem>>
      %dma_start3A_339 = tpu.memref_squeeze %dma_start3A_338 : memref<1x!tpu.dma_semaphore, #tpu.memory_space<semaphore_mem>> -> memref<!tpu.dma_semaphore, #tpu.memory_space<semaphore_mem>>
      tpu.enqueue_indirect_dma source(%arg12 : memref<125x16xf32, #tpu.memory_space<vmem>>) target(%dma_start3A_337 : memref<10240x16xf32, #tpu.memory_space<vmem_shared>>) offsets(%dma_start3A_334 : memref<125xi32, #tpu.memory_space<vmem>>) semaphore(%dma_start3A_339 : memref<!tpu.dma_semaphore, #tpu.memory_space<semaphore_mem>>) {add = true}
      %mul3A_340 = arith.constant 8 : i32
      %mul3A_341 = arith.muli %mul3A_340, %scan3A_296 : i32
      %add3A_342 = arith.constant 1 : i32
      %add3A_343 = arith.addi %mul3A_341, %add3A_342 : i32
      %dma_wait3A_344 = arith.constant 0 : i32
      %dma_wait3A_345 = arith.constant 1 : i32
      %dma_wait3A_346 = arith.constant 1 : i32
      %dma_wait3A_347 = arith.constant 0 : i32
      %dma_wait3A_348 = arith.constant 0 : i32
      %dma_wait3A_349 = tpu.memref_slice %arg7[%dma_wait3A_345, %dma_wait3A_347, %dma_wait3A_348] : memref<8x125x32xf32, #tpu.memory_space<vmem>> -> memref<1x125x32xf32, #tpu.memory_space<vmem>>
      %dma_wait3A_350 = tpu.memref_squeeze %dma_wait3A_349 : memref<1x125x32xf32, #tpu.memory_space<vmem>> -> memref<125x32xf32, #tpu.memory_space<vmem>>
      %dma_wait3A_351 = arith.constant 0 : i32
      %dma_wait3A_352 = tpu.memref_slice %arg5[%dma_wait3A_344, %dma_wait3A_351] : memref<80x125xi32, #tpu.memory_space<vmem>> -> memref<1x125xi32, #tpu.memory_space<vmem>>
      %dma_wait3A_353 = tpu.memref_squeeze %dma_wait3A_352 : memref<1x125xi32, #tpu.memory_space<vmem>> -> memref<125xi32, #tpu.memory_space<vmem>>
      %dma_wait3A_354 = arith.constant 0 : i32
      %dma_wait3A_355 = arith.constant 0 : i32
      %dma_wait3A_356 = tpu.memref_slice %arg2[%dma_wait3A_354, %dma_wait3A_355] : memref<10240x32xf32, #tpu.memory_space<hbm>> -> memref<10240x32xf32, #tpu.memory_space<hbm>>
      %dma_wait3A_357 = tpu.memref_slice %arg10[%dma_wait3A_346] : memref<8x!tpu.dma_semaphore, #tpu.memory_space<semaphore_mem>> -> memref<1x!tpu.dma_semaphore, #tpu.memory_space<semaphore_mem>>
      %dma_wait3A_358 = tpu.memref_squeeze %dma_wait3A_357 : memref<1x!tpu.dma_semaphore, #tpu.memory_space<semaphore_mem>> -> memref<!tpu.dma_semaphore, #tpu.memory_space<semaphore_mem>>
      tpu.wait_indirect_dma semaphore(%dma_wait3A_358 : memref<!tpu.dma_semaphore, #tpu.memory_space<semaphore_mem>>) src(%dma_wait3A_356 : memref<10240x32xf32, #tpu.memory_space<hbm>>) dst(%dma_wait3A_350 : memref<125x32xf32, #tpu.memory_space<vmem>>)
      %dma_start3A_359 = arith.constant 1 : i32
      %dma_start3A_360 = arith.constant 1 : i32
      %dma_start3A_361 = arith.constant 0 : i32
      %dma_start3A_362 = arith.constant 0 : i32
      %dma_start3A_363 = tpu.memref_slice %arg7[%dma_start3A_359, %dma_start3A_361, %dma_start3A_362] : memref<8x125x32xf32, #tpu.memory_space<vmem>> -> memref<1x125x32xf32, #tpu.memory_space<vmem>>
      %dma_start3A_364 = tpu.memref_squeeze %dma_start3A_363 : memref<1x125x32xf32, #tpu.memory_space<vmem>> -> memref<125x32xf32, #tpu.memory_space<vmem>>
      %dma_start3A_365 = arith.constant 0 : i32
      %dma_start3A_366 = tpu.memref_slice %arg6[%add3A_343, %dma_start3A_365] : memref<80x125xi32, #tpu.memory_space<vmem>> -> memref<1x125xi32, #tpu.memory_space<vmem>>
      %dma_start3A_367 = tpu.memref_squeeze %dma_start3A_366 : memref<1x125xi32, #tpu.memory_space<vmem>> -> memref<125xi32, #tpu.memory_space<vmem>>
      %dma_start3A_368 = arith.constant 0 : i32
      %dma_start3A_369 = arith.constant 0 : i32
      %dma_start3A_370 = tpu.memref_slice %arg9[%dma_start3A_368, %dma_start3A_369] : memref<10240x32xf32, #tpu.memory_space<vmem_shared>> -> memref<10240x32xf32, #tpu.memory_space<vmem_shared>>
      %dma_start3A_371 = tpu.memref_slice %arg11[%dma_start3A_360] : memref<8x!tpu.dma_semaphore, #tpu.memory_space<semaphore_mem>> -> memref<1x!tpu.dma_semaphore, #tpu.memory_space<semaphore_mem>>
      %dma_start3A_372 = tpu.memref_squeeze %dma_start3A_371 : memref<1x!tpu.dma_semaphore, #tpu.memory_space<semaphore_mem>> -> memref<!tpu.dma_semaphore, #tpu.memory_space<semaphore_mem>>
      tpu.enqueue_indirect_dma source(%dma_start3A_364 : memref<125x32xf32, #tpu.memory_space<vmem>>) target(%dma_start3A_370 : memref<10240x32xf32, #tpu.memory_space<vmem_shared>>) offsets(%dma_start3A_367 : memref<125xi32, #tpu.memory_space<vmem>>) semaphore(%dma_start3A_372 : memref<!tpu.dma_semaphore, #tpu.memory_space<semaphore_mem>>) {add = true}
      %dma_start3A_373 = arith.constant 1 : i32
      %dma_start3A_374 = arith.constant 0 : i32
      %dma_start3A_375 = tpu.memref_slice %arg6[%add3A_343, %dma_start3A_374] : memref<80x125xi32, #tpu.memory_space<vmem>> -> memref<1x125xi32, #tpu.memory_space<vmem>>
      %dma_start3A_376 = tpu.memref_squeeze %dma_start3A_375 : memref<1x125xi32, #tpu.memory_space<vmem>> -> memref<125xi32, #tpu.memory_space<vmem>>
      %dma_start3A_377 = arith.constant 0 : i32
      %dma_start3A_378 = arith.constant 0 : i32
      %dma_start3A_379 = tpu.memref_slice %arg14[%dma_start3A_377, %dma_start3A_378] : memref<10240x16xf32, #tpu.memory_space<vmem_shared>> -> memref<10240x16xf32, #tpu.memory_space<vmem_shared>>
      %dma_start3A_380 = tpu.memref_slice %arg15[%dma_start3A_373] : memref<8x!tpu.dma_semaphore, #tpu.memory_space<semaphore_mem>> -> memref<1x!tpu.dma_semaphore, #tpu.memory_space<semaphore_mem>>
      %dma_start3A_381 = tpu.memref_squeeze %dma_start3A_380 : memref<1x!tpu.dma_semaphore, #tpu.memory_space<semaphore_mem>> -> memref<!tpu.dma_semaphore, #tpu.memory_space<semaphore_mem>>
      tpu.enqueue_indirect_dma source(%arg12 : memref<125x16xf32, #tpu.memory_space<vmem>>) target(%dma_start3A_379 : memref<10240x16xf32, #tpu.memory_space<vmem_shared>>) offsets(%dma_start3A_376 : memref<125xi32, #tpu.memory_space<vmem>>) semaphore(%dma_start3A_381 : memref<!tpu.dma_semaphore, #tpu.memory_space<semaphore_mem>>) {add = true}
      %mul3A_382 = arith.constant 8 : i32
      %mul3A_383 = arith.muli %mul3A_382, %scan3A_296 : i32
      %add3A_384 = arith.constant 2 : i32
      %add3A_385 = arith.addi %mul3A_383, %add3A_384 : i32
      %dma_wait3A_386 = arith.constant 0 : i32
      %dma_wait3A_387 = arith.constant 2 : i32
      %dma_wait3A_388 = arith.constant 2 : i32
      %dma_wait3A_389 = arith.constant 0 : i32
      %dma_wait3A_390 = arith.constant 0 : i32
      %dma_wait3A_391 = tpu.memref_slice %arg7[%dma_wait3A_387, %dma_wait3A_389, %dma_wait3A_390] : memref<8x125x32xf32, #tpu.memory_space<vmem>> -> memref<1x125x32xf32, #tpu.memory_space<vmem>>
      %dma_wait3A_392 = tpu.memref_squeeze %dma_wait3A_391 : memref<1x125x32xf32, #tpu.memory_space<vmem>> -> memref<125x32xf32, #tpu.memory_space<vmem>>
      %dma_wait3A_393 = arith.constant 0 : i32
      %dma_wait3A_394 = tpu.memref_slice %arg5[%dma_wait3A_386, %dma_wait3A_393] : memref<80x125xi32, #tpu.memory_space<vmem>> -> memref<1x125xi32, #tpu.memory_space<vmem>>
      %dma_wait3A_395 = tpu.memref_squeeze %dma_wait3A_394 : memref<1x125xi32, #tpu.memory_space<vmem>> -> memref<125xi32, #tpu.memory_space<vmem>>
      %dma_wait3A_396 = arith.constant 0 : i32
      %dma_wait3A_397 = arith.constant 0 : i32
      %dma_wait3A_398 = tpu.memref_slice %arg2[%dma_wait3A_396, %dma_wait3A_397] : memref<10240x32xf32, #tpu.memory_space<hbm>> -> memref<10240x32xf32, #tpu.memory_space<hbm>>
      %dma_wait3A_399 = tpu.memref_slice %arg10[%dma_wait3A_388] : memref<8x!tpu.dma_semaphore, #tpu.memory_space<semaphore_mem>> -> memref<1x!tpu.dma_semaphore, #tpu.memory_space<semaphore_mem>>
      %dma_wait3A_400 = tpu.memref_squeeze %dma_wait3A_399 : memref<1x!tpu.dma_semaphore, #tpu.memory_space<semaphore_mem>> -> memref<!tpu.dma_semaphore, #tpu.memory_space<semaphore_mem>>
      tpu.wait_indirect_dma semaphore(%dma_wait3A_400 : memref<!tpu.dma_semaphore, #tpu.memory_space<semaphore_mem>>) src(%dma_wait3A_398 : memref<10240x32xf32, #tpu.memory_space<hbm>>) dst(%dma_wait3A_392 : memref<125x32xf32, #tpu.memory_space<vmem>>)
      %dma_start3A_401 = arith.constant 2 : i32
      %dma_start3A_402 = arith.constant 2 : i32
      %dma_start3A_403 = arith.constant 0 : i32
      %dma_start3A_404 = arith.constant 0 : i32
      %dma_start3A_405 = tpu.memref_slice %arg7[%dma_start3A_401, %dma_start3A_403, %dma_start3A_404] : memref<8x125x32xf32, #tpu.memory_space<vmem>> -> memref<1x125x32xf32, #tpu.memory_space<vmem>>
      %dma_start3A_406 = tpu.memref_squeeze %dma_start3A_405 : memref<1x125x32xf32, #tpu.memory_space<vmem>> -> memref<125x32xf32, #tpu.memory_space<vmem>>
      %dma_start3A_407 = arith.constant 0 : i32
      %dma_start3A_408 = tpu.memref_slice %arg6[%add3A_385, %dma_start3A_407] : memref<80x125xi32, #tpu.memory_space<vmem>> -> memref<1x125xi32, #tpu.memory_space<vmem>>
      %dma_start3A_409 = tpu.memref_squeeze %dma_start3A_408 : memref<1x125xi32, #tpu.memory_space<vmem>> -> memref<125xi32, #tpu.memory_space<vmem>>
      %dma_start3A_410 = arith.constant 0 : i32
      %dma_start3A_411 = arith.constant 0 : i32
      %dma_start3A_412 = tpu.memref_slice %arg9[%dma_start3A_410, %dma_start3A_411] : memref<10240x32xf32, #tpu.memory_space<vmem_shared>> -> memref<10240x32xf32, #tpu.memory_space<vmem_shared>>
      %dma_start3A_413 = tpu.memref_slice %arg11[%dma_start3A_402] : memref<8x!tpu.dma_semaphore, #tpu.memory_space<semaphore_mem>> -> memref<1x!tpu.dma_semaphore, #tpu.memory_space<semaphore_mem>>
      %dma_start3A_414 = tpu.memref_squeeze %dma_start3A_413 : memref<1x!tpu.dma_semaphore, #tpu.memory_space<semaphore_mem>> -> memref<!tpu.dma_semaphore, #tpu.memory_space<semaphore_mem>>
      tpu.enqueue_indirect_dma source(%dma_start3A_406 : memref<125x32xf32, #tpu.memory_space<vmem>>) target(%dma_start3A_412 : memref<10240x32xf32, #tpu.memory_space<vmem_shared>>) offsets(%dma_start3A_409 : memref<125xi32, #tpu.memory_space<vmem>>) semaphore(%dma_start3A_414 : memref<!tpu.dma_semaphore, #tpu.memory_space<semaphore_mem>>) {add = true}
      %dma_start3A_415 = arith.constant 2 : i32
      %dma_start3A_416 = arith.constant 0 : i32
      %dma_start3A_417 = tpu.memref_slice %arg6[%add3A_385, %dma_start3A_416] : memref<80x125xi32, #tpu.memory_space<vmem>> -> memref<1x125xi32, #tpu.memory_space<vmem>>
      %dma_start3A_418 = tpu.memref_squeeze %dma_start3A_417 : memref<1x125xi32, #tpu.memory_space<vmem>> -> memref<125xi32, #tpu.memory_space<vmem>>
      %dma_start3A_419 = arith.constant 0 : i32
      %dma_start3A_420 = arith.constant 0 : i32
      %dma_start3A_421 = tpu.memref_slice %arg14[%dma_start3A_419, %dma_start3A_420] : memref<10240x16xf32, #tpu.memory_space<vmem_shared>> -> memref<10240x16xf32, #tpu.memory_space<vmem_shared>>
      %dma_start3A_422 = tpu.memref_slice %arg15[%dma_start3A_415] : memref<8x!tpu.dma_semaphore, #tpu.memory_space<semaphore_mem>> -> memref<1x!tpu.dma_semaphore, #tpu.memory_space<semaphore_mem>>
      %dma_start3A_423 = tpu.memref_squeeze %dma_start3A_422 : memref<1x!tpu.dma_semaphore, #tpu.memory_space<semaphore_mem>> -> memref<!tpu.dma_semaphore, #tpu.memory_space<semaphore_mem>>
      tpu.enqueue_indirect_dma source(%arg12 : memref<125x16xf32, #tpu.memory_space<vmem>>) target(%dma_start3A_421 : memref<10240x16xf32, #tpu.memory_space<vmem_shared>>) offsets(%dma_start3A_418 : memref<125xi32, #tpu.memory_space<vmem>>) semaphore(%dma_start3A_423 : memref<!tpu.dma_semaphore, #tpu.memory_space<semaphore_mem>>) {add = true}
      %mul3A_424 = arith.constant 8 : i32
      %mul3A_425 = arith.muli %mul3A_424, %scan3A_296 : i32
      %add3A_426 = arith.constant 3 : i32
      %add3A_427 = arith.addi %mul3A_425, %add3A_426 : i32
      %dma_wait3A_428 = arith.constant 0 : i32
      %dma_wait3A_429 = arith.constant 3 : i32
      %dma_wait3A_430 = arith.constant 3 : i32
      %dma_wait3A_431 = arith.constant 0 : i32
      %dma_wait3A_432 = arith.constant 0 : i32
      %dma_wait3A_433 = tpu.memref_slice %arg7[%dma_wait3A_429, %dma_wait3A_431, %dma_wait3A_432] : memref<8x125x32xf32, #tpu.memory_space<vmem>> -> memref<1x125x32xf32, #tpu.memory_space<vmem>>
      %dma_wait3A_434 = tpu.memref_squeeze %dma_wait3A_433 : memref<1x125x32xf32, #tpu.memory_space<vmem>> -> memref<125x32xf32, #tpu.memory_space<vmem>>
      %dma_wait3A_435 = arith.constant 0 : i32
      %dma_wait3A_436 = tpu.memref_slice %arg5[%dma_wait3A_428, %dma_wait3A_435] : memref<80x125xi32, #tpu.memory_space<vmem>> -> memref<1x125xi32, #tpu.memory_space<vmem>>
      %dma_wait3A_437 = tpu.memref_squeeze %dma_wait3A_436 : memref<1x125xi32, #tpu.memory_space<vmem>> -> memref<125xi32, #tpu.memory_space<vmem>>
      %dma_wait3A_438 = arith.constant 0 : i32
      %dma_wait3A_439 = arith.constant 0 : i32
      %dma_wait3A_440 = tpu.memref_slice %arg2[%dma_wait3A_438, %dma_wait3A_439] : memref<10240x32xf32, #tpu.memory_space<hbm>> -> memref<10240x32xf32, #tpu.memory_space<hbm>>
      %dma_wait3A_441 = tpu.memref_slice %arg10[%dma_wait3A_430] : memref<8x!tpu.dma_semaphore, #tpu.memory_space<semaphore_mem>> -> memref<1x!tpu.dma_semaphore, #tpu.memory_space<semaphore_mem>>
      %dma_wait3A_442 = tpu.memref_squeeze %dma_wait3A_441 : memref<1x!tpu.dma_semaphore, #tpu.memory_space<semaphore_mem>> -> memref<!tpu.dma_semaphore, #tpu.memory_space<semaphore_mem>>
      tpu.wait_indirect_dma semaphore(%dma_wait3A_442 : memref<!tpu.dma_semaphore, #tpu.memory_space<semaphore_mem>>) src(%dma_wait3A_440 : memref<10240x32xf32, #tpu.memory_space<hbm>>) dst(%dma_wait3A_434 : memref<125x32xf32, #tpu.memory_space<vmem>>)
      %dma_start3A_443 = arith.constant 3 : i32
      %dma_start3A_444 = arith.constant 3 : i32
      %dma_start3A_445 = arith.constant 0 : i32
      %dma_start3A_446 = arith.constant 0 : i32
      %dma_start3A_447 = tpu.memref_slice %arg7[%dma_start3A_443, %dma_start3A_445, %dma_start3A_446] : memref<8x125x32xf32, #tpu.memory_space<vmem>> -> memref<1x125x32xf32, #tpu.memory_space<vmem>>
      %dma_start3A_448 = tpu.memref_squeeze %dma_start3A_447 : memref<1x125x32xf32, #tpu.memory_space<vmem>> -> memref<125x32xf32, #tpu.memory_space<vmem>>
      %dma_start3A_449 = arith.constant 0 : i32
      %dma_start3A_450 = tpu.memref_slice %arg6[%add3A_427, %dma_start3A_449] : memref<80x125xi32, #tpu.memory_space<vmem>> -> memref<1x125xi32, #tpu.memory_space<vmem>>
      %dma_start3A_451 = tpu.memref_squeeze %dma_start3A_450 : memref<1x125xi32, #tpu.memory_space<vmem>> -> memref<125xi32, #tpu.memory_space<vmem>>
      %dma_start3A_452 = arith.constant 0 : i32
      %dma_start3A_453 = arith.constant 0 : i32
      %dma_start3A_454 = tpu.memref_slice %arg9[%dma_start3A_452, %dma_start3A_453] : memref<10240x32xf32, #tpu.memory_space<vmem_shared>> -> memref<10240x32xf32, #tpu.memory_space<vmem_shared>>
      %dma_start3A_455 = tpu.memref_slice %arg11[%dma_start3A_444] : memref<8x!tpu.dma_semaphore, #tpu.memory_space<semaphore_mem>> -> memref<1x!tpu.dma_semaphore, #tpu.memory_space<semaphore_mem>>
      %dma_start3A_456 = tpu.memref_squeeze %dma_start3A_455 : memref<1x!tpu.dma_semaphore, #tpu.memory_space<semaphore_mem>> -> memref<!tpu.dma_semaphore, #tpu.memory_space<semaphore_mem>>
      tpu.enqueue_indirect_dma source(%dma_start3A_448 : memref<125x32xf32, #tpu.memory_space<vmem>>) target(%dma_start3A_454 : memref<10240x32xf32, #tpu.memory_space<vmem_shared>>) offsets(%dma_start3A_451 : memref<125xi32, #tpu.memory_space<vmem>>) semaphore(%dma_start3A_456 : memref<!tpu.dma_semaphore, #tpu.memory_space<semaphore_mem>>) {add = true}
      %dma_start3A_457 = arith.constant 3 : i32
      %dma_start3A_458 = arith.constant 0 : i32
      %dma_start3A_459 = tpu.memref_slice %arg6[%add3A_427, %dma_start3A_458] : memref<80x125xi32, #tpu.memory_space<vmem>> -> memref<1x125xi32, #tpu.memory_space<vmem>>
      %dma_start3A_460 = tpu.memref_squeeze %dma_start3A_459 : memref<1x125xi32, #tpu.memory_space<vmem>> -> memref<125xi32, #tpu.memory_space<vmem>>
      %dma_start3A_461 = arith.constant 0 : i32
      %dma_start3A_462 = arith.constant 0 : i32
      %dma_start3A_463 = tpu.memref_slice %arg14[%dma_start3A_461, %dma_start3A_462] : memref<10240x16xf32, #tpu.memory_space<vmem_shared>> -> memref<10240x16xf32, #tpu.memory_space<vmem_shared>>
      %dma_start3A_464 = tpu.memref_slice %arg15[%dma_start3A_457] : memref<8x!tpu.dma_semaphore, #tpu.memory_space<semaphore_mem>> -> memref<1x!tpu.dma_semaphore, #tpu.memory_space<semaphore_mem>>
      %dma_start3A_465 = tpu.memref_squeeze %dma_start3A_464 : memref<1x!tpu.dma_semaphore, #tpu.memory_space<semaphore_mem>> -> memref<!tpu.dma_semaphore, #tpu.memory_space<semaphore_mem>>
      tpu.enqueue_indirect_dma source(%arg12 : memref<125x16xf32, #tpu.memory_space<vmem>>) target(%dma_start3A_463 : memref<10240x16xf32, #tpu.memory_space<vmem_shared>>) offsets(%dma_start3A_460 : memref<125xi32, #tpu.memory_space<vmem>>) semaphore(%dma_start3A_465 : memref<!tpu.dma_semaphore, #tpu.memory_space<semaphore_mem>>) {add = true}
      %mul3A_466 = arith.constant 8 : i32
      %mul3A_467 = arith.muli %mul3A_466, %scan3A_296 : i32
      %add3A_468 = arith.constant 4 : i32
      %add3A_469 = arith.addi %mul3A_467, %add3A_468 : i32
      %dma_wait3A_470 = arith.constant 0 : i32
      %dma_wait3A_471 = arith.constant 4 : i32
      %dma_wait3A_472 = arith.constant 4 : i32
      %dma_wait3A_473 = arith.constant 0 : i32
      %dma_wait3A_474 = arith.constant 0 : i32
      %dma_wait3A_475 = tpu.memref_slice %arg7[%dma_wait3A_471, %dma_wait3A_473, %dma_wait3A_474] : memref<8x125x32xf32, #tpu.memory_space<vmem>> -> memref<1x125x32xf32, #tpu.memory_space<vmem>>
      %dma_wait3A_476 = tpu.memref_squeeze %dma_wait3A_475 : memref<1x125x32xf32, #tpu.memory_space<vmem>> -> memref<125x32xf32, #tpu.memory_space<vmem>>
      %dma_wait3A_477 = arith.constant 0 : i32
      %dma_wait3A_478 = tpu.memref_slice %arg5[%dma_wait3A_470, %dma_wait3A_477] : memref<80x125xi32, #tpu.memory_space<vmem>> -> memref<1x125xi32, #tpu.memory_space<vmem>>
      %dma_wait3A_479 = tpu.memref_squeeze %dma_wait3A_478 : memref<1x125xi32, #tpu.memory_space<vmem>> -> memref<125xi32, #tpu.memory_space<vmem>>
      %dma_wait3A_480 = arith.constant 0 : i32
      %dma_wait3A_481 = arith.constant 0 : i32
      %dma_wait3A_482 = tpu.memref_slice %arg2[%dma_wait3A_480, %dma_wait3A_481] : memref<10240x32xf32, #tpu.memory_space<hbm>> -> memref<10240x32xf32, #tpu.memory_space<hbm>>
      %dma_wait3A_483 = tpu.memref_slice %arg10[%dma_wait3A_472] : memref<8x!tpu.dma_semaphore, #tpu.memory_space<semaphore_mem>> -> memref<1x!tpu.dma_semaphore, #tpu.memory_space<semaphore_mem>>
      %dma_wait3A_484 = tpu.memref_squeeze %dma_wait3A_483 : memref<1x!tpu.dma_semaphore, #tpu.memory_space<semaphore_mem>> -> memref<!tpu.dma_semaphore, #tpu.memory_space<semaphore_mem>>
      tpu.wait_indirect_dma semaphore(%dma_wait3A_484 : memref<!tpu.dma_semaphore, #tpu.memory_space<semaphore_mem>>) src(%dma_wait3A_482 : memref<10240x32xf32, #tpu.memory_space<hbm>>) dst(%dma_wait3A_476 : memref<125x32xf32, #tpu.memory_space<vmem>>)
      %dma_start3A_485 = arith.constant 4 : i32
      %dma_start3A_486 = arith.constant 4 : i32
      %dma_start3A_487 = arith.constant 0 : i32
      %dma_start3A_488 = arith.constant 0 : i32
      %dma_start3A_489 = tpu.memref_slice %arg7[%dma_start3A_485, %dma_start3A_487, %dma_start3A_488] : memref<8x125x32xf32, #tpu.memory_space<vmem>> -> memref<1x125x32xf32, #tpu.memory_space<vmem>>
      %dma_start3A_490 = tpu.memref_squeeze %dma_start3A_489 : memref<1x125x32xf32, #tpu.memory_space<vmem>> -> memref<125x32xf32, #tpu.memory_space<vmem>>
      %dma_start3A_491 = arith.constant 0 : i32
      %dma_start3A_492 = tpu.memref_slice %arg6[%add3A_469, %dma_start3A_491] : memref<80x125xi32, #tpu.memory_space<vmem>> -> memref<1x125xi32, #tpu.memory_space<vmem>>
      %dma_start3A_493 = tpu.memref_squeeze %dma_start3A_492 : memref<1x125xi32, #tpu.memory_space<vmem>> -> memref<125xi32, #tpu.memory_space<vmem>>
      %dma_start3A_494 = arith.constant 0 : i32
      %dma_start3A_495 = arith.constant 0 : i32
      %dma_start3A_496 = tpu.memref_slice %arg9[%dma_start3A_494, %dma_start3A_495] : memref<10240x32xf32, #tpu.memory_space<vmem_shared>> -> memref<10240x32xf32, #tpu.memory_space<vmem_shared>>
      %dma_start3A_497 = tpu.memref_slice %arg11[%dma_start3A_486] : memref<8x!tpu.dma_semaphore, #tpu.memory_space<semaphore_mem>> -> memref<1x!tpu.dma_semaphore, #tpu.memory_space<semaphore_mem>>
      %dma_start3A_498 = tpu.memref_squeeze %dma_start3A_497 : memref<1x!tpu.dma_semaphore, #tpu.memory_space<semaphore_mem>> -> memref<!tpu.dma_semaphore, #tpu.memory_space<semaphore_mem>>
      tpu.enqueue_indirect_dma source(%dma_start3A_490 : memref<125x32xf32, #tpu.memory_space<vmem>>) target(%dma_start3A_496 : memref<10240x32xf32, #tpu.memory_space<vmem_shared>>) offsets(%dma_start3A_493 : memref<125xi32, #tpu.memory_space<vmem>>) semaphore(%dma_start3A_498 : memref<!tpu.dma_semaphore, #tpu.memory_space<semaphore_mem>>) {add = true}
      %dma_start3A_499 = arith.constant 4 : i32
      %dma_start3A_500 = arith.constant 0 : i32
      %dma_start3A_501 = tpu.memref_slice %arg6[%add3A_469, %dma_start3A_500] : memref<80x125xi32, #tpu.memory_space<vmem>> -> memref<1x125xi32, #tpu.memory_space<vmem>>
      %dma_start3A_502 = tpu.memref_squeeze %dma_start3A_501 : memref<1x125xi32, #tpu.memory_space<vmem>> -> memref<125xi32, #tpu.memory_space<vmem>>
      %dma_start3A_503 = arith.constant 0 : i32
      %dma_start3A_504 = arith.constant 0 : i32
      %dma_start3A_505 = tpu.memref_slice %arg14[%dma_start3A_503, %dma_start3A_504] : memref<10240x16xf32, #tpu.memory_space<vmem_shared>> -> memref<10240x16xf32, #tpu.memory_space<vmem_shared>>
      %dma_start3A_506 = tpu.memref_slice %arg15[%dma_start3A_499] : memref<8x!tpu.dma_semaphore, #tpu.memory_space<semaphore_mem>> -> memref<1x!tpu.dma_semaphore, #tpu.memory_space<semaphore_mem>>
      %dma_start3A_507 = tpu.memref_squeeze %dma_start3A_506 : memref<1x!tpu.dma_semaphore, #tpu.memory_space<semaphore_mem>> -> memref<!tpu.dma_semaphore, #tpu.memory_space<semaphore_mem>>
      tpu.enqueue_indirect_dma source(%arg12 : memref<125x16xf32, #tpu.memory_space<vmem>>) target(%dma_start3A_505 : memref<10240x16xf32, #tpu.memory_space<vmem_shared>>) offsets(%dma_start3A_502 : memref<125xi32, #tpu.memory_space<vmem>>) semaphore(%dma_start3A_507 : memref<!tpu.dma_semaphore, #tpu.memory_space<semaphore_mem>>) {add = true}
      %mul3A_508 = arith.constant 8 : i32
      %mul3A_509 = arith.muli %mul3A_508, %scan3A_296 : i32
      %add3A_510 = arith.constant 5 : i32
      %add3A_511 = arith.addi %mul3A_509, %add3A_510 : i32
      %dma_wait3A_512 = arith.constant 0 : i32
      %dma_wait3A_513 = arith.constant 5 : i32
      %dma_wait3A_514 = arith.constant 5 : i32
      %dma_wait3A_515 = arith.constant 0 : i32
      %dma_wait3A_516 = arith.constant 0 : i32
      %dma_wait3A_517 = tpu.memref_slice %arg7[%dma_wait3A_513, %dma_wait3A_515, %dma_wait3A_516] : memref<8x125x32xf32, #tpu.memory_space<vmem>> -> memref<1x125x32xf32, #tpu.memory_space<vmem>>
      %dma_wait3A_518 = tpu.memref_squeeze %dma_wait3A_517 : memref<1x125x32xf32, #tpu.memory_space<vmem>> -> memref<125x32xf32, #tpu.memory_space<vmem>>
      %dma_wait3A_519 = arith.constant 0 : i32
      %dma_wait3A_520 = tpu.memref_slice %arg5[%dma_wait3A_512, %dma_wait3A_519] : memref<80x125xi32, #tpu.memory_space<vmem>> -> memref<1x125xi32, #tpu.memory_space<vmem>>
      %dma_wait3A_521 = tpu.memref_squeeze %dma_wait3A_520 : memref<1x125xi32, #tpu.memory_space<vmem>> -> memref<125xi32, #tpu.memory_space<vmem>>
      %dma_wait3A_522 = arith.constant 0 : i32
      %dma_wait3A_523 = arith.constant 0 : i32
      %dma_wait3A_524 = tpu.memref_slice %arg2[%dma_wait3A_522, %dma_wait3A_523] : memref<10240x32xf32, #tpu.memory_space<hbm>> -> memref<10240x32xf32, #tpu.memory_space<hbm>>
      %dma_wait3A_525 = tpu.memref_slice %arg10[%dma_wait3A_514] : memref<8x!tpu.dma_semaphore, #tpu.memory_space<semaphore_mem>> -> memref<1x!tpu.dma_semaphore, #tpu.memory_space<semaphore_mem>>
      %dma_wait3A_526 = tpu.memref_squeeze %dma_wait3A_525 : memref<1x!tpu.dma_semaphore, #tpu.memory_space<semaphore_mem>> -> memref<!tpu.dma_semaphore, #tpu.memory_space<semaphore_mem>>
      tpu.wait_indirect_dma semaphore(%dma_wait3A_526 : memref<!tpu.dma_semaphore, #tpu.memory_space<semaphore_mem>>) src(%dma_wait3A_524 : memref<10240x32xf32, #tpu.memory_space<hbm>>) dst(%dma_wait3A_518 : memref<125x32xf32, #tpu.memory_space<vmem>>)
      %dma_start3A_527 = arith.constant 5 : i32
      %dma_start3A_528 = arith.constant 5 : i32
      %dma_start3A_529 = arith.constant 0 : i32
      %dma_start3A_530 = arith.constant 0 : i32
      %dma_start3A_531 = tpu.memref_slice %arg7[%dma_start3A_527, %dma_start3A_529, %dma_start3A_530] : memref<8x125x32xf32, #tpu.memory_space<vmem>> -> memref<1x125x32xf32, #tpu.memory_space<vmem>>
      %dma_start3A_532 = tpu.memref_squeeze %dma_start3A_531 : memref<1x125x32xf32, #tpu.memory_space<vmem>> -> memref<125x32xf32, #tpu.memory_space<vmem>>
      %dma_start3A_533 = arith.constant 0 : i32
      %dma_start3A_534 = tpu.memref_slice %arg6[%add3A_511, %dma_start3A_533] : memref<80x125xi32, #tpu.memory_space<vmem>> -> memref<1x125xi32, #tpu.memory_space<vmem>>
      %dma_start3A_535 = tpu.memref_squeeze %dma_start3A_534 : memref<1x125xi32, #tpu.memory_space<vmem>> -> memref<125xi32, #tpu.memory_space<vmem>>
      %dma_start3A_536 = arith.constant 0 : i32
      %dma_start3A_537 = arith.constant 0 : i32
      %dma_start3A_538 = tpu.memref_slice %arg9[%dma_start3A_536, %dma_start3A_537] : memref<10240x32xf32, #tpu.memory_space<vmem_shared>> -> memref<10240x32xf32, #tpu.memory_space<vmem_shared>>
      %dma_start3A_539 = tpu.memref_slice %arg11[%dma_start3A_528] : memref<8x!tpu.dma_semaphore, #tpu.memory_space<semaphore_mem>> -> memref<1x!tpu.dma_semaphore, #tpu.memory_space<semaphore_mem>>
      %dma_start3A_540 = tpu.memref_squeeze %dma_start3A_539 : memref<1x!tpu.dma_semaphore, #tpu.memory_space<semaphore_mem>> -> memref<!tpu.dma_semaphore, #tpu.memory_space<semaphore_mem>>
      tpu.enqueue_indirect_dma source(%dma_start3A_532 : memref<125x32xf32, #tpu.memory_space<vmem>>) target(%dma_start3A_538 : memref<10240x32xf32, #tpu.memory_space<vmem_shared>>) offsets(%dma_start3A_535 : memref<125xi32, #tpu.memory_space<vmem>>) semaphore(%dma_start3A_540 : memref<!tpu.dma_semaphore, #tpu.memory_space<semaphore_mem>>) {add = true}
      %dma_start3A_541 = arith.constant 5 : i32
      %dma_start3A_542 = arith.constant 0 : i32
      %dma_start3A_543 = tpu.memref_slice %arg6[%add3A_511, %dma_start3A_542] : memref<80x125xi32, #tpu.memory_space<vmem>> -> memref<1x125xi32, #tpu.memory_space<vmem>>
      %dma_start3A_544 = tpu.memref_squeeze %dma_start3A_543 : memref<1x125xi32, #tpu.memory_space<vmem>> -> memref<125xi32, #tpu.memory_space<vmem>>
      %dma_start3A_545 = arith.constant 0 : i32
      %dma_start3A_546 = arith.constant 0 : i32
      %dma_start3A_547 = tpu.memref_slice %arg14[%dma_start3A_545, %dma_start3A_546] : memref<10240x16xf32, #tpu.memory_space<vmem_shared>> -> memref<10240x16xf32, #tpu.memory_space<vmem_shared>>
      %dma_start3A_548 = tpu.memref_slice %arg15[%dma_start3A_541] : memref<8x!tpu.dma_semaphore, #tpu.memory_space<semaphore_mem>> -> memref<1x!tpu.dma_semaphore, #tpu.memory_space<semaphore_mem>>
      %dma_start3A_549 = tpu.memref_squeeze %dma_start3A_548 : memref<1x!tpu.dma_semaphore, #tpu.memory_space<semaphore_mem>> -> memref<!tpu.dma_semaphore, #tpu.memory_space<semaphore_mem>>
      tpu.enqueue_indirect_dma source(%arg12 : memref<125x16xf32, #tpu.memory_space<vmem>>) target(%dma_start3A_547 : memref<10240x16xf32, #tpu.memory_space<vmem_shared>>) offsets(%dma_start3A_544 : memref<125xi32, #tpu.memory_space<vmem>>) semaphore(%dma_start3A_549 : memref<!tpu.dma_semaphore, #tpu.memory_space<semaphore_mem>>) {add = true}
      %mul3A_550 = arith.constant 8 : i32
      %mul3A_551 = arith.muli %mul3A_550, %scan3A_296 : i32
      %add3A_552 = arith.constant 6 : i32
      %add3A_553 = arith.addi %mul3A_551, %add3A_552 : i32
      %dma_wait3A_554 = arith.constant 0 : i32
      %dma_wait3A_555 = arith.constant 6 : i32
      %dma_wait3A_556 = arith.constant 6 : i32
      %dma_wait3A_557 = arith.constant 0 : i32
      %dma_wait3A_558 = arith.constant 0 : i32
      %dma_wait3A_559 = tpu.memref_slice %arg7[%dma_wait3A_555, %dma_wait3A_557, %dma_wait3A_558] : memref<8x125x32xf32, #tpu.memory_space<vmem>> -> memref<1x125x32xf32, #tpu.memory_space<vmem>>
      %dma_wait3A_560 = tpu.memref_squeeze %dma_wait3A_559 : memref<1x125x32xf32, #tpu.memory_space<vmem>> -> memref<125x32xf32, #tpu.memory_space<vmem>>
      %dma_wait3A_561 = arith.constant 0 : i32
      %dma_wait3A_562 = tpu.memref_slice %arg5[%dma_wait3A_554, %dma_wait3A_561] : memref<80x125xi32, #tpu.memory_space<vmem>> -> memref<1x125xi32, #tpu.memory_space<vmem>>
      %dma_wait3A_563 = tpu.memref_squeeze %dma_wait3A_562 : memref<1x125xi32, #tpu.memory_space<vmem>> -> memref<125xi32, #tpu.memory_space<vmem>>
      %dma_wait3A_564 = arith.constant 0 : i32
      %dma_wait3A_565 = arith.constant 0 : i32
      %dma_wait3A_566 = tpu.memref_slice %arg2[%dma_wait3A_564, %dma_wait3A_565] : memref<10240x32xf32, #tpu.memory_space<hbm>> -> memref<10240x32xf32, #tpu.memory_space<hbm>>
      %dma_wait3A_567 = tpu.memref_slice %arg10[%dma_wait3A_556] : memref<8x!tpu.dma_semaphore, #tpu.memory_space<semaphore_mem>> -> memref<1x!tpu.dma_semaphore, #tpu.memory_space<semaphore_mem>>
      %dma_wait3A_568 = tpu.memref_squeeze %dma_wait3A_567 : memref<1x!tpu.dma_semaphore, #tpu.memory_space<semaphore_mem>> -> memref<!tpu.dma_semaphore, #tpu.memory_space<semaphore_mem>>
      tpu.wait_indirect_dma semaphore(%dma_wait3A_568 : memref<!tpu.dma_semaphore, #tpu.memory_space<semaphore_mem>>) src(%dma_wait3A_566 : memref<10240x32xf32, #tpu.memory_space<hbm>>) dst(%dma_wait3A_560 : memref<125x32xf32, #tpu.memory_space<vmem>>)
      %dma_start3A_569 = arith.constant 6 : i32
      %dma_start3A_570 = arith.constant 6 : i32
      %dma_start3A_571 = arith.constant 0 : i32
      %dma_start3A_572 = arith.constant 0 : i32
      %dma_start3A_573 = tpu.memref_slice %arg7[%dma_start3A_569, %dma_start3A_571, %dma_start3A_572] : memref<8x125x32xf32, #tpu.memory_space<vmem>> -> memref<1x125x32xf32, #tpu.memory_space<vmem>>
      %dma_start3A_574 = tpu.memref_squeeze %dma_start3A_573 : memref<1x125x32xf32, #tpu.memory_space<vmem>> -> memref<125x32xf32, #tpu.memory_space<vmem>>
      %dma_start3A_575 = arith.constant 0 : i32
      %dma_start3A_576 = tpu.memref_slice %arg6[%add3A_553, %dma_start3A_575] : memref<80x125xi32, #tpu.memory_space<vmem>> -> memref<1x125xi32, #tpu.memory_space<vmem>>
      %dma_start3A_577 = tpu.memref_squeeze %dma_start3A_576 : memref<1x125xi32, #tpu.memory_space<vmem>> -> memref<125xi32, #tpu.memory_space<vmem>>
      %dma_start3A_578 = arith.constant 0 : i32
      %dma_start3A_579 = arith.constant 0 : i32
      %dma_start3A_580 = tpu.memref_slice %arg9[%dma_start3A_578, %dma_start3A_579] : memref<10240x32xf32, #tpu.memory_space<vmem_shared>> -> memref<10240x32xf32, #tpu.memory_space<vmem_shared>>
      %dma_start3A_581 = tpu.memref_slice %arg11[%dma_start3A_570] : memref<8x!tpu.dma_semaphore, #tpu.memory_space<semaphore_mem>> -> memref<1x!tpu.dma_semaphore, #tpu.memory_space<semaphore_mem>>
      %dma_start3A_582 = tpu.memref_squeeze %dma_start3A_581 : memref<1x!tpu.dma_semaphore, #tpu.memory_space<semaphore_mem>> -> memref<!tpu.dma_semaphore, #tpu.memory_space<semaphore_mem>>
      tpu.enqueue_indirect_dma source(%dma_start3A_574 : memref<125x32xf32, #tpu.memory_space<vmem>>) target(%dma_start3A_580 : memref<10240x32xf32, #tpu.memory_space<vmem_shared>>) offsets(%dma_start3A_577 : memref<125xi32, #tpu.memory_space<vmem>>) semaphore(%dma_start3A_582 : memref<!tpu.dma_semaphore, #tpu.memory_space<semaphore_mem>>) {add = true}
      %dma_start3A_583 = arith.constant 6 : i32
      %dma_start3A_584 = arith.constant 0 : i32
      %dma_start3A_585 = tpu.memref_slice %arg6[%add3A_553, %dma_start3A_584] : memref<80x125xi32, #tpu.memory_space<vmem>> -> memref<1x125xi32, #tpu.memory_space<vmem>>
      %dma_start3A_586 = tpu.memref_squeeze %dma_start3A_585 : memref<1x125xi32, #tpu.memory_space<vmem>> -> memref<125xi32, #tpu.memory_space<vmem>>
      %dma_start3A_587 = arith.constant 0 : i32
      %dma_start3A_588 = arith.constant 0 : i32
      %dma_start3A_589 = tpu.memref_slice %arg14[%dma_start3A_587, %dma_start3A_588] : memref<10240x16xf32, #tpu.memory_space<vmem_shared>> -> memref<10240x16xf32, #tpu.memory_space<vmem_shared>>
      %dma_start3A_590 = tpu.memref_slice %arg15[%dma_start3A_583] : memref<8x!tpu.dma_semaphore, #tpu.memory_space<semaphore_mem>> -> memref<1x!tpu.dma_semaphore, #tpu.memory_space<semaphore_mem>>
      %dma_start3A_591 = tpu.memref_squeeze %dma_start3A_590 : memref<1x!tpu.dma_semaphore, #tpu.memory_space<semaphore_mem>> -> memref<!tpu.dma_semaphore, #tpu.memory_space<semaphore_mem>>
      tpu.enqueue_indirect_dma source(%arg12 : memref<125x16xf32, #tpu.memory_space<vmem>>) target(%dma_start3A_589 : memref<10240x16xf32, #tpu.memory_space<vmem_shared>>) offsets(%dma_start3A_586 : memref<125xi32, #tpu.memory_space<vmem>>) semaphore(%dma_start3A_591 : memref<!tpu.dma_semaphore, #tpu.memory_space<semaphore_mem>>) {add = true}
      %mul3A_592 = arith.constant 8 : i32
      %mul3A_593 = arith.muli %mul3A_592, %scan3A_296 : i32
      %add3A_594 = arith.constant 7 : i32
      %add3A_595 = arith.addi %mul3A_593, %add3A_594 : i32
      %dma_wait3A_596 = arith.constant 0 : i32
      %dma_wait3A_597 = arith.constant 7 : i32
      %dma_wait3A_598 = arith.constant 7 : i32
      %dma_wait3A_599 = arith.constant 0 : i32
      %dma_wait3A_600 = arith.constant 0 : i32
      %dma_wait3A_601 = tpu.memref_slice %arg7[%dma_wait3A_597, %dma_wait3A_599, %dma_wait3A_600] : memref<8x125x32xf32, #tpu.memory_space<vmem>> -> memref<1x125x32xf32, #tpu.memory_space<vmem>>
      %dma_wait3A_602 = tpu.memref_squeeze %dma_wait3A_601 : memref<1x125x32xf32, #tpu.memory_space<vmem>> -> memref<125x32xf32, #tpu.memory_space<vmem>>
      %dma_wait3A_603 = arith.constant 0 : i32
      %dma_wait3A_604 = tpu.memref_slice %arg5[%dma_wait3A_596, %dma_wait3A_603] : memref<80x125xi32, #tpu.memory_space<vmem>> -> memref<1x125xi32, #tpu.memory_space<vmem>>
      %dma_wait3A_605 = tpu.memref_squeeze %dma_wait3A_604 : memref<1x125xi32, #tpu.memory_space<vmem>> -> memref<125xi32, #tpu.memory_space<vmem>>
      %dma_wait3A_606 = arith.constant 0 : i32
      %dma_wait3A_607 = arith.constant 0 : i32
      %dma_wait3A_608 = tpu.memref_slice %arg2[%dma_wait3A_606, %dma_wait3A_607] : memref<10240x32xf32, #tpu.memory_space<hbm>> -> memref<10240x32xf32, #tpu.memory_space<hbm>>
      %dma_wait3A_609 = tpu.memref_slice %arg10[%dma_wait3A_598] : memref<8x!tpu.dma_semaphore, #tpu.memory_space<semaphore_mem>> -> memref<1x!tpu.dma_semaphore, #tpu.memory_space<semaphore_mem>>
      %dma_wait3A_610 = tpu.memref_squeeze %dma_wait3A_609 : memref<1x!tpu.dma_semaphore, #tpu.memory_space<semaphore_mem>> -> memref<!tpu.dma_semaphore, #tpu.memory_space<semaphore_mem>>
      tpu.wait_indirect_dma semaphore(%dma_wait3A_610 : memref<!tpu.dma_semaphore, #tpu.memory_space<semaphore_mem>>) src(%dma_wait3A_608 : memref<10240x32xf32, #tpu.memory_space<hbm>>) dst(%dma_wait3A_602 : memref<125x32xf32, #tpu.memory_space<vmem>>)
      %dma_start3A_611 = arith.constant 7 : i32
      %dma_start3A_612 = arith.constant 7 : i32
      %dma_start3A_613 = arith.constant 0 : i32
      %dma_start3A_614 = arith.constant 0 : i32
      %dma_start3A_615 = tpu.memref_slice %arg7[%dma_start3A_611, %dma_start3A_613, %dma_start3A_614] : memref<8x125x32xf32, #tpu.memory_space<vmem>> -> memref<1x125x32xf32, #tpu.memory_space<vmem>>
      %dma_start3A_616 = tpu.memref_squeeze %dma_start3A_615 : memref<1x125x32xf32, #tpu.memory_space<vmem>> -> memref<125x32xf32, #tpu.memory_space<vmem>>
      %dma_start3A_617 = arith.constant 0 : i32
      %dma_start3A_618 = tpu.memref_slice %arg6[%add3A_595, %dma_start3A_617] : memref<80x125xi32, #tpu.memory_space<vmem>> -> memref<1x125xi32, #tpu.memory_space<vmem>>
      %dma_start3A_619 = tpu.memref_squeeze %dma_start3A_618 : memref<1x125xi32, #tpu.memory_space<vmem>> -> memref<125xi32, #tpu.memory_space<vmem>>
      %dma_start3A_620 = arith.constant 0 : i32
      %dma_start3A_621 = arith.constant 0 : i32
      %dma_start3A_622 = tpu.memref_slice %arg9[%dma_start3A_620, %dma_start3A_621] : memref<10240x32xf32, #tpu.memory_space<vmem_shared>> -> memref<10240x32xf32, #tpu.memory_space<vmem_shared>>
      %dma_start3A_623 = tpu.memref_slice %arg11[%dma_start3A_612] : memref<8x!tpu.dma_semaphore, #tpu.memory_space<semaphore_mem>> -> memref<1x!tpu.dma_semaphore, #tpu.memory_space<semaphore_mem>>
      %dma_start3A_624 = tpu.memref_squeeze %dma_start3A_623 : memref<1x!tpu.dma_semaphore, #tpu.memory_space<semaphore_mem>> -> memref<!tpu.dma_semaphore, #tpu.memory_space<semaphore_mem>>
      tpu.enqueue_indirect_dma source(%dma_start3A_616 : memref<125x32xf32, #tpu.memory_space<vmem>>) target(%dma_start3A_622 : memref<10240x32xf32, #tpu.memory_space<vmem_shared>>) offsets(%dma_start3A_619 : memref<125xi32, #tpu.memory_space<vmem>>) semaphore(%dma_start3A_624 : memref<!tpu.dma_semaphore, #tpu.memory_space<semaphore_mem>>) {add = true}
      %dma_start3A_625 = arith.constant 7 : i32
      %dma_start3A_626 = arith.constant 0 : i32
      %dma_start3A_627 = tpu.memref_slice %arg6[%add3A_595, %dma_start3A_626] : memref<80x125xi32, #tpu.memory_space<vmem>> -> memref<1x125xi32, #tpu.memory_space<vmem>>
      %dma_start3A_628 = tpu.memref_squeeze %dma_start3A_627 : memref<1x125xi32, #tpu.memory_space<vmem>> -> memref<125xi32, #tpu.memory_space<vmem>>
      %dma_start3A_629 = arith.constant 0 : i32
      %dma_start3A_630 = arith.constant 0 : i32
      %dma_start3A_631 = tpu.memref_slice %arg14[%dma_start3A_629, %dma_start3A_630] : memref<10240x16xf32, #tpu.memory_space<vmem_shared>> -> memref<10240x16xf32, #tpu.memory_space<vmem_shared>>
      %dma_start3A_632 = tpu.memref_slice %arg15[%dma_start3A_625] : memref<8x!tpu.dma_semaphore, #tpu.memory_space<semaphore_mem>> -> memref<1x!tpu.dma_semaphore, #tpu.memory_space<semaphore_mem>>
      %dma_start3A_633 = tpu.memref_squeeze %dma_start3A_632 : memref<1x!tpu.dma_semaphore, #tpu.memory_space<semaphore_mem>> -> memref<!tpu.dma_semaphore, #tpu.memory_space<semaphore_mem>>
      tpu.enqueue_indirect_dma source(%arg12 : memref<125x16xf32, #tpu.memory_space<vmem>>) target(%dma_start3A_631 : memref<10240x16xf32, #tpu.memory_space<vmem_shared>>) offsets(%dma_start3A_628 : memref<125xi32, #tpu.memory_space<vmem>>) semaphore(%dma_start3A_633 : memref<!tpu.dma_semaphore, #tpu.memory_space<semaphore_mem>>) {add = true}
      %mul3A_634 = arith.constant 8 : i32
      %mul3A_635 = arith.muli %mul3A_634, %scan3A_296 : i32
      %add3A_636 = arith.constant 0 : i32
      %add3A_637 = arith.addi %mul3A_635, %add3A_636 : i32
      %dma_wait3A_638 = arith.constant 0 : i32
      %dma_wait3A_639 = arith.constant 0 : i32
      %dma_wait3A_640 = arith.constant 0 : i32
      %dma_wait3A_641 = arith.constant 0 : i32
      %dma_wait3A_642 = tpu.memref_slice %arg7[%dma_wait3A_638, %dma_wait3A_640, %dma_wait3A_641] : memref<8x125x32xf32, #tpu.memory_space<vmem>> -> memref<1x125x32xf32, #tpu.memory_space<vmem>>
      %dma_wait3A_643 = tpu.memref_squeeze %dma_wait3A_642 : memref<1x125x32xf32, #tpu.memory_space<vmem>> -> memref<125x32xf32, #tpu.memory_space<vmem>>
      %dma_wait3A_644 = arith.constant 0 : i32
      %dma_wait3A_645 = arith.constant 0 : i32
      %dma_wait3A_646 = tpu.memref_slice %arg9[%dma_wait3A_644, %dma_wait3A_645] : memref<10240x32xf32, #tpu.memory_space<vmem_shared>> -> memref<125x32xf32, #tpu.memory_space<vmem_shared>>
      %dma_wait3A_647 = tpu.memref_slice %arg11[%dma_wait3A_639] : memref<8x!tpu.dma_semaphore, #tpu.memory_space<semaphore_mem>> -> memref<1x!tpu.dma_semaphore, #tpu.memory_space<semaphore_mem>>
      %dma_wait3A_648 = tpu.memref_squeeze %dma_wait3A_647 : memref<1x!tpu.dma_semaphore, #tpu.memory_space<semaphore_mem>> -> memref<!tpu.dma_semaphore, #tpu.memory_space<semaphore_mem>>
      %dma_wait3A_649 = arith.constant 0 : i32
      %dma_wait3A_650 = arith.constant 0 : i32
      %dma_wait3A_651 = tpu.memref_slice %arg9[%dma_wait3A_649, %dma_wait3A_650] : memref<10240x32xf32, #tpu.memory_space<vmem_shared>> -> memref<125x32xf32, #tpu.memory_space<vmem_shared>>
      %dma_wait3A_652 = arith.constant 0 : i32
      %dma_wait3A_653 = arith.constant 0 : i32
      %dma_wait3A_654 = tpu.memref_slice %arg7[%dma_wait3A_638, %dma_wait3A_652, %dma_wait3A_653] : memref<8x125x32xf32, #tpu.memory_space<vmem>> -> memref<1x125x32xf32, #tpu.memory_space<vmem>>
      %dma_wait3A_655 = tpu.memref_squeeze %dma_wait3A_654 : memref<1x125x32xf32, #tpu.memory_space<vmem>> -> memref<125x32xf32, #tpu.memory_space<vmem>>
      tpu.wait_dma2 semaphore(%dma_wait3A_648 : memref<!tpu.dma_semaphore, #tpu.memory_space<semaphore_mem>>) src(%dma_wait3A_655 : memref<125x32xf32, #tpu.memory_space<vmem>>) dst(%dma_wait3A_651 : memref<125x32xf32, #tpu.memory_space<vmem_shared>>)
      %dma_wait3A_656 = arith.constant 0 : i32
      %dma_wait3A_657 = arith.constant 0 : i32
      %dma_wait3A_658 = arith.constant 0 : i32
      %dma_wait3A_659 = tpu.memref_slice %arg14[%dma_wait3A_657, %dma_wait3A_658] : memref<10240x16xf32, #tpu.memory_space<vmem_shared>> -> memref<125x16xf32, #tpu.memory_space<vmem_shared>>
      %dma_wait3A_660 = tpu.memref_slice %arg15[%dma_wait3A_656] : memref<8x!tpu.dma_semaphore, #tpu.memory_space<semaphore_mem>> -> memref<1x!tpu.dma_semaphore, #tpu.memory_space<semaphore_mem>>
      %dma_wait3A_661 = tpu.memref_squeeze %dma_wait3A_660 : memref<1x!tpu.dma_semaphore, #tpu.memory_space<semaphore_mem>> -> memref<!tpu.dma_semaphore, #tpu.memory_space<semaphore_mem>>
      %dma_wait3A_662 = arith.constant 0 : i32
      %dma_wait3A_663 = arith.constant 0 : i32
      %dma_wait3A_664 = tpu.memref_slice %arg14[%dma_wait3A_662, %dma_wait3A_663] : memref<10240x16xf32, #tpu.memory_space<vmem_shared>> -> memref<125x16xf32, #tpu.memory_space<vmem_shared>>
      tpu.wait_dma2 semaphore(%dma_wait3A_661 : memref<!tpu.dma_semaphore, #tpu.memory_space<semaphore_mem>>) src(%arg12 : memref<125x16xf32, #tpu.memory_space<vmem>>) dst(%dma_wait3A_664 : memref<125x16xf32, #tpu.memory_space<vmem_shared>>)
      %add3A_665 = arith.constant 8 : i32
      %add3A_666 = arith.addi %add3A_637, %add3A_665 : i32
      %min3A = arith.constant 79 : i32
      %min3A_667 = arith.minsi %add3A_666, %min3A : i32
      %dma_start3A_668 = arith.constant 0 : i32
      %dma_start3A_669 = arith.constant 0 : i32
      %dma_start3A_670 = arith.constant 0 : i32
      %dma_start3A_671 = arith.constant 0 : i32
      %dma_start3A_672 = tpu.memref_slice %arg7[%dma_start3A_668, %dma_start3A_670, %dma_start3A_671] : memref<8x125x32xf32, #tpu.memory_space<vmem>> -> memref<1x125x32xf32, #tpu.memory_space<vmem>>
      %dma_start3A_673 = tpu.memref_squeeze %dma_start3A_672 : memref<1x125x32xf32, #tpu.memory_space<vmem>> -> memref<125x32xf32, #tpu.memory_space<vmem>>
      %dma_start3A_674 = arith.constant 0 : i32
      %dma_start3A_675 = tpu.memref_slice %arg5[%min3A_667, %dma_start3A_674] : memref<80x125xi32, #tpu.memory_space<vmem>> -> memref<1x125xi32, #tpu.memory_space<vmem>>
      %dma_start3A_676 = tpu.memref_squeeze %dma_start3A_675 : memref<1x125xi32, #tpu.memory_space<vmem>> -> memref<125xi32, #tpu.memory_space<vmem>>
      %dma_start3A_677 = arith.constant 0 : i32
      %dma_start3A_678 = arith.constant 0 : i32
      %dma_start3A_679 = tpu.memref_slice %arg2[%dma_start3A_677, %dma_start3A_678] : memref<10240x32xf32, #tpu.memory_space<hbm>> -> memref<10240x32xf32, #tpu.memory_space<hbm>>
      %dma_start3A_680 = tpu.memref_slice %arg10[%dma_start3A_669] : memref<8x!tpu.dma_semaphore, #tpu.memory_space<semaphore_mem>> -> memref<1x!tpu.dma_semaphore, #tpu.memory_space<semaphore_mem>>
      %dma_start3A_681 = tpu.memref_squeeze %dma_start3A_680 : memref<1x!tpu.dma_semaphore, #tpu.memory_space<semaphore_mem>> -> memref<!tpu.dma_semaphore, #tpu.memory_space<semaphore_mem>>
      tpu.enqueue_indirect_dma source(%dma_start3A_679 : memref<10240x32xf32, #tpu.memory_space<hbm>>) target(%dma_start3A_673 : memref<125x32xf32, #tpu.memory_space<vmem>>) offsets(%dma_start3A_676 : memref<125xi32, #tpu.memory_space<vmem>>) semaphore(%dma_start3A_681 : memref<!tpu.dma_semaphore, #tpu.memory_space<semaphore_mem>>)
      %mul3A_682 = arith.constant 8 : i32
      %mul3A_683 = arith.muli %mul3A_682, %scan3A_296 : i32
      %add3A_684 = arith.constant 1 : i32
      %add3A_685 = arith.addi %mul3A_683, %add3A_684 : i32
      %dma_wait3A_686 = arith.constant 1 : i32
      %dma_wait3A_687 = arith.constant 1 : i32
      %dma_wait3A_688 = arith.constant 0 : i32
      %dma_wait3A_689 = arith.constant 0 : i32
      %dma_wait3A_690 = tpu.memref_slice %arg7[%dma_wait3A_686, %dma_wait3A_688, %dma_wait3A_689] : memref<8x125x32xf32, #tpu.memory_space<vmem>> -> memref<1x125x32xf32, #tpu.memory_space<vmem>>
      %dma_wait3A_691 = tpu.memref_squeeze %dma_wait3A_690 : memref<1x125x32xf32, #tpu.memory_space<vmem>> -> memref<125x32xf32, #tpu.memory_space<vmem>>
      %dma_wait3A_692 = arith.constant 0 : i32
      %dma_wait3A_693 = arith.constant 0 : i32
      %dma_wait3A_694 = tpu.memref_slice %arg9[%dma_wait3A_692, %dma_wait3A_693] : memref<10240x32xf32, #tpu.memory_space<vmem_shared>> -> memref<125x32xf32, #tpu.memory_space<vmem_shared>>
      %dma_wait3A_695 = tpu.memref_slice %arg11[%dma_wait3A_687] : memref<8x!tpu.dma_semaphore, #tpu.memory_space<semaphore_mem>> -> memref<1x!tpu.dma_semaphore, #tpu.memory_space<semaphore_mem>>
      %dma_wait3A_696 = tpu.memref_squeeze %dma_wait3A_695 : memref<1x!tpu.dma_semaphore, #tpu.memory_space<semaphore_mem>> -> memref<!tpu.dma_semaphore, #tpu.memory_space<semaphore_mem>>
      %dma_wait3A_697 = arith.constant 0 : i32
      %dma_wait3A_698 = arith.constant 0 : i32
      %dma_wait3A_699 = tpu.memref_slice %arg9[%dma_wait3A_697, %dma_wait3A_698] : memref<10240x32xf32, #tpu.memory_space<vmem_shared>> -> memref<125x32xf32, #tpu.memory_space<vmem_shared>>
      %dma_wait3A_700 = arith.constant 0 : i32
      %dma_wait3A_701 = arith.constant 0 : i32
      %dma_wait3A_702 = tpu.memref_slice %arg7[%dma_wait3A_686, %dma_wait3A_700, %dma_wait3A_701] : memref<8x125x32xf32, #tpu.memory_space<vmem>> -> memref<1x125x32xf32, #tpu.memory_space<vmem>>
      %dma_wait3A_703 = tpu.memref_squeeze %dma_wait3A_702 : memref<1x125x32xf32, #tpu.memory_space<vmem>> -> memref<125x32xf32, #tpu.memory_space<vmem>>
      tpu.wait_dma2 semaphore(%dma_wait3A_696 : memref<!tpu.dma_semaphore, #tpu.memory_space<semaphore_mem>>) src(%dma_wait3A_703 : memref<125x32xf32, #tpu.memory_space<vmem>>) dst(%dma_wait3A_699 : memref<125x32xf32, #tpu.memory_space<vmem_shared>>)
      %dma_wait3A_704 = arith.constant 1 : i32
      %dma_wait3A_705 = arith.constant 0 : i32
      %dma_wait3A_706 = arith.constant 0 : i32
      %dma_wait3A_707 = tpu.memref_slice %arg14[%dma_wait3A_705, %dma_wait3A_706] : memref<10240x16xf32, #tpu.memory_space<vmem_shared>> -> memref<125x16xf32, #tpu.memory_space<vmem_shared>>
      %dma_wait3A_708 = tpu.memref_slice %arg15[%dma_wait3A_704] : memref<8x!tpu.dma_semaphore, #tpu.memory_space<semaphore_mem>> -> memref<1x!tpu.dma_semaphore, #tpu.memory_space<semaphore_mem>>
      %dma_wait3A_709 = tpu.memref_squeeze %dma_wait3A_708 : memref<1x!tpu.dma_semaphore, #tpu.memory_space<semaphore_mem>> -> memref<!tpu.dma_semaphore, #tpu.memory_space<semaphore_mem>>
      %dma_wait3A_710 = arith.constant 0 : i32
      %dma_wait3A_711 = arith.constant 0 : i32
      %dma_wait3A_712 = tpu.memref_slice %arg14[%dma_wait3A_710, %dma_wait3A_711] : memref<10240x16xf32, #tpu.memory_space<vmem_shared>> -> memref<125x16xf32, #tpu.memory_space<vmem_shared>>
      tpu.wait_dma2 semaphore(%dma_wait3A_709 : memref<!tpu.dma_semaphore, #tpu.memory_space<semaphore_mem>>) src(%arg12 : memref<125x16xf32, #tpu.memory_space<vmem>>) dst(%dma_wait3A_712 : memref<125x16xf32, #tpu.memory_space<vmem_shared>>)
      %add3A_713 = arith.constant 8 : i32
      %add3A_714 = arith.addi %add3A_685, %add3A_713 : i32
      %min3A_715 = arith.constant 79 : i32
      %min3A_716 = arith.minsi %add3A_714, %min3A_715 : i32
      %dma_start3A_717 = arith.constant 1 : i32
      %dma_start3A_718 = arith.constant 1 : i32
      %dma_start3A_719 = arith.constant 0 : i32
      %dma_start3A_720 = arith.constant 0 : i32
      %dma_start3A_721 = tpu.memref_slice %arg7[%dma_start3A_717, %dma_start3A_719, %dma_start3A_720] : memref<8x125x32xf32, #tpu.memory_space<vmem>> -> memref<1x125x32xf32, #tpu.memory_space<vmem>>
      %dma_start3A_722 = tpu.memref_squeeze %dma_start3A_721 : memref<1x125x32xf32, #tpu.memory_space<vmem>> -> memref<125x32xf32, #tpu.memory_space<vmem>>
      %dma_start3A_723 = arith.constant 0 : i32
      %dma_start3A_724 = tpu.memref_slice %arg5[%min3A_716, %dma_start3A_723] : memref<80x125xi32, #tpu.memory_space<vmem>> -> memref<1x125xi32, #tpu.memory_space<vmem>>
      %dma_start3A_725 = tpu.memref_squeeze %dma_start3A_724 : memref<1x125xi32, #tpu.memory_space<vmem>> -> memref<125xi32, #tpu.memory_space<vmem>>
      %dma_start3A_726 = arith.constant 0 : i32
      %dma_start3A_727 = arith.constant 0 : i32
      %dma_start3A_728 = tpu.memref_slice %arg2[%dma_start3A_726, %dma_start3A_727] : memref<10240x32xf32, #tpu.memory_space<hbm>> -> memref<10240x32xf32, #tpu.memory_space<hbm>>
      %dma_start3A_729 = tpu.memref_slice %arg10[%dma_start3A_718] : memref<8x!tpu.dma_semaphore, #tpu.memory_space<semaphore_mem>> -> memref<1x!tpu.dma_semaphore, #tpu.memory_space<semaphore_mem>>
      %dma_start3A_730 = tpu.memref_squeeze %dma_start3A_729 : memref<1x!tpu.dma_semaphore, #tpu.memory_space<semaphore_mem>> -> memref<!tpu.dma_semaphore, #tpu.memory_space<semaphore_mem>>
      tpu.enqueue_indirect_dma source(%dma_start3A_728 : memref<10240x32xf32, #tpu.memory_space<hbm>>) target(%dma_start3A_722 : memref<125x32xf32, #tpu.memory_space<vmem>>) offsets(%dma_start3A_725 : memref<125xi32, #tpu.memory_space<vmem>>) semaphore(%dma_start3A_730 : memref<!tpu.dma_semaphore, #tpu.memory_space<semaphore_mem>>)
      %mul3A_731 = arith.constant 8 : i32
      %mul3A_732 = arith.muli %mul3A_731, %scan3A_296 : i32
      %add3A_733 = arith.constant 2 : i32
      %add3A_734 = arith.addi %mul3A_732, %add3A_733 : i32
      %dma_wait3A_735 = arith.constant 2 : i32
      %dma_wait3A_736 = arith.constant 2 : i32
      %dma_wait3A_737 = arith.constant 0 : i32
      %dma_wait3A_738 = arith.constant 0 : i32
      %dma_wait3A_739 = tpu.memref_slice %arg7[%dma_wait3A_735, %dma_wait3A_737, %dma_wait3A_738] : memref<8x125x32xf32, #tpu.memory_space<vmem>> -> memref<1x125x32xf32, #tpu.memory_space<vmem>>
      %dma_wait3A_740 = tpu.memref_squeeze %dma_wait3A_739 : memref<1x125x32xf32, #tpu.memory_space<vmem>> -> memref<125x32xf32, #tpu.memory_space<vmem>>
      %dma_wait3A_741 = arith.constant 0 : i32
      %dma_wait3A_742 = arith.constant 0 : i32
      %dma_wait3A_743 = tpu.memref_slice %arg9[%dma_wait3A_741, %dma_wait3A_742] : memref<10240x32xf32, #tpu.memory_space<vmem_shared>> -> memref<125x32xf32, #tpu.memory_space<vmem_shared>>
      %dma_wait3A_744 = tpu.memref_slice %arg11[%dma_wait3A_736] : memref<8x!tpu.dma_semaphore, #tpu.memory_space<semaphore_mem>> -> memref<1x!tpu.dma_semaphore, #tpu.memory_space<semaphore_mem>>
      %dma_wait3A_745 = tpu.memref_squeeze %dma_wait3A_744 : memref<1x!tpu.dma_semaphore, #tpu.memory_space<semaphore_mem>> -> memref<!tpu.dma_semaphore, #tpu.memory_space<semaphore_mem>>
      %dma_wait3A_746 = arith.constant 0 : i32
      %dma_wait3A_747 = arith.constant 0 : i32
      %dma_wait3A_748 = tpu.memref_slice %arg9[%dma_wait3A_746, %dma_wait3A_747] : memref<10240x32xf32, #tpu.memory_space<vmem_shared>> -> memref<125x32xf32, #tpu.memory_space<vmem_shared>>
      %dma_wait3A_749 = arith.constant 0 : i32
      %dma_wait3A_750 = arith.constant 0 : i32
      %dma_wait3A_751 = tpu.memref_slice %arg7[%dma_wait3A_735, %dma_wait3A_749, %dma_wait3A_750] : memref<8x125x32xf32, #tpu.memory_space<vmem>> -> memref<1x125x32xf32, #tpu.memory_space<vmem>>
      %dma_wait3A_752 = tpu.memref_squeeze %dma_wait3A_751 : memref<1x125x32xf32, #tpu.memory_space<vmem>> -> memref<125x32xf32, #tpu.memory_space<vmem>>
      tpu.wait_dma2 semaphore(%dma_wait3A_745 : memref<!tpu.dma_semaphore, #tpu.memory_space<semaphore_mem>>) src(%dma_wait3A_752 : memref<125x32xf32, #tpu.memory_space<vmem>>) dst(%dma_wait3A_748 : memref<125x32xf32, #tpu.memory_space<vmem_shared>>)
      %dma_wait3A_753 = arith.constant 2 : i32
      %dma_wait3A_754 = arith.constant 0 : i32
      %dma_wait3A_755 = arith.constant 0 : i32
      %dma_wait3A_756 = tpu.memref_slice %arg14[%dma_wait3A_754, %dma_wait3A_755] : memref<10240x16xf32, #tpu.memory_space<vmem_shared>> -> memref<125x16xf32, #tpu.memory_space<vmem_shared>>
      %dma_wait3A_757 = tpu.memref_slice %arg15[%dma_wait3A_753] : memref<8x!tpu.dma_semaphore, #tpu.memory_space<semaphore_mem>> -> memref<1x!tpu.dma_semaphore, #tpu.memory_space<semaphore_mem>>
      %dma_wait3A_758 = tpu.memref_squeeze %dma_wait3A_757 : memref<1x!tpu.dma_semaphore, #tpu.memory_space<semaphore_mem>> -> memref<!tpu.dma_semaphore, #tpu.memory_space<semaphore_mem>>
      %dma_wait3A_759 = arith.constant 0 : i32
      %dma_wait3A_760 = arith.constant 0 : i32
      %dma_wait3A_761 = tpu.memref_slice %arg14[%dma_wait3A_759, %dma_wait3A_760] : memref<10240x16xf32, #tpu.memory_space<vmem_shared>> -> memref<125x16xf32, #tpu.memory_space<vmem_shared>>
      tpu.wait_dma2 semaphore(%dma_wait3A_758 : memref<!tpu.dma_semaphore, #tpu.memory_space<semaphore_mem>>) src(%arg12 : memref<125x16xf32, #tpu.memory_space<vmem>>) dst(%dma_wait3A_761 : memref<125x16xf32, #tpu.memory_space<vmem_shared>>)
      %add3A_762 = arith.constant 8 : i32
      %add3A_763 = arith.addi %add3A_734, %add3A_762 : i32
      %min3A_764 = arith.constant 79 : i32
      %min3A_765 = arith.minsi %add3A_763, %min3A_764 : i32
      %dma_start3A_766 = arith.constant 2 : i32
      %dma_start3A_767 = arith.constant 2 : i32
      %dma_start3A_768 = arith.constant 0 : i32
      %dma_start3A_769 = arith.constant 0 : i32
      %dma_start3A_770 = tpu.memref_slice %arg7[%dma_start3A_766, %dma_start3A_768, %dma_start3A_769] : memref<8x125x32xf32, #tpu.memory_space<vmem>> -> memref<1x125x32xf32, #tpu.memory_space<vmem>>
      %dma_start3A_771 = tpu.memref_squeeze %dma_start3A_770 : memref<1x125x32xf32, #tpu.memory_space<vmem>> -> memref<125x32xf32, #tpu.memory_space<vmem>>
      %dma_start3A_772 = arith.constant 0 : i32
      %dma_start3A_773 = tpu.memref_slice %arg5[%min3A_765, %dma_start3A_772] : memref<80x125xi32, #tpu.memory_space<vmem>> -> memref<1x125xi32, #tpu.memory_space<vmem>>
      %dma_start3A_774 = tpu.memref_squeeze %dma_start3A_773 : memref<1x125xi32, #tpu.memory_space<vmem>> -> memref<125xi32, #tpu.memory_space<vmem>>
      %dma_start3A_775 = arith.constant 0 : i32
      %dma_start3A_776 = arith.constant 0 : i32
      %dma_start3A_777 = tpu.memref_slice %arg2[%dma_start3A_775, %dma_start3A_776] : memref<10240x32xf32, #tpu.memory_space<hbm>> -> memref<10240x32xf32, #tpu.memory_space<hbm>>
      %dma_start3A_778 = tpu.memref_slice %arg10[%dma_start3A_767] : memref<8x!tpu.dma_semaphore, #tpu.memory_space<semaphore_mem>> -> memref<1x!tpu.dma_semaphore, #tpu.memory_space<semaphore_mem>>
      %dma_start3A_779 = tpu.memref_squeeze %dma_start3A_778 : memref<1x!tpu.dma_semaphore, #tpu.memory_space<semaphore_mem>> -> memref<!tpu.dma_semaphore, #tpu.memory_space<semaphore_mem>>
      tpu.enqueue_indirect_dma source(%dma_start3A_777 : memref<10240x32xf32, #tpu.memory_space<hbm>>) target(%dma_start3A_771 : memref<125x32xf32, #tpu.memory_space<vmem>>) offsets(%dma_start3A_774 : memref<125xi32, #tpu.memory_space<vmem>>) semaphore(%dma_start3A_779 : memref<!tpu.dma_semaphore, #tpu.memory_space<semaphore_mem>>)
      %mul3A_780 = arith.constant 8 : i32
      %mul3A_781 = arith.muli %mul3A_780, %scan3A_296 : i32
      %add3A_782 = arith.constant 3 : i32
      %add3A_783 = arith.addi %mul3A_781, %add3A_782 : i32
      %dma_wait3A_784 = arith.constant 3 : i32
      %dma_wait3A_785 = arith.constant 3 : i32
      %dma_wait3A_786 = arith.constant 0 : i32
      %dma_wait3A_787 = arith.constant 0 : i32
      %dma_wait3A_788 = tpu.memref_slice %arg7[%dma_wait3A_784, %dma_wait3A_786, %dma_wait3A_787] : memref<8x125x32xf32, #tpu.memory_space<vmem>> -> memref<1x125x32xf32, #tpu.memory_space<vmem>>
      %dma_wait3A_789 = tpu.memref_squeeze %dma_wait3A_788 : memref<1x125x32xf32, #tpu.memory_space<vmem>> -> memref<125x32xf32, #tpu.memory_space<vmem>>
      %dma_wait3A_790 = arith.constant 0 : i32
      %dma_wait3A_791 = arith.constant 0 : i32
      %dma_wait3A_792 = tpu.memref_slice %arg9[%dma_wait3A_790, %dma_wait3A_791] : memref<10240x32xf32, #tpu.memory_space<vmem_shared>> -> memref<125x32xf32, #tpu.memory_space<vmem_shared>>
      %dma_wait3A_793 = tpu.memref_slice %arg11[%dma_wait3A_785] : memref<8x!tpu.dma_semaphore, #tpu.memory_space<semaphore_mem>> -> memref<1x!tpu.dma_semaphore, #tpu.memory_space<semaphore_mem>>
      %dma_wait3A_794 = tpu.memref_squeeze %dma_wait3A_793 : memref<1x!tpu.dma_semaphore, #tpu.memory_space<semaphore_mem>> -> memref<!tpu.dma_semaphore, #tpu.memory_space<semaphore_mem>>
      %dma_wait3A_795 = arith.constant 0 : i32
      %dma_wait3A_796 = arith.constant 0 : i32
      %dma_wait3A_797 = tpu.memref_slice %arg9[%dma_wait3A_795, %dma_wait3A_796] : memref<10240x32xf32, #tpu.memory_space<vmem_shared>> -> memref<125x32xf32, #tpu.memory_space<vmem_shared>>
      %dma_wait3A_798 = arith.constant 0 : i32
      %dma_wait3A_799 = arith.constant 0 : i32
      %dma_wait3A_800 = tpu.memref_slice %arg7[%dma_wait3A_784, %dma_wait3A_798, %dma_wait3A_799] : memref<8x125x32xf32, #tpu.memory_space<vmem>> -> memref<1x125x32xf32, #tpu.memory_space<vmem>>
      %dma_wait3A_801 = tpu.memref_squeeze %dma_wait3A_800 : memref<1x125x32xf32, #tpu.memory_space<vmem>> -> memref<125x32xf32, #tpu.memory_space<vmem>>
      tpu.wait_dma2 semaphore(%dma_wait3A_794 : memref<!tpu.dma_semaphore, #tpu.memory_space<semaphore_mem>>) src(%dma_wait3A_801 : memref<125x32xf32, #tpu.memory_space<vmem>>) dst(%dma_wait3A_797 : memref<125x32xf32, #tpu.memory_space<vmem_shared>>)
      %dma_wait3A_802 = arith.constant 3 : i32
      %dma_wait3A_803 = arith.constant 0 : i32
      %dma_wait3A_804 = arith.constant 0 : i32
      %dma_wait3A_805 = tpu.memref_slice %arg14[%dma_wait3A_803, %dma_wait3A_804] : memref<10240x16xf32, #tpu.memory_space<vmem_shared>> -> memref<125x16xf32, #tpu.memory_space<vmem_shared>>
      %dma_wait3A_806 = tpu.memref_slice %arg15[%dma_wait3A_802] : memref<8x!tpu.dma_semaphore, #tpu.memory_space<semaphore_mem>> -> memref<1x!tpu.dma_semaphore, #tpu.memory_space<semaphore_mem>>
      %dma_wait3A_807 = tpu.memref_squeeze %dma_wait3A_806 : memref<1x!tpu.dma_semaphore, #tpu.memory_space<semaphore_mem>> -> memref<!tpu.dma_semaphore, #tpu.memory_space<semaphore_mem>>
      %dma_wait3A_808 = arith.constant 0 : i32
      %dma_wait3A_809 = arith.constant 0 : i32
      %dma_wait3A_810 = tpu.memref_slice %arg14[%dma_wait3A_808, %dma_wait3A_809] : memref<10240x16xf32, #tpu.memory_space<vmem_shared>> -> memref<125x16xf32, #tpu.memory_space<vmem_shared>>
      tpu.wait_dma2 semaphore(%dma_wait3A_807 : memref<!tpu.dma_semaphore, #tpu.memory_space<semaphore_mem>>) src(%arg12 : memref<125x16xf32, #tpu.memory_space<vmem>>) dst(%dma_wait3A_810 : memref<125x16xf32, #tpu.memory_space<vmem_shared>>)
      %add3A_811 = arith.constant 8 : i32
      %add3A_812 = arith.addi %add3A_783, %add3A_811 : i32
      %min3A_813 = arith.constant 79 : i32
      %min3A_814 = arith.minsi %add3A_812, %min3A_813 : i32
      %dma_start3A_815 = arith.constant 3 : i32
      %dma_start3A_816 = arith.constant 3 : i32
      %dma_start3A_817 = arith.constant 0 : i32
      %dma_start3A_818 = arith.constant 0 : i32
      %dma_start3A_819 = tpu.memref_slice %arg7[%dma_start3A_815, %dma_start3A_817, %dma_start3A_818] : memref<8x125x32xf32, #tpu.memory_space<vmem>> -> memref<1x125x32xf32, #tpu.memory_space<vmem>>
      %dma_start3A_820 = tpu.memref_squeeze %dma_start3A_819 : memref<1x125x32xf32, #tpu.memory_space<vmem>> -> memref<125x32xf32, #tpu.memory_space<vmem>>
      %dma_start3A_821 = arith.constant 0 : i32
      %dma_start3A_822 = tpu.memref_slice %arg5[%min3A_814, %dma_start3A_821] : memref<80x125xi32, #tpu.memory_space<vmem>> -> memref<1x125xi32, #tpu.memory_space<vmem>>
      %dma_start3A_823 = tpu.memref_squeeze %dma_start3A_822 : memref<1x125xi32, #tpu.memory_space<vmem>> -> memref<125xi32, #tpu.memory_space<vmem>>
      %dma_start3A_824 = arith.constant 0 : i32
      %dma_start3A_825 = arith.constant 0 : i32
      %dma_start3A_826 = tpu.memref_slice %arg2[%dma_start3A_824, %dma_start3A_825] : memref<10240x32xf32, #tpu.memory_space<hbm>> -> memref<10240x32xf32, #tpu.memory_space<hbm>>
      %dma_start3A_827 = tpu.memref_slice %arg10[%dma_start3A_816] : memref<8x!tpu.dma_semaphore, #tpu.memory_space<semaphore_mem>> -> memref<1x!tpu.dma_semaphore, #tpu.memory_space<semaphore_mem>>
      %dma_start3A_828 = tpu.memref_squeeze %dma_start3A_827 : memref<1x!tpu.dma_semaphore, #tpu.memory_space<semaphore_mem>> -> memref<!tpu.dma_semaphore, #tpu.memory_space<semaphore_mem>>
      tpu.enqueue_indirect_dma source(%dma_start3A_826 : memref<10240x32xf32, #tpu.memory_space<hbm>>) target(%dma_start3A_820 : memref<125x32xf32, #tpu.memory_space<vmem>>) offsets(%dma_start3A_823 : memref<125xi32, #tpu.memory_space<vmem>>) semaphore(%dma_start3A_828 : memref<!tpu.dma_semaphore, #tpu.memory_space<semaphore_mem>>)
      %mul3A_829 = arith.constant 8 : i32
      %mul3A_830 = arith.muli %mul3A_829, %scan3A_296 : i32
      %add3A_831 = arith.constant 4 : i32
      %add3A_832 = arith.addi %mul3A_830, %add3A_831 : i32
      %dma_wait3A_833 = arith.constant 4 : i32
      %dma_wait3A_834 = arith.constant 4 : i32
      %dma_wait3A_835 = arith.constant 0 : i32
      %dma_wait3A_836 = arith.constant 0 : i32
      %dma_wait3A_837 = tpu.memref_slice %arg7[%dma_wait3A_833, %dma_wait3A_835, %dma_wait3A_836] : memref<8x125x32xf32, #tpu.memory_space<vmem>> -> memref<1x125x32xf32, #tpu.memory_space<vmem>>
      %dma_wait3A_838 = tpu.memref_squeeze %dma_wait3A_837 : memref<1x125x32xf32, #tpu.memory_space<vmem>> -> memref<125x32xf32, #tpu.memory_space<vmem>>
      %dma_wait3A_839 = arith.constant 0 : i32
      %dma_wait3A_840 = arith.constant 0 : i32
      %dma_wait3A_841 = tpu.memref_slice %arg9[%dma_wait3A_839, %dma_wait3A_840] : memref<10240x32xf32, #tpu.memory_space<vmem_shared>> -> memref<125x32xf32, #tpu.memory_space<vmem_shared>>
      %dma_wait3A_842 = tpu.memref_slice %arg11[%dma_wait3A_834] : memref<8x!tpu.dma_semaphore, #tpu.memory_space<semaphore_mem>> -> memref<1x!tpu.dma_semaphore, #tpu.memory_space<semaphore_mem>>
      %dma_wait3A_843 = tpu.memref_squeeze %dma_wait3A_842 : memref<1x!tpu.dma_semaphore, #tpu.memory_space<semaphore_mem>> -> memref<!tpu.dma_semaphore, #tpu.memory_space<semaphore_mem>>
      %dma_wait3A_844 = arith.constant 0 : i32
      %dma_wait3A_845 = arith.constant 0 : i32
      %dma_wait3A_846 = tpu.memref_slice %arg9[%dma_wait3A_844, %dma_wait3A_845] : memref<10240x32xf32, #tpu.memory_space<vmem_shared>> -> memref<125x32xf32, #tpu.memory_space<vmem_shared>>
      %dma_wait3A_847 = arith.constant 0 : i32
      %dma_wait3A_848 = arith.constant 0 : i32
      %dma_wait3A_849 = tpu.memref_slice %arg7[%dma_wait3A_833, %dma_wait3A_847, %dma_wait3A_848] : memref<8x125x32xf32, #tpu.memory_space<vmem>> -> memref<1x125x32xf32, #tpu.memory_space<vmem>>
      %dma_wait3A_850 = tpu.memref_squeeze %dma_wait3A_849 : memref<1x125x32xf32, #tpu.memory_space<vmem>> -> memref<125x32xf32, #tpu.memory_space<vmem>>
      tpu.wait_dma2 semaphore(%dma_wait3A_843 : memref<!tpu.dma_semaphore, #tpu.memory_space<semaphore_mem>>) src(%dma_wait3A_850 : memref<125x32xf32, #tpu.memory_space<vmem>>) dst(%dma_wait3A_846 : memref<125x32xf32, #tpu.memory_space<vmem_shared>>)
      %dma_wait3A_851 = arith.constant 4 : i32
      %dma_wait3A_852 = arith.constant 0 : i32
      %dma_wait3A_853 = arith.constant 0 : i32
      %dma_wait3A_854 = tpu.memref_slice %arg14[%dma_wait3A_852, %dma_wait3A_853] : memref<10240x16xf32, #tpu.memory_space<vmem_shared>> -> memref<125x16xf32, #tpu.memory_space<vmem_shared>>
      %dma_wait3A_855 = tpu.memref_slice %arg15[%dma_wait3A_851] : memref<8x!tpu.dma_semaphore, #tpu.memory_space<semaphore_mem>> -> memref<1x!tpu.dma_semaphore, #tpu.memory_space<semaphore_mem>>
      %dma_wait3A_856 = tpu.memref_squeeze %dma_wait3A_855 : memref<1x!tpu.dma_semaphore, #tpu.memory_space<semaphore_mem>> -> memref<!tpu.dma_semaphore, #tpu.memory_space<semaphore_mem>>
      %dma_wait3A_857 = arith.constant 0 : i32
      %dma_wait3A_858 = arith.constant 0 : i32
      %dma_wait3A_859 = tpu.memref_slice %arg14[%dma_wait3A_857, %dma_wait3A_858] : memref<10240x16xf32, #tpu.memory_space<vmem_shared>> -> memref<125x16xf32, #tpu.memory_space<vmem_shared>>
      tpu.wait_dma2 semaphore(%dma_wait3A_856 : memref<!tpu.dma_semaphore, #tpu.memory_space<semaphore_mem>>) src(%arg12 : memref<125x16xf32, #tpu.memory_space<vmem>>) dst(%dma_wait3A_859 : memref<125x16xf32, #tpu.memory_space<vmem_shared>>)
      %add3A_860 = arith.constant 8 : i32
      %add3A_861 = arith.addi %add3A_832, %add3A_860 : i32
      %min3A_862 = arith.constant 79 : i32
      %min3A_863 = arith.minsi %add3A_861, %min3A_862 : i32
      %dma_start3A_864 = arith.constant 4 : i32
      %dma_start3A_865 = arith.constant 4 : i32
      %dma_start3A_866 = arith.constant 0 : i32
      %dma_start3A_867 = arith.constant 0 : i32
      %dma_start3A_868 = tpu.memref_slice %arg7[%dma_start3A_864, %dma_start3A_866, %dma_start3A_867] : memref<8x125x32xf32, #tpu.memory_space<vmem>> -> memref<1x125x32xf32, #tpu.memory_space<vmem>>
      %dma_start3A_869 = tpu.memref_squeeze %dma_start3A_868 : memref<1x125x32xf32, #tpu.memory_space<vmem>> -> memref<125x32xf32, #tpu.memory_space<vmem>>
      %dma_start3A_870 = arith.constant 0 : i32
      %dma_start3A_871 = tpu.memref_slice %arg5[%min3A_863, %dma_start3A_870] : memref<80x125xi32, #tpu.memory_space<vmem>> -> memref<1x125xi32, #tpu.memory_space<vmem>>
      %dma_start3A_872 = tpu.memref_squeeze %dma_start3A_871 : memref<1x125xi32, #tpu.memory_space<vmem>> -> memref<125xi32, #tpu.memory_space<vmem>>
      %dma_start3A_873 = arith.constant 0 : i32
      %dma_start3A_874 = arith.constant 0 : i32
      %dma_start3A_875 = tpu.memref_slice %arg2[%dma_start3A_873, %dma_start3A_874] : memref<10240x32xf32, #tpu.memory_space<hbm>> -> memref<10240x32xf32, #tpu.memory_space<hbm>>
      %dma_start3A_876 = tpu.memref_slice %arg10[%dma_start3A_865] : memref<8x!tpu.dma_semaphore, #tpu.memory_space<semaphore_mem>> -> memref<1x!tpu.dma_semaphore, #tpu.memory_space<semaphore_mem>>
      %dma_start3A_877 = tpu.memref_squeeze %dma_start3A_876 : memref<1x!tpu.dma_semaphore, #tpu.memory_space<semaphore_mem>> -> memref<!tpu.dma_semaphore, #tpu.memory_space<semaphore_mem>>
      tpu.enqueue_indirect_dma source(%dma_start3A_875 : memref<10240x32xf32, #tpu.memory_space<hbm>>) target(%dma_start3A_869 : memref<125x32xf32, #tpu.memory_space<vmem>>) offsets(%dma_start3A_872 : memref<125xi32, #tpu.memory_space<vmem>>) semaphore(%dma_start3A_877 : memref<!tpu.dma_semaphore, #tpu.memory_space<semaphore_mem>>)
      %mul3A_878 = arith.constant 8 : i32
      %mul3A_879 = arith.muli %mul3A_878, %scan3A_296 : i32
      %add3A_880 = arith.constant 5 : i32
      %add3A_881 = arith.addi %mul3A_879, %add3A_880 : i32
      %dma_wait3A_882 = arith.constant 5 : i32
      %dma_wait3A_883 = arith.constant 5 : i32
      %dma_wait3A_884 = arith.constant 0 : i32
      %dma_wait3A_885 = arith.constant 0 : i32
      %dma_wait3A_886 = tpu.memref_slice %arg7[%dma_wait3A_882, %dma_wait3A_884, %dma_wait3A_885] : memref<8x125x32xf32, #tpu.memory_space<vmem>> -> memref<1x125x32xf32, #tpu.memory_space<vmem>>
      %dma_wait3A_887 = tpu.memref_squeeze %dma_wait3A_886 : memref<1x125x32xf32, #tpu.memory_space<vmem>> -> memref<125x32xf32, #tpu.memory_space<vmem>>
      %dma_wait3A_888 = arith.constant 0 : i32
      %dma_wait3A_889 = arith.constant 0 : i32
      %dma_wait3A_890 = tpu.memref_slice %arg9[%dma_wait3A_888, %dma_wait3A_889] : memref<10240x32xf32, #tpu.memory_space<vmem_shared>> -> memref<125x32xf32, #tpu.memory_space<vmem_shared>>
      %dma_wait3A_891 = tpu.memref_slice %arg11[%dma_wait3A_883] : memref<8x!tpu.dma_semaphore, #tpu.memory_space<semaphore_mem>> -> memref<1x!tpu.dma_semaphore, #tpu.memory_space<semaphore_mem>>
      %dma_wait3A_892 = tpu.memref_squeeze %dma_wait3A_891 : memref<1x!tpu.dma_semaphore, #tpu.memory_space<semaphore_mem>> -> memref<!tpu.dma_semaphore, #tpu.memory_space<semaphore_mem>>
      %dma_wait3A_893 = arith.constant 0 : i32
      %dma_wait3A_894 = arith.constant 0 : i32
      %dma_wait3A_895 = tpu.memref_slice %arg9[%dma_wait3A_893, %dma_wait3A_894] : memref<10240x32xf32, #tpu.memory_space<vmem_shared>> -> memref<125x32xf32, #tpu.memory_space<vmem_shared>>
      %dma_wait3A_896 = arith.constant 0 : i32
      %dma_wait3A_897 = arith.constant 0 : i32
      %dma_wait3A_898 = tpu.memref_slice %arg7[%dma_wait3A_882, %dma_wait3A_896, %dma_wait3A_897] : memref<8x125x32xf32, #tpu.memory_space<vmem>> -> memref<1x125x32xf32, #tpu.memory_space<vmem>>
      %dma_wait3A_899 = tpu.memref_squeeze %dma_wait3A_898 : memref<1x125x32xf32, #tpu.memory_space<vmem>> -> memref<125x32xf32, #tpu.memory_space<vmem>>
      tpu.wait_dma2 semaphore(%dma_wait3A_892 : memref<!tpu.dma_semaphore, #tpu.memory_space<semaphore_mem>>) src(%dma_wait3A_899 : memref<125x32xf32, #tpu.memory_space<vmem>>) dst(%dma_wait3A_895 : memref<125x32xf32, #tpu.memory_space<vmem_shared>>)
      %dma_wait3A_900 = arith.constant 5 : i32
      %dma_wait3A_901 = arith.constant 0 : i32
      %dma_wait3A_902 = arith.constant 0 : i32
      %dma_wait3A_903 = tpu.memref_slice %arg14[%dma_wait3A_901, %dma_wait3A_902] : memref<10240x16xf32, #tpu.memory_space<vmem_shared>> -> memref<125x16xf32, #tpu.memory_space<vmem_shared>>
      %dma_wait3A_904 = tpu.memref_slice %arg15[%dma_wait3A_900] : memref<8x!tpu.dma_semaphore, #tpu.memory_space<semaphore_mem>> -> memref<1x!tpu.dma_semaphore, #tpu.memory_space<semaphore_mem>>
      %dma_wait3A_905 = tpu.memref_squeeze %dma_wait3A_904 : memref<1x!tpu.dma_semaphore, #tpu.memory_space<semaphore_mem>> -> memref<!tpu.dma_semaphore, #tpu.memory_space<semaphore_mem>>
      %dma_wait3A_906 = arith.constant 0 : i32
      %dma_wait3A_907 = arith.constant 0 : i32
      %dma_wait3A_908 = tpu.memref_slice %arg14[%dma_wait3A_906, %dma_wait3A_907] : memref<10240x16xf32, #tpu.memory_space<vmem_shared>> -> memref<125x16xf32, #tpu.memory_space<vmem_shared>>
      tpu.wait_dma2 semaphore(%dma_wait3A_905 : memref<!tpu.dma_semaphore, #tpu.memory_space<semaphore_mem>>) src(%arg12 : memref<125x16xf32, #tpu.memory_space<vmem>>) dst(%dma_wait3A_908 : memref<125x16xf32, #tpu.memory_space<vmem_shared>>)
      %add3A_909 = arith.constant 8 : i32
      %add3A_910 = arith.addi %add3A_881, %add3A_909 : i32
      %min3A_911 = arith.constant 79 : i32
      %min3A_912 = arith.minsi %add3A_910, %min3A_911 : i32
      %dma_start3A_913 = arith.constant 5 : i32
      %dma_start3A_914 = arith.constant 5 : i32
      %dma_start3A_915 = arith.constant 0 : i32
      %dma_start3A_916 = arith.constant 0 : i32
      %dma_start3A_917 = tpu.memref_slice %arg7[%dma_start3A_913, %dma_start3A_915, %dma_start3A_916] : memref<8x125x32xf32, #tpu.memory_space<vmem>> -> memref<1x125x32xf32, #tpu.memory_space<vmem>>
      %dma_start3A_918 = tpu.memref_squeeze %dma_start3A_917 : memref<1x125x32xf32, #tpu.memory_space<vmem>> -> memref<125x32xf32, #tpu.memory_space<vmem>>
      %dma_start3A_919 = arith.constant 0 : i32
      %dma_start3A_920 = tpu.memref_slice %arg5[%min3A_912, %dma_start3A_919] : memref<80x125xi32, #tpu.memory_space<vmem>> -> memref<1x125xi32, #tpu.memory_space<vmem>>
      %dma_start3A_921 = tpu.memref_squeeze %dma_start3A_920 : memref<1x125xi32, #tpu.memory_space<vmem>> -> memref<125xi32, #tpu.memory_space<vmem>>
      %dma_start3A_922 = arith.constant 0 : i32
      %dma_start3A_923 = arith.constant 0 : i32
      %dma_start3A_924 = tpu.memref_slice %arg2[%dma_start3A_922, %dma_start3A_923] : memref<10240x32xf32, #tpu.memory_space<hbm>> -> memref<10240x32xf32, #tpu.memory_space<hbm>>
      %dma_start3A_925 = tpu.memref_slice %arg10[%dma_start3A_914] : memref<8x!tpu.dma_semaphore, #tpu.memory_space<semaphore_mem>> -> memref<1x!tpu.dma_semaphore, #tpu.memory_space<semaphore_mem>>
      %dma_start3A_926 = tpu.memref_squeeze %dma_start3A_925 : memref<1x!tpu.dma_semaphore, #tpu.memory_space<semaphore_mem>> -> memref<!tpu.dma_semaphore, #tpu.memory_space<semaphore_mem>>
      tpu.enqueue_indirect_dma source(%dma_start3A_924 : memref<10240x32xf32, #tpu.memory_space<hbm>>) target(%dma_start3A_918 : memref<125x32xf32, #tpu.memory_space<vmem>>) offsets(%dma_start3A_921 : memref<125xi32, #tpu.memory_space<vmem>>) semaphore(%dma_start3A_926 : memref<!tpu.dma_semaphore, #tpu.memory_space<semaphore_mem>>)
      %mul3A_927 = arith.constant 8 : i32
      %mul3A_928 = arith.muli %mul3A_927, %scan3A_296 : i32
      %add3A_929 = arith.constant 6 : i32
      %add3A_930 = arith.addi %mul3A_928, %add3A_929 : i32
      %dma_wait3A_931 = arith.constant 6 : i32
      %dma_wait3A_932 = arith.constant 6 : i32
      %dma_wait3A_933 = arith.constant 0 : i32
      %dma_wait3A_934 = arith.constant 0 : i32
      %dma_wait3A_935 = tpu.memref_slice %arg7[%dma_wait3A_931, %dma_wait3A_933, %dma_wait3A_934] : memref<8x125x32xf32, #tpu.memory_space<vmem>> -> memref<1x125x32xf32, #tpu.memory_space<vmem>>
      %dma_wait3A_936 = tpu.memref_squeeze %dma_wait3A_935 : memref<1x125x32xf32, #tpu.memory_space<vmem>> -> memref<125x32xf32, #tpu.memory_space<vmem>>
      %dma_wait3A_937 = arith.constant 0 : i32
      %dma_wait3A_938 = arith.constant 0 : i32
      %dma_wait3A_939 = tpu.memref_slice %arg9[%dma_wait3A_937, %dma_wait3A_938] : memref<10240x32xf32, #tpu.memory_space<vmem_shared>> -> memref<125x32xf32, #tpu.memory_space<vmem_shared>>
      %dma_wait3A_940 = tpu.memref_slice %arg11[%dma_wait3A_932] : memref<8x!tpu.dma_semaphore, #tpu.memory_space<semaphore_mem>> -> memref<1x!tpu.dma_semaphore, #tpu.memory_space<semaphore_mem>>
      %dma_wait3A_941 = tpu.memref_squeeze %dma_wait3A_940 : memref<1x!tpu.dma_semaphore, #tpu.memory_space<semaphore_mem>> -> memref<!tpu.dma_semaphore, #tpu.memory_space<semaphore_mem>>
      %dma_wait3A_942 = arith.constant 0 : i32
      %dma_wait3A_943 = arith.constant 0 : i32
      %dma_wait3A_944 = tpu.memref_slice %arg9[%dma_wait3A_942, %dma_wait3A_943] : memref<10240x32xf32, #tpu.memory_space<vmem_shared>> -> memref<125x32xf32, #tpu.memory_space<vmem_shared>>
      %dma_wait3A_945 = arith.constant 0 : i32
      %dma_wait3A_946 = arith.constant 0 : i32
      %dma_wait3A_947 = tpu.memref_slice %arg7[%dma_wait3A_931, %dma_wait3A_945, %dma_wait3A_946] : memref<8x125x32xf32, #tpu.memory_space<vmem>> -> memref<1x125x32xf32, #tpu.memory_space<vmem>>
      %dma_wait3A_948 = tpu.memref_squeeze %dma_wait3A_947 : memref<1x125x32xf32, #tpu.memory_space<vmem>> -> memref<125x32xf32, #tpu.memory_space<vmem>>
      tpu.wait_dma2 semaphore(%dma_wait3A_941 : memref<!tpu.dma_semaphore, #tpu.memory_space<semaphore_mem>>) src(%dma_wait3A_948 : memref<125x32xf32, #tpu.memory_space<vmem>>) dst(%dma_wait3A_944 : memref<125x32xf32, #tpu.memory_space<vmem_shared>>)
      %dma_wait3A_949 = arith.constant 6 : i32
      %dma_wait3A_950 = arith.constant 0 : i32
      %dma_wait3A_951 = arith.constant 0 : i32
      %dma_wait3A_952 = tpu.memref_slice %arg14[%dma_wait3A_950, %dma_wait3A_951] : memref<10240x16xf32, #tpu.memory_space<vmem_shared>> -> memref<125x16xf32, #tpu.memory_space<vmem_shared>>
      %dma_wait3A_953 = tpu.memref_slice %arg15[%dma_wait3A_949] : memref<8x!tpu.dma_semaphore, #tpu.memory_space<semaphore_mem>> -> memref<1x!tpu.dma_semaphore, #tpu.memory_space<semaphore_mem>>
      %dma_wait3A_954 = tpu.memref_squeeze %dma_wait3A_953 : memref<1x!tpu.dma_semaphore, #tpu.memory_space<semaphore_mem>> -> memref<!tpu.dma_semaphore, #tpu.memory_space<semaphore_mem>>
      %dma_wait3A_955 = arith.constant 0 : i32
      %dma_wait3A_956 = arith.constant 0 : i32
      %dma_wait3A_957 = tpu.memref_slice %arg14[%dma_wait3A_955, %dma_wait3A_956] : memref<10240x16xf32, #tpu.memory_space<vmem_shared>> -> memref<125x16xf32, #tpu.memory_space<vmem_shared>>
      tpu.wait_dma2 semaphore(%dma_wait3A_954 : memref<!tpu.dma_semaphore, #tpu.memory_space<semaphore_mem>>) src(%arg12 : memref<125x16xf32, #tpu.memory_space<vmem>>) dst(%dma_wait3A_957 : memref<125x16xf32, #tpu.memory_space<vmem_shared>>)
      %add3A_958 = arith.constant 8 : i32
      %add3A_959 = arith.addi %add3A_930, %add3A_958 : i32
      %min3A_960 = arith.constant 79 : i32
      %min3A_961 = arith.minsi %add3A_959, %min3A_960 : i32
      %dma_start3A_962 = arith.constant 6 : i32
      %dma_start3A_963 = arith.constant 6 : i32
      %dma_start3A_964 = arith.constant 0 : i32
      %dma_start3A_965 = arith.constant 0 : i32
      %dma_start3A_966 = tpu.memref_slice %arg7[%dma_start3A_962, %dma_start3A_964, %dma_start3A_965] : memref<8x125x32xf32, #tpu.memory_space<vmem>> -> memref<1x125x32xf32, #tpu.memory_space<vmem>>
      %dma_start3A_967 = tpu.memref_squeeze %dma_start3A_966 : memref<1x125x32xf32, #tpu.memory_space<vmem>> -> memref<125x32xf32, #tpu.memory_space<vmem>>
      %dma_start3A_968 = arith.constant 0 : i32
      %dma_start3A_969 = tpu.memref_slice %arg5[%min3A_961, %dma_start3A_968] : memref<80x125xi32, #tpu.memory_space<vmem>> -> memref<1x125xi32, #tpu.memory_space<vmem>>
      %dma_start3A_970 = tpu.memref_squeeze %dma_start3A_969 : memref<1x125xi32, #tpu.memory_space<vmem>> -> memref<125xi32, #tpu.memory_space<vmem>>
      %dma_start3A_971 = arith.constant 0 : i32
      %dma_start3A_972 = arith.constant 0 : i32
      %dma_start3A_973 = tpu.memref_slice %arg2[%dma_start3A_971, %dma_start3A_972] : memref<10240x32xf32, #tpu.memory_space<hbm>> -> memref<10240x32xf32, #tpu.memory_space<hbm>>
      %dma_start3A_974 = tpu.memref_slice %arg10[%dma_start3A_963] : memref<8x!tpu.dma_semaphore, #tpu.memory_space<semaphore_mem>> -> memref<1x!tpu.dma_semaphore, #tpu.memory_space<semaphore_mem>>
      %dma_start3A_975 = tpu.memref_squeeze %dma_start3A_974 : memref<1x!tpu.dma_semaphore, #tpu.memory_space<semaphore_mem>> -> memref<!tpu.dma_semaphore, #tpu.memory_space<semaphore_mem>>
      tpu.enqueue_indirect_dma source(%dma_start3A_973 : memref<10240x32xf32, #tpu.memory_space<hbm>>) target(%dma_start3A_967 : memref<125x32xf32, #tpu.memory_space<vmem>>) offsets(%dma_start3A_970 : memref<125xi32, #tpu.memory_space<vmem>>) semaphore(%dma_start3A_975 : memref<!tpu.dma_semaphore, #tpu.memory_space<semaphore_mem>>)
      %mul3A_976 = arith.constant 8 : i32
      %mul3A_977 = arith.muli %mul3A_976, %scan3A_296 : i32
      %add3A_978 = arith.constant 7 : i32
      %add3A_979 = arith.addi %mul3A_977, %add3A_978 : i32
      %dma_wait3A_980 = arith.constant 7 : i32
      %dma_wait3A_981 = arith.constant 7 : i32
      %dma_wait3A_982 = arith.constant 0 : i32
      %dma_wait3A_983 = arith.constant 0 : i32
      %dma_wait3A_984 = tpu.memref_slice %arg7[%dma_wait3A_980, %dma_wait3A_982, %dma_wait3A_983] : memref<8x125x32xf32, #tpu.memory_space<vmem>> -> memref<1x125x32xf32, #tpu.memory_space<vmem>>
      %dma_wait3A_985 = tpu.memref_squeeze %dma_wait3A_984 : memref<1x125x32xf32, #tpu.memory_space<vmem>> -> memref<125x32xf32, #tpu.memory_space<vmem>>
      %dma_wait3A_986 = arith.constant 0 : i32
      %dma_wait3A_987 = arith.constant 0 : i32
      %dma_wait3A_988 = tpu.memref_slice %arg9[%dma_wait3A_986, %dma_wait3A_987] : memref<10240x32xf32, #tpu.memory_space<vmem_shared>> -> memref<125x32xf32, #tpu.memory_space<vmem_shared>>
      %dma_wait3A_989 = tpu.memref_slice %arg11[%dma_wait3A_981] : memref<8x!tpu.dma_semaphore, #tpu.memory_space<semaphore_mem>> -> memref<1x!tpu.dma_semaphore, #tpu.memory_space<semaphore_mem>>
      %dma_wait3A_990 = tpu.memref_squeeze %dma_wait3A_989 : memref<1x!tpu.dma_semaphore, #tpu.memory_space<semaphore_mem>> -> memref<!tpu.dma_semaphore, #tpu.memory_space<semaphore_mem>>
      %dma_wait3A_991 = arith.constant 0 : i32
      %dma_wait3A_992 = arith.constant 0 : i32
      %dma_wait3A_993 = tpu.memref_slice %arg9[%dma_wait3A_991, %dma_wait3A_992] : memref<10240x32xf32, #tpu.memory_space<vmem_shared>> -> memref<125x32xf32, #tpu.memory_space<vmem_shared>>
      %dma_wait3A_994 = arith.constant 0 : i32
      %dma_wait3A_995 = arith.constant 0 : i32
      %dma_wait3A_996 = tpu.memref_slice %arg7[%dma_wait3A_980, %dma_wait3A_994, %dma_wait3A_995] : memref<8x125x32xf32, #tpu.memory_space<vmem>> -> memref<1x125x32xf32, #tpu.memory_space<vmem>>
      %dma_wait3A_997 = tpu.memref_squeeze %dma_wait3A_996 : memref<1x125x32xf32, #tpu.memory_space<vmem>> -> memref<125x32xf32, #tpu.memory_space<vmem>>
      tpu.wait_dma2 semaphore(%dma_wait3A_990 : memref<!tpu.dma_semaphore, #tpu.memory_space<semaphore_mem>>) src(%dma_wait3A_997 : memref<125x32xf32, #tpu.memory_space<vmem>>) dst(%dma_wait3A_993 : memref<125x32xf32, #tpu.memory_space<vmem_shared>>)
      %dma_wait3A_998 = arith.constant 7 : i32
      %dma_wait3A_999 = arith.constant 0 : i32
      %dma_wait3A_1000 = arith.constant 0 : i32
      %dma_wait3A_1001 = tpu.memref_slice %arg14[%dma_wait3A_999, %dma_wait3A_1000] : memref<10240x16xf32, #tpu.memory_space<vmem_shared>> -> memref<125x16xf32, #tpu.memory_space<vmem_shared>>
      %dma_wait3A_1002 = tpu.memref_slice %arg15[%dma_wait3A_998] : memref<8x!tpu.dma_semaphore, #tpu.memory_space<semaphore_mem>> -> memref<1x!tpu.dma_semaphore, #tpu.memory_space<semaphore_mem>>
      %dma_wait3A_1003 = tpu.memref_squeeze %dma_wait3A_1002 : memref<1x!tpu.dma_semaphore, #tpu.memory_space<semaphore_mem>> -> memref<!tpu.dma_semaphore, #tpu.memory_space<semaphore_mem>>
      %dma_wait3A_1004 = arith.constant 0 : i32
      %dma_wait3A_1005 = arith.constant 0 : i32
      %dma_wait3A_1006 = tpu.memref_slice %arg14[%dma_wait3A_1004, %dma_wait3A_1005] : memref<10240x16xf32, #tpu.memory_space<vmem_shared>> -> memref<125x16xf32, #tpu.memory_space<vmem_shared>>
      tpu.wait_dma2 semaphore(%dma_wait3A_1003 : memref<!tpu.dma_semaphore, #tpu.memory_space<semaphore_mem>>) src(%arg12 : memref<125x16xf32, #tpu.memory_space<vmem>>) dst(%dma_wait3A_1006 : memref<125x16xf32, #tpu.memory_space<vmem_shared>>)
      %add3A_1007 = arith.constant 8 : i32
      %add3A_1008 = arith.addi %add3A_979, %add3A_1007 : i32
      %min3A_1009 = arith.constant 79 : i32
      %min3A_1010 = arith.minsi %add3A_1008, %min3A_1009 : i32
      %dma_start3A_1011 = arith.constant 7 : i32
      %dma_start3A_1012 = arith.constant 7 : i32
      %dma_start3A_1013 = arith.constant 0 : i32
      %dma_start3A_1014 = arith.constant 0 : i32
      %dma_start3A_1015 = tpu.memref_slice %arg7[%dma_start3A_1011, %dma_start3A_1013, %dma_start3A_1014] : memref<8x125x32xf32, #tpu.memory_space<vmem>> -> memref<1x125x32xf32, #tpu.memory_space<vmem>>
      %dma_start3A_1016 = tpu.memref_squeeze %dma_start3A_1015 : memref<1x125x32xf32, #tpu.memory_space<vmem>> -> memref<125x32xf32, #tpu.memory_space<vmem>>
      %dma_start3A_1017 = arith.constant 0 : i32
      %dma_start3A_1018 = tpu.memref_slice %arg5[%min3A_1010, %dma_start3A_1017] : memref<80x125xi32, #tpu.memory_space<vmem>> -> memref<1x125xi32, #tpu.memory_space<vmem>>
      %dma_start3A_1019 = tpu.memref_squeeze %dma_start3A_1018 : memref<1x125xi32, #tpu.memory_space<vmem>> -> memref<125xi32, #tpu.memory_space<vmem>>
      %dma_start3A_1020 = arith.constant 0 : i32
      %dma_start3A_1021 = arith.constant 0 : i32
      %dma_start3A_1022 = tpu.memref_slice %arg2[%dma_start3A_1020, %dma_start3A_1021] : memref<10240x32xf32, #tpu.memory_space<hbm>> -> memref<10240x32xf32, #tpu.memory_space<hbm>>
      %dma_start3A_1023 = tpu.memref_slice %arg10[%dma_start3A_1012] : memref<8x!tpu.dma_semaphore, #tpu.memory_space<semaphore_mem>> -> memref<1x!tpu.dma_semaphore, #tpu.memory_space<semaphore_mem>>
      %dma_start3A_1024 = tpu.memref_squeeze %dma_start3A_1023 : memref<1x!tpu.dma_semaphore, #tpu.memory_space<semaphore_mem>> -> memref<!tpu.dma_semaphore, #tpu.memory_space<semaphore_mem>>
      tpu.enqueue_indirect_dma source(%dma_start3A_1022 : memref<10240x32xf32, #tpu.memory_space<hbm>>) target(%dma_start3A_1016 : memref<125x32xf32, #tpu.memory_space<vmem>>) offsets(%dma_start3A_1019 : memref<125xi32, #tpu.memory_space<vmem>>) semaphore(%dma_start3A_1024 : memref<!tpu.dma_semaphore, #tpu.memory_space<semaphore_mem>>)
      %scan3A_1025 = arith.constant 0 : i32
      scf.yield %scan3A_1025 : i32
    }
    %scan3A_169 = arith.constant 10 : i32
    %dma_wait3A = arith.constant 0 : i32
    %dma_wait3A_170 = arith.constant 0 : i32
    %dma_wait3A_171 = arith.constant 0 : i32
    %dma_wait3A_172 = arith.constant 0 : i32
    %dma_wait3A_173 = arith.constant 0 : i32
    %dma_wait3A_174 = tpu.memref_slice %arg7[%dma_wait3A_170, %dma_wait3A_172, %dma_wait3A_173] : memref<8x125x32xf32, #tpu.memory_space<vmem>> -> memref<1x125x32xf32, #tpu.memory_space<vmem>>
    %dma_wait3A_175 = tpu.memref_squeeze %dma_wait3A_174 : memref<1x125x32xf32, #tpu.memory_space<vmem>> -> memref<125x32xf32, #tpu.memory_space<vmem>>
    %dma_wait3A_176 = arith.constant 0 : i32
    %dma_wait3A_177 = tpu.memref_slice %arg5[%dma_wait3A, %dma_wait3A_176] : memref<80x125xi32, #tpu.memory_space<vmem>> -> memref<1x125xi32, #tpu.memory_space<vmem>>
    %dma_wait3A_178 = tpu.memref_squeeze %dma_wait3A_177 : memref<1x125xi32, #tpu.memory_space<vmem>> -> memref<125xi32, #tpu.memory_space<vmem>>
    %dma_wait3A_179 = arith.constant 0 : i32
    %dma_wait3A_180 = arith.constant 0 : i32
    %dma_wait3A_181 = tpu.memref_slice %arg2[%dma_wait3A_179, %dma_wait3A_180] : memref<10240x32xf32, #tpu.memory_space<hbm>> -> memref<10240x32xf32, #tpu.memory_space<hbm>>
    %dma_wait3A_182 = tpu.memref_slice %arg10[%dma_wait3A_171] : memref<8x!tpu.dma_semaphore, #tpu.memory_space<semaphore_mem>> -> memref<1x!tpu.dma_semaphore, #tpu.memory_space<semaphore_mem>>
    %dma_wait3A_183 = tpu.memref_squeeze %dma_wait3A_182 : memref<1x!tpu.dma_semaphore, #tpu.memory_space<semaphore_mem>> -> memref<!tpu.dma_semaphore, #tpu.memory_space<semaphore_mem>>
    tpu.wait_indirect_dma semaphore(%dma_wait3A_183 : memref<!tpu.dma_semaphore, #tpu.memory_space<semaphore_mem>>) src(%dma_wait3A_181 : memref<10240x32xf32, #tpu.memory_space<hbm>>) dst(%dma_wait3A_175 : memref<125x32xf32, #tpu.memory_space<vmem>>)
    %dma_wait3A_184 = arith.constant 0 : i32
    %dma_wait3A_185 = arith.constant 1 : i32
    %dma_wait3A_186 = arith.constant 1 : i32
    %dma_wait3A_187 = arith.constant 0 : i32
    %dma_wait3A_188 = arith.constant 0 : i32
    %dma_wait3A_189 = tpu.memref_slice %arg7[%dma_wait3A_185, %dma_wait3A_187, %dma_wait3A_188] : memref<8x125x32xf32, #tpu.memory_space<vmem>> -> memref<1x125x32xf32, #tpu.memory_space<vmem>>
    %dma_wait3A_190 = tpu.memref_squeeze %dma_wait3A_189 : memref<1x125x32xf32, #tpu.memory_space<vmem>> -> memref<125x32xf32, #tpu.memory_space<vmem>>
    %dma_wait3A_191 = arith.constant 0 : i32
    %dma_wait3A_192 = tpu.memref_slice %arg5[%dma_wait3A_184, %dma_wait3A_191] : memref<80x125xi32, #tpu.memory_space<vmem>> -> memref<1x125xi32, #tpu.memory_space<vmem>>
    %dma_wait3A_193 = tpu.memref_squeeze %dma_wait3A_192 : memref<1x125xi32, #tpu.memory_space<vmem>> -> memref<125xi32, #tpu.memory_space<vmem>>
    %dma_wait3A_194 = arith.constant 0 : i32
    %dma_wait3A_195 = arith.constant 0 : i32
    %dma_wait3A_196 = tpu.memref_slice %arg2[%dma_wait3A_194, %dma_wait3A_195] : memref<10240x32xf32, #tpu.memory_space<hbm>> -> memref<10240x32xf32, #tpu.memory_space<hbm>>
    %dma_wait3A_197 = tpu.memref_slice %arg10[%dma_wait3A_186] : memref<8x!tpu.dma_semaphore, #tpu.memory_space<semaphore_mem>> -> memref<1x!tpu.dma_semaphore, #tpu.memory_space<semaphore_mem>>
    %dma_wait3A_198 = tpu.memref_squeeze %dma_wait3A_197 : memref<1x!tpu.dma_semaphore, #tpu.memory_space<semaphore_mem>> -> memref<!tpu.dma_semaphore, #tpu.memory_space<semaphore_mem>>
    tpu.wait_indirect_dma semaphore(%dma_wait3A_198 : memref<!tpu.dma_semaphore, #tpu.memory_space<semaphore_mem>>) src(%dma_wait3A_196 : memref<10240x32xf32, #tpu.memory_space<hbm>>) dst(%dma_wait3A_190 : memref<125x32xf32, #tpu.memory_space<vmem>>)
    %dma_wait3A_199 = arith.constant 0 : i32
    %dma_wait3A_200 = arith.constant 2 : i32
    %dma_wait3A_201 = arith.constant 2 : i32
    %dma_wait3A_202 = arith.constant 0 : i32
    %dma_wait3A_203 = arith.constant 0 : i32
    %dma_wait3A_204 = tpu.memref_slice %arg7[%dma_wait3A_200, %dma_wait3A_202, %dma_wait3A_203] : memref<8x125x32xf32, #tpu.memory_space<vmem>> -> memref<1x125x32xf32, #tpu.memory_space<vmem>>
    %dma_wait3A_205 = tpu.memref_squeeze %dma_wait3A_204 : memref<1x125x32xf32, #tpu.memory_space<vmem>> -> memref<125x32xf32, #tpu.memory_space<vmem>>
    %dma_wait3A_206 = arith.constant 0 : i32
    %dma_wait3A_207 = tpu.memref_slice %arg5[%dma_wait3A_199, %dma_wait3A_206] : memref<80x125xi32, #tpu.memory_space<vmem>> -> memref<1x125xi32, #tpu.memory_space<vmem>>
    %dma_wait3A_208 = tpu.memref_squeeze %dma_wait3A_207 : memref<1x125xi32, #tpu.memory_space<vmem>> -> memref<125xi32, #tpu.memory_space<vmem>>
    %dma_wait3A_209 = arith.constant 0 : i32
    %dma_wait3A_210 = arith.constant 0 : i32
    %dma_wait3A_211 = tpu.memref_slice %arg2[%dma_wait3A_209, %dma_wait3A_210] : memref<10240x32xf32, #tpu.memory_space<hbm>> -> memref<10240x32xf32, #tpu.memory_space<hbm>>
    %dma_wait3A_212 = tpu.memref_slice %arg10[%dma_wait3A_201] : memref<8x!tpu.dma_semaphore, #tpu.memory_space<semaphore_mem>> -> memref<1x!tpu.dma_semaphore, #tpu.memory_space<semaphore_mem>>
    %dma_wait3A_213 = tpu.memref_squeeze %dma_wait3A_212 : memref<1x!tpu.dma_semaphore, #tpu.memory_space<semaphore_mem>> -> memref<!tpu.dma_semaphore, #tpu.memory_space<semaphore_mem>>
    tpu.wait_indirect_dma semaphore(%dma_wait3A_213 : memref<!tpu.dma_semaphore, #tpu.memory_space<semaphore_mem>>) src(%dma_wait3A_211 : memref<10240x32xf32, #tpu.memory_space<hbm>>) dst(%dma_wait3A_205 : memref<125x32xf32, #tpu.memory_space<vmem>>)
    %dma_wait3A_214 = arith.constant 0 : i32
    %dma_wait3A_215 = arith.constant 3 : i32
    %dma_wait3A_216 = arith.constant 3 : i32
    %dma_wait3A_217 = arith.constant 0 : i32
    %dma_wait3A_218 = arith.constant 0 : i32
    %dma_wait3A_219 = tpu.memref_slice %arg7[%dma_wait3A_215, %dma_wait3A_217, %dma_wait3A_218] : memref<8x125x32xf32, #tpu.memory_space<vmem>> -> memref<1x125x32xf32, #tpu.memory_space<vmem>>
    %dma_wait3A_220 = tpu.memref_squeeze %dma_wait3A_219 : memref<1x125x32xf32, #tpu.memory_space<vmem>> -> memref<125x32xf32, #tpu.memory_space<vmem>>
    %dma_wait3A_221 = arith.constant 0 : i32
    %dma_wait3A_222 = tpu.memref_slice %arg5[%dma_wait3A_214, %dma_wait3A_221] : memref<80x125xi32, #tpu.memory_space<vmem>> -> memref<1x125xi32, #tpu.memory_space<vmem>>
    %dma_wait3A_223 = tpu.memref_squeeze %dma_wait3A_222 : memref<1x125xi32, #tpu.memory_space<vmem>> -> memref<125xi32, #tpu.memory_space<vmem>>
    %dma_wait3A_224 = arith.constant 0 : i32
    %dma_wait3A_225 = arith.constant 0 : i32
    %dma_wait3A_226 = tpu.memref_slice %arg2[%dma_wait3A_224, %dma_wait3A_225] : memref<10240x32xf32, #tpu.memory_space<hbm>> -> memref<10240x32xf32, #tpu.memory_space<hbm>>
    %dma_wait3A_227 = tpu.memref_slice %arg10[%dma_wait3A_216] : memref<8x!tpu.dma_semaphore, #tpu.memory_space<semaphore_mem>> -> memref<1x!tpu.dma_semaphore, #tpu.memory_space<semaphore_mem>>
    %dma_wait3A_228 = tpu.memref_squeeze %dma_wait3A_227 : memref<1x!tpu.dma_semaphore, #tpu.memory_space<semaphore_mem>> -> memref<!tpu.dma_semaphore, #tpu.memory_space<semaphore_mem>>
    tpu.wait_indirect_dma semaphore(%dma_wait3A_228 : memref<!tpu.dma_semaphore, #tpu.memory_space<semaphore_mem>>) src(%dma_wait3A_226 : memref<10240x32xf32, #tpu.memory_space<hbm>>) dst(%dma_wait3A_220 : memref<125x32xf32, #tpu.memory_space<vmem>>)
    %dma_wait3A_229 = arith.constant 0 : i32
    %dma_wait3A_230 = arith.constant 4 : i32
    %dma_wait3A_231 = arith.constant 4 : i32
    %dma_wait3A_232 = arith.constant 0 : i32
    %dma_wait3A_233 = arith.constant 0 : i32
    %dma_wait3A_234 = tpu.memref_slice %arg7[%dma_wait3A_230, %dma_wait3A_232, %dma_wait3A_233] : memref<8x125x32xf32, #tpu.memory_space<vmem>> -> memref<1x125x32xf32, #tpu.memory_space<vmem>>
    %dma_wait3A_235 = tpu.memref_squeeze %dma_wait3A_234 : memref<1x125x32xf32, #tpu.memory_space<vmem>> -> memref<125x32xf32, #tpu.memory_space<vmem>>
    %dma_wait3A_236 = arith.constant 0 : i32
    %dma_wait3A_237 = tpu.memref_slice %arg5[%dma_wait3A_229, %dma_wait3A_236] : memref<80x125xi32, #tpu.memory_space<vmem>> -> memref<1x125xi32, #tpu.memory_space<vmem>>
    %dma_wait3A_238 = tpu.memref_squeeze %dma_wait3A_237 : memref<1x125xi32, #tpu.memory_space<vmem>> -> memref<125xi32, #tpu.memory_space<vmem>>
    %dma_wait3A_239 = arith.constant 0 : i32
    %dma_wait3A_240 = arith.constant 0 : i32
    %dma_wait3A_241 = tpu.memref_slice %arg2[%dma_wait3A_239, %dma_wait3A_240] : memref<10240x32xf32, #tpu.memory_space<hbm>> -> memref<10240x32xf32, #tpu.memory_space<hbm>>
    %dma_wait3A_242 = tpu.memref_slice %arg10[%dma_wait3A_231] : memref<8x!tpu.dma_semaphore, #tpu.memory_space<semaphore_mem>> -> memref<1x!tpu.dma_semaphore, #tpu.memory_space<semaphore_mem>>
    %dma_wait3A_243 = tpu.memref_squeeze %dma_wait3A_242 : memref<1x!tpu.dma_semaphore, #tpu.memory_space<semaphore_mem>> -> memref<!tpu.dma_semaphore, #tpu.memory_space<semaphore_mem>>
    tpu.wait_indirect_dma semaphore(%dma_wait3A_243 : memref<!tpu.dma_semaphore, #tpu.memory_space<semaphore_mem>>) src(%dma_wait3A_241 : memref<10240x32xf32, #tpu.memory_space<hbm>>) dst(%dma_wait3A_235 : memref<125x32xf32, #tpu.memory_space<vmem>>)
    %dma_wait3A_244 = arith.constant 0 : i32
    %dma_wait3A_245 = arith.constant 5 : i32
    %dma_wait3A_246 = arith.constant 5 : i32
    %dma_wait3A_247 = arith.constant 0 : i32
    %dma_wait3A_248 = arith.constant 0 : i32
    %dma_wait3A_249 = tpu.memref_slice %arg7[%dma_wait3A_245, %dma_wait3A_247, %dma_wait3A_248] : memref<8x125x32xf32, #tpu.memory_space<vmem>> -> memref<1x125x32xf32, #tpu.memory_space<vmem>>
    %dma_wait3A_250 = tpu.memref_squeeze %dma_wait3A_249 : memref<1x125x32xf32, #tpu.memory_space<vmem>> -> memref<125x32xf32, #tpu.memory_space<vmem>>
    %dma_wait3A_251 = arith.constant 0 : i32
    %dma_wait3A_252 = tpu.memref_slice %arg5[%dma_wait3A_244, %dma_wait3A_251] : memref<80x125xi32, #tpu.memory_space<vmem>> -> memref<1x125xi32, #tpu.memory_space<vmem>>
    %dma_wait3A_253 = tpu.memref_squeeze %dma_wait3A_252 : memref<1x125xi32, #tpu.memory_space<vmem>> -> memref<125xi32, #tpu.memory_space<vmem>>
    %dma_wait3A_254 = arith.constant 0 : i32
    %dma_wait3A_255 = arith.constant 0 : i32
    %dma_wait3A_256 = tpu.memref_slice %arg2[%dma_wait3A_254, %dma_wait3A_255] : memref<10240x32xf32, #tpu.memory_space<hbm>> -> memref<10240x32xf32, #tpu.memory_space<hbm>>
    %dma_wait3A_257 = tpu.memref_slice %arg10[%dma_wait3A_246] : memref<8x!tpu.dma_semaphore, #tpu.memory_space<semaphore_mem>> -> memref<1x!tpu.dma_semaphore, #tpu.memory_space<semaphore_mem>>
    %dma_wait3A_258 = tpu.memref_squeeze %dma_wait3A_257 : memref<1x!tpu.dma_semaphore, #tpu.memory_space<semaphore_mem>> -> memref<!tpu.dma_semaphore, #tpu.memory_space<semaphore_mem>>
    tpu.wait_indirect_dma semaphore(%dma_wait3A_258 : memref<!tpu.dma_semaphore, #tpu.memory_space<semaphore_mem>>) src(%dma_wait3A_256 : memref<10240x32xf32, #tpu.memory_space<hbm>>) dst(%dma_wait3A_250 : memref<125x32xf32, #tpu.memory_space<vmem>>)
    %dma_wait3A_259 = arith.constant 0 : i32
    %dma_wait3A_260 = arith.constant 6 : i32
    %dma_wait3A_261 = arith.constant 6 : i32
    %dma_wait3A_262 = arith.constant 0 : i32
    %dma_wait3A_263 = arith.constant 0 : i32
    %dma_wait3A_264 = tpu.memref_slice %arg7[%dma_wait3A_260, %dma_wait3A_262, %dma_wait3A_263] : memref<8x125x32xf32, #tpu.memory_space<vmem>> -> memref<1x125x32xf32, #tpu.memory_space<vmem>>
    %dma_wait3A_265 = tpu.memref_squeeze %dma_wait3A_264 : memref<1x125x32xf32, #tpu.memory_space<vmem>> -> memref<125x32xf32, #tpu.memory_space<vmem>>
    %dma_wait3A_266 = arith.constant 0 : i32
    %dma_wait3A_267 = tpu.memref_slice %arg5[%dma_wait3A_259, %dma_wait3A_266] : memref<80x125xi32, #tpu.memory_space<vmem>> -> memref<1x125xi32, #tpu.memory_space<vmem>>
    %dma_wait3A_268 = tpu.memref_squeeze %dma_wait3A_267 : memref<1x125xi32, #tpu.memory_space<vmem>> -> memref<125xi32, #tpu.memory_space<vmem>>
    %dma_wait3A_269 = arith.constant 0 : i32
    %dma_wait3A_270 = arith.constant 0 : i32
    %dma_wait3A_271 = tpu.memref_slice %arg2[%dma_wait3A_269, %dma_wait3A_270] : memref<10240x32xf32, #tpu.memory_space<hbm>> -> memref<10240x32xf32, #tpu.memory_space<hbm>>
    %dma_wait3A_272 = tpu.memref_slice %arg10[%dma_wait3A_261] : memref<8x!tpu.dma_semaphore, #tpu.memory_space<semaphore_mem>> -> memref<1x!tpu.dma_semaphore, #tpu.memory_space<semaphore_mem>>
    %dma_wait3A_273 = tpu.memref_squeeze %dma_wait3A_272 : memref<1x!tpu.dma_semaphore, #tpu.memory_space<semaphore_mem>> -> memref<!tpu.dma_semaphore, #tpu.memory_space<semaphore_mem>>
    tpu.wait_indirect_dma semaphore(%dma_wait3A_273 : memref<!tpu.dma_semaphore, #tpu.memory_space<semaphore_mem>>) src(%dma_wait3A_271 : memref<10240x32xf32, #tpu.memory_space<hbm>>) dst(%dma_wait3A_265 : memref<125x32xf32, #tpu.memory_space<vmem>>)
    %dma_wait3A_274 = arith.constant 0 : i32
    %dma_wait3A_275 = arith.constant 7 : i32
    %dma_wait3A_276 = arith.constant 7 : i32
    %dma_wait3A_277 = arith.constant 0 : i32
    %dma_wait3A_278 = arith.constant 0 : i32
    %dma_wait3A_279 = tpu.memref_slice %arg7[%dma_wait3A_275, %dma_wait3A_277, %dma_wait3A_278] : memref<8x125x32xf32, #tpu.memory_space<vmem>> -> memref<1x125x32xf32, #tpu.memory_space<vmem>>
    %dma_wait3A_280 = tpu.memref_squeeze %dma_wait3A_279 : memref<1x125x32xf32, #tpu.memory_space<vmem>> -> memref<125x32xf32, #tpu.memory_space<vmem>>
    %dma_wait3A_281 = arith.constant 0 : i32
    %dma_wait3A_282 = tpu.memref_slice %arg5[%dma_wait3A_274, %dma_wait3A_281] : memref<80x125xi32, #tpu.memory_space<vmem>> -> memref<1x125xi32, #tpu.memory_space<vmem>>
    %dma_wait3A_283 = tpu.memref_squeeze %dma_wait3A_282 : memref<1x125xi32, #tpu.memory_space<vmem>> -> memref<125xi32, #tpu.memory_space<vmem>>
    %dma_wait3A_284 = arith.constant 0 : i32
    %dma_wait3A_285 = arith.constant 0 : i32
    %dma_wait3A_286 = tpu.memref_slice %arg2[%dma_wait3A_284, %dma_wait3A_285] : memref<10240x32xf32, #tpu.memory_space<hbm>> -> memref<10240x32xf32, #tpu.memory_space<hbm>>
    %dma_wait3A_287 = tpu.memref_slice %arg10[%dma_wait3A_276] : memref<8x!tpu.dma_semaphore, #tpu.memory_space<semaphore_mem>> -> memref<1x!tpu.dma_semaphore, #tpu.memory_space<semaphore_mem>>
    %dma_wait3A_288 = tpu.memref_squeeze %dma_wait3A_287 : memref<1x!tpu.dma_semaphore, #tpu.memory_space<semaphore_mem>> -> memref<!tpu.dma_semaphore, #tpu.memory_space<semaphore_mem>>
    tpu.wait_indirect_dma semaphore(%dma_wait3A_288 : memref<!tpu.dma_semaphore, #tpu.memory_space<semaphore_mem>>) src(%dma_wait3A_286 : memref<10240x32xf32, #tpu.memory_space<hbm>>) dst(%dma_wait3A_280 : memref<125x32xf32, #tpu.memory_space<vmem>>)
    %barrier3A_289 = arith.constant 0 : index
    tpu.barrier barrier_id(%barrier3A_289)
    %mul3A_290 = arith.constant 32 : i32
    %mul3A_291 = arith.muli %arg0, %mul3A_290 : i32
    "tpu.region"() ({
      %run_scoped3A_296 = tpu.sem_alloc : memref<!tpu.dma_semaphore, #tpu.memory_space<semaphore_mem>>
      %dma_start3A_297 = arith.constant 0 : i32
      %dma_start3A_298 = tpu.memref_slice %arg4[%arg1, %dma_start3A_297, %mul3A_291] : memref<16x640x96xf32, #tpu.memory_space<hbm>> -> memref<1x640x32xf32, #tpu.memory_space<hbm>>
      %dma_start3A_299 = tpu.memref_squeeze %dma_start3A_298 : memref<1x640x32xf32, #tpu.memory_space<hbm>> -> memref<640x32xf32, #tpu.memory_space<hbm>>
      %dma_start3A_300 = arith.constant 0 : i32
      %dma_start3A_301 = tpu.memref_slice %arg9[%mul3A_9, %dma_start3A_300] : memref<10240x32xf32, #tpu.memory_space<vmem_shared>> -> memref<640x32xf32, #tpu.memory_space<vmem_shared>>
      tpu.enqueue_dma source(%dma_start3A_301 : memref<640x32xf32, #tpu.memory_space<vmem_shared>>) target(%dma_start3A_299 : memref<640x32xf32, #tpu.memory_space<hbm>>) target_semaphore(%run_scoped3A_296 : memref<!tpu.dma_semaphore, #tpu.memory_space<semaphore_mem>>)
      %dma_wait3A_302 = arith.constant 0 : i32
      %dma_wait3A_303 = tpu.memref_slice %arg4[%arg1, %dma_wait3A_302, %mul3A_291] : memref<16x640x96xf32, #tpu.memory_space<hbm>> -> memref<1x640x32xf32, #tpu.memory_space<hbm>>
      %dma_wait3A_304 = tpu.memref_squeeze %dma_wait3A_303 : memref<1x640x32xf32, #tpu.memory_space<hbm>> -> memref<640x32xf32, #tpu.memory_space<hbm>>
      %dma_wait3A_305 = arith.constant 0 : i32
      %dma_wait3A_306 = tpu.memref_slice %arg9[%mul3A_9, %dma_wait3A_305] : memref<10240x32xf32, #tpu.memory_space<vmem_shared>> -> memref<640x32xf32, #tpu.memory_space<vmem_shared>>
      tpu.wait_dma2 semaphore(%run_scoped3A_296 : memref<!tpu.dma_semaphore, #tpu.memory_space<semaphore_mem>>) src(%dma_wait3A_306 : memref<640x32xf32, #tpu.memory_space<vmem_shared>>) dst(%dma_wait3A_304 : memref<640x32xf32, #tpu.memory_space<hbm>>)
      tpu.yield
    }) : () -> ()
    %mul3A_292 = arith.constant 16 : i32
    %mul3A_293 = arith.muli %arg0, %mul3A_292 : i32
    %add3A_294 = arith.constant 64 : i32
    %add3A_295 = arith.addi %add3A_294, %mul3A_293 : i32
    "tpu.region"() ({
      %run_scoped3A_296 = tpu.sem_alloc : memref<!tpu.dma_semaphore, #tpu.memory_space<semaphore_mem>>
      %dma_start3A_297 = arith.constant 0 : i32
      %dma_start3A_298 = tpu.memref_slice %arg4[%arg1, %dma_start3A_297, %add3A_295] : memref<16x640x96xf32, #tpu.memory_space<hbm>> -> memref<1x640x16xf32, #tpu.memory_space<hbm>>
      %dma_start3A_299 = tpu.memref_squeeze %dma_start3A_298 : memref<1x640x16xf32, #tpu.memory_space<hbm>> -> memref<640x16xf32, #tpu.memory_space<hbm>>
      %dma_start3A_300 = arith.constant 0 : i32
      %dma_start3A_301 = tpu.memref_slice %arg14[%mul3A_9, %dma_start3A_300] : memref<10240x16xf32, #tpu.memory_space<vmem_shared>> -> memref<640x16xf32, #tpu.memory_space<vmem_shared>>
      tpu.enqueue_dma source(%dma_start3A_301 : memref<640x16xf32, #tpu.memory_space<vmem_shared>>) target(%dma_start3A_299 : memref<640x16xf32, #tpu.memory_space<hbm>>) target_semaphore(%run_scoped3A_296 : memref<!tpu.dma_semaphore, #tpu.memory_space<semaphore_mem>>)
      %dma_wait3A_302 = arith.constant 0 : i32
      %dma_wait3A_303 = tpu.memref_slice %arg4[%arg1, %dma_wait3A_302, %add3A_295] : memref<16x640x96xf32, #tpu.memory_space<hbm>> -> memref<1x640x16xf32, #tpu.memory_space<hbm>>
      %dma_wait3A_304 = tpu.memref_squeeze %dma_wait3A_303 : memref<1x640x16xf32, #tpu.memory_space<hbm>> -> memref<640x16xf32, #tpu.memory_space<hbm>>
      %dma_wait3A_305 = arith.constant 0 : i32
      %dma_wait3A_306 = tpu.memref_slice %arg14[%mul3A_9, %dma_wait3A_305] : memref<10240x16xf32, #tpu.memory_space<vmem_shared>> -> memref<640x16xf32, #tpu.memory_space<vmem_shared>>
      tpu.wait_dma2 semaphore(%run_scoped3A_296 : memref<!tpu.dma_semaphore, #tpu.memory_space<semaphore_mem>>) src(%dma_wait3A_306 : memref<640x16xf32, #tpu.memory_space<vmem_shared>>) dst(%dma_wait3A_304 : memref<640x16xf32, #tpu.memory_space<hbm>>)
      tpu.yield
    }) : () -> ()
    return
  }
}

module attributes {stable_mosaic.version = 14 : i64} {
  func.func @_proj1_body(%arg0: i32, %arg1: memref<2000x128xf32, #tpu.memory_space<vmem>>, %arg2: memref<32x128xf32, #tpu.memory_space<vmem>>, %arg3: memref<32x128xf32, #tpu.memory_space<vmem>>, %arg4: memref<1x32xf32, #tpu.memory_space<vmem>>, %arg5: memref<2000x32xf32, #tpu.memory_space<vmem>>, %arg6: memref<2000x32xf32, #tpu.memory_space<vmem>>) attributes {dimension_semantics = [#tpu.dimension_semantics<arbitrary>], iteration_bounds = array<i64: 5>, scalar_prefetch = 0 : i64, scratch_operands = 0 : i64, tpu.core_type = #tpu.core_type<tc>, window_params = [{transform_indices = @transform_0, window_bounds = array<i64: 2000, 128>}, {pipeline_mode = #tpu.pipeline_mode<synchronous>, transform_indices = @transform_1, window_bounds = array<i64: 32, 128>}, {pipeline_mode = #tpu.pipeline_mode<synchronous>, transform_indices = @transform_2, window_bounds = array<i64: 32, 128>}, {pipeline_mode = #tpu.pipeline_mode<synchronous>, transform_indices = @transform_3, window_bounds = array<i64: 1, 32>}, {transform_indices = @transform_4, window_bounds = array<i64: 2000, 32>}, {transform_indices = @transform_5, window_bounds = array<i64: 2000, 32>}]} {
    %get3A = arith.constant 0 : index
    %get3A_0 = arith.constant 0 : index
    %get3A_1 = vector.load %arg1[%get3A, %get3A_0] : memref<2000x128xf32, #tpu.memory_space<vmem>>, vector<2000x128xf32>
    %get3A_2 = arith.constant 0 : index
    %get3A_3 = arith.constant 0 : index
    %get3A_4 = vector.load %arg2[%get3A_2, %get3A_3] : memref<32x128xf32, #tpu.memory_space<vmem>>, vector<32x128xf32>
    %dot_general3A = arith.constant dense<0.000000e+00> : vector<2000x32xf32>
    %dot_general3A_5 = tpu.matmul %get3A_1, %get3A_4, %dot_general3A {dimension_numbers = #tpu.dot_dimension_numbers<[1], [1], [0], [0], [0, 0, 1, 0], [], []>, transpose_lhs_hint = false} : vector<2000x128xf32>, vector<32x128xf32>, vector<2000x32xf32> -> vector<2000x32xf32>
    %swap3A = arith.constant 0 : index
    %swap3A_6 = arith.constant 0 : index
    %swap3A_7 = vector.load %arg5[%swap3A, %swap3A_6] : memref<2000x32xf32, #tpu.memory_space<vmem>>, vector<2000x32xf32>
    tpu.vector_store %arg5[%swap3A, %swap3A_6], %dot_general3A_5 {strides = array<i32>} : memref<2000x32xf32, #tpu.memory_space<vmem>>, vector<2000x32xf32>,
    %get3A_8 = arith.constant 0 : index
    %get3A_9 = arith.constant 0 : index
    %get3A_10 = vector.load %arg3[%get3A_8, %get3A_9] : memref<32x128xf32, #tpu.memory_space<vmem>>, vector<32x128xf32>
    %dot_general3A_11 = arith.constant dense<0.000000e+00> : vector<2000x32xf32>
    %dot_general3A_12 = tpu.matmul %get3A_1, %get3A_10, %dot_general3A_11 {dimension_numbers = #tpu.dot_dimension_numbers<[1], [1], [0], [0], [0, 0, 1, 0], [], []>, transpose_lhs_hint = false} : vector<2000x128xf32>, vector<32x128xf32>, vector<2000x32xf32> -> vector<2000x32xf32>
    %get3A_13 = arith.constant 0 : index
    %get3A_14 = arith.constant 0 : index
    %get3A_15 = vector.load %arg4[%get3A_13, %get3A_14] : memref<1x32xf32, #tpu.memory_space<vmem>>, vector<1x32xf32>
    %add3A = vector.broadcast %get3A_15 : vector<1x32xf32> to vector<2000x32xf32>
    %add3A_16 = arith.addf %dot_general3A_12, %add3A : vector<2000x32xf32>
    %swap3A_17 = arith.constant 0 : index
    %swap3A_18 = arith.constant 0 : index
    %swap3A_19 = vector.load %arg6[%swap3A_17, %swap3A_18] : memref<2000x32xf32, #tpu.memory_space<vmem>>, vector<2000x32xf32>
    tpu.vector_store %arg6[%swap3A_17, %swap3A_18], %add3A_16 {strides = array<i32>} : memref<2000x32xf32, #tpu.memory_space<vmem>>, vector<2000x32xf32>,
    return
  }
  func.func @transform_0(%arg0: i32) -> (i32, i32) {
    %c0_i32 = arith.constant 0 : i32
    %c0_i32_0 = arith.constant 0 : i32
    return %arg0, %c0_i32 : i32, i32
  }
  func.func @transform_1(%arg0: i32) -> (i32, i32) {
    %c0_i32 = arith.constant 0 : i32
    %c0_i32_0 = arith.constant 0 : i32
    %c0_i32_1 = arith.constant 0 : i32
    return %c0_i32, %c0_i32_0 : i32, i32
  }
  func.func @transform_2(%arg0: i32) -> (i32, i32) {
    %c0_i32 = arith.constant 0 : i32
    %c0_i32_0 = arith.constant 0 : i32
    %c0_i32_1 = arith.constant 0 : i32
    return %c0_i32, %c0_i32_0 : i32, i32
  }
  func.func @transform_3(%arg0: i32) -> (i32, i32) {
    %c0_i32 = arith.constant 0 : i32
    %c0_i32_0 = arith.constant 0 : i32
    %c0_i32_1 = arith.constant 0 : i32
    return %c0_i32, %c0_i32_0 : i32, i32
  }
  func.func @transform_4(%arg0: i32) -> (i32, i32) {
    %c0_i32 = arith.constant 0 : i32
    %c0_i32_0 = arith.constant 0 : i32
    return %arg0, %c0_i32 : i32, i32
  }
  func.func @transform_5(%arg0: i32) -> (i32, i32) {
    %c0_i32 = arith.constant 0 : i32
    %c0_i32_0 = arith.constant 0 : i32
    return %arg0, %c0_i32 : i32, i32
  }
}

module attributes {stable_mosaic.version = 14 : i64} {
  func.func @_mid_body(%arg0: i32, %arg1: memref<2048x96xf32, #tpu.memory_space<vmem>>, %arg2: memref<2048x32xf32, #tpu.memory_space<vmem>>, %arg3: memref<2048x32xf32, #tpu.memory_space<vmem>>) attributes {dimension_semantics = [#tpu.dimension_semantics<arbitrary>], iteration_bounds = array<i64: 5>, scalar_prefetch = 0 : i64, scratch_operands = 0 : i64, tpu.core_type = #tpu.core_type<tc>, window_params = [{transform_indices = @transform_0, window_bounds = array<i64: 2048, 96>}, {transform_indices = @transform_1, window_bounds = array<i64: 2048, 32>}, {transform_indices = @transform_2, window_bounds = array<i64: 2048, 32>}]} {
    %get3A = arith.constant 0 : index
    %get3A_0 = arith.constant 0 : index
    %get3A_1 = vector.load %arg1[%get3A, %get3A_0] : memref<2048x96xf32, #tpu.memory_space<vmem>>, vector<2048x96xf32>
    %slice3A = vector.extract_strided_slice %get3A_1 {offsets = [0, 0], sizes = [2048, 32], strides = [1, 1]} : vector<2048x96xf32> to vector<2048x32xf32>
    %slice3A_2 = vector.extract_strided_slice %get3A_1 {offsets = [0, 32], sizes = [2048, 32], strides = [1, 1]} : vector<2048x96xf32> to vector<2048x32xf32>
    %add3A = arith.addf %slice3A, %slice3A_2 : vector<2048x32xf32>
    %slice3A_3 = vector.extract_strided_slice %get3A_1 {offsets = [0, 64], sizes = [2048, 1], strides = [1, 1]} : vector<2048x96xf32> to vector<2048x1xf32>
    %slice3A_4 = vector.extract_strided_slice %get3A_1 {offsets = [0, 80], sizes = [2048, 1], strides = [1, 1]} : vector<2048x96xf32> to vector<2048x1xf32>
    %add3A_5 = arith.addf %slice3A_3, %slice3A_4 : vector<2048x1xf32>
    %max3A = arith.constant 1.000000e+00 : f32
    %max3A_6 = vector.broadcast %max3A : f32 to vector<2048x1xf32>
    %max3A_7 = arith.maximumf %add3A_5, %max3A_6 : vector<2048x1xf32>
    %div3A = arith.constant 1.000000e+00 : f32
    %div3A_8 = vector.broadcast %div3A : f32 to vector<2048x1xf32>
    %div3A_9 = arith.divf %div3A_8, %max3A_7 : vector<2048x1xf32>
    %mul3A = vector.broadcast %div3A_9 : vector<2048x1xf32> to vector<2048x32xf32>
    %mul3A_10 = arith.mulf %add3A, %mul3A : vector<2048x32xf32>
    %get3A_11 = arith.constant 0 : index
    %get3A_12 = arith.constant 0 : index
    %get3A_13 = vector.load %arg2[%get3A_11, %get3A_12] : memref<2048x32xf32, #tpu.memory_space<vmem>>, vector<2048x32xf32>
    %add3A_14 = arith.addf %mul3A_10, %get3A_13 : vector<2048x32xf32>
    %max3A_15 = arith.constant 0.000000e+00 : f32
    %max3A_16 = vector.broadcast %max3A_15 : f32 to vector<2048x32xf32>
    %max3A_17 = arith.maximumf %add3A_14, %max3A_16 : vector<2048x32xf32>
    %swap3A = arith.constant 0 : index
    %swap3A_18 = arith.constant 0 : index
    %swap3A_19 = vector.load %arg3[%swap3A, %swap3A_18] : memref<2048x32xf32, #tpu.memory_space<vmem>>, vector<2048x32xf32>
    tpu.vector_store %arg3[%swap3A, %swap3A_18], %max3A_17 {strides = array<i32>} : memref<2048x32xf32, #tpu.memory_space<vmem>>, vector<2048x32xf32>,
    return
  }
  func.func @transform_0(%arg0: i32) -> (i32, i32) {
    %c0_i32 = arith.constant 0 : i32
    %c0_i32_0 = arith.constant 0 : i32
    return %arg0, %c0_i32 : i32, i32
  }
  func.func @transform_1(%arg0: i32) -> (i32, i32) {
    %c0_i32 = arith.constant 0 : i32
    %c0_i32_0 = arith.constant 0 : i32
    return %arg0, %c0_i32 : i32, i32
  }
  func.func @transform_2(%arg0: i32) -> (i32, i32) {
    %c0_i32 = arith.constant 0 : i32
    %c0_i32_0 = arith.constant 0 : i32
    return %arg0, %c0_i32 : i32, i32
  }
}

module attributes {stable_mosaic.version = 14 : i64} {
  func.func @_final_body(%arg0: i32, %arg1: memref<2000x64xf32, #tpu.memory_space<vmem>>, %arg2: memref<2000x96xf32, #tpu.memory_space<vmem>>, %arg3: memref<2000x32xf32, #tpu.memory_space<vmem>>, %arg4: memref<40x32xf32, #tpu.memory_space<vmem>>, %arg5: memref<1x40xf32, #tpu.memory_space<vmem>>, %arg6: memref<40x32xf32, #tpu.memory_space<vmem>>, %arg7: memref<2000x40xf32, #tpu.memory_space<vmem>>) attributes {dimension_semantics = [#tpu.dimension_semantics<arbitrary>], iteration_bounds = array<i64: 5>, scalar_prefetch = 0 : i64, scratch_operands = 0 : i64, tpu.core_type = #tpu.core_type<tc>, window_params = [{transform_indices = @transform_0, window_bounds = array<i64: 2000, 64>}, {transform_indices = @transform_1, window_bounds = array<i64: 2000, 96>}, {transform_indices = @transform_2, window_bounds = array<i64: 2000, 32>}, {pipeline_mode = #tpu.pipeline_mode<synchronous>, transform_indices = @transform_3, window_bounds = array<i64: 40, 32>}, {pipeline_mode = #tpu.pipeline_mode<synchronous>, transform_indices = @transform_4, window_bounds = array<i64: 1, 40>}, {pipeline_mode = #tpu.pipeline_mode<synchronous>, transform_indices = @transform_5, window_bounds = array<i64: 40, 32>}, {transform_indices = @transform_6, window_bounds = array<i64: 2000, 40>}]} {
    %get3A = arith.constant 0 : index
    %get3A_0 = arith.constant 0 : index
    %get3A_1 = vector.load %arg1[%get3A, %get3A_0] : memref<2000x64xf32, #tpu.memory_space<vmem>>, vector<2000x64xf32>
    %get3A_2 = arith.constant 0 : index
    %get3A_3 = arith.constant 0 : index
    %get3A_4 = vector.load %arg2[%get3A_2, %get3A_3] : memref<2000x96xf32, #tpu.memory_space<vmem>>, vector<2000x96xf32>
    %slice3A = vector.extract_strided_slice %get3A_4 {offsets = [0, 64], sizes = [2000, 1], strides = [1, 1]} : vector<2000x96xf32> to vector<2000x1xf32>
    %slice3A_5 = vector.extract_strided_slice %get3A_4 {offsets = [0, 80], sizes = [2000, 1], strides = [1, 1]} : vector<2000x96xf32> to vector<2000x1xf32>
    %add3A = arith.addf %slice3A, %slice3A_5 : vector<2000x1xf32>
    %max3A = arith.constant 1.000000e+00 : f32
    %max3A_6 = vector.broadcast %max3A : f32 to vector<2000x1xf32>
    %max3A_7 = arith.maximumf %add3A, %max3A_6 : vector<2000x1xf32>
    %div3A = arith.constant 1.000000e+00 : f32
    %div3A_8 = vector.broadcast %div3A : f32 to vector<2000x1xf32>
    %div3A_9 = arith.divf %div3A_8, %max3A_7 : vector<2000x1xf32>
    %slice3A_10 = vector.extract_strided_slice %get3A_1 {offsets = [0, 0], sizes = [2000, 32], strides = [1, 1]} : vector<2000x64xf32> to vector<2000x32xf32>
    %slice3A_11 = vector.extract_strided_slice %get3A_1 {offsets = [0, 32], sizes = [2000, 32], strides = [1, 1]} : vector<2000x64xf32> to vector<2000x32xf32>
    %add3A_12 = arith.addf %slice3A_10, %slice3A_11 : vector<2000x32xf32>
    %mul3A = vector.broadcast %div3A_9 : vector<2000x1xf32> to vector<2000x32xf32>
    %mul3A_13 = arith.mulf %add3A_12, %mul3A : vector<2000x32xf32>
    %get3A_14 = arith.constant 0 : index
    %get3A_15 = arith.constant 0 : index
    %get3A_16 = vector.load %arg4[%get3A_14, %get3A_15] : memref<40x32xf32, #tpu.memory_space<vmem>>, vector<40x32xf32>
    %dot_general3A = arith.constant dense<0.000000e+00> : vector<2000x40xf32>
    %dot_general3A_17 = tpu.matmul %mul3A_13, %get3A_16, %dot_general3A {dimension_numbers = #tpu.dot_dimension_numbers<[1], [1], [0], [0], [0, 0, 1, 0], [], []>, transpose_lhs_hint = false} : vector<2000x32xf32>, vector<40x32xf32>, vector<2000x40xf32> -> vector<2000x40xf32>
    %get3A_18 = arith.constant 0 : index
    %get3A_19 = arith.constant 0 : index
    %get3A_20 = vector.load %arg5[%get3A_18, %get3A_19] : memref<1x40xf32, #tpu.memory_space<vmem>>, vector<1x40xf32>
    %add3A_21 = vector.broadcast %get3A_20 : vector<1x40xf32> to vector<2000x40xf32>
    %add3A_22 = arith.addf %dot_general3A_17, %add3A_21 : vector<2000x40xf32>
    %get3A_23 = arith.constant 0 : index
    %get3A_24 = arith.constant 0 : index
    %get3A_25 = vector.load %arg3[%get3A_23, %get3A_24] : memref<2000x32xf32, #tpu.memory_space<vmem>>, vector<2000x32xf32>
    %get3A_26 = arith.constant 0 : index
    %get3A_27 = arith.constant 0 : index
    %get3A_28 = vector.load %arg6[%get3A_26, %get3A_27] : memref<40x32xf32, #tpu.memory_space<vmem>>, vector<40x32xf32>
    %dot_general3A_29 = arith.constant dense<0.000000e+00> : vector<2000x40xf32>
    %dot_general3A_30 = tpu.matmul %get3A_25, %get3A_28, %dot_general3A_29 {dimension_numbers = #tpu.dot_dimension_numbers<[1], [1], [0], [0], [0, 0, 1, 0], [], []>, transpose_lhs_hint = false} : vector<2000x32xf32>, vector<40x32xf32>, vector<2000x40xf32> -> vector<2000x40xf32>
    %add3A_31 = arith.addf %add3A_22, %dot_general3A_30 : vector<2000x40xf32>
    %reduce_max3A = arith.constant dense<0xFF800000> : vector<2000xf32>
    %reduce_max3A_32 = vector.multi_reduction <maximumf>, %add3A_31, %reduce_max3A [1] : vector<2000x40xf32> to vector<2000xf32>
    %broadcast_in_dim3A = vector.shape_cast %reduce_max3A_32 : vector<2000xf32> to vector<2000x1xf32>
    %sub3A = vector.broadcast %broadcast_in_dim3A : vector<2000x1xf32> to vector<2000x40xf32>
    %sub3A_33 = arith.subf %add3A_31, %sub3A : vector<2000x40xf32>
    %exp3A = math.exp %sub3A_33 : vector<2000x40xf32>
    %reduce_sum3A = arith.constant dense<0.000000e+00> : vector<2000xf32>
    %reduce_sum3A_34 = vector.multi_reduction <add>, %exp3A, %reduce_sum3A [1] : vector<2000x40xf32> to vector<2000xf32>
    %broadcast_in_dim3A_35 = vector.shape_cast %reduce_sum3A_34 : vector<2000xf32> to vector<2000x1xf32>
    %log3A = math.log %broadcast_in_dim3A_35 : vector<2000x1xf32>
    %sub3A_36 = vector.broadcast %broadcast_in_dim3A : vector<2000x1xf32> to vector<2000x40xf32>
    %sub3A_37 = arith.subf %add3A_31, %sub3A_36 : vector<2000x40xf32>
    %sub3A_38 = vector.broadcast %log3A : vector<2000x1xf32> to vector<2000x40xf32>
    %sub3A_39 = arith.subf %sub3A_37, %sub3A_38 : vector<2000x40xf32>
    %swap3A = arith.constant 0 : index
    %swap3A_40 = arith.constant 0 : index
    %swap3A_41 = vector.load %arg7[%swap3A, %swap3A_40] : memref<2000x40xf32, #tpu.memory_space<vmem>>, vector<2000x40xf32>
    tpu.vector_store %arg7[%swap3A, %swap3A_40], %sub3A_39 {strides = array<i32>} : memref<2000x40xf32, #tpu.memory_space<vmem>>, vector<2000x40xf32>,
    return
  }
  func.func @transform_0(%arg0: i32) -> (i32, i32) {
    %c0_i32 = arith.constant 0 : i32
    %c0_i32_0 = arith.constant 0 : i32
    return %arg0, %c0_i32 : i32, i32
  }
  func.func @transform_1(%arg0: i32) -> (i32, i32) {
    %c0_i32 = arith.constant 0 : i32
    %c0_i32_0 = arith.constant 0 : i32
    return %arg0, %c0_i32 : i32, i32
  }
  func.func @transform_2(%arg0: i32) -> (i32, i32) {
    %c0_i32 = arith.constant 0 : i32
    %c0_i32_0 = arith.constant 0 : i32
    return %arg0, %c0_i32 : i32, i32
  }
  func.func @transform_3(%arg0: i32) -> (i32, i32) {
    %c0_i32 = arith.constant 0 : i32
    %c0_i32_0 = arith.constant 0 : i32
    %c0_i32_1 = arith.constant 0 : i32
    return %c0_i32, %c0_i32_0 : i32, i32
  }
  func.func @transform_4(%arg0: i32) -> (i32, i32) {
    %c0_i32 = arith.constant 0 : i32
    %c0_i32_0 = arith.constant 0 : i32
    %c0_i32_1 = arith.constant 0 : i32
    return %c0_i32, %c0_i32_0 : i32, i32
  }
  func.func @transform_5(%arg0: i32) -> (i32, i32) {
    %c0_i32 = arith.constant 0 : i32
    %c0_i32_0 = arith.constant 0 : i32
    %c0_i32_1 = arith.constant 0 : i32
    return %c0_i32, %c0_i32_0 : i32, i32
  }
  func.func @transform_6(%arg0: i32) -> (i32, i32) {
    %c0_i32 = arith.constant 0 : i32
    %c0_i32_0 = arith.constant 0 : i32
    return %arg0, %c0_i32 : i32, i32
  }
}

</mosaic_0001>

<sc_bundles>
// kernel: kernel.10.cloned.1.call-start
scs
__scs_entry_jumppad:
0x0: {  	(pc) =	sbr.rel $0x88, $3  }
0x1: {  	(tag) =	ssettag $0x0;
	lr =	simm.s32 $0x1  }
0x2: {  	[smem:$0x3F99] =	sst lr;
	_ =	strace $0xD0000000  }
0x3: {  	_ = 	snop  }
0x4: {  	_ = 	snop  }
0x5: {  	_ = 	snop  }
0x6: {  	_ = 	snop  }
0x7: {  	_ = 	snop  }
__scs_overlays_trampoline_lowered:
0x8: {  	[smem:$0x3FA8] =	sst s0  }
0x9: {  	[smem:$0x3FA9] =	sst s1  }
0xa: {  	[smem:$0x3FAA] =	sst s2  }
0xb: {  	[smem:$0x3FAB] =	sst s3  }
0xc: {  	[smem:$0x3FAC] =	sst s4  }
0xd: {  	[smem:$0x3FAD] =	sst s5  }
0xe: {  	[smem:$0x3FAE] =	sst s6  }
0xf: {  	[smem:$0x3FAF] =	sst s7  }
0x10: {  	[smem:$0x3FB0] =	sst s8  }
0x11: {  	[smem:$0x3FB1] =	sst s9;
	s0 =	simm.s32 @!p0 $0x0  }
0x12: {  	s1 =	sld [smem:$0x3F97];
	s0 =	simm.s32 @p0 $0x1  }
0x13: {  	[smem:$0x3FB2] =	sst s0;
	s0 =	simm.s32 @!p1 $0x0  }
0x14: {  	s2 =	sld [smem:$0x3F96];
	s0 =	simm.s32 @p1 $0x1  }
0x15: {  	[smem:$0x3FB3] =	sst s0;
	s0 =	simm.s32 @!p2 $0x0  }
0x16: {  	s3 =	sld [smem:$0x3FDB];
	s0 =	simm.s32 @p2 $0x1  }
0x17: {  	s4 =	simm.s32 $0x1BF5;
	[smem:$0x3FB5] =	sst s0  }
0x18: {  	s0 =	sld [smem:$0x3F98];
	_ =	swait.ge [sflag:s4], $0x0  }
0x19: {  	s7 =	sld [smem:$0x3F99]  }
0x1a: {  	s8 =	sadd.s32 $0xFFFFE003, lr  }
0x1b: {  	s9 =	sadd.s32 $0xFFFFFEF7, lr;
	s5 =	simm.s32 $0xFFFFFFFF;
	p2 =	slt.u32 s8, $0xFFFFF086  }
0x1c: {  	p1 =	slt.u32 s9, $0xF7A;
	s5 =	simm.s32 @!p2 $0x0  }
0x1d: {  	s5 =	simm.s32 @p1 $0x1;
	p0 =	seq.s32 s7, s2  }
0x1e: {  	s7 =	smul.u32 @!p0 $0xF7A, s2;
	p2 =	seq.s32 @!p0 s5, $0x0  }
0x1f: {  	s9 =	smul.u32 $0xF7A, s1;
	s8 =	simm.s32 @!p0 $0x1BF5;
	p2 =	por !p2, p0  }
0x20: {  	[sflag:s8] =	ssyncset.s32 @!p0 $0xFFFFF086;
	s6 =	sadd.s32 @!p0 s3, s7;
	s7 =	simm.s32 @!p0 $0x108  }
0x21: {  	s3 =	sadd.s32 s3, s9;
	s6 =	sadd.s32 @!p0 $0x88, s6;
	s7 =	simm.s32 @p2 $0x1082  }
0x22: {  	[simem:s7], [sflag:s8] =	dma.local @!p0 [hbm:s6], $0xF7A  }
0x23: {  	s9 =	sor.u32 $0xD0000000, s2;
	s6 =	simm.s32 $0x108;
	_ =	swait.ge @!p0 [sflag:s8], $0x0  }
0x24: {  	s3 =	sadd.s32 $0x88, s3;
	s6 =	simm.s32 @!p1 $0x1082;
	[sflag:s4] =	ssyncset.s32 $0xFFFFF086  }
0x25: {  	[simem:s6], [sflag:s4] =	dma.local [hbm:s3], $0xF7A  }
0x26: {  	[smem:$0x3F99] =	sst s1;
	(tag) =	ssettag s2;
	_ =	strace s9  }
0x27: {  	s1 =	sld [smem:$0x3FA9]  }
0x28: {  	s2 =	sld [smem:$0x3FAA]  }
0x29: {  	s4 =	sld [smem:$0x3FAC]  }
0x2a: {  	p0 =	seq.s32 s5, $0x0;
	s5 =	sld [smem:$0x3FAD]  }
0x2b: {  	s6 =	sld [smem:$0x3FAE]  }
0x2c: {  	s7 =	sld [smem:$0x3FAF]  }
0x2d: {  	s3 =	simm.s32 $0x108;
	s8 =	sld [smem:$0x3FB0]  }
0x2e: {  	s3 =	simm.s32 @!p0 $0x1082;
	s9 =	sld [smem:$0x3FB1]  }
0x2f: {  	lr =	sadd.s32 s0, s3;
	s0 =	sld [smem:$0x3FA8]  }
0x30: {  	s3 =	sld [smem:$0x3FAB]  }
0x31: {  	[smem:$0x3FB4] =	sst s10  }
0x32: {  	s10 =	sld [smem:$0x3FB2];
	_ =	sdelay $0x3  }
0x33: {  	p0 =	seq.s32 s10, $0x1;
	s10 =	sld [smem:$0x3FB4];
	_ =	sdelay $0x3  }
0x34: {  	[smem:$0x3FB4] =	sst s10  }
0x35: {  	s10 =	sld [smem:$0x3FB3];
	_ =	sdelay $0x3  }
0x36: {  	p1 =	seq.s32 s10, $0x1;
	s10 =	sld [smem:$0x3FB4];
	_ =	sdelay $0x3  }
0x37: {  	[smem:$0x3FB4] =	sst s10  }
0x38: {  	s10 =	sld [smem:$0x3FB5]  }
0x39: {  	_ = 	snop;
	(pc) =	sbr.ind lr, $3  }
0x3a: {  	_ = 	snop  }
0x3b: {  	_ = 	snop  }
0x3c: {  	p2 =	seq.s32 s10, $0x1;
	s10 =	sld [smem:$0x3FB4]  }
0x3d: {  	_ =	shalt  }
0x3e: {  	_ =	shalt  }
0x3f: {  	_ =	shalt  }
0x40: {  	_ =	shalt  }
0x41: {  	_ =	shalt  }
0x42: {  	_ =	shalt  }
0x43: {  	_ =	shalt  }
0x44: {  	_ =	shalt  }
0x45: {  	_ =	shalt  }
0x46: {  	_ =	shalt  }
0x47: {  	_ =	shalt  }
0x48: {  	_ =	shalt  }
0x49: {  	_ =	shalt  }
0x4a: {  	_ =	shalt  }
0x4b: {  	_ =	shalt  }
0x4c: {  	_ =	shalt  }
0x4d: {  	_ =	shalt  }
0x4e: {  	_ =	shalt  }
0x4f: {  	_ =	shalt  }
0x50: {  	_ =	shalt  }
0x51: {  	_ =	shalt  }
0x52: {  	_ =	shalt  }
0x53: {  	_ =	shalt  }
0x54: {  	_ =	shalt  }
0x55: {  	_ =	shalt  }
0x56: {  	_ =	shalt  }
0x57: {  	_ =	shalt  }
0x58: {  	_ =	shalt  }
0x59: {  	_ =	shalt  }
0x5a: {  	_ =	shalt  }
0x5b: {  	_ =	shalt  }
0x5c: {  	_ =	shalt  }
0x5d: {  	_ =	shalt  }
0x5e: {  	_ =	shalt  }
0x5f: {  	_ =	shalt  }
0x60: {  	_ =	shalt  }
0x61: {  	_ =	shalt  }
0x62: {  	_ =	shalt  }
0x63: {  	_ =	shalt  }
0x64: {  	_ =	shalt  }
0x65: {  	_ =	shalt  }
0x66: {  	_ =	shalt  }
0x67: {  	_ =	shalt  }
0x68: {  	_ =	shalt  }
0x69: {  	_ =	shalt  }
0x6a: {  	_ =	shalt  }
0x6b: {  	_ =	shalt  }
0x6c: {  	_ =	shalt  }
0x6d: {  	_ =	shalt  }
0x6e: {  	_ =	shalt  }
0x6f: {  	_ =	shalt  }
0x70: {  	_ =	shalt  }
0x71: {  	_ =	shalt  }
0x72: {  	_ =	shalt  }
0x73: {  	_ =	shalt  }
0x74: {  	_ =	shalt  }
0x75: {  	_ =	shalt  }
0x76: {  	_ =	shalt  }
0x77: {  	_ =	shalt  }
0x78: {  	_ =	shalt  }
0x79: {  	_ =	shalt  }
0x7a: {  	_ =	shalt  }
0x7b: {  	_ =	shalt  }
0x7c: {  	_ =	shalt  }
0x7d: {  	_ =	shalt  }
0x7e: {  	_ =	shalt  }
0x7f: {  	_ =	shalt  }
0x80: {  	_ =	shalt  }
0x81: {  	_ =	shalt  }
0x82: {  	_ =	shalt  }
0x83: {  	_ =	shalt  }
0x84: {  	_ =	shalt  }
0x85: {  	_ =	shalt  }
0x86: {  	_ =	shalt  }
0x87: {  	_ =	shalt  }
.Lfunc_end0:
.L_simem_size_0:
called_computation.1_lowered:
.L_overlay_start_0:
0x88: {  	s2 =	sld [smem:$0x3FD9]  }
0x89: {  	s3 =	sld [smem:$0x3FFE];
	_ =	sdelay $0x1  }
0x8a: {  	s1 =	srdreg.scid  }
0x8b: {  	s0 =	sand.u32 $0x1, s1  }
0x8c: {  	s17 =	sshll.u32 s0, $0xA;
	s2 =	sadd.s32 s3, s2  }
0x8d: {  	s2 =	sadd.s32 s2, s17  }
0x8e: {  	[smem:$0x3FC0] =	sst s2  }
0x8f: {  	_ = 	snop  }
0x90: {  	s2 =	sld [smem:$0x3FD0];
	(tm) =	ssettm $0x1  }
0x91: {  	s18 =	sld [smem:$0x3FFB];
	_ =	sdelay $0x3  }
0x92: {  	_ =	strace s18  }
0x93: {  	s3 =	sld [smem:$0x3FFC];
	_ =	sdelay $0x3  }
0x94: {  	_ =	strace s3  }
0x95: {  	s3 =	sld [smem:$0x3FFD];
	_ =	sdelay $0x3  }
0x96: {  	_ =	strace s3  }
0x97: {  	_ =	strace $0x8FFFFFFF  }
0x98: {  	s19 =	sld [smem:$0x3FDB];
	_ =	sdelay $0x1  }
0x99: {  	s4 =	simm.s32 $_scs_section_size  }
0x9a: {  	s5 =	simm.s32 $_size__tile_overlayer_lowered;
	s6 =	simm.s32 $_tile_overlayer_lowered  }
0x9b: {  	s22 =	simm.s32 $0x1BFF;
	s21 =	sshll.u32 s6, $0x1;
	s3 =	sadd.s32 s4, s19  }
0x9c: {  	s7 =	simm.s32 $0x0;
	s20 =	sshll.u32 s5, $0x1;
	s5 =	sadd.s32 s21, s3  }
0x9d: {  	[timem:s7], [sflag:s22] =	dma.local [hbm:s5], s20  }
0x9e: {  	_ =	swait.ge [sflag:s22], s20  }
0x9f: {  	s4 =	ssub.s32 $0x0, s20;
	[sflag:s22] =	ssyncset.done $0x0  }
0xa0: {  	[sflag:s22] =	ssyncadd.s32 s4;
	_ =	sdelay $0x1  }
0xa1: {  	s23 =	simm.s32 $0x1B8B  }
0xa2: {  	_ =	swait.ge [sflag:s23], $0x1  }
0xa3: {  	[sflag:s23] =	ssyncset.done $0x0  }
0xa4: {  	s25 =	simm.s32 $0x1B8E;
	s24 =	sld [smem:$0x3FFE];
	[sflag:s23] =	ssyncadd.s32 $0xFFFFFFFF  }
0xa5: {  	s26 =	simm.s32 $execute0_lowered;
	[smem:$0x3FD2] =	sst s25  }
0xa6: {  	s5 =	sshll.u32 s26, $0x1;
	_ =	strace $0x80000049;
	[dreg:$0x1] =	wrdreg $0xFFFFFFFF  }
0xa7: {  	s28 =	simm.s32 $_size_execute0_lowered;
	s3 =	sadd.s32 s3, s5;
	[dreg:$0x0] =	wrdreg $0x0  }
0xa8: {  	s5 =	sshll.u32 s28, $0x1;
	[dreg:$0x2] =	wrdreg s3  }
0xa9: {  	[dreg:$0x3] =	wrdreg s5  }
0xaa: {  	[dreg:$0x4] =	wrdreg $0xC0  }
0xab: {  	_ =	task [dreg:s7], $0x5FFFF  }
0xac: {  	[dreg:$0x1] =	wrdreg $0xFFFFFFFF  }
0xad: {  	[dreg:$0x0] =	wrdreg $0x60  }
0xae: {  	[dreg:$0x2] =	wrdreg s2  }
0xaf: {  	[dreg:$0x3] =	wrdreg s24  }
0xb0: {  	[dreg:$0x4] =	wrdreg $0xDD000  }
0xb1: {  	[dreg:$0x5] =	wrdreg $0x9  }
0xb2: {  	_ =	task.clear_ibuf [dreg:s7], $0x6FFFF;
	_ =	strace $0x90000049  }
0xb3: {  	s29 =	simm.s32 $0x9;
	_ =	strace $0x8000004B  }
0xb4: {  	_ =	swait.ge [sflag:s29], $0x1  }
0xb5: {  	[sflag:s29] =	ssyncadd.s32 $0xFFFFFFFF  }
0xb6: {  	_ =	strace $0x9000004B  }
0xb7: {  	_ =	sfence  }
0xb8: {  	s30 =	sld [smem:$0x0];
	_ =	sdelay $0x2  }
0xb9: {  	s31 =	sshll.u32 s1, $0xD;
	s1 =	sshrl.u32 s1, $0x2  }
0xba: {  	s3 =	sand.u32 $0x4000, s31;
	s1 =	sadd.s32 s1, s30  }
0xbb: {  	s0 =	sor.u32 s3, s0;
	s1 =	sshll.u32 s1, $0x11  }
0xbc: {  	s0 =	sor.u32 s1, s0  }
0xbd: {  	s0 =	sadd.s32 $0x8F2B, s0  }
0xbe: {  	[sflag:s0] =	ssyncadd.remote.s32 $0x1  }
0xbf: {  	_ =	sfence.sel $0xFFFF  }
0xc0: {  	[dreg:$0x0] =	wrdreg $0xFFFFFFFF;
	(pc) =	sbr.abs _section_cstart, $3  }
0xc1: {  	[dreg:$0x1] =	wrdreg $0xFFFFFFFF  }
0xc2: {  	_ =	task.clear_ibuf [dreg:s7], $0x2FFFF;
	_ =	strace $0x9FFFFFFF  }
0xc3: {  	(tm) =	ssettm $0x7FFFFFFF  }
tec
execute0_lowered:
.L_overlay_start_1:
0x0: {  	(tag) =	ssettag $0x1  }
0x1: {  	s1 =	rddreg [dreg:$0x0]  }
0x2: {  	s0 =	srdreg.scid;
	s2 =	rddreg [dreg:$0x1]  }
0x3: {  	s7 =	stileid.u32;
	s3 =	rddreg [dreg:$0x2];
	s5 =	simm.s32 $0x0  }
0x4: {  	s16 =	simm.s32 $0x11;
	s17 =	simm.s32 $0x7D;
	s29 =	simm.s32 $0x9E20  }
0x5: {  	s31 =	simm.s32 $0xADC0;
	s15 =	simm.s32 $0xBD60;
	s28 =	simm.s32 $0x5  }
0x6: {  	s30 =	simm.s32 $0x6;
	s8 =	simm.s32 $0xC;
	s9 =	simm.s32 $0xD  }
0x7: {  	s10 =	simm.s32 $0xE;
	s11 =	simm.s32 $0xF;
	s12 =	simm.s32 $0x10  }
0x8: {  	s13 =	simm.s32 $0x0;
	s0 =	sand.u32 $0x1, s0;
	s18 =	smul.u32 $0xA000, s7  }
0x9: {  	[smem:$0x7FF] =	sst s5;
	s19 =	smul.u32 $0x14000, s7;
	s4 =	sshll.u32 s0, $0x4  }
0xa: {  	_ =	strace $0x8000004A;
	s6 =	sshll.u32 s0, $0x5;
	s0 =	ssub.s32 $0x2, s0  }
0xb: {  	s4 =	sor.u32 s7, s4;
	s5 =	sor.u32 s6, s18;
	s20 =	sshrl.u32 s0, $0x1  }
0xc: {  	s21 =	sshrl.u32 s19, $0x2;
	s18 =	simm.s32 $0x5000;
	s19 =	simm.s32 $0x1  }
0xd: {  	s6 =	simm.s32 $0xB;
	s4 =	smul.u32 $0x2800, s4;
	s14 =	sadd.s32 s21, s3  }
0xe: {  	s5 =	sshrl.u32 s5, $0x3;
	s23 =	sadd.s32 $0x1000, s14;
	[dreg:$0x6] =	wrdreg s14  }
0xf: {  	s0 =	ssub.s32 s0, s20;
	s24 =	sadd.s32 $0x2000, s14;
	[dreg:$0x7] =	wrdreg s23  }
0x10: {  	s20 =	simm.s32 $0x5FA0;
	s25 =	sadd.s32 $0x3000, s14;
	[dreg:$0x8] =	wrdreg s24  }
0x11: {  	s21 =	simm.s32 $0x2;
	s26 =	sadd.s32 $0x4000, s14;
	[dreg:$0x9] =	wrdreg s25  }
0x12: {  	s0 =	smax.u32 s0, $0x1;
	s4 =	sshrl.u32 s4, $0x3;
	[dreg:$0xa] =	wrdreg s26  }
0x13: {  	[dreg:$0xc] =	wrdreg s0;
	s24 =	simm.s32 $0x7EE0;
	s4 =	sadd.s32 s4, s2  }
0x14: {  	s26 =	simm.s32 $0x8E80;
	s23 =	simm.s32 $0x3;
	s22 =	sadd.s32 $0x1800, s4  }
0x15: {  	s2 =	sadd.s32 s5, s2;
	s4 =	sadd.s32 $0xB800, s4;
	[dreg:$0x4] =	wrdreg s22  }
0x16: {  	s25 =	simm.s32 $0x4;
	s2 =	sadd.s32 $0x15800, s2;
	[dreg:$0x5] =	wrdreg s4  }
0x17: {  	s0 =	simm.s32 $0x7;
	s5 =	simm.s32 $0xA;
	[dreg:$0xb] =	wrdreg s2  }
0x18: {  	v0 =	vimm.f32 $0.0e+00;
	s22 =	simm.s32 $0x6F40;
	s2 =	simm.s32 $0x8;
	s4 =	simm.s32 $0x9  }
.LBB2_1:
0x19: {  	[dreg:$0xd] =	wrdreg s13  }
0x1a: {  	s7 =	simm.s32 $0x0;
	s14 =	rddreg [dreg:$0x4]  }
0x1b: {  	[tilespmem:s7], [sflag:$0x11] =	stream.linear.gather [hbm4b:s14+s7], $0x2800, $0x38;
	[tilespmem:$0x12D00] =	vst v63  }
0x1c: {  	_ =	swait.ge [sflag:s16], $0x2800  }
0x1d: {  	s7 =	simm.s32 $0x2800;
	[sflag:s16] =	ssyncset.done $0x0  }
0x1e: {  	s14 =	simm.s32 $0x0;
	s13 =	rddreg [dreg:$0x5];
	[sflag:s16] =	ssyncadd.s32 $0xFFFFD800  }
0x1f: {  	[tilespmem:s7], [sflag:$0x11] =	stream.linear.gather [hbm4b:s13+s14], $0x2800, $0x38;
	[tilespmem:$0x12D00] =	vst v63  }
0x20: {  	_ =	swait.ge [sflag:s16], $0x2800  }
0x21: {  	[sflag:s16] =	ssyncset.done $0x0  }
0x22: {  	s7 =	simm.s32 $0x80;
	s13 =	simm.s32 $0x0;
	[sflag:s16] =	ssyncadd.s32 $0xFFFFD800  }
.LBB2_2:
0x23: {  	p0 =	sne.s32 s7, $0x3F80;
	[tilespmem:s13+$0xCD00] =	vst v0;
	s16 =	smov.u32 s7;
	s7 =	sadd.s32 $0x80, s7  }
.Ltmp0:
0x24: {  	[tilespmem:s13+$0xCD10] =	vst v0;
	(pc) =	sbr.rel @p0 .LBB2_2-.Ltmp0, $2  }
0x25: {  	_ =	sdelay $0x2  }
0x26: {  	s13 =	sshra.s32 s16, $0x2  }
0x27: {  	[tilespmem:s13+$0xCD00] =	vst v0  }
0x28: {  	[tilespmem:s13+$0xCD10] =	vst v0;
	s7 =	rddreg [dreg:$0x6];
	s16 =	simm.s32 $0xCD00;
	s13 =	simm.s32 $0x11  }
0x29: {  	[spmem:s7] =	stream.linear.scatter [tilespmem:s16], [sflag:$0x11], $0x1000, $0x38;
	[tilespmem:$0x12D00] =	vst v63  }
0x2a: {  	_ =	swait.ge [sflag:s13], $0x1000  }
0x2b: {  	[sflag:s13] =	ssyncset.done $0x0  }
0x2c: {  	s14 =	rddreg [dreg:$0x7];
	[sflag:s13] =	ssyncadd.s32 $0xFFFFF000  }
0x2d: {  	[spmem:s14] =	stream.linear.scatter [tilespmem:s16], [sflag:$0x11], $0x1000, $0x38;
	[tilespmem:$0x12D00] =	vst v63  }
0x2e: {  	_ =	swait.ge [sflag:s13], $0x1000  }
0x2f: {  	[sflag:s13] =	ssyncset.done $0x0  }
0x30: {  	s14 =	rddreg [dreg:$0x8];
	[sflag:s13] =	ssyncadd.s32 $0xFFFFF000  }
0x31: {  	[spmem:s14] =	stream.linear.scatter [tilespmem:s16], [sflag:$0x11], $0x1000, $0x38;
	[tilespmem:$0x12D00] =	vst v63  }
0x32: {  	_ =	swait.ge [sflag:s13], $0x1000  }
0x33: {  	[sflag:s13] =	ssyncset.done $0x0  }
0x34: {  	s14 =	rddreg [dreg:$0x9];
	[sflag:s13] =	ssyncadd.s32 $0xFFFFF000  }
0x35: {  	[spmem:s14] =	stream.linear.scatter [tilespmem:s16], [sflag:$0x11], $0x1000, $0x38;
	[tilespmem:$0x12D00] =	vst v63  }
0x36: {  	_ =	swait.ge [sflag:s13], $0x1000  }
0x37: {  	[sflag:s13] =	ssyncset.done $0x0  }
0x38: {  	s14 =	rddreg [dreg:$0xa];
	[sflag:s13] =	ssyncadd.s32 $0xFFFFF000  }
0x39: {  	[spmem:s14] =	stream.linear.scatter [tilespmem:s16], [sflag:$0x11], $0x1000, $0x38;
	[tilespmem:$0x12D00] =	vst v63  }
0x3a: {  	_ =	swait.ge [sflag:s13], $0x1000  }
0x3b: {  	[sflag:s13] =	ssyncset.done $0x0  }
0x3c: {  	[sflag:s13] =	ssyncadd.s32 $0xFFFFF000  }
0x3d: {  	s7 =	simm.s32 $0x0;
	[bflag:$0x0] =	sbarrier.arrive $0xFFFF  }
0x3e: {  	[tilespmem:s18], [sflag:$0x1] =	stream.indirect.gather [hbm4b:s1+s17], $0x20, s7, s17, $0xb8;
	[tilespmem:$0x12D00] =	vst v63  }
0x3f: {  	s16 =	simm.s32 $0x80  }
0x40: {  	[tilespmem:s20], [sflag:$0x2] =	stream.indirect.gather [hbm4b:s1+s17], $0x20, s16, s17, $0xb8;
	[tilespmem:$0x12D00] =	vst v63  }
0x41: {  	s14 =	simm.s32 $0x100  }
0x42: {  	[tilespmem:s22], [sflag:$0x3] =	stream.indirect.gather [hbm4b:s1+s17], $0x20, s14, s17, $0xb8;
	[tilespmem:$0x12D00] =	vst v63  }
0x43: {  	s16 =	simm.s32 $0x180  }
0x44: {  	[tilespmem:s24], [sflag:$0x4] =	stream.indirect.gather [hbm4b:s1+s17], $0x20, s16, s17, $0xb8;
	[tilespmem:$0x12D00] =	vst v63  }
0x45: {  	s14 =	simm.s32 $0x200  }
0x46: {  	[tilespmem:s26], [sflag:$0x5] =	stream.indirect.gather [hbm4b:s1+s17], $0x20, s14, s17, $0xb8;
	[tilespmem:$0x12D00] =	vst v63  }
0x47: {  	s16 =	simm.s32 $0x280  }
0x48: {  	[tilespmem:s29], [sflag:$0x6] =	stream.indirect.gather [hbm4b:s1+s17], $0x20, s16, s17, $0xb8;
	[tilespmem:$0x12D00] =	vst v63  }
0x49: {  	s14 =	simm.s32 $0x300  }
0x4a: {  	[tilespmem:s31], [sflag:$0x7] =	stream.indirect.gather [hbm4b:s1+s17], $0x20, s14, s17, $0xb8;
	[tilespmem:$0x12D00] =	vst v63  }
0x4b: {  	s16 =	simm.s32 $0x380  }
0x4c: {  	[tilespmem:s15], [sflag:$0x8] =	stream.indirect.gather [hbm4b:s1+s17], $0x20, s16, s17, $0xb8;
	[tilespmem:$0x12D00] =	vst v63  }
0x4d: {  	_ =	swait.ge [sflag:s19], $0xFA0  }
0x4e: {  	[sflag:s19] =	ssyncset.done $0x0  }
0x4f: {  	s14 =	simm.s32 $0x2800;
	[sflag:s19] =	ssyncadd.s32 $0xFFFFF060  }
0x50: {  	[spmem:s3] =	stream.indirect.scatter.add.f32 [tilespmem:s18], [sflag:$0x9], $0x20, s14, s17, $0xb8;
	[tilespmem:$0x12D00] =	vst v63  }
0x51: {  	_ =	swait.ge [sflag:s21], $0xFA0  }
0x52: {  	[sflag:s21] =	ssyncset.done $0x0  }
0x53: {  	s16 =	simm.s32 $0x2880;
	[sflag:s21] =	ssyncadd.s32 $0xFFFFF060  }
0x54: {  	[spmem:s3] =	stream.indirect.scatter.add.f32 [tilespmem:s20], [sflag:$0xA], $0x20, s16, s17, $0xb8;
	[tilespmem:$0x12D00] =	vst v63  }
0x55: {  	_ =	swait.ge [sflag:s23], $0xFA0  }
0x56: {  	[sflag:s23] =	ssyncset.done $0x0  }
0x57: {  	s14 =	simm.s32 $0x2900;
	[sflag:s23] =	ssyncadd.s32 $0xFFFFF060  }
0x58: {  	[spmem:s3] =	stream.indirect.scatter.add.f32 [tilespmem:s22], [sflag:$0xB], $0x20, s14, s17, $0xb8;
	[tilespmem:$0x12D00] =	vst v63  }
0x59: {  	_ =	swait.ge [sflag:s25], $0xFA0  }
0x5a: {  	[sflag:s25] =	ssyncset.done $0x0  }
0x5b: {  	s16 =	simm.s32 $0x2980;
	[sflag:s25] =	ssyncadd.s32 $0xFFFFF060  }
0x5c: {  	[spmem:s3] =	stream.indirect.scatter.add.f32 [tilespmem:s24], [sflag:$0xC], $0x20, s16, s17, $0xb8;
	[tilespmem:$0x12D00] =	vst v63  }
0x5d: {  	_ =	swait.ge [sflag:s28], $0xFA0  }
0x5e: {  	[sflag:s28] =	ssyncset.done $0x0  }
0x5f: {  	s14 =	simm.s32 $0x2A00;
	[sflag:s28] =	ssyncadd.s32 $0xFFFFF060  }
0x60: {  	[spmem:s3] =	stream.indirect.scatter.add.f32 [tilespmem:s26], [sflag:$0xD], $0x20, s14, s17, $0xb8;
	[tilespmem:$0x12D00] =	vst v63  }
0x61: {  	_ =	swait.ge [sflag:s30], $0xFA0  }
0x62: {  	[sflag:s30] =	ssyncset.done $0x0  }
0x63: {  	s16 =	simm.s32 $0x2A80;
	[sflag:s30] =	ssyncadd.s32 $0xFFFFF060  }
0x64: {  	[spmem:s3] =	stream.indirect.scatter.add.f32 [tilespmem:s29], [sflag:$0xE], $0x20, s16, s17, $0xb8;
	[tilespmem:$0x12D00] =	vst v63  }
0x65: {  	_ =	swait.ge [sflag:s0], $0xFA0  }
0x66: {  	[sflag:s0] =	ssyncset.done $0x0  }
0x67: {  	s14 =	simm.s32 $0x2B00;
	[sflag:s0] =	ssyncadd.s32 $0xFFFFF060  }
0x68: {  	[spmem:s3] =	stream.indirect.scatter.add.f32 [tilespmem:s31], [sflag:$0xF], $0x20, s14, s17, $0xb8;
	[tilespmem:$0x12D00] =	vst v63  }
0x69: {  	_ =	swait.ge [sflag:s2], $0xFA0  }
0x6a: {  	[sflag:s2] =	ssyncset.done $0x0  }
0x6b: {  	s16 =	simm.s32 $0x2B80;
	[sflag:s2] =	ssyncadd.s32 $0xFFFFF060  }
0x6c: {  	[spmem:s3] =	stream.indirect.scatter.add.f32 [tilespmem:s15], [sflag:$0x10], $0x20, s16, s17, $0xb8;
	[tilespmem:$0x12D00] =	vst v63  }
0x6d: {  	s14 =	smin.u32 s7, $0x47;
	_ =	swait.ge [sflag:s4], $0xFA0  }
0x6e: {  	s13 =	sshll.u32 s14, $0x7;
	[sflag:s4] =	ssyncset.done $0x0  }
0x6f: {  	s13 =	sadd.s32 $0x400, s13;
	[sflag:s4] =	ssyncadd.s32 $0xFFFFF060  }
0x70: {  	[tilespmem:s18], [sflag:$0x1] =	stream.indirect.gather [hbm4b:s1+s17], $0x20, s13, s17, $0xb8;
	[tilespmem:$0x12D00] =	vst v63  }
0x71: {  	s16 =	smin.u32 s7, $0x46;
	_ =	swait.ge [sflag:s5], $0xFA0  }
0x72: {  	s13 =	sshll.u32 s16, $0x7;
	[sflag:s5] =	ssyncset.done $0x0  }
0x73: {  	s13 =	sadd.s32 $0x480, s13;
	[sflag:s5] =	ssyncadd.s32 $0xFFFFF060  }
0x74: {  	[tilespmem:s20], [sflag:$0x2] =	stream.indirect.gather [hbm4b:s1+s17], $0x20, s13, s17, $0xb8;
	[tilespmem:$0x12D00] =	vst v63  }
0x75: {  	s14 =	smin.u32 s7, $0x45;
	_ =	swait.ge [sflag:s6], $0xFA0  }
0x76: {  	s13 =	sshll.u32 s14, $0x7;
	[sflag:s6] =	ssyncset.done $0x0  }
0x77: {  	s13 =	sadd.s32 $0x500, s13;
	[sflag:s6] =	ssyncadd.s32 $0xFFFFF060  }
0x78: {  	[tilespmem:s22], [sflag:$0x3] =	stream.indirect.gather [hbm4b:s1+s17], $0x20, s13, s17, $0xb8;
	[tilespmem:$0x12D00] =	vst v63  }
0x79: {  	s16 =	smin.u32 s7, $0x44;
	_ =	swait.ge [sflag:s8], $0xFA0  }
0x7a: {  	s13 =	sshll.u32 s16, $0x7;
	[sflag:s8] =	ssyncset.done $0x0  }
0x7b: {  	s13 =	sadd.s32 $0x580, s13;
	[sflag:s8] =	ssyncadd.s32 $0xFFFFF060  }
0x7c: {  	[tilespmem:s24], [sflag:$0x4] =	stream.indirect.gather [hbm4b:s1+s17], $0x20, s13, s17, $0xb8;
	[tilespmem:$0x12D00] =	vst v63  }
0x7d: {  	s14 =	smin.u32 s7, $0x43;
	_ =	swait.ge [sflag:s9], $0xFA0  }
0x7e: {  	s13 =	sshll.u32 s14, $0x7;
	[sflag:s9] =	ssyncset.done $0x0  }
0x7f: {  	s13 =	sadd.s32 $0x600, s13;
	[sflag:s9] =	ssyncadd.s32 $0xFFFFF060  }
0x80: {  	[tilespmem:s26], [sflag:$0x5] =	stream.indirect.gather [hbm4b:s1+s17], $0x20, s13, s17, $0xb8;
	[tilespmem:$0x12D00] =	vst v63  }
0x81: {  	s16 =	smin.u32 s7, $0x42;
	_ =	swait.ge [sflag:s10], $0xFA0  }
0x82: {  	s13 =	sshll.u32 s16, $0x7;
	[sflag:s10] =	ssyncset.done $0x0  }
0x83: {  	s13 =	sadd.s32 $0x680, s13;
	[sflag:s10] =	ssyncadd.s32 $0xFFFFF060  }
0x84: {  	[tilespmem:s29], [sflag:$0x6] =	stream.indirect.gather [hbm4b:s1+s17], $0x20, s13, s17, $0xb8;
	[tilespmem:$0x12D00] =	vst v63  }
0x85: {  	s14 =	smin.u32 s7, $0x41;
	_ =	swait.ge [sflag:s11], $0xFA0  }
0x86: {  	s13 =	sshll.u32 s14, $0x7;
	[sflag:s11] =	ssyncset.done $0x0  }
0x87: {  	s13 =	sadd.s32 $0x700, s13;
	[sflag:s11] =	ssyncadd.s32 $0xFFFFF060  }
0x88: {  	[tilespmem:s31], [sflag:$0x7] =	stream.indirect.gather [hbm4b:s1+s17], $0x20, s13, s17, $0xb8;
	[tilespmem:$0x12D00] =	vst v63  }
0x89: {  	s16 =	smin.u32 s7, $0x40;
	_ =	swait.ge [sflag:s12], $0xFA0  }
0x8a: {  	s7 =	simm.s32 $0x1000;
	s13 =	sshll.u32 s16, $0x7;
	[sflag:s12] =	ssyncset.done $0x0  }
0x8b: {  	s16 =	simm.s32 $0x8;
	s13 =	sadd.s32 $0x780, s13;
	[sflag:s12] =	ssyncadd.s32 $0xFFFFF060  }
.LBB2_4:
0x8c: {  	[tilespmem:s15], [sflag:$0x8] =	stream.indirect.gather [hbm4b:s1+s17], $0x20, s13, s17, $0xb8;
	[tilespmem:$0x12D00] =	vst v63  }
0x8d: {  	s13 =	smov.u32 s7  }
0x8e: {  	p0 =	sne.s32 s7, $0x9000;
	s7 =	sadd.s32 $0x1000, s7;
	_ =	swait.ge [sflag:s19], $0xFA0  }
0x8f: {  	s13 =	sshra.s32 s13, $0x2;
	[sflag:s19] =	ssyncset.done $0x0  }
0x90: {  	s14 =	sadd.s32 $0x2800, s13;
	[sflag:s19] =	ssyncadd.s32 $0xFFFFF060  }
0x91: {  	[spmem:s3] =	stream.indirect.scatter.add.f32 [tilespmem:s18], [sflag:$0x9], $0x20, s14, s17, $0xb8;
	[tilespmem:$0x12D00] =	vst v63  }
0x92: {  	_ =	swait.ge [sflag:s21], $0xFA0  }
0x93: {  	[sflag:s21] =	ssyncset.done $0x0  }
0x94: {  	s14 =	sadd.s32 $0x2880, s13;
	[sflag:s21] =	ssyncadd.s32 $0xFFFFF060  }
0x95: {  	[spmem:s3] =	stream.indirect.scatter.add.f32 [tilespmem:s20], [sflag:$0xA], $0x20, s14, s17, $0xb8;
	[tilespmem:$0x12D00] =	vst v63  }
0x96: {  	_ =	swait.ge [sflag:s23], $0xFA0  }
0x97: {  	[sflag:s23] =	ssyncset.done $0x0  }
0x98: {  	s14 =	sadd.s32 $0x2900, s13;
	[sflag:s23] =	ssyncadd.s32 $0xFFFFF060  }
0x99: {  	[spmem:s3] =	stream.indirect.scatter.add.f32 [tilespmem:s22], [sflag:$0xB], $0x20, s14, s17, $0xb8;
	[tilespmem:$0x12D00] =	vst v63  }
0x9a: {  	_ =	swait.ge [sflag:s25], $0xFA0  }
0x9b: {  	[sflag:s25] =	ssyncset.done $0x0  }
0x9c: {  	s14 =	sadd.s32 $0x2980, s13;
	[sflag:s25] =	ssyncadd.s32 $0xFFFFF060  }
0x9d: {  	[spmem:s3] =	stream.indirect.scatter.add.f32 [tilespmem:s24], [sflag:$0xC], $0x20, s14, s17, $0xb8;
	[tilespmem:$0x12D00] =	vst v63  }
0x9e: {  	_ =	swait.ge [sflag:s28], $0xFA0  }
0x9f: {  	[sflag:s28] =	ssyncset.done $0x0  }
0xa0: {  	s14 =	sadd.s32 $0x2A00, s13;
	[sflag:s28] =	ssyncadd.s32 $0xFFFFF060  }
0xa1: {  	[spmem:s3] =	stream.indirect.scatter.add.f32 [tilespmem:s26], [sflag:$0xD], $0x20, s14, s17, $0xb8;
	[tilespmem:$0x12D00] =	vst v63  }
0xa2: {  	_ =	swait.ge [sflag:s30], $0xFA0  }
0xa3: {  	[sflag:s30] =	ssyncset.done $0x0  }
0xa4: {  	s14 =	sadd.s32 $0x2A80, s13;
	[sflag:s30] =	ssyncadd.s32 $0xFFFFF060  }
0xa5: {  	[spmem:s3] =	stream.indirect.scatter.add.f32 [tilespmem:s29], [sflag:$0xE], $0x20, s14, s17, $0xb8;
	[tilespmem:$0x12D00] =	vst v63  }
0xa6: {  	_ =	swait.ge [sflag:s0], $0xFA0  }
0xa7: {  	[sflag:s0] =	ssyncset.done $0x0  }
0xa8: {  	s14 =	sadd.s32 $0x2B00, s13;
	[sflag:s0] =	ssyncadd.s32 $0xFFFFF060  }
0xa9: {  	[spmem:s3] =	stream.indirect.scatter.add.f32 [tilespmem:s31], [sflag:$0xF], $0x20, s14, s17, $0xb8;
	[tilespmem:$0x12D00] =	vst v63  }
0xaa: {  	_ =	swait.ge [sflag:s2], $0xFA0  }
0xab: {  	[sflag:s2] =	ssyncset.done $0x0  }
0xac: {  	s13 =	sadd.s32 $0x2B80, s13;
	[sflag:s2] =	ssyncadd.s32 $0xFFFFF060  }
0xad: {  	[spmem:s3] =	stream.indirect.scatter.add.f32 [tilespmem:s15], [sflag:$0x10], $0x20, s13, s17, $0xb8;
	[tilespmem:$0x12D00] =	vst v63  }
0xae: {  	s13 =	smin.u32 s16, $0x47;
	_ =	swait.ge [sflag:s4], $0xFA0  }
0xaf: {  	s13 =	sshll.u32 s13, $0x7;
	[sflag:s4] =	ssyncset.done $0x0  }
0xb0: {  	s13 =	sadd.s32 $0x400, s13;
	[sflag:s4] =	ssyncadd.s32 $0xFFFFF060  }
0xb1: {  	[tilespmem:s18], [sflag:$0x1] =	stream.indirect.gather [hbm4b:s1+s17], $0x20, s13, s17, $0xb8;
	[tilespmem:$0x12D00] =	vst v63  }
0xb2: {  	s13 =	smin.u32 s16, $0x46;
	_ =	swait.ge [sflag:s5], $0xFA0  }
0xb3: {  	s13 =	sshll.u32 s13, $0x7;
	[sflag:s5] =	ssyncset.done $0x0  }
0xb4: {  	s13 =	sadd.s32 $0x480, s13;
	[sflag:s5] =	ssyncadd.s32 $0xFFFFF060  }
0xb5: {  	[tilespmem:s20], [sflag:$0x2] =	stream.indirect.gather [hbm4b:s1+s17], $0x20, s13, s17, $0xb8;
	[tilespmem:$0x12D00] =	vst v63  }
0xb6: {  	s13 =	smin.u32 s16, $0x45;
	_ =	swait.ge [sflag:s6], $0xFA0  }
0xb7: {  	s13 =	sshll.u32 s13, $0x7;
	[sflag:s6] =	ssyncset.done $0x0  }
0xb8: {  	s13 =	sadd.s32 $0x500, s13;
	[sflag:s6] =	ssyncadd.s32 $0xFFFFF060  }
0xb9: {  	[tilespmem:s22], [sflag:$0x3] =	stream.indirect.gather [hbm4b:s1+s17], $0x20, s13, s17, $0xb8;
	[tilespmem:$0x12D00] =	vst v63  }
0xba: {  	s13 =	smin.u32 s16, $0x44;
	_ =	swait.ge [sflag:s8], $0xFA0  }
0xbb: {  	s13 =	sshll.u32 s13, $0x7;
	[sflag:s8] =	ssyncset.done $0x0  }
0xbc: {  	s13 =	sadd.s32 $0x580, s13;
	[sflag:s8] =	ssyncadd.s32 $0xFFFFF060  }
0xbd: {  	[tilespmem:s24], [sflag:$0x4] =	stream.indirect.gather [hbm4b:s1+s17], $0x20, s13, s17, $0xb8;
	[tilespmem:$0x12D00] =	vst v63  }
0xbe: {  	s13 =	smin.u32 s16, $0x43;
	_ =	swait.ge [sflag:s9], $0xFA0  }
0xbf: {  	s13 =	sshll.u32 s13, $0x7;
	[sflag:s9] =	ssyncset.done $0x0  }
0xc0: {  	s13 =	sadd.s32 $0x600, s13;
	[sflag:s9] =	ssyncadd.s32 $0xFFFFF060  }
0xc1: {  	[tilespmem:s26], [sflag:$0x5] =	stream.indirect.gather [hbm4b:s1+s17], $0x20, s13, s17, $0xb8;
	[tilespmem:$0x12D00] =	vst v63  }
0xc2: {  	s13 =	smin.u32 s16, $0x42;
	_ =	swait.ge [sflag:s10], $0xFA0  }
0xc3: {  	s13 =	sshll.u32 s13, $0x7;
	[sflag:s10] =	ssyncset.done $0x0  }
0xc4: {  	s13 =	sadd.s32 $0x680, s13;
	[sflag:s10] =	ssyncadd.s32 $0xFFFFF060  }
0xc5: {  	[tilespmem:s29], [sflag:$0x6] =	stream.indirect.gather [hbm4b:s1+s17], $0x20, s13, s17, $0xb8;
	[tilespmem:$0x12D00] =	vst v63  }
0xc6: {  	s13 =	smin.u32 s16, $0x41;
	_ =	swait.ge [sflag:s11], $0xFA0  }
0xc7: {  	s13 =	sshll.u32 s13, $0x7;
	[sflag:s11] =	ssyncset.done $0x0  }
.Ltmp1:
0xc8: {  	s13 =	sadd.s32 $0x700, s13;
	[sflag:s11] =	ssyncadd.s32 $0xFFFFF060;
	(pc) =	sbr.rel @p0 .LBB2_4-.Ltmp1, $4  }
0xc9: {  	[tilespmem:s31], [sflag:$0x7] =	stream.indirect.gather [hbm4b:s1+s17], $0x20, s13, s17, $0xb8;
	[tilespmem:$0x12D00] =	vst v63  }
0xca: {  	s13 =	smin.u32 s16, $0x40;
	_ =	swait.ge [sflag:s12], $0xFA0  }
0xcb: {  	s13 =	sshll.u32 s13, $0x7;
	[sflag:s12] =	ssyncset.done $0x0  }
0xcc: {  	s16 =	sadd.s32 $0x8, s16;
	s13 =	sadd.s32 $0x780, s13;
	[sflag:s12] =	ssyncadd.s32 $0xFFFFF060  }
0xcd: {  	[tilespmem:s15], [sflag:$0x8] =	stream.indirect.gather [hbm4b:s1+s17], $0x20, s13, s17, $0xb8;
	[tilespmem:$0x12D00] =	vst v63  }
0xce: {  	_ =	swait.ge [sflag:s19], $0xFA0  }
0xcf: {  	[sflag:s19] =	ssyncset.done $0x0  }
0xd0: {  	[sflag:s19] =	ssyncadd.s32 $0xFFFFF060  }
0xd1: {  	_ =	swait.ge [sflag:s21], $0xFA0  }
0xd2: {  	[sflag:s21] =	ssyncset.done $0x0  }
0xd3: {  	[sflag:s21] =	ssyncadd.s32 $0xFFFFF060  }
0xd4: {  	_ =	swait.ge [sflag:s23], $0xFA0  }
0xd5: {  	[sflag:s23] =	ssyncset.done $0x0  }
0xd6: {  	[sflag:s23] =	ssyncadd.s32 $0xFFFFF060  }
0xd7: {  	_ =	swait.ge [sflag:s25], $0xFA0  }
0xd8: {  	[sflag:s25] =	ssyncset.done $0x0  }
0xd9: {  	[sflag:s25] =	ssyncadd.s32 $0xFFFFF060  }
0xda: {  	_ =	swait.ge [sflag:s28], $0xFA0  }
0xdb: {  	[sflag:s28] =	ssyncset.done $0x0  }
0xdc: {  	[sflag:s28] =	ssyncadd.s32 $0xFFFFF060  }
0xdd: {  	_ =	swait.ge [sflag:s30], $0xFA0  }
0xde: {  	[sflag:s30] =	ssyncset.done $0x0  }
0xdf: {  	[sflag:s30] =	ssyncadd.s32 $0xFFFFF060  }
0xe0: {  	_ =	swait.ge [sflag:s0], $0xFA0  }
0xe1: {  	[sflag:s0] =	ssyncset.done $0x0  }
0xe2: {  	[sflag:s0] =	ssyncadd.s32 $0xFFFFF060  }
0xe3: {  	_ =	swait.ge [sflag:s2], $0xFA0  }
0xe4: {  	[sflag:s2] =	ssyncset.done $0x0  }
0xe5: {  	[sflag:s2] =	ssyncadd.s32 $0xFFFFF060  }
0xe6: {  	s7 =	stileid.u32;
	[bflag:$0x0] =	sbarrier.arrive $0xFFFF  }
0xe7: {  	s7 =	sshll.u32 s7, $0x6;
	s14 =	rddreg [dreg:$0x6]  }
0xe8: {  	s7 =	sor.u32 $0x1C11, s7;
	s16 =	rddreg [dreg:$0xb];
	s14 =	sshrl.u32 s14, $0x3  }
0xe9: {  	[hbm:s16@s2], [sflag:s7] =	dma.strided [spmem:s14@s25], $0xA00, s19, $0x4   }
0xea: {  	s16 =	simm.s32 $0x11  }
0xeb: {  	_ =	swait.ge [sflag:s16], $0xA00  }
0xec: {  	s7 =	rddreg [dreg:$0xd]  }
0xed: {  	s14 =	rddreg [dreg:$0xc];
	s13 =	sadd.s32 $0x1, s7  }
0xee: {  	p0 =	sne.s32 s13, s14  }
.Ltmp2:
0xef: {  	_ = 	snop;
	(pc) =	sbr.rel @p0 .LBB2_1-.Ltmp2, $3  }
0xf0: {  	_ =	sdelay $0x1  }
0xf1: {  	[sflag:s16] =	ssyncset.done $0x0  }
0xf2: {  	[sflag:s16] =	ssyncadd.s32 $0xFFFFF600  }
0xf3: {  	_ =	sfence.sel $0x180000  }
0xf4: {  	[bflag:$0x0] =	sbarrier.arrive $0xFFFF  }
0xf5: {  	_ =	strace $0x9000004A  }
0xf6: {  	s0 =	stileid.u32;
	[bflag:$0x2] =	sbarrier.arrive $0xFFFF  }
0xf7: {  	p0 =	sne.s32 s0, $0x0;
	s0 =	rddreg [dreg:$0x3]  }
0xf8: {  	s0 =	sadd.s32 @!p0 $0x100000, s0  }
0xf9: {  	[sflag:s0] =	ssyncadd.tile.s32 @!p0 $0x1;
	_ =	shalt  }
.Lfunc_end2:
_tile_overlayer_lowered:
.L_overlay_start_2:
0xfa: {  	(tag) =	ssettag $0x2  }
0xfb: {  	s0 =	rddreg [dreg:$0x0];
	s2 =	stileid.u32  }
0xfc: {  	s1 =	rddreg [dreg:$0x1];
	p0 =	sne.s32 s2, $0x0  }
0xfd: {  	s3 =	rddreg [dreg:$0x2];
	[bflag:$0x3] =	sbarrier.arrive $0xFFFF;
	s2 =	simm.s32 @!p0 $0x1C11  }
0xfe: {  	[timem:s3], [sflag:s2] =	dma.local @!p0 [hbm:s0], s1  }
0xff: {  	s0 =	simm.s32 @!p0 $0x11  }
0x100: {  	_ =	swait.ge @!p0 [sflag:s0], s1  }
0x101: {  	s1 =	ssub.s32 @!p0 $0x0, s1;
	[sflag:s0] =	ssyncset.done @!p0 $0x0  }
0x102: {  	[sflag:s0] =	ssyncadd.s32 @!p0 s1  }
0x103: {  	[bflag:$0x3] =	sbarrier.arrive $0xFFFF  }
0x104: {  	_ =	shalt  }

// kernel: kernel.7.cloned.1.call-start
scs
__scs_entry_jumppad:
0x0: {  	(pc) =	sbr.rel $0x88, $3  }
0x1: {  	(tag) =	ssettag $0x0;
	lr =	simm.s32 $0x1  }
0x2: {  	[smem:$0x3F99] =	sst lr;
	_ =	strace $0xD0000000  }
0x3: {  	_ = 	snop  }
0x4: {  	_ = 	snop  }
0x5: {  	_ = 	snop  }
0x6: {  	_ = 	snop  }
0x7: {  	_ = 	snop  }
__scs_overlays_trampoline_lowered:
0x8: {  	[smem:$0x3FA8] =	sst s0  }
0x9: {  	[smem:$0x3FA9] =	sst s1  }
0xa: {  	[smem:$0x3FAA] =	sst s2  }
0xb: {  	[smem:$0x3FAB] =	sst s3  }
0xc: {  	[smem:$0x3FAC] =	sst s4  }
0xd: {  	[smem:$0x3FAD] =	sst s5  }
0xe: {  	[smem:$0x3FAE] =	sst s6  }
0xf: {  	[smem:$0x3FAF] =	sst s7  }
0x10: {  	[smem:$0x3FB0] =	sst s8  }
0x11: {  	[smem:$0x3FB1] =	sst s9;
	s0 =	simm.s32 @!p0 $0x0  }
0x12: {  	s1 =	sld [smem:$0x3F97];
	s0 =	simm.s32 @p0 $0x1  }
0x13: {  	[smem:$0x3FB2] =	sst s0;
	s0 =	simm.s32 @!p1 $0x0  }
0x14: {  	s2 =	sld [smem:$0x3F96];
	s0 =	simm.s32 @p1 $0x1  }
0x15: {  	[smem:$0x3FB3] =	sst s0;
	s0 =	simm.s32 @!p2 $0x0  }
0x16: {  	s3 =	sld [smem:$0x3FDB];
	s0 =	simm.s32 @p2 $0x1  }
0x17: {  	s4 =	simm.s32 $0x1BF5;
	[smem:$0x3FB5] =	sst s0  }
0x18: {  	s0 =	sld [smem:$0x3F98];
	_ =	swait.ge [sflag:s4], $0x0  }
0x19: {  	s7 =	sld [smem:$0x3F99]  }
0x1a: {  	s8 =	sadd.s32 $0xFFFFE003, lr  }
0x1b: {  	s9 =	sadd.s32 $0xFFFFFEF7, lr;
	s5 =	simm.s32 $0xFFFFFFFF;
	p2 =	slt.u32 s8, $0xFFFFF086  }
0x1c: {  	p1 =	slt.u32 s9, $0xF7A;
	s5 =	simm.s32 @!p2 $0x0  }
0x1d: {  	s5 =	simm.s32 @p1 $0x1;
	p0 =	seq.s32 s7, s2  }
0x1e: {  	s7 =	smul.u32 @!p0 $0xF7A, s2;
	p2 =	seq.s32 @!p0 s5, $0x0  }
0x1f: {  	s9 =	smul.u32 $0xF7A, s1;
	s8 =	simm.s32 @!p0 $0x1BF5;
	p2 =	por !p2, p0  }
0x20: {  	[sflag:s8] =	ssyncset.s32 @!p0 $0xFFFFF086;
	s6 =	sadd.s32 @!p0 s3, s7;
	s7 =	simm.s32 @!p0 $0x108  }
0x21: {  	s3 =	sadd.s32 s3, s9;
	s6 =	sadd.s32 @!p0 $0x88, s6;
	s7 =	simm.s32 @p2 $0x1082  }
0x22: {  	[simem:s7], [sflag:s8] =	dma.local @!p0 [hbm:s6], $0xF7A  }
0x23: {  	s9 =	sor.u32 $0xD0000000, s2;
	s6 =	simm.s32 $0x108;
	_ =	swait.ge @!p0 [sflag:s8], $0x0  }
0x24: {  	s3 =	sadd.s32 $0x88, s3;
	s6 =	simm.s32 @!p1 $0x1082;
	[sflag:s4] =	ssyncset.s32 $0xFFFFF086  }
0x25: {  	[simem:s6], [sflag:s4] =	dma.local [hbm:s3], $0xF7A  }
0x26: {  	[smem:$0x3F99] =	sst s1;
	(tag) =	ssettag s2;
	_ =	strace s9  }
0x27: {  	s1 =	sld [smem:$0x3FA9]  }
0x28: {  	s2 =	sld [smem:$0x3FAA]  }
0x29: {  	s4 =	sld [smem:$0x3FAC]  }
0x2a: {  	p0 =	seq.s32 s5, $0x0;
	s5 =	sld [smem:$0x3FAD]  }
0x2b: {  	s6 =	sld [smem:$0x3FAE]  }
0x2c: {  	s7 =	sld [smem:$0x3FAF]  }
0x2d: {  	s3 =	simm.s32 $0x108;
	s8 =	sld [smem:$0x3FB0]  }
0x2e: {  	s3 =	simm.s32 @!p0 $0x1082;
	s9 =	sld [smem:$0x3FB1]  }
0x2f: {  	lr =	sadd.s32 s0, s3;
	s0 =	sld [smem:$0x3FA8]  }
0x30: {  	s3 =	sld [smem:$0x3FAB]  }
0x31: {  	[smem:$0x3FB4] =	sst s10  }
0x32: {  	s10 =	sld [smem:$0x3FB2];
	_ =	sdelay $0x3  }
0x33: {  	p0 =	seq.s32 s10, $0x1;
	s10 =	sld [smem:$0x3FB4];
	_ =	sdelay $0x3  }
0x34: {  	[smem:$0x3FB4] =	sst s10  }
0x35: {  	s10 =	sld [smem:$0x3FB3];
	_ =	sdelay $0x3  }
0x36: {  	p1 =	seq.s32 s10, $0x1;
	s10 =	sld [smem:$0x3FB4];
	_ =	sdelay $0x3  }
0x37: {  	[smem:$0x3FB4] =	sst s10  }
0x38: {  	s10 =	sld [smem:$0x3FB5]  }
0x39: {  	_ = 	snop;
	(pc) =	sbr.ind lr, $3  }
0x3a: {  	_ = 	snop  }
0x3b: {  	_ = 	snop  }
0x3c: {  	p2 =	seq.s32 s10, $0x1;
	s10 =	sld [smem:$0x3FB4]  }
0x3d: {  	_ =	shalt  }
0x3e: {  	_ =	shalt  }
0x3f: {  	_ =	shalt  }
0x40: {  	_ =	shalt  }
0x41: {  	_ =	shalt  }
0x42: {  	_ =	shalt  }
0x43: {  	_ =	shalt  }
0x44: {  	_ =	shalt  }
0x45: {  	_ =	shalt  }
0x46: {  	_ =	shalt  }
0x47: {  	_ =	shalt  }
0x48: {  	_ =	shalt  }
0x49: {  	_ =	shalt  }
0x4a: {  	_ =	shalt  }
0x4b: {  	_ =	shalt  }
0x4c: {  	_ =	shalt  }
0x4d: {  	_ =	shalt  }
0x4e: {  	_ =	shalt  }
0x4f: {  	_ =	shalt  }
0x50: {  	_ =	shalt  }
0x51: {  	_ =	shalt  }
0x52: {  	_ =	shalt  }
0x53: {  	_ =	shalt  }
0x54: {  	_ =	shalt  }
0x55: {  	_ =	shalt  }
0x56: {  	_ =	shalt  }
0x57: {  	_ =	shalt  }
0x58: {  	_ =	shalt  }
0x59: {  	_ =	shalt  }
0x5a: {  	_ =	shalt  }
0x5b: {  	_ =	shalt  }
0x5c: {  	_ =	shalt  }
0x5d: {  	_ =	shalt  }
0x5e: {  	_ =	shalt  }
0x5f: {  	_ =	shalt  }
0x60: {  	_ =	shalt  }
0x61: {  	_ =	shalt  }
0x62: {  	_ =	shalt  }
0x63: {  	_ =	shalt  }
0x64: {  	_ =	shalt  }
0x65: {  	_ =	shalt  }
0x66: {  	_ =	shalt  }
0x67: {  	_ =	shalt  }
0x68: {  	_ =	shalt  }
0x69: {  	_ =	shalt  }
0x6a: {  	_ =	shalt  }
0x6b: {  	_ =	shalt  }
0x6c: {  	_ =	shalt  }
0x6d: {  	_ =	shalt  }
0x6e: {  	_ =	shalt  }
0x6f: {  	_ =	shalt  }
0x70: {  	_ =	shalt  }
0x71: {  	_ =	shalt  }
0x72: {  	_ =	shalt  }
0x73: {  	_ =	shalt  }
0x74: {  	_ =	shalt  }
0x75: {  	_ =	shalt  }
0x76: {  	_ =	shalt  }
0x77: {  	_ =	shalt  }
0x78: {  	_ =	shalt  }
0x79: {  	_ =	shalt  }
0x7a: {  	_ =	shalt  }
0x7b: {  	_ =	shalt  }
0x7c: {  	_ =	shalt  }
0x7d: {  	_ =	shalt  }
0x7e: {  	_ =	shalt  }
0x7f: {  	_ =	shalt  }
0x80: {  	_ =	shalt  }
0x81: {  	_ =	shalt  }
0x82: {  	_ =	shalt  }
0x83: {  	_ =	shalt  }
0x84: {  	_ =	shalt  }
0x85: {  	_ =	shalt  }
0x86: {  	_ =	shalt  }
0x87: {  	_ =	shalt  }
.Lfunc_end0:
.L_simem_size_0:
called_computation_lowered:
.L_overlay_start_0:
0x88: {  	s2 =	sld [smem:$0x3FD9]  }
0x89: {  	s3 =	sld [smem:$0x3FFE];
	_ =	sdelay $0x1  }
0x8a: {  	s1 =	srdreg.scid  }
0x8b: {  	s0 =	sand.u32 $0x1, s1  }
0x8c: {  	s17 =	sshll.u32 s0, $0xA;
	s2 =	sadd.s32 s3, s2  }
0x8d: {  	s2 =	sadd.s32 s2, s17  }
0x8e: {  	[smem:$0x3FC0] =	sst s2  }
0x8f: {  	_ = 	snop  }
0x90: {  	s2 =	sld [smem:$0x3FD0];
	(tm) =	ssettm $0x1  }
0x91: {  	s18 =	sld [smem:$0x3FFB];
	_ =	sdelay $0x3  }
0x92: {  	_ =	strace s18  }
0x93: {  	s3 =	sld [smem:$0x3FFC];
	_ =	sdelay $0x3  }
0x94: {  	_ =	strace s3  }
0x95: {  	s3 =	sld [smem:$0x3FFD];
	_ =	sdelay $0x3  }
0x96: {  	_ =	strace s3  }
0x97: {  	_ =	strace $0x8FFFFFFF  }
0x98: {  	s19 =	sld [smem:$0x3FDB];
	_ =	sdelay $0x1  }
0x99: {  	s4 =	simm.s32 $_scs_section_size  }
0x9a: {  	s5 =	simm.s32 $_size__tile_overlayer_lowered;
	s6 =	simm.s32 $_tile_overlayer_lowered  }
0x9b: {  	s22 =	simm.s32 $0x1BFF;
	s21 =	sshll.u32 s6, $0x1;
	s3 =	sadd.s32 s4, s19  }
0x9c: {  	s7 =	simm.s32 $0x0;
	s20 =	sshll.u32 s5, $0x1;
	s5 =	sadd.s32 s21, s3  }
0x9d: {  	[timem:s7], [sflag:s22] =	dma.local [hbm:s5], s20  }
0x9e: {  	_ =	swait.ge [sflag:s22], s20  }
0x9f: {  	s4 =	ssub.s32 $0x0, s20;
	[sflag:s22] =	ssyncset.done $0x0  }
0xa0: {  	[sflag:s22] =	ssyncadd.s32 s4;
	_ =	sdelay $0x1  }
0xa1: {  	s23 =	simm.s32 $0x1B8B  }
0xa2: {  	_ =	swait.ge [sflag:s23], $0x1  }
0xa3: {  	[sflag:s23] =	ssyncset.done $0x0  }
0xa4: {  	s25 =	simm.s32 $0x1B8E;
	s24 =	sld [smem:$0x3FFE];
	[sflag:s23] =	ssyncadd.s32 $0xFFFFFFFF  }
0xa5: {  	s26 =	simm.s32 $execute0_lowered;
	[smem:$0x3FD2] =	sst s25  }
0xa6: {  	s5 =	sshll.u32 s26, $0x1;
	_ =	strace $0x80000046;
	[dreg:$0x1] =	wrdreg $0xFFFFFFFF  }
0xa7: {  	s28 =	simm.s32 $_size_execute0_lowered;
	s3 =	sadd.s32 s3, s5;
	[dreg:$0x0] =	wrdreg $0x0  }
0xa8: {  	s5 =	sshll.u32 s28, $0x1;
	[dreg:$0x2] =	wrdreg s3  }
0xa9: {  	[dreg:$0x3] =	wrdreg s5  }
0xaa: {  	[dreg:$0x4] =	wrdreg $0xC0  }
0xab: {  	_ =	task [dreg:s7], $0x5FFFF  }
0xac: {  	[dreg:$0x1] =	wrdreg $0xFFFFFFFF  }
0xad: {  	[dreg:$0x0] =	wrdreg $0x60  }
0xae: {  	[dreg:$0x2] =	wrdreg s2  }
0xaf: {  	[dreg:$0x3] =	wrdreg s24  }
0xb0: {  	[dreg:$0x4] =	wrdreg $0xDD000  }
0xb1: {  	[dreg:$0x5] =	wrdreg $0x13CD00  }
0xb2: {  	[dreg:$0x6] =	wrdreg $0x9  }
0xb3: {  	_ =	task.clear_ibuf [dreg:s7], $0x7FFFF;
	_ =	strace $0x90000046  }
0xb4: {  	s29 =	simm.s32 $0x9;
	_ =	strace $0x80000048  }
0xb5: {  	_ =	swait.ge [sflag:s29], $0x1  }
0xb6: {  	[sflag:s29] =	ssyncadd.s32 $0xFFFFFFFF  }
0xb7: {  	_ =	strace $0x90000048  }
0xb8: {  	_ =	sfence  }
0xb9: {  	s30 =	sld [smem:$0x0];
	_ =	sdelay $0x2  }
0xba: {  	s31 =	sshll.u32 s1, $0xD;
	s1 =	sshrl.u32 s1, $0x2  }
0xbb: {  	s3 =	sand.u32 $0x4000, s31;
	s1 =	sadd.s32 s1, s30  }
0xbc: {  	s0 =	sor.u32 s3, s0;
	s1 =	sshll.u32 s1, $0x11  }
0xbd: {  	s0 =	sor.u32 s1, s0  }
0xbe: {  	s0 =	sadd.s32 $0x8F2B, s0  }
0xbf: {  	[sflag:s0] =	ssyncadd.remote.s32 $0x1  }
0xc0: {  	_ =	sfence.sel $0xFFFF  }
0xc1: {  	[dreg:$0x0] =	wrdreg $0xFFFFFFFF;
	(pc) =	sbr.abs _section_cstart, $3  }
0xc2: {  	[dreg:$0x1] =	wrdreg $0xFFFFFFFF  }
0xc3: {  	_ =	task.clear_ibuf [dreg:s7], $0x2FFFF;
	_ =	strace $0x9FFFFFFF  }
0xc4: {  	(tm) =	ssettm $0x7FFFFFFF  }
0xc5: {  	_ =	shalt  }
tec
execute0_lowered:
.L_overlay_start_1:
0x0: {  	(tag) =	ssettag $0x1  }
0x1: {  	s0 =	rddreg [dreg:$0x0]  }
0x2: {  	s1 =	srdreg.scid;
	s2 =	rddreg [dreg:$0x1]  }
0x3: {  	s3 =	rddreg [dreg:$0x2];
	s13 =	stileid.u32  }
0x4: {  	s4 =	rddreg [dreg:$0x3];
	s7 =	simm.s32 $0x0;
	s8 =	smul.u32 $0x280, s13  }
0x5: {  	s29 =	simm.s32 $0xA;
	s30 =	simm.s32 $0xB;
	s10 =	smul.u32 $0x14000, s13  }
0x6: {  	s28 =	simm.s32 $0x13;
	s31 =	simm.s32 $0xC;
	s12 =	smul.u32 $0xA000, s13  }
0x7: {  	s1 =	sand.u32 $0x1, s1;
	[smem:$0x7FF] =	sst s7;
	s22 =	smul.u32 $0xF000, s13  }
0x8: {  	s5 =	sshll.u32 s1, $0x4;
	_ =	strace $0x80000047;
	s24 =	ssub.s32 $0x2, s1  }
0x9: {  	s1 =	sshll.u32 s1, $0x5;
	s6 =	sor.u32 s13, s5;
	s9 =	sshrl.u32 s24, $0x1  }
0xa: {  	s26 =	sadd.s32 $0x80, s8;
	s14 =	sshrl.u32 s10, $0x2;
	s17 =	sadd.s32 $0x100, s8  }
0xb: {  	s11 =	sadd.s32 $0x180, s8;
	s8 =	sadd.s32 $0x200, s8;
	s12 =	sshrl.u32 s12, $0x2  }
0xc: {  	s1 =	sor.u32 s1, s22;
	s5 =	sor.u32 s22, s5;
	s13 =	simm.s32 $0x5  }
0xd: {  	s22 =	simm.s32 $0x12;
	s6 =	smul.u32 $0x2800, s6;
	s7 =	ssub.s32 s24, s9  }
0xe: {  	s15 =	sshll.u32 s26, $0x5;
	s18 =	sshll.u32 s17, $0x5;
	s19 =	sshll.u32 s11, $0x5  }
0xf: {  	s20 =	sshll.u32 s8, $0x5;
	s21 =	sadd.s32 s12, s4;
	s9 =	sshll.u32 s26, $0x4  }
0x10: {  	s23 =	sshll.u32 s11, $0x4;
	s24 =	sshll.u32 s8, $0x4;
	s1 =	sshrl.u32 s1, $0x3  }
0x11: {  	s5 =	sshrl.u32 s5, $0x3;
	s11 =	simm.s32 $0x7EE0;
	s8 =	simm.s32 $0x4  }
0x12: {  	s16 =	sadd.s32 s15, s3;
	s10 =	sadd.s32 s18, s3;
	[dreg:$0xc] =	wrdreg s21  }
0x13: {  	s9 =	sadd.s32 s9, s4;
	s26 =	smax.u32 s7, $0x1;
	[dreg:$0x8] =	wrdreg s16  }
0x14: {  	s7 =	simm.s32 $0x19;
	s15 =	simm.s32 $0xADC0;
	[dreg:$0x9] =	wrdreg s10  }
0x15: {  	s18 =	simm.s32 $0x2;
	s21 =	simm.s32 $0x8;
	[dreg:$0xd] =	wrdreg s9  }
0x16: {  	s6 =	sshrl.u32 s6, $0x3;
	s10 =	sadd.s32 s19, s3;
	[dreg:$0x13] =	wrdreg s26  }
0x17: {  	s9 =	simm.s32 $0x5FA0;
	s19 =	simm.s32 $0x8E80;
	s16 =	simm.s32 $0xBD60  }
0x18: {  	s6 =	sadd.s32 s6, s2;
	[dreg:$0xa] =	wrdreg s10;
	s10 =	sadd.s32 s20, s3  }
0x19: {  	s26 =	simm.s32 $0x11;
	s25 =	sadd.s32 $0x1800, s6;
	[dreg:$0xb] =	wrdreg s10  }
0x1a: {  	s2 =	sadd.s32 $0x15800, s2;
	s6 =	sadd.s32 $0xB800, s6;
	[dreg:$0x5] =	wrdreg s25  }
0x1b: {  	s20 =	simm.s32 $0x6;
	s1 =	sadd.s32 s2, s1;
	[dreg:$0x6] =	wrdreg s6  }
0x1c: {  	s10 =	simm.s32 $0x6F40;
	s6 =	sadd.s32 s14, s3;
	[dreg:$0x11] =	wrdreg s1  }
0x1d: {  	s25 =	sadd.s32 s5, s2;
	s14 =	simm.s32 $0x9E20;
	s2 =	simm.s32 $0x0  }
0x1e: {  	[dreg:$0x7] =	wrdreg s6;
	s6 =	sshll.u32 s17, $0x4;
	s1 =	sadd.s32 $0x8, s25  }
0x1f: {  	s25 =	simm.s32 $0x7D;
	s6 =	sadd.s32 s6, s4;
	[dreg:$0x12] =	wrdreg s1  }
0x20: {  	s17 =	simm.s32 $0x1;
	[dreg:$0xe] =	wrdreg s6;
	s6 =	sadd.s32 s23, s4  }
0x21: {  	s23 =	simm.s32 $0x7;
	[dreg:$0xf] =	wrdreg s6;
	s6 =	sadd.s32 s24, s4  }
0x22: {  	v0 =	vimm.f32 $0.0e+00;
	v1 =	vimm.f32 $1.000000000e+00;
	s24 =	simm.s32 $0x9;
	[dreg:$0x10] =	wrdreg s6;
	s6 =	simm.s32 $0x12D00  }
.LBB2_1:
0x23: {  	[dreg:$0x14] =	wrdreg s2  }
0x24: {  	s1 =	simm.s32 $0x0;
	s5 =	rddreg [dreg:$0x5]  }
0x25: {  	[tilespmem:s1], [sflag:$0x19] =	stream.linear.gather [hbm4b:s5+s1], $0x2800, $0x38;
	[tilespmem:$0x164D0] =	vst v63  }
0x26: {  	_ =	swait.ge [sflag:s7], $0x2800  }
0x27: {  	[sflag:s7] =	ssyncset.done $0x0  }
0x28: {  	s5 =	simm.s32 $0x2800;
	s12 =	rddreg [dreg:$0x6];
	[sflag:s7] =	ssyncadd.s32 $0xFFFFD800  }
0x29: {  	[tilespmem:s5], [sflag:$0x19] =	stream.linear.gather [hbm4b:s12+s1], $0x2800, $0x38;
	[tilespmem:$0x164D0] =	vst v63  }
0x2a: {  	_ =	swait.ge [sflag:s7], $0x2800  }
0x2b: {  	[sflag:s7] =	ssyncset.done $0x0  }
0x2c: {  	s2 =	simm.s32 $0x0;
	s1 =	simm.s32 $0x80;
	[sflag:s7] =	ssyncadd.s32 $0xFFFFD800  }
.LBB2_2:
0x2d: {  	p0 =	sne.s32 s1, $0x3F80;
	[tilespmem:s2+$0xCD00] =	vst v0;
	s5 =	smov.u32 s1;
	s1 =	sadd.s32 $0x80, s1  }
.Ltmp0:
0x2e: {  	[tilespmem:s2+$0xCD10] =	vst v0;
	(pc) =	sbr.rel @p0 .LBB2_2-.Ltmp0, $2  }
0x2f: {  	_ =	sdelay $0x2  }
0x30: {  	s2 =	sshra.s32 s5, $0x2  }
0x31: {  	[tilespmem:s2+$0xCD00] =	vst v0  }
0x32: {  	[tilespmem:s2+$0xCD10] =	vst v0;
	s1 =	rddreg [dreg:$0x7];
	s2 =	simm.s32 $0xCD00  }
0x33: {  	[spmem:s1] =	stream.linear.scatter [tilespmem:s2], [sflag:$0x19], $0x1000, $0x38;
	[tilespmem:$0x164D0] =	vst v63  }
0x34: {  	_ =	swait.ge [sflag:s7], $0x1000  }
0x35: {  	[sflag:s7] =	ssyncset.done $0x0  }
0x36: {  	s5 =	rddreg [dreg:$0x8];
	[sflag:s7] =	ssyncadd.s32 $0xFFFFF000  }
0x37: {  	[spmem:s5] =	stream.linear.scatter [tilespmem:s2], [sflag:$0x19], $0x1000, $0x38;
	[tilespmem:$0x164D0] =	vst v63  }
0x38: {  	_ =	swait.ge [sflag:s7], $0x1000  }
0x39: {  	[sflag:s7] =	ssyncset.done $0x0  }
0x3a: {  	s12 =	rddreg [dreg:$0x9];
	[sflag:s7] =	ssyncadd.s32 $0xFFFFF000  }
0x3b: {  	[spmem:s12] =	stream.linear.scatter [tilespmem:s2], [sflag:$0x19], $0x1000, $0x38;
	[tilespmem:$0x164D0] =	vst v63  }
0x3c: {  	_ =	swait.ge [sflag:s7], $0x1000  }
0x3d: {  	[sflag:s7] =	ssyncset.done $0x0  }
0x3e: {  	s5 =	rddreg [dreg:$0xa];
	[sflag:s7] =	ssyncadd.s32 $0xFFFFF000  }
0x3f: {  	[spmem:s5] =	stream.linear.scatter [tilespmem:s2], [sflag:$0x19], $0x1000, $0x38;
	[tilespmem:$0x164D0] =	vst v63  }
0x40: {  	_ =	swait.ge [sflag:s7], $0x1000  }
0x41: {  	[sflag:s7] =	ssyncset.done $0x0  }
0x42: {  	s12 =	rddreg [dreg:$0xb];
	[sflag:s7] =	ssyncadd.s32 $0xFFFFF000  }
0x43: {  	[spmem:s12] =	stream.linear.scatter [tilespmem:s2], [sflag:$0x19], $0x1000, $0x38;
	[tilespmem:$0x164D0] =	vst v63  }
0x44: {  	_ =	swait.ge [sflag:s7], $0x1000  }
0x45: {  	s1 =	simm.s32 $0x40;
	[sflag:s7] =	ssyncset.done $0x0  }
0x46: {  	s2 =	simm.s32 $0x0;
	s12 =	simm.s32 $0x3;
	[sflag:s7] =	ssyncadd.s32 $0xFFFFF000  }
.LBB2_4:
0x47: {  	p0 =	sne.s32 s1, $0x1FC0;
	[tilespmem:s2+$0x134D0] =	vst v0;
	s2 =	smov.u32 s1;
	s1 =	sadd.s32 $0x40, s1  }
.Ltmp1:
0x48: {  	(pc) =	sbr.rel @p0 .LBB2_4-.Ltmp1, $2  }
0x49: {  	_ =	sdelay $0x2  }
0x4a: {  	s2 =	sshra.s32 s2, $0x2  }
0x4b: {  	[tilespmem:s2+$0x134D0] =	vst v0;
	s1 =	simm.s32 $0x40;
	s2 =	simm.s32 $0x0;
	s5 =	simm.s32 $0x5000  }
.LBB2_6:
0x4c: {  	p0 =	sne.s32 s1, $0x1F00;
	[tilespmem:s2+$0x12D00] =	vst v1;
	s2 =	smov.u32 s1;
	s1 =	sadd.s32 $0x40, s1  }
.Ltmp2:
0x4d: {  	(pc) =	sbr.rel @p0 .LBB2_6-.Ltmp2, $2  }
0x4e: {  	_ =	sdelay $0x2  }
0x4f: {  	s2 =	sshra.s32 s2, $0x2  }
0x50: {  	[tilespmem:s2+$0x12D00] =	vst v1;
	s1 =	rddreg [dreg:$0xc];
	s2 =	simm.s32 $0x134D0  }
0x51: {  	[spmem:s1] =	stream.linear.scatter [tilespmem:s2], [sflag:$0x19], $0x800, $0x38;
	[tilespmem:$0x164D0] =	vst v63  }
0x52: {  	_ =	swait.ge [sflag:s7], $0x800  }
0x53: {  	[sflag:s7] =	ssyncset.done $0x0  }
0x54: {  	s1 =	rddreg [dreg:$0xd];
	[sflag:s7] =	ssyncadd.s32 $0xFFFFF800  }
0x55: {  	[spmem:s1] =	stream.linear.scatter [tilespmem:s2], [sflag:$0x19], $0x800, $0x38;
	[tilespmem:$0x164D0] =	vst v63  }
0x56: {  	_ =	swait.ge [sflag:s7], $0x800  }
0x57: {  	[sflag:s7] =	ssyncset.done $0x0  }
0x58: {  	s1 =	rddreg [dreg:$0xe];
	[sflag:s7] =	ssyncadd.s32 $0xFFFFF800  }
0x59: {  	[spmem:s1] =	stream.linear.scatter [tilespmem:s2], [sflag:$0x19], $0x800, $0x38;
	[tilespmem:$0x164D0] =	vst v63  }
0x5a: {  	_ =	swait.ge [sflag:s7], $0x800  }
0x5b: {  	[sflag:s7] =	ssyncset.done $0x0  }
0x5c: {  	s1 =	rddreg [dreg:$0xf];
	[sflag:s7] =	ssyncadd.s32 $0xFFFFF800  }
0x5d: {  	[spmem:s1] =	stream.linear.scatter [tilespmem:s2], [sflag:$0x19], $0x800, $0x38;
	[tilespmem:$0x164D0] =	vst v63  }
0x5e: {  	_ =	swait.ge [sflag:s7], $0x800  }
0x5f: {  	[sflag:s7] =	ssyncset.done $0x0  }
0x60: {  	s1 =	rddreg [dreg:$0x10];
	[sflag:s7] =	ssyncadd.s32 $0xFFFFF800  }
0x61: {  	[spmem:s1] =	stream.linear.scatter [tilespmem:s2], [sflag:$0x19], $0x800, $0x38;
	[tilespmem:$0x164D0] =	vst v63  }
0x62: {  	_ =	swait.ge [sflag:s7], $0x800  }
0x63: {  	[sflag:s7] =	ssyncset.done $0x0  }
0x64: {  	[sflag:s7] =	ssyncadd.s32 $0xFFFFF800  }
0x65: {  	s1 =	simm.s32 $0x0;
	[bflag:$0x0] =	sbarrier.arrive $0xFFFF  }
0x66: {  	[tilespmem:s5], [sflag:$0x1] =	stream.indirect.gather [hbm4b:s0+s25], $0x20, s1, s25, $0xb8;
	[tilespmem:$0x164D0] =	vst v63  }
0x67: {  	s7 =	simm.s32 $0x80  }
0x68: {  	[tilespmem:s9], [sflag:$0x2] =	stream.indirect.gather [hbm4b:s0+s25], $0x20, s7, s25, $0xb8;
	[tilespmem:$0x164D0] =	vst v63  }
0x69: {  	s7 =	simm.s32 $0x100  }
0x6a: {  	[tilespmem:s10], [sflag:$0x3] =	stream.indirect.gather [hbm4b:s0+s25], $0x20, s7, s25, $0xb8;
	[tilespmem:$0x164D0] =	vst v63  }
0x6b: {  	s7 =	simm.s32 $0x180  }
0x6c: {  	[tilespmem:s11], [sflag:$0x4] =	stream.indirect.gather [hbm4b:s0+s25], $0x20, s7, s25, $0xb8;
	[tilespmem:$0x164D0] =	vst v63  }
0x6d: {  	s7 =	simm.s32 $0x200  }
0x6e: {  	[tilespmem:s19], [sflag:$0x5] =	stream.indirect.gather [hbm4b:s0+s25], $0x20, s7, s25, $0xb8;
	[tilespmem:$0x164D0] =	vst v63  }
0x6f: {  	s7 =	simm.s32 $0x280  }
0x70: {  	[tilespmem:s14], [sflag:$0x6] =	stream.indirect.gather [hbm4b:s0+s25], $0x20, s7, s25, $0xb8;
	[tilespmem:$0x164D0] =	vst v63  }
0x71: {  	s7 =	simm.s32 $0x300  }
0x72: {  	[tilespmem:s15], [sflag:$0x7] =	stream.indirect.gather [hbm4b:s0+s25], $0x20, s7, s25, $0xb8;
	[tilespmem:$0x164D0] =	vst v63  }
0x73: {  	s7 =	simm.s32 $0x380  }
0x74: {  	[tilespmem:s16], [sflag:$0x8] =	stream.indirect.gather [hbm4b:s0+s25], $0x20, s7, s25, $0xb8;
	[tilespmem:$0x164D0] =	vst v63  }
0x75: {  	_ =	swait.ge [sflag:s17], $0xFA0  }
0x76: {  	[sflag:s17] =	ssyncset.done $0x0  }
0x77: {  	[sflag:s17] =	ssyncadd.s32 $0xFFFFF060;
	s17 =	simm.s32 $0x2800  }
0x78: {  	[spmem:s3] =	stream.indirect.scatter.add.f32 [tilespmem:s5], [sflag:$0x9], $0x20, s17, s25, $0xb8;
	[tilespmem:$0x164D0] =	vst v63  }
0x79: {  	_ = 	snop  }
0x7a: {  	[spmem:s4] =	stream.indirect.scatter.add.f32 [tilespmem:s6], [sflag:$0x11], $0x10, s17, s25, $0xb8;
	[tilespmem:$0x164D0] =	vst v63  }
0x7b: {  	_ =	swait.ge [sflag:s18], $0xFA0  }
0x7c: {  	[sflag:s18] =	ssyncset.done $0x0  }
0x7d: {  	s7 =	simm.s32 $0x2880;
	[sflag:s18] =	ssyncadd.s32 $0xFFFFF060  }
0x7e: {  	[spmem:s3] =	stream.indirect.scatter.add.f32 [tilespmem:s9], [sflag:$0xA], $0x20, s7, s25, $0xb8;
	[tilespmem:$0x164D0] =	vst v63  }
0x7f: {  	_ = 	snop  }
0x80: {  	[spmem:s4] =	stream.indirect.scatter.add.f32 [tilespmem:s6], [sflag:$0x12], $0x10, s7, s25, $0xb8;
	[tilespmem:$0x164D0] =	vst v63  }
0x81: {  	_ =	swait.ge [sflag:s12], $0xFA0  }
0x82: {  	[sflag:s12] =	ssyncset.done $0x0  }
0x83: {  	[sflag:s12] =	ssyncadd.s32 $0xFFFFF060;
	s12 =	simm.s32 $0x2900  }
0x84: {  	[spmem:s3] =	stream.indirect.scatter.add.f32 [tilespmem:s10], [sflag:$0xB], $0x20, s12, s25, $0xb8;
	[tilespmem:$0x164D0] =	vst v63  }
0x85: {  	_ = 	snop  }
0x86: {  	[spmem:s4] =	stream.indirect.scatter.add.f32 [tilespmem:s6], [sflag:$0x13], $0x10, s12, s25, $0xb8;
	[tilespmem:$0x164D0] =	vst v63  }
0x87: {  	_ =	swait.ge [sflag:s8], $0xFA0  }
0x88: {  	[sflag:s8] =	ssyncset.done $0x0  }
0x89: {  	s17 =	simm.s32 $0x2980;
	[sflag:s8] =	ssyncadd.s32 $0xFFFFF060  }
0x8a: {  	[spmem:s3] =	stream.indirect.scatter.add.f32 [tilespmem:s11], [sflag:$0xC], $0x20, s17, s25, $0xb8;
	[tilespmem:$0x164D0] =	vst v63  }
0x8b: {  	_ = 	snop  }
0x8c: {  	[spmem:s4] =	stream.indirect.scatter.add.f32 [tilespmem:s6], [sflag:$0x14], $0x10, s17, s25, $0xb8;
	[tilespmem:$0x164D0] =	vst v63  }
0x8d: {  	_ =	swait.ge [sflag:s13], $0xFA0  }
0x8e: {  	[sflag:s13] =	ssyncset.done $0x0  }
0x8f: {  	s18 =	simm.s32 $0x2A00;
	[sflag:s13] =	ssyncadd.s32 $0xFFFFF060  }
0x90: {  	[spmem:s3] =	stream.indirect.scatter.add.f32 [tilespmem:s19], [sflag:$0xD], $0x20, s18, s25, $0xb8;
	[tilespmem:$0x164D0] =	vst v63  }
0x91: {  	_ = 	snop  }
0x92: {  	[spmem:s4] =	stream.indirect.scatter.add.f32 [tilespmem:s6], [sflag:$0x15], $0x10, s18, s25, $0xb8;
	[tilespmem:$0x164D0] =	vst v63  }
0x93: {  	_ =	swait.ge [sflag:s20], $0xFA0  }
0x94: {  	[sflag:s20] =	ssyncset.done $0x0  }
0x95: {  	[sflag:s20] =	ssyncadd.s32 $0xFFFFF060;
	s20 =	simm.s32 $0x2A80  }
0x96: {  	[spmem:s3] =	stream.indirect.scatter.add.f32 [tilespmem:s14], [sflag:$0xE], $0x20, s20, s25, $0xb8;
	[tilespmem:$0x164D0] =	vst v63  }
0x97: {  	_ = 	snop  }
0x98: {  	[spmem:s4] =	stream.indirect.scatter.add.f32 [tilespmem:s6], [sflag:$0x16], $0x10, s20, s25, $0xb8;
	[tilespmem:$0x164D0] =	vst v63  }
0x99: {  	_ =	swait.ge [sflag:s23], $0xFA0  }
0x9a: {  	[sflag:s23] =	ssyncset.done $0x0  }
0x9b: {  	[sflag:s23] =	ssyncadd.s32 $0xFFFFF060;
	s23 =	simm.s32 $0x2B00  }
0x9c: {  	[spmem:s3] =	stream.indirect.scatter.add.f32 [tilespmem:s15], [sflag:$0xF], $0x20, s23, s25, $0xb8;
	[tilespmem:$0x164D0] =	vst v63  }
0x9d: {  	_ = 	snop  }
0x9e: {  	[spmem:s4] =	stream.indirect.scatter.add.f32 [tilespmem:s6], [sflag:$0x17], $0x10, s23, s25, $0xb8;
	[tilespmem:$0x164D0] =	vst v63  }
0x9f: {  	_ =	swait.ge [sflag:s21], $0xFA0  }
0xa0: {  	[sflag:s21] =	ssyncset.done $0x0  }
0xa1: {  	s7 =	simm.s32 $0x2B80;
	[sflag:s21] =	ssyncadd.s32 $0xFFFFF060  }
0xa2: {  	[spmem:s3] =	stream.indirect.scatter.add.f32 [tilespmem:s16], [sflag:$0x10], $0x20, s7, s25, $0xb8;
	[tilespmem:$0x164D0] =	vst v63  }
0xa3: {  	_ = 	snop  }
0xa4: {  	[spmem:s4] =	stream.indirect.scatter.add.f32 [tilespmem:s6], [sflag:$0x18], $0x10, s7, s25, $0xb8;
	[tilespmem:$0x164D0] =	vst v63  }
0xa5: {  	_ =	swait.ge [sflag:s24], $0xFA0  }
0xa6: {  	[sflag:s24] =	ssyncset.done $0x0  }
0xa7: {  	[sflag:s24] =	ssyncadd.s32 $0xFFFFF060  }
0xa8: {  	s8 =	smin.u32 s1, $0x47;
	_ =	swait.ge [sflag:s26], $0x7D0  }
0xa9: {  	s2 =	sshll.u32 s8, $0x7;
	[sflag:s26] =	ssyncset.done $0x0  }
0xaa: {  	s2 =	sadd.s32 $0x400, s2;
	[sflag:s26] =	ssyncadd.s32 $0xFFFFF830  }
0xab: {  	[tilespmem:s5], [sflag:$0x1] =	stream.indirect.gather [hbm4b:s0+s25], $0x20, s2, s25, $0xb8;
	[tilespmem:$0x164D0] =	vst v63  }
0xac: {  	_ =	swait.ge [sflag:s29], $0xFA0  }
0xad: {  	[sflag:s29] =	ssyncset.done $0x0  }
0xae: {  	[sflag:s29] =	ssyncadd.s32 $0xFFFFF060  }
0xaf: {  	s12 =	smin.u32 s1, $0x46;
	_ =	swait.ge [sflag:s22], $0x7D0  }
0xb0: {  	s2 =	sshll.u32 s12, $0x7;
	[sflag:s22] =	ssyncset.done $0x0  }
0xb1: {  	s2 =	sadd.s32 $0x480, s2;
	[sflag:s22] =	ssyncadd.s32 $0xFFFFF830  }
0xb2: {  	[tilespmem:s9], [sflag:$0x2] =	stream.indirect.gather [hbm4b:s0+s25], $0x20, s2, s25, $0xb8;
	[tilespmem:$0x164D0] =	vst v63  }
0xb3: {  	_ =	swait.ge [sflag:s30], $0xFA0  }
0xb4: {  	[sflag:s30] =	ssyncset.done $0x0  }
0xb5: {  	[sflag:s30] =	ssyncadd.s32 $0xFFFFF060  }
0xb6: {  	s13 =	smin.u32 s1, $0x45;
	_ =	swait.ge [sflag:s28], $0x7D0  }
0xb7: {  	s2 =	sshll.u32 s13, $0x7;
	[sflag:s28] =	ssyncset.done $0x0  }
0xb8: {  	s2 =	sadd.s32 $0x500, s2;
	[sflag:s28] =	ssyncadd.s32 $0xFFFFF830  }
0xb9: {  	[tilespmem:s10], [sflag:$0x3] =	stream.indirect.gather [hbm4b:s0+s25], $0x20, s2, s25, $0xb8;
	[tilespmem:$0x164D0] =	vst v63  }
0xba: {  	_ =	swait.ge [sflag:s31], $0xFA0  }
0xbb: {  	[sflag:s31] =	ssyncset.done $0x0  }
0xbc: {  	s15 =	simm.s32 $0x14;
	[sflag:s31] =	ssyncadd.s32 $0xFFFFF060  }
0xbd: {  	s16 =	smin.u32 s1, $0x44;
	_ =	swait.ge [sflag:s15], $0x7D0  }
0xbe: {  	s2 =	sshll.u32 s16, $0x7;
	[sflag:s15] =	ssyncset.done $0x0  }
0xbf: {  	s17 =	simm.s32 $0xD;
	s2 =	sadd.s32 $0x580, s2;
	[sflag:s15] =	ssyncadd.s32 $0xFFFFF830  }
0xc0: {  	[tilespmem:s11], [sflag:$0x4] =	stream.indirect.gather [hbm4b:s0+s25], $0x20, s2, s25, $0xb8;
	[tilespmem:$0x164D0] =	vst v63  }
0xc1: {  	_ =	swait.ge [sflag:s17], $0xFA0  }
0xc2: {  	[sflag:s17] =	ssyncset.done $0x0  }
0xc3: {  	s20 =	simm.s32 $0x15;
	[sflag:s17] =	ssyncadd.s32 $0xFFFFF060  }
0xc4: {  	s21 =	smin.u32 s1, $0x43;
	_ =	swait.ge [sflag:s20], $0x7D0  }
0xc5: {  	s2 =	sshll.u32 s21, $0x7;
	[sflag:s20] =	ssyncset.done $0x0  }
0xc6: {  	s22 =	simm.s32 $0xE;
	s2 =	sadd.s32 $0x600, s2;
	[sflag:s20] =	ssyncadd.s32 $0xFFFFF830  }
0xc7: {  	[tilespmem:s19], [sflag:$0x5] =	stream.indirect.gather [hbm4b:s0+s25], $0x20, s2, s25, $0xb8;
	[tilespmem:$0x164D0] =	vst v63  }
0xc8: {  	_ =	swait.ge [sflag:s22], $0xFA0  }
0xc9: {  	[sflag:s22] =	ssyncset.done $0x0  }
0xca: {  	s23 =	simm.s32 $0x16;
	[sflag:s22] =	ssyncadd.s32 $0xFFFFF060  }
0xcb: {  	s24 =	smin.u32 s1, $0x42;
	_ =	swait.ge [sflag:s23], $0x7D0  }
0xcc: {  	s2 =	sshll.u32 s24, $0x7;
	[sflag:s23] =	ssyncset.done $0x0  }
0xcd: {  	s2 =	sadd.s32 $0x680, s2;
	[sflag:s23] =	ssyncadd.s32 $0xFFFFF830  }
0xce: {  	[tilespmem:s14], [sflag:$0x6] =	stream.indirect.gather [hbm4b:s0+s25], $0x20, s2, s25, $0xb8;
	[tilespmem:$0x164D0] =	vst v63  }
0xcf: {  	s14 =	simm.s32 $0xF  }
0xd0: {  	_ =	swait.ge [sflag:s14], $0xFA0  }
0xd1: {  	s18 =	simm.s32 $0xADC0;
	[sflag:s14] =	ssyncset.done $0x0  }
0xd2: {  	s26 =	smin.u32 s1, $0x41;
	s16 =	simm.s32 $0x17;
	[sflag:s14] =	ssyncadd.s32 $0xFFFFF060  }
0xd3: {  	s1 =	smin.u32 s1, $0x40;
	s12 =	simm.s32 $0x18;
	_ =	swait.ge [sflag:s16], $0x7D0  }
0xd4: {  	s1 =	sshll.u32 s1, $0x7;
	s2 =	sshll.u32 s26, $0x7;
	[sflag:s16] =	ssyncset.done $0x0  }
0xd5: {  	s10 =	simm.s32 $0x10;
	s2 =	sadd.s32 $0x700, s2;
	[sflag:s16] =	ssyncadd.s32 $0xFFFFF830  }
0xd6: {  	[tilespmem:s18], [sflag:$0x7] =	stream.indirect.gather [hbm4b:s0+s25], $0x20, s2, s25, $0xb8;
	[tilespmem:$0x164D0] =	vst v63  }
0xd7: {  	s5 =	sadd.s32 $0x780, s1;
	s1 =	simm.s32 $0x8;
	_ =	swait.ge [sflag:s10], $0xFA0  }
0xd8: {  	s29 =	simm.s32 $0x11;
	s13 =	simm.s32 $0x5;
	[sflag:s10] =	ssyncset.done $0x0  }
0xd9: {  	s30 =	simm.s32 $0xB;
	s28 =	simm.s32 $0x13;
	[sflag:s10] =	ssyncadd.s32 $0xFFFFF060  }
0xda: {  	s31 =	simm.s32 $0xA;
	s20 =	simm.s32 $0x3;
	_ =	swait.ge [sflag:s12], $0x7D0  }
0xdb: {  	s22 =	simm.s32 $0x12;
	s23 =	simm.s32 $0x6;
	[sflag:s12] =	ssyncset.done $0x0  }
0xdc: {  	s26 =	simm.s32 $0x9;
	s2 =	simm.s32 $0x1000;
	[sflag:s12] =	ssyncadd.s32 $0xFFFFF830  }
.LBB2_8:
0xdd: {  	s19 =	simm.s32 $0xBD60  }
0xde: {  	[tilespmem:s19], [sflag:$0x8] =	stream.indirect.gather [hbm4b:s0+s25], $0x20, s5, s25, $0xb8;
	[tilespmem:$0x164D0] =	vst v63  }
0xdf: {  	s7 =	simm.s32 $0x1;
	s5 =	smov.u32 s2  }
0xe0: {  	p0 =	sne.s32 s2, $0x9000;
	s2 =	sadd.s32 $0x1000, s2;
	_ =	swait.ge [sflag:s7], $0xFA0  }
0xe1: {  	s5 =	sshra.s32 s5, $0x2;
	[sflag:s7] =	ssyncset.done $0x0  }
0xe2: {  	s24 =	simm.s32 $0x5000;
	[sflag:s7] =	ssyncadd.s32 $0xFFFFF060;
	s7 =	sadd.s32 $0x2800, s5  }
0xe3: {  	[spmem:s3] =	stream.indirect.scatter.add.f32 [tilespmem:s24], [sflag:$0x9], $0x20, s7, s25, $0xb8;
	[tilespmem:$0x164D0] =	vst v63  }
0xe4: {  	_ = 	snop  }
0xe5: {  	[spmem:s4] =	stream.indirect.scatter.add.f32 [tilespmem:s6], [sflag:$0x11], $0x10, s7, s25, $0xb8;
	[tilespmem:$0x164D0] =	vst v63  }
0xe6: {  	s7 =	simm.s32 $0x2  }
0xe7: {  	_ =	swait.ge [sflag:s7], $0xFA0  }
0xe8: {  	[sflag:s7] =	ssyncset.done $0x0  }
0xe9: {  	s21 =	simm.s32 $0x5FA0;
	[sflag:s7] =	ssyncadd.s32 $0xFFFFF060;
	s7 =	sadd.s32 $0x2880, s5  }
0xea: {  	[spmem:s3] =	stream.indirect.scatter.add.f32 [tilespmem:s21], [sflag:$0xA], $0x20, s7, s25, $0xb8;
	[tilespmem:$0x164D0] =	vst v63  }
0xeb: {  	_ = 	snop  }
0xec: {  	[spmem:s4] =	stream.indirect.scatter.add.f32 [tilespmem:s6], [sflag:$0x12], $0x10, s7, s25, $0xb8;
	[tilespmem:$0x164D0] =	vst v63  }
0xed: {  	_ =	swait.ge [sflag:s20], $0xFA0  }
0xee: {  	[sflag:s20] =	ssyncset.done $0x0  }
0xef: {  	s11 =	simm.s32 $0x6F40;
	s7 =	sadd.s32 $0x2900, s5;
	[sflag:s20] =	ssyncadd.s32 $0xFFFFF060  }
0xf0: {  	[spmem:s3] =	stream.indirect.scatter.add.f32 [tilespmem:s11], [sflag:$0xB], $0x20, s7, s25, $0xb8;
	[tilespmem:$0x164D0] =	vst v63  }
0xf1: {  	_ = 	snop  }
0xf2: {  	[spmem:s4] =	stream.indirect.scatter.add.f32 [tilespmem:s6], [sflag:$0x13], $0x10, s7, s25, $0xb8;
	[tilespmem:$0x164D0] =	vst v63  }
0xf3: {  	s7 =	simm.s32 $0x4  }
0xf4: {  	_ =	swait.ge [sflag:s7], $0xFA0  }
0xf5: {  	[sflag:s7] =	ssyncset.done $0x0  }
0xf6: {  	s9 =	simm.s32 $0x7EE0;
	[sflag:s7] =	ssyncadd.s32 $0xFFFFF060;
	s7 =	sadd.s32 $0x2980, s5  }
0xf7: {  	[spmem:s3] =	stream.indirect.scatter.add.f32 [tilespmem:s9], [sflag:$0xC], $0x20, s7, s25, $0xb8;
	[tilespmem:$0x164D0] =	vst v63  }
0xf8: {  	_ = 	snop  }
0xf9: {  	[spmem:s4] =	stream.indirect.scatter.add.f32 [tilespmem:s6], [sflag:$0x14], $0x10, s7, s25, $0xb8;
	[tilespmem:$0x164D0] =	vst v63  }
0xfa: {  	_ =	swait.ge [sflag:s13], $0xFA0  }
0xfb: {  	[sflag:s13] =	ssyncset.done $0x0  }
0xfc: {  	s8 =	simm.s32 $0x8E80;
	s7 =	sadd.s32 $0x2A00, s5;
	[sflag:s13] =	ssyncadd.s32 $0xFFFFF060  }
0xfd: {  	[spmem:s3] =	stream.indirect.scatter.add.f32 [tilespmem:s8], [sflag:$0xD], $0x20, s7, s25, $0xb8;
	[tilespmem:$0x164D0] =	vst v63  }
0xfe: {  	_ = 	snop  }
0xff: {  	[spmem:s4] =	stream.indirect.scatter.add.f32 [tilespmem:s6], [sflag:$0x15], $0x10, s7, s25, $0xb8;
	[tilespmem:$0x164D0] =	vst v63  }
0x100: {  	_ =	swait.ge [sflag:s23], $0xFA0  }
0x101: {  	[sflag:s23] =	ssyncset.done $0x0  }
0x102: {  	s17 =	simm.s32 $0x9E20;
	s7 =	sadd.s32 $0x2A80, s5;
	[sflag:s23] =	ssyncadd.s32 $0xFFFFF060  }
0x103: {  	[spmem:s3] =	stream.indirect.scatter.add.f32 [tilespmem:s17], [sflag:$0xE], $0x20, s7, s25, $0xb8;
	[tilespmem:$0x164D0] =	vst v63  }
0x104: {  	_ = 	snop  }
0x105: {  	[spmem:s4] =	stream.indirect.scatter.add.f32 [tilespmem:s6], [sflag:$0x16], $0x10, s7, s25, $0xb8;
	[tilespmem:$0x164D0] =	vst v63  }
0x106: {  	s7 =	simm.s32 $0x7  }
0x107: {  	_ =	swait.ge [sflag:s7], $0xFA0  }
0x108: {  	[sflag:s7] =	ssyncset.done $0x0  }
0x109: {  	s18 =	simm.s32 $0xADC0;
	[sflag:s7] =	ssyncadd.s32 $0xFFFFF060;
	s7 =	sadd.s32 $0x2B00, s5  }
0x10a: {  	[spmem:s3] =	stream.indirect.scatter.add.f32 [tilespmem:s18], [sflag:$0xF], $0x20, s7, s25, $0xb8;
	[tilespmem:$0x164D0] =	vst v63  }
0x10b: {  	_ = 	snop  }
0x10c: {  	[spmem:s4] =	stream.indirect.scatter.add.f32 [tilespmem:s6], [sflag:$0x17], $0x10, s7, s25, $0xb8;
	[tilespmem:$0x164D0] =	vst v63  }
0x10d: {  	s7 =	simm.s32 $0x8  }
0x10e: {  	_ =	swait.ge [sflag:s7], $0xFA0  }
0x10f: {  	[sflag:s7] =	ssyncset.done $0x0  }
0x110: {  	s15 =	simm.s32 $0xBD60;
	s5 =	sadd.s32 $0x2B80, s5;
	[sflag:s7] =	ssyncadd.s32 $0xFFFFF060  }
0x111: {  	[spmem:s3] =	stream.indirect.scatter.add.f32 [tilespmem:s19], [sflag:$0x10], $0x20, s5, s25, $0xb8;
	[tilespmem:$0x164D0] =	vst v63  }
0x112: {  	_ = 	snop  }
0x113: {  	[spmem:s4] =	stream.indirect.scatter.add.f32 [tilespmem:s6], [sflag:$0x18], $0x10, s5, s25, $0xb8;
	[tilespmem:$0x164D0] =	vst v63  }
0x114: {  	_ =	swait.ge [sflag:s26], $0xFA0  }
0x115: {  	[sflag:s26] =	ssyncset.done $0x0  }
0x116: {  	[sflag:s26] =	ssyncadd.s32 $0xFFFFF060  }
0x117: {  	s5 =	smin.u32 s1, $0x47;
	_ =	swait.ge [sflag:s29], $0x7D0  }
0x118: {  	s5 =	sshll.u32 s5, $0x7;
	[sflag:s29] =	ssyncset.done $0x0  }
0x119: {  	s5 =	sadd.s32 $0x400, s5;
	[sflag:s29] =	ssyncadd.s32 $0xFFFFF830  }
0x11a: {  	[tilespmem:s24], [sflag:$0x1] =	stream.indirect.gather [hbm4b:s0+s25], $0x20, s5, s25, $0xb8;
	[tilespmem:$0x164D0] =	vst v63  }
0x11b: {  	_ =	swait.ge [sflag:s31], $0xFA0  }
0x11c: {  	[sflag:s31] =	ssyncset.done $0x0  }
0x11d: {  	[sflag:s31] =	ssyncadd.s32 $0xFFFFF060  }
0x11e: {  	s5 =	smin.u32 s1, $0x46;
	_ =	swait.ge [sflag:s22], $0x7D0  }
0x11f: {  	s5 =	sshll.u32 s5, $0x7;
	[sflag:s22] =	ssyncset.done $0x0  }
0x120: {  	s5 =	sadd.s32 $0x480, s5;
	[sflag:s22] =	ssyncadd.s32 $0xFFFFF830  }
0x121: {  	[tilespmem:s21], [sflag:$0x2] =	stream.indirect.gather [hbm4b:s0+s25], $0x20, s5, s25, $0xb8;
	[tilespmem:$0x164D0] =	vst v63  }
0x122: {  	_ =	swait.ge [sflag:s30], $0xFA0  }
0x123: {  	[sflag:s30] =	ssyncset.done $0x0  }
0x124: {  	[sflag:s30] =	ssyncadd.s32 $0xFFFFF060  }
0x125: {  	s5 =	smin.u32 s1, $0x45;
	_ =	swait.ge [sflag:s28], $0x7D0  }
0x126: {  	s5 =	sshll.u32 s5, $0x7;
	[sflag:s28] =	ssyncset.done $0x0  }
0x127: {  	s5 =	sadd.s32 $0x500, s5;
	[sflag:s28] =	ssyncadd.s32 $0xFFFFF830  }
0x128: {  	[tilespmem:s11], [sflag:$0x3] =	stream.indirect.gather [hbm4b:s0+s25], $0x20, s5, s25, $0xb8;
	[tilespmem:$0x164D0] =	vst v63  }
0x129: {  	s5 =	simm.s32 $0xC  }
0x12a: {  	_ =	swait.ge [sflag:s5], $0xFA0  }
0x12b: {  	[sflag:s5] =	ssyncset.done $0x0  }
0x12c: {  	s7 =	simm.s32 $0x14;
	[sflag:s5] =	ssyncadd.s32 $0xFFFFF060  }
0x12d: {  	s5 =	smin.u32 s1, $0x44;
	_ =	swait.ge [sflag:s7], $0x7D0  }
0x12e: {  	s5 =	sshll.u32 s5, $0x7;
	[sflag:s7] =	ssyncset.done $0x0  }
0x12f: {  	s5 =	sadd.s32 $0x580, s5;
	[sflag:s7] =	ssyncadd.s32 $0xFFFFF830  }
0x130: {  	[tilespmem:s9], [sflag:$0x4] =	stream.indirect.gather [hbm4b:s0+s25], $0x20, s5, s25, $0xb8;
	[tilespmem:$0x164D0] =	vst v63  }
0x131: {  	s5 =	simm.s32 $0xD  }
0x132: {  	_ =	swait.ge [sflag:s5], $0xFA0  }
0x133: {  	[sflag:s5] =	ssyncset.done $0x0  }
0x134: {  	s7 =	simm.s32 $0x15;
	[sflag:s5] =	ssyncadd.s32 $0xFFFFF060  }
0x135: {  	s5 =	smin.u32 s1, $0x43;
	_ =	swait.ge [sflag:s7], $0x7D0  }
0x136: {  	s5 =	sshll.u32 s5, $0x7;
	[sflag:s7] =	ssyncset.done $0x0  }
0x137: {  	s5 =	sadd.s32 $0x600, s5;
	[sflag:s7] =	ssyncadd.s32 $0xFFFFF830  }
0x138: {  	[tilespmem:s8], [sflag:$0x5] =	stream.indirect.gather [hbm4b:s0+s25], $0x20, s5, s25, $0xb8;
	[tilespmem:$0x164D0] =	vst v63  }
0x139: {  	s5 =	simm.s32 $0xE  }
0x13a: {  	_ =	swait.ge [sflag:s5], $0xFA0  }
0x13b: {  	[sflag:s5] =	ssyncset.done $0x0  }
0x13c: {  	s7 =	simm.s32 $0x16;
	[sflag:s5] =	ssyncadd.s32 $0xFFFFF060  }
0x13d: {  	s5 =	smin.u32 s1, $0x42;
	_ =	swait.ge [sflag:s7], $0x7D0  }
0x13e: {  	s5 =	sshll.u32 s5, $0x7;
	[sflag:s7] =	ssyncset.done $0x0  }
0x13f: {  	s5 =	sadd.s32 $0x680, s5;
	[sflag:s7] =	ssyncadd.s32 $0xFFFFF830  }
0x140: {  	[tilespmem:s17], [sflag:$0x6] =	stream.indirect.gather [hbm4b:s0+s25], $0x20, s5, s25, $0xb8;
	[tilespmem:$0x164D0] =	vst v63  }
0x141: {  	_ =	swait.ge [sflag:s14], $0xFA0  }
0x142: {  	[sflag:s14] =	ssyncset.done $0x0  }
0x143: {  	[sflag:s14] =	ssyncadd.s32 $0xFFFFF060  }
0x144: {  	s5 =	smin.u32 s1, $0x41;
	_ =	swait.ge [sflag:s16], $0x7D0  }
0x145: {  	s5 =	sshll.u32 s5, $0x7;
	[sflag:s16] =	ssyncset.done $0x0  }
0x146: {  	s5 =	sadd.s32 $0x700, s5;
	[sflag:s16] =	ssyncadd.s32 $0xFFFFF830  }
0x147: {  	[tilespmem:s18], [sflag:$0x7] =	stream.indirect.gather [hbm4b:s0+s25], $0x20, s5, s25, $0xb8;
	[tilespmem:$0x164D0] =	vst v63  }
0x148: {  	_ =	swait.ge [sflag:s10], $0xFA0  }
.Ltmp3:
0x149: {  	[sflag:s10] =	ssyncset.done $0x0;
	(pc) =	sbr.rel @p0 .LBB2_8-.Ltmp3, $4  }
0x14a: {  	[sflag:s10] =	ssyncadd.s32 $0xFFFFF060  }
0x14b: {  	s5 =	smin.u32 s1, $0x40;
	_ =	swait.ge [sflag:s12], $0x7D0  }
0x14c: {  	s5 =	sshll.u32 s5, $0x7;
	[sflag:s12] =	ssyncset.done $0x0  }
0x14d: {  	s1 =	sadd.s32 $0x8, s1;
	s5 =	sadd.s32 $0x780, s5;
	[sflag:s12] =	ssyncadd.s32 $0xFFFFF830  }
0x14e: {  	[tilespmem:s15], [sflag:$0x8] =	stream.indirect.gather [hbm4b:s0+s25], $0x20, s5, s25, $0xb8;
	[tilespmem:$0x164D0] =	vst v63  }
0x14f: {  	s10 =	simm.s32 $0x1  }
0x150: {  	_ =	swait.ge [sflag:s10], $0xFA0  }
0x151: {  	[sflag:s10] =	ssyncset.done $0x0  }
0x152: {  	s9 =	simm.s32 $0x2;
	[sflag:s10] =	ssyncadd.s32 $0xFFFFF060  }
0x153: {  	_ =	swait.ge [sflag:s9], $0xFA0  }
0x154: {  	[sflag:s9] =	ssyncset.done $0x0  }
0x155: {  	[sflag:s9] =	ssyncadd.s32 $0xFFFFF060  }
0x156: {  	_ =	swait.ge [sflag:s20], $0xFA0  }
0x157: {  	[sflag:s20] =	ssyncset.done $0x0  }
0x158: {  	s7 =	simm.s32 $0x4;
	[sflag:s20] =	ssyncadd.s32 $0xFFFFF060  }
0x159: {  	_ =	swait.ge [sflag:s7], $0xFA0  }
0x15a: {  	[sflag:s7] =	ssyncset.done $0x0  }
0x15b: {  	[sflag:s7] =	ssyncadd.s32 $0xFFFFF060  }
0x15c: {  	_ =	swait.ge [sflag:s13], $0xFA0  }
0x15d: {  	[sflag:s13] =	ssyncset.done $0x0  }
0x15e: {  	[sflag:s13] =	ssyncadd.s32 $0xFFFFF060  }
0x15f: {  	_ =	swait.ge [sflag:s23], $0xFA0  }
0x160: {  	[sflag:s23] =	ssyncset.done $0x0  }
0x161: {  	s1 =	simm.s32 $0x7;
	[sflag:s23] =	ssyncadd.s32 $0xFFFFF060  }
0x162: {  	_ =	swait.ge [sflag:s1], $0xFA0  }
0x163: {  	[sflag:s1] =	ssyncset.done $0x0  }
0x164: {  	s19 =	simm.s32 $0x8;
	[sflag:s1] =	ssyncadd.s32 $0xFFFFF060  }
0x165: {  	_ =	swait.ge [sflag:s19], $0xFA0  }
0x166: {  	[sflag:s19] =	ssyncset.done $0x0  }
0x167: {  	[sflag:s19] =	ssyncadd.s32 $0xFFFFF060  }
0x168: {  	s20 =	stileid.u32;
	[bflag:$0x0] =	sbarrier.arrive $0xFFFF  }
0x169: {  	s11 =	simm.s32 $0xC;
	s1 =	sshll.u32 s20, $0x6;
	s2 =	rddreg [dreg:$0x7]  }
0x16a: {  	s1 =	sor.u32 $0x1C19, s1;
	s21 =	rddreg [dreg:$0x11];
	s2 =	sshrl.u32 s2, $0x3  }
0x16b: {  	[hbm:s21@s11], [sflag:s1] =	dma.strided [spmem:s2@s7], $0xA00, s10, $0x4   }
0x16c: {  	s7 =	simm.s32 $0x19  }
0x16d: {  	s14 =	simm.s32 $0x9E20;
	_ =	swait.ge [sflag:s7], $0xA00  }
0x16e: {  	s15 =	simm.s32 $0xADC0;
	[sflag:s7] =	ssyncset.done $0x0;
	s22 =	rddreg [dreg:$0xc]  }
0x16f: {  	s23 =	rddreg [dreg:$0x12];
	[sflag:s7] =	ssyncadd.s32 $0xFFFFF600;
	s2 =	sshrl.u32 s22, $0x3  }
0x170: {  	[hbm:s23@s11], [sflag:s1] =	dma.strided [spmem:s2@s9], $0x500, s10, $0x2   }
0x171: {  	s16 =	simm.s32 $0xBD60;
	s17 =	simm.s32 $0x1;
	_ =	swait.ge [sflag:s7], $0x500  }
0x172: {  	s18 =	simm.s32 $0x2;
	s8 =	simm.s32 $0x4;
	s24 =	rddreg [dreg:$0x14]  }
0x173: {  	s29 =	simm.s32 $0xA;
	s26 =	rddreg [dreg:$0x13];
	s2 =	sadd.s32 $0x1, s24  }
0x174: {  	s30 =	simm.s32 $0xB;
	s28 =	simm.s32 $0x13;
	p0 =	sne.s32 s2, s26  }
.Ltmp4:
0x175: {  	s31 =	simm.s32 $0xC;
	s13 =	simm.s32 $0x5;
	(pc) =	sbr.rel @p0 .LBB2_1-.Ltmp4, $4  }
0x176: {  	s20 =	simm.s32 $0x6;
	s19 =	simm.s32 $0x8E80;
	s21 =	simm.s32 $0x8  }
0x177: {  	s22 =	simm.s32 $0x12;
	s9 =	simm.s32 $0x5FA0;
	s10 =	simm.s32 $0x6F40  }
0x178: {  	s11 =	simm.s32 $0x7EE0;
	s23 =	simm.s32 $0x7;
	[sflag:s7] =	ssyncset.done $0x0  }
0x179: {  	[sflag:s7] =	ssyncadd.s32 $0xFFFFFB00;
	s24 =	simm.s32 $0x9;
	s26 =	simm.s32 $0x11  }
0x17a: {  	_ =	sfence.sel $0x180000  }
0x17b: {  	[bflag:$0x0] =	sbarrier.arrive $0xFFFF  }
0x17c: {  	_ =	strace $0x90000047  }
0x17d: {  	s0 =	stileid.u32;
	[bflag:$0x2] =	sbarrier.arrive $0xFFFF  }
0x17e: {  	p0 =	sne.s32 s0, $0x0;
	s0 =	rddreg [dreg:$0x4]  }
0x17f: {  	s0 =	sadd.s32 @!p0 $0x100000, s0  }
0x180: {  	[sflag:s0] =	ssyncadd.tile.s32 @!p0 $0x1;
	_ =	shalt  }
.Lfunc_end2:
_tile_overlayer_lowered:
.L_overlay_start_2:
0x181: {  	(tag) =	ssettag $0x2  }
0x182: {  	s0 =	rddreg [dreg:$0x0];
	s2 =	stileid.u32  }
0x183: {  	s1 =	rddreg [dreg:$0x1];
	p0 =	sne.s32 s2, $0x0  }
0x184: {  	s3 =	rddreg [dreg:$0x2];
	[bflag:$0x3] =	sbarrier.arrive $0xFFFF;
	s2 =	simm.s32 @!p0 $0x1C19  }
0x185: {  	[timem:s3], [sflag:s2] =	dma.local @!p0 [hbm:s0], s1  }
0x186: {  	s0 =	simm.s32 @!p0 $0x19  }
0x187: {  	_ =	swait.ge @!p0 [sflag:s0], s1  }
0x188: {  	s1 =	ssub.s32 @!p0 $0x0, s1;
	[sflag:s0] =	ssyncset.done @!p0 $0x0  }
0x189: {  	[sflag:s0] =	ssyncadd.s32 @!p0 s1  }
0x18a: {  	[bflag:$0x3] =	sbarrier.arrive $0xFFFF  }
0x18b: {  	_ =	shalt  }

</sc_bundles>
